<compile_context>
chip_gen: v7x
topology: tpu7x:2x2x1
jax: 0.10.2.dev20260603
libtpu: 0.0.44.dev20260713+nightly
codegen_flags: <defaults>
</compile_context>

<pallas_src>
import functools

import jax
import jax.numpy as jnp
from jax import lax
from jax.experimental import pallas as pl
from jax.experimental.pallas import tpu as pltpu
from jax.experimental.pallas import tpu_sc as plsc

BATCH = 16384
N_FIELDS = 26
FIELD_ROWS = 40000
NC = 2
NS = 16
NW = NC * NS
BPW = BATCH // NW
CHUNK = 128
NCHUNK = BPW // CHUNK
LANES = 16


def _sc_body(idx_hbm, table_hbm, bias_hbm, out_hbm, idx_v, rows_v, bias_v,
             out_v, sem):
    wid = lax.axis_index("s") * NC + lax.axis_index("c")
    pltpu.sync_copy(idx_hbm.at[wid], idx_v)
    pltpu.sync_copy(bias_hbm, bias_v)
    handles = []
    for f in range(N_FIELDS):
        for c in range(NCHUNK):
            handles.append(
                pltpu.async_copy(table_hbm.at[idx_v.at[f, c]],
                                 rows_v.at[f, c], sem))
    for h in handles:
        h.wait()

    bvec = bias_v[...]

    def body(k, carry):
        for c in range(NCHUNK):
            acc = bvec
            for f in range(N_FIELDS):
                acc = acc + rows_v[f, c, pl.ds(k * LANES, LANES)]
            out_v[pl.ds(c * CHUNK + k * LANES, LANES)] = acc
        return carry

    lax.fori_loop(0, CHUNK // LANES, body, 0)
    pltpu.sync_copy(out_v, out_hbm.at[pl.ds(wid * BPW, BPW)])


@jax.jit
def _embed_sum(idx_w, table_flat, bias16):
    mesh = plsc.VectorSubcoreMesh(core_axis_name="c", subcore_axis_name="s")
    call = functools.partial(
        pl.kernel,
        mesh=mesh,
        out_type=jax.ShapeDtypeStruct((BATCH,), jnp.float32),
        scratch_types=[
            pltpu.VMEM((N_FIELDS, NCHUNK, CHUNK), jnp.int32),
            pltpu.VMEM((N_FIELDS, NCHUNK, CHUNK), jnp.float32),
            pltpu.VMEM((LANES,), jnp.float32),
            pltpu.VMEM((BPW,), jnp.float32),
            pltpu.SemaphoreType.DMA,
        ],
    )(_sc_body)
    return call(idx_w, table_flat, bias16)


def kernel(x, table, bias):
    offsets = jnp.arange(N_FIELDS, dtype=jnp.int32) * FIELD_ROWS
    idx = x.astype(jnp.int32) + offsets[None, :]
    idx_w = (idx.T.reshape(N_FIELDS, NW, BPW)
             .transpose(1, 0, 2)
             .reshape(NW, N_FIELDS, NCHUNK, CHUNK))
    table_flat = table.reshape(-1)
    bias16 = jnp.broadcast_to(bias.astype(jnp.float32), (LANES,))
    out = _embed_sum(idx_w, table_flat, bias16)
    return out.reshape(BATCH, 1)

# --- scband reference (transcript-rebuilt; emitter-appended) ---
"""Pipeline reference for scband-linear-feature-embedding-3126736191780 (READ-ONLY COPY).

The authoritative reference and input builder live on the scoring server;
editing this copy changes nothing except your own understanding.
"""

import jax, jax.numpy as jnp
import numpy as np

IN_FEATURES = [40000] * 26
OUT_FEATURES = 1
BATCH = 16384
N_FIELDS = 26
TOTAL_ROWS = sum(IN_FEATURES)


def setup_inputs(seed: int = 0) -> dict:
    key = jax.random.key(seed)
    k1, k2 = jax.random.split(key)
    x = jax.random.randint(k1, (BATCH, N_FIELDS), 0, 40000, dtype=jnp.int64 if jax.config.jax_enable_x64 else jnp.int32)
    table = jax.random.normal(k2, (TOTAL_ROWS, OUT_FEATURES), dtype=jnp.float32) * 0.01
    bias = jnp.zeros((OUT_FEATURES,), dtype=jnp.float32)
    return {"x": x, "table": table, "bias": bias}


def reference(x, table, bias):
    # offsets = (0, cumsum(in_features)[:-1])
    offsets_np = np.array((0, *np.cumsum(IN_FEATURES)[:-1]), dtype=np.int64)
    offsets = jnp.asarray(offsets_np, dtype=x.dtype)
    idx = x + offsets[None, :]                       # [B, F]
    emb = jnp.take(table, idx, axis=0)               # [B, F, out]
    out = jnp.sum(emb, axis=1) + bias                # [B, out]
    return out

if __name__ == "__main__":
    import jax
    _d = setup_inputs()
    print(jax.jit(kernel)(*tuple(_d.values())))

</pallas_src>

<mosaic_0001>
#map = affine_map<(d0, d1) -> (0, 0, 0, 0)>
#map1 = affine_map<(d0, d1) -> (0)>
module attributes {stable_mosaic.version = 14 : i64} {
  func.func @_sc_body(%arg0: i32, %arg1: i32, %arg2: memref<32x26x4x128xi32, #tpu.memory_space<hbm>>, %arg3: memref<1040000xf32, #tpu.memory_space<hbm>>, %arg4: memref<16xf32, #tpu.memory_space<hbm>>, %arg5: memref<16384xf32, #tpu.memory_space<hbm>>, %arg6: memref<26x4x128xi32, #tpu.memory_space<vmem>>, %arg7: memref<26x4x128xf32, #tpu.memory_space<vmem>>, %arg8: memref<16xf32, #tpu.memory_space<vmem>>, %arg9: memref<512xf32, #tpu.memory_space<vmem>>, %arg10: memref<!tpu.dma_semaphore, #tpu.memory_space<semaphore_mem>>) attributes {dimension_semantics = [#tpu.dimension_semantics<core_parallel>, #tpu.dimension_semantics<subcore_parallel>], iteration_bounds = array<i64: 2, 16>, scalar_prefetch = 0 : i64, scratch_operands = 5 : i64, tpu.core_type = #tpu.core_type<sc_vector_subcore>, window_params = [{transform_indices = #map}, {transform_indices = #map1}, {transform_indices = #map1}, {transform_indices = #map1}]} {
    %mul3A = arith.constant 2 : i32
    %mul3A_0 = arith.muli %arg1, %mul3A : i32
    %add3A = arith.addi %mul3A_0, %arg0 : i32
    "tpu.region"() ({
      %run_scoped3A = tpu.sem_alloc : memref<!tpu.dma_semaphore, #tpu.memory_space<semaphore_mem>>
      %dma_start3A_2504 = arith.constant 0 : i32
      %dma_start3A_2505 = arith.constant 0 : i32
      %dma_start3A_2506 = arith.constant 0 : i32
      %dma_start3A_2507 = tpu.memref_slice %arg2[%add3A, %dma_start3A_2504, %dma_start3A_2505, %dma_start3A_2506] : memref<32x26x4x128xi32, #tpu.memory_space<hbm>> -> memref<1x26x4x128xi32, #tpu.memory_space<hbm>>
      %dma_start3A_2508 = tpu.memref_squeeze %dma_start3A_2507 : memref<1x26x4x128xi32, #tpu.memory_space<hbm>> -> memref<26x4x128xi32, #tpu.memory_space<hbm>>
      %dma_start3A_2509 = arith.constant 0 : i32
      %dma_start3A_2510 = arith.constant 0 : i32
      %dma_start3A_2511 = arith.constant 0 : i32
      %dma_start3A_2512 = tpu.memref_slice %arg2[%add3A, %dma_start3A_2509, %dma_start3A_2510, %dma_start3A_2511] : memref<32x26x4x128xi32, #tpu.memory_space<hbm>> -> memref<1x26x4x128xi32, #tpu.memory_space<hbm>>
      %dma_start3A_2513 = tpu.memref_squeeze %dma_start3A_2512 : memref<1x26x4x128xi32, #tpu.memory_space<hbm>> -> memref<26x4x128xi32, #tpu.memory_space<hbm>>
      tpu.enqueue_dma source(%dma_start3A_2513 : memref<26x4x128xi32, #tpu.memory_space<hbm>>) target(%arg6 : memref<26x4x128xi32, #tpu.memory_space<vmem>>) target_semaphore(%run_scoped3A : memref<!tpu.dma_semaphore, #tpu.memory_space<semaphore_mem>>)
      %dma_wait3A_2514 = arith.constant 0 : i32
      %dma_wait3A_2515 = arith.constant 0 : i32
      %dma_wait3A_2516 = arith.constant 0 : i32
      %dma_wait3A_2517 = tpu.memref_slice %arg2[%add3A, %dma_wait3A_2514, %dma_wait3A_2515, %dma_wait3A_2516] : memref<32x26x4x128xi32, #tpu.memory_space<hbm>> -> memref<1x26x4x128xi32, #tpu.memory_space<hbm>>
      %dma_wait3A_2518 = tpu.memref_squeeze %dma_wait3A_2517 : memref<1x26x4x128xi32, #tpu.memory_space<hbm>> -> memref<26x4x128xi32, #tpu.memory_space<hbm>>
      %dma_wait3A_2519 = arith.constant 0 : i32
      %dma_wait3A_2520 = arith.constant 0 : i32
      %dma_wait3A_2521 = arith.constant 0 : i32
      %dma_wait3A_2522 = tpu.memref_slice %arg2[%add3A, %dma_wait3A_2519, %dma_wait3A_2520, %dma_wait3A_2521] : memref<32x26x4x128xi32, #tpu.memory_space<hbm>> -> memref<1x26x4x128xi32, #tpu.memory_space<hbm>>
      %dma_wait3A_2523 = tpu.memref_squeeze %dma_wait3A_2522 : memref<1x26x4x128xi32, #tpu.memory_space<hbm>> -> memref<26x4x128xi32, #tpu.memory_space<hbm>>
      tpu.wait_dma2 semaphore(%run_scoped3A : memref<!tpu.dma_semaphore, #tpu.memory_space<semaphore_mem>>) src(%dma_wait3A_2523 : memref<26x4x128xi32, #tpu.memory_space<hbm>>) dst(%arg6 : memref<26x4x128xi32, #tpu.memory_space<vmem>>)
      tpu.yield
    }) : () -> ()
    "tpu.region"() ({
      %run_scoped3A = tpu.sem_alloc : memref<!tpu.dma_semaphore, #tpu.memory_space<semaphore_mem>>
      tpu.enqueue_dma source(%arg4 : memref<16xf32, #tpu.memory_space<hbm>>) target(%arg8 : memref<16xf32, #tpu.memory_space<vmem>>) target_semaphore(%run_scoped3A : memref<!tpu.dma_semaphore, #tpu.memory_space<semaphore_mem>>)
      tpu.wait_dma2 semaphore(%run_scoped3A : memref<!tpu.dma_semaphore, #tpu.memory_space<semaphore_mem>>) src(%arg4 : memref<16xf32, #tpu.memory_space<hbm>>) dst(%arg8 : memref<16xf32, #tpu.memory_space<vmem>>)
      tpu.yield
    }) : () -> ()
    %dma_start3A = arith.constant 0 : i32
    %dma_start3A_1 = arith.constant 0 : i32
    %dma_start3A_2 = arith.constant 0 : i32
    %dma_start3A_3 = arith.constant 0 : i32
    %dma_start3A_4 = arith.constant 0 : i32
    %dma_start3A_5 = tpu.memref_slice %arg7[%dma_start3A_2, %dma_start3A_3, %dma_start3A_4] : memref<26x4x128xf32, #tpu.memory_space<vmem>> -> memref<1x1x128xf32, #tpu.memory_space<vmem>>
    %dma_start3A_6 = tpu.memref_squeeze %dma_start3A_5 : memref<1x1x128xf32, #tpu.memory_space<vmem>> -> memref<128xf32, #tpu.memory_space<vmem>>
    %dma_start3A_7 = arith.constant 0 : i32
    %dma_start3A_8 = tpu.memref_slice %arg6[%dma_start3A, %dma_start3A_1, %dma_start3A_7] : memref<26x4x128xi32, #tpu.memory_space<vmem>> -> memref<1x1x128xi32, #tpu.memory_space<vmem>>
    %dma_start3A_9 = tpu.memref_squeeze %dma_start3A_8 : memref<1x1x128xi32, #tpu.memory_space<vmem>> -> memref<128xi32, #tpu.memory_space<vmem>>
    %dma_start3A_10 = arith.constant 0 : i32
    %dma_start3A_11 = tpu.memref_slice %arg3[%dma_start3A_10] : memref<1040000xf32, #tpu.memory_space<hbm>> -> memref<1040000xf32, #tpu.memory_space<hbm>>
    tpu.enqueue_indirect_dma source(%dma_start3A_11 : memref<1040000xf32, #tpu.memory_space<hbm>>) target(%dma_start3A_6 : memref<128xf32, #tpu.memory_space<vmem>>) offsets(%dma_start3A_9 : memref<128xi32, #tpu.memory_space<vmem>>) semaphore(%arg10 : memref<!tpu.dma_semaphore, #tpu.memory_space<semaphore_mem>>)
    %dma_start3A_12 = arith.constant 0 : i32
    %dma_start3A_13 = arith.constant 1 : i32
    %dma_start3A_14 = arith.constant 0 : i32
    %dma_start3A_15 = arith.constant 1 : i32
    %dma_start3A_16 = arith.constant 0 : i32
    %dma_start3A_17 = tpu.memref_slice %arg7[%dma_start3A_14, %dma_start3A_15, %dma_start3A_16] : memref<26x4x128xf32, #tpu.memory_space<vmem>> -> memref<1x1x128xf32, #tpu.memory_space<vmem>>
    %dma_start3A_18 = tpu.memref_squeeze %dma_start3A_17 : memref<1x1x128xf32, #tpu.memory_space<vmem>> -> memref<128xf32, #tpu.memory_space<vmem>>
    %dma_start3A_19 = arith.constant 0 : i32
    %dma_start3A_20 = tpu.memref_slice %arg6[%dma_start3A_12, %dma_start3A_13, %dma_start3A_19] : memref<26x4x128xi32, #tpu.memory_space<vmem>> -> memref<1x1x128xi32, #tpu.memory_space<vmem>>
    %dma_start3A_21 = tpu.memref_squeeze %dma_start3A_20 : memref<1x1x128xi32, #tpu.memory_space<vmem>> -> memref<128xi32, #tpu.memory_space<vmem>>
    %dma_start3A_22 = arith.constant 0 : i32
    %dma_start3A_23 = tpu.memref_slice %arg3[%dma_start3A_22] : memref<1040000xf32, #tpu.memory_space<hbm>> -> memref<1040000xf32, #tpu.memory_space<hbm>>
    tpu.enqueue_indirect_dma source(%dma_start3A_23 : memref<1040000xf32, #tpu.memory_space<hbm>>) target(%dma_start3A_18 : memref<128xf32, #tpu.memory_space<vmem>>) offsets(%dma_start3A_21 : memref<128xi32, #tpu.memory_space<vmem>>) semaphore(%arg10 : memref<!tpu.dma_semaphore, #tpu.memory_space<semaphore_mem>>)
    %dma_start3A_24 = arith.constant 0 : i32
    %dma_start3A_25 = arith.constant 2 : i32
    %dma_start3A_26 = arith.constant 0 : i32
    %dma_start3A_27 = arith.constant 2 : i32
    %dma_start3A_28 = arith.constant 0 : i32
    %dma_start3A_29 = tpu.memref_slice %arg7[%dma_start3A_26, %dma_start3A_27, %dma_start3A_28] : memref<26x4x128xf32, #tpu.memory_space<vmem>> -> memref<1x1x128xf32, #tpu.memory_space<vmem>>
    %dma_start3A_30 = tpu.memref_squeeze %dma_start3A_29 : memref<1x1x128xf32, #tpu.memory_space<vmem>> -> memref<128xf32, #tpu.memory_space<vmem>>
    %dma_start3A_31 = arith.constant 0 : i32
    %dma_start3A_32 = tpu.memref_slice %arg6[%dma_start3A_24, %dma_start3A_25, %dma_start3A_31] : memref<26x4x128xi32, #tpu.memory_space<vmem>> -> memref<1x1x128xi32, #tpu.memory_space<vmem>>
    %dma_start3A_33 = tpu.memref_squeeze %dma_start3A_32 : memref<1x1x128xi32, #tpu.memory_space<vmem>> -> memref<128xi32, #tpu.memory_space<vmem>>
    %dma_start3A_34 = arith.constant 0 : i32
    %dma_start3A_35 = tpu.memref_slice %arg3[%dma_start3A_34] : memref<1040000xf32, #tpu.memory_space<hbm>> -> memref<1040000xf32, #tpu.memory_space<hbm>>
    tpu.enqueue_indirect_dma source(%dma_start3A_35 : memref<1040000xf32, #tpu.memory_space<hbm>>) target(%dma_start3A_30 : memref<128xf32, #tpu.memory_space<vmem>>) offsets(%dma_start3A_33 : memref<128xi32, #tpu.memory_space<vmem>>) semaphore(%arg10 : memref<!tpu.dma_semaphore, #tpu.memory_space<semaphore_mem>>)
    %dma_start3A_36 = arith.constant 0 : i32
    %dma_start3A_37 = arith.constant 3 : i32
    %dma_start3A_38 = arith.constant 0 : i32
    %dma_start3A_39 = arith.constant 3 : i32
    %dma_start3A_40 = arith.constant 0 : i32
    %dma_start3A_41 = tpu.memref_slice %arg7[%dma_start3A_38, %dma_start3A_39, %dma_start3A_40] : memref<26x4x128xf32, #tpu.memory_space<vmem>> -> memref<1x1x128xf32, #tpu.memory_space<vmem>>
    %dma_start3A_42 = tpu.memref_squeeze %dma_start3A_41 : memref<1x1x128xf32, #tpu.memory_space<vmem>> -> memref<128xf32, #tpu.memory_space<vmem>>
    %dma_start3A_43 = arith.constant 0 : i32
    %dma_start3A_44 = tpu.memref_slice %arg6[%dma_start3A_36, %dma_start3A_37, %dma_start3A_43] : memref<26x4x128xi32, #tpu.memory_space<vmem>> -> memref<1x1x128xi32, #tpu.memory_space<vmem>>
    %dma_start3A_45 = tpu.memref_squeeze %dma_start3A_44 : memref<1x1x128xi32, #tpu.memory_space<vmem>> -> memref<128xi32, #tpu.memory_space<vmem>>
    %dma_start3A_46 = arith.constant 0 : i32
    %dma_start3A_47 = tpu.memref_slice %arg3[%dma_start3A_46] : memref<1040000xf32, #tpu.memory_space<hbm>> -> memref<1040000xf32, #tpu.memory_space<hbm>>
    tpu.enqueue_indirect_dma source(%dma_start3A_47 : memref<1040000xf32, #tpu.memory_space<hbm>>) target(%dma_start3A_42 : memref<128xf32, #tpu.memory_space<vmem>>) offsets(%dma_start3A_45 : memref<128xi32, #tpu.memory_space<vmem>>) semaphore(%arg10 : memref<!tpu.dma_semaphore, #tpu.memory_space<semaphore_mem>>)
    %dma_start3A_48 = arith.constant 1 : i32
    %dma_start3A_49 = arith.constant 0 : i32
    %dma_start3A_50 = arith.constant 1 : i32
    %dma_start3A_51 = arith.constant 0 : i32
    %dma_start3A_52 = arith.constant 0 : i32
    %dma_start3A_53 = tpu.memref_slice %arg7[%dma_start3A_50, %dma_start3A_51, %dma_start3A_52] : memref<26x4x128xf32, #tpu.memory_space<vmem>> -> memref<1x1x128xf32, #tpu.memory_space<vmem>>
    %dma_start3A_54 = tpu.memref_squeeze %dma_start3A_53 : memref<1x1x128xf32, #tpu.memory_space<vmem>> -> memref<128xf32, #tpu.memory_space<vmem>>
    %dma_start3A_55 = arith.constant 0 : i32
    %dma_start3A_56 = tpu.memref_slice %arg6[%dma_start3A_48, %dma_start3A_49, %dma_start3A_55] : memref<26x4x128xi32, #tpu.memory_space<vmem>> -> memref<1x1x128xi32, #tpu.memory_space<vmem>>
    %dma_start3A_57 = tpu.memref_squeeze %dma_start3A_56 : memref<1x1x128xi32, #tpu.memory_space<vmem>> -> memref<128xi32, #tpu.memory_space<vmem>>
    %dma_start3A_58 = arith.constant 0 : i32
    %dma_start3A_59 = tpu.memref_slice %arg3[%dma_start3A_58] : memref<1040000xf32, #tpu.memory_space<hbm>> -> memref<1040000xf32, #tpu.memory_space<hbm>>
    tpu.enqueue_indirect_dma source(%dma_start3A_59 : memref<1040000xf32, #tpu.memory_space<hbm>>) target(%dma_start3A_54 : memref<128xf32, #tpu.memory_space<vmem>>) offsets(%dma_start3A_57 : memref<128xi32, #tpu.memory_space<vmem>>) semaphore(%arg10 : memref<!tpu.dma_semaphore, #tpu.memory_space<semaphore_mem>>)
    %dma_start3A_60 = arith.constant 1 : i32
    %dma_start3A_61 = arith.constant 1 : i32
    %dma_start3A_62 = arith.constant 1 : i32
    %dma_start3A_63 = arith.constant 1 : i32
    %dma_start3A_64 = arith.constant 0 : i32
    %dma_start3A_65 = tpu.memref_slice %arg7[%dma_start3A_62, %dma_start3A_63, %dma_start3A_64] : memref<26x4x128xf32, #tpu.memory_space<vmem>> -> memref<1x1x128xf32, #tpu.memory_space<vmem>>
    %dma_start3A_66 = tpu.memref_squeeze %dma_start3A_65 : memref<1x1x128xf32, #tpu.memory_space<vmem>> -> memref<128xf32, #tpu.memory_space<vmem>>
    %dma_start3A_67 = arith.constant 0 : i32
    %dma_start3A_68 = tpu.memref_slice %arg6[%dma_start3A_60, %dma_start3A_61, %dma_start3A_67] : memref<26x4x128xi32, #tpu.memory_space<vmem>> -> memref<1x1x128xi32, #tpu.memory_space<vmem>>
    %dma_start3A_69 = tpu.memref_squeeze %dma_start3A_68 : memref<1x1x128xi32, #tpu.memory_space<vmem>> -> memref<128xi32, #tpu.memory_space<vmem>>
    %dma_start3A_70 = arith.constant 0 : i32
    %dma_start3A_71 = tpu.memref_slice %arg3[%dma_start3A_70] : memref<1040000xf32, #tpu.memory_space<hbm>> -> memref<1040000xf32, #tpu.memory_space<hbm>>
    tpu.enqueue_indirect_dma source(%dma_start3A_71 : memref<1040000xf32, #tpu.memory_space<hbm>>) target(%dma_start3A_66 : memref<128xf32, #tpu.memory_space<vmem>>) offsets(%dma_start3A_69 : memref<128xi32, #tpu.memory_space<vmem>>) semaphore(%arg10 : memref<!tpu.dma_semaphore, #tpu.memory_space<semaphore_mem>>)
    %dma_start3A_72 = arith.constant 1 : i32
    %dma_start3A_73 = arith.constant 2 : i32
    %dma_start3A_74 = arith.constant 1 : i32
    %dma_start3A_75 = arith.constant 2 : i32
    %dma_start3A_76 = arith.constant 0 : i32
    %dma_start3A_77 = tpu.memref_slice %arg7[%dma_start3A_74, %dma_start3A_75, %dma_start3A_76] : memref<26x4x128xf32, #tpu.memory_space<vmem>> -> memref<1x1x128xf32, #tpu.memory_space<vmem>>
    %dma_start3A_78 = tpu.memref_squeeze %dma_start3A_77 : memref<1x1x128xf32, #tpu.memory_space<vmem>> -> memref<128xf32, #tpu.memory_space<vmem>>
    %dma_start3A_79 = arith.constant 0 : i32
    %dma_start3A_80 = tpu.memref_slice %arg6[%dma_start3A_72, %dma_start3A_73, %dma_start3A_79] : memref<26x4x128xi32, #tpu.memory_space<vmem>> -> memref<1x1x128xi32, #tpu.memory_space<vmem>>
    %dma_start3A_81 = tpu.memref_squeeze %dma_start3A_80 : memref<1x1x128xi32, #tpu.memory_space<vmem>> -> memref<128xi32, #tpu.memory_space<vmem>>
    %dma_start3A_82 = arith.constant 0 : i32
    %dma_start3A_83 = tpu.memref_slice %arg3[%dma_start3A_82] : memref<1040000xf32, #tpu.memory_space<hbm>> -> memref<1040000xf32, #tpu.memory_space<hbm>>
    tpu.enqueue_indirect_dma source(%dma_start3A_83 : memref<1040000xf32, #tpu.memory_space<hbm>>) target(%dma_start3A_78 : memref<128xf32, #tpu.memory_space<vmem>>) offsets(%dma_start3A_81 : memref<128xi32, #tpu.memory_space<vmem>>) semaphore(%arg10 : memref<!tpu.dma_semaphore, #tpu.memory_space<semaphore_mem>>)
    %dma_start3A_84 = arith.constant 1 : i32
    %dma_start3A_85 = arith.constant 3 : i32
    %dma_start3A_86 = arith.constant 1 : i32
    %dma_start3A_87 = arith.constant 3 : i32
    %dma_start3A_88 = arith.constant 0 : i32
    %dma_start3A_89 = tpu.memref_slice %arg7[%dma_start3A_86, %dma_start3A_87, %dma_start3A_88] : memref<26x4x128xf32, #tpu.memory_space<vmem>> -> memref<1x1x128xf32, #tpu.memory_space<vmem>>
    %dma_start3A_90 = tpu.memref_squeeze %dma_start3A_89 : memref<1x1x128xf32, #tpu.memory_space<vmem>> -> memref<128xf32, #tpu.memory_space<vmem>>
    %dma_start3A_91 = arith.constant 0 : i32
    %dma_start3A_92 = tpu.memref_slice %arg6[%dma_start3A_84, %dma_start3A_85, %dma_start3A_91] : memref<26x4x128xi32, #tpu.memory_space<vmem>> -> memref<1x1x128xi32, #tpu.memory_space<vmem>>
    %dma_start3A_93 = tpu.memref_squeeze %dma_start3A_92 : memref<1x1x128xi32, #tpu.memory_space<vmem>> -> memref<128xi32, #tpu.memory_space<vmem>>
    %dma_start3A_94 = arith.constant 0 : i32
    %dma_start3A_95 = tpu.memref_slice %arg3[%dma_start3A_94] : memref<1040000xf32, #tpu.memory_space<hbm>> -> memref<1040000xf32, #tpu.memory_space<hbm>>
    tpu.enqueue_indirect_dma source(%dma_start3A_95 : memref<1040000xf32, #tpu.memory_space<hbm>>) target(%dma_start3A_90 : memref<128xf32, #tpu.memory_space<vmem>>) offsets(%dma_start3A_93 : memref<128xi32, #tpu.memory_space<vmem>>) semaphore(%arg10 : memref<!tpu.dma_semaphore, #tpu.memory_space<semaphore_mem>>)
    %dma_start3A_96 = arith.constant 2 : i32
    %dma_start3A_97 = arith.constant 0 : i32
    %dma_start3A_98 = arith.constant 2 : i32
    %dma_start3A_99 = arith.constant 0 : i32
    %dma_start3A_100 = arith.constant 0 : i32
    %dma_start3A_101 = tpu.memref_slice %arg7[%dma_start3A_98, %dma_start3A_99, %dma_start3A_100] : memref<26x4x128xf32, #tpu.memory_space<vmem>> -> memref<1x1x128xf32, #tpu.memory_space<vmem>>
    %dma_start3A_102 = tpu.memref_squeeze %dma_start3A_101 : memref<1x1x128xf32, #tpu.memory_space<vmem>> -> memref<128xf32, #tpu.memory_space<vmem>>
    %dma_start3A_103 = arith.constant 0 : i32
    %dma_start3A_104 = tpu.memref_slice %arg6[%dma_start3A_96, %dma_start3A_97, %dma_start3A_103] : memref<26x4x128xi32, #tpu.memory_space<vmem>> -> memref<1x1x128xi32, #tpu.memory_space<vmem>>
    %dma_start3A_105 = tpu.memref_squeeze %dma_start3A_104 : memref<1x1x128xi32, #tpu.memory_space<vmem>> -> memref<128xi32, #tpu.memory_space<vmem>>
    %dma_start3A_106 = arith.constant 0 : i32
    %dma_start3A_107 = tpu.memref_slice %arg3[%dma_start3A_106] : memref<1040000xf32, #tpu.memory_space<hbm>> -> memref<1040000xf32, #tpu.memory_space<hbm>>
    tpu.enqueue_indirect_dma source(%dma_start3A_107 : memref<1040000xf32, #tpu.memory_space<hbm>>) target(%dma_start3A_102 : memref<128xf32, #tpu.memory_space<vmem>>) offsets(%dma_start3A_105 : memref<128xi32, #tpu.memory_space<vmem>>) semaphore(%arg10 : memref<!tpu.dma_semaphore, #tpu.memory_space<semaphore_mem>>)
    %dma_start3A_108 = arith.constant 2 : i32
    %dma_start3A_109 = arith.constant 1 : i32
    %dma_start3A_110 = arith.constant 2 : i32
    %dma_start3A_111 = arith.constant 1 : i32
    %dma_start3A_112 = arith.constant 0 : i32
    %dma_start3A_113 = tpu.memref_slice %arg7[%dma_start3A_110, %dma_start3A_111, %dma_start3A_112] : memref<26x4x128xf32, #tpu.memory_space<vmem>> -> memref<1x1x128xf32, #tpu.memory_space<vmem>>
    %dma_start3A_114 = tpu.memref_squeeze %dma_start3A_113 : memref<1x1x128xf32, #tpu.memory_space<vmem>> -> memref<128xf32, #tpu.memory_space<vmem>>
    %dma_start3A_115 = arith.constant 0 : i32
    %dma_start3A_116 = tpu.memref_slice %arg6[%dma_start3A_108, %dma_start3A_109, %dma_start3A_115] : memref<26x4x128xi32, #tpu.memory_space<vmem>> -> memref<1x1x128xi32, #tpu.memory_space<vmem>>
    %dma_start3A_117 = tpu.memref_squeeze %dma_start3A_116 : memref<1x1x128xi32, #tpu.memory_space<vmem>> -> memref<128xi32, #tpu.memory_space<vmem>>
    %dma_start3A_118 = arith.constant 0 : i32
    %dma_start3A_119 = tpu.memref_slice %arg3[%dma_start3A_118] : memref<1040000xf32, #tpu.memory_space<hbm>> -> memref<1040000xf32, #tpu.memory_space<hbm>>
    tpu.enqueue_indirect_dma source(%dma_start3A_119 : memref<1040000xf32, #tpu.memory_space<hbm>>) target(%dma_start3A_114 : memref<128xf32, #tpu.memory_space<vmem>>) offsets(%dma_start3A_117 : memref<128xi32, #tpu.memory_space<vmem>>) semaphore(%arg10 : memref<!tpu.dma_semaphore, #tpu.memory_space<semaphore_mem>>)
    %dma_start3A_120 = arith.constant 2 : i32
    %dma_start3A_121 = arith.constant 2 : i32
    %dma_start3A_122 = arith.constant 2 : i32
    %dma_start3A_123 = arith.constant 2 : i32
    %dma_start3A_124 = arith.constant 0 : i32
    %dma_start3A_125 = tpu.memref_slice %arg7[%dma_start3A_122, %dma_start3A_123, %dma_start3A_124] : memref<26x4x128xf32, #tpu.memory_space<vmem>> -> memref<1x1x128xf32, #tpu.memory_space<vmem>>
    %dma_start3A_126 = tpu.memref_squeeze %dma_start3A_125 : memref<1x1x128xf32, #tpu.memory_space<vmem>> -> memref<128xf32, #tpu.memory_space<vmem>>
    %dma_start3A_127 = arith.constant 0 : i32
    %dma_start3A_128 = tpu.memref_slice %arg6[%dma_start3A_120, %dma_start3A_121, %dma_start3A_127] : memref<26x4x128xi32, #tpu.memory_space<vmem>> -> memref<1x1x128xi32, #tpu.memory_space<vmem>>
    %dma_start3A_129 = tpu.memref_squeeze %dma_start3A_128 : memref<1x1x128xi32, #tpu.memory_space<vmem>> -> memref<128xi32, #tpu.memory_space<vmem>>
    %dma_start3A_130 = arith.constant 0 : i32
    %dma_start3A_131 = tpu.memref_slice %arg3[%dma_start3A_130] : memref<1040000xf32, #tpu.memory_space<hbm>> -> memref<1040000xf32, #tpu.memory_space<hbm>>
    tpu.enqueue_indirect_dma source(%dma_start3A_131 : memref<1040000xf32, #tpu.memory_space<hbm>>) target(%dma_start3A_126 : memref<128xf32, #tpu.memory_space<vmem>>) offsets(%dma_start3A_129 : memref<128xi32, #tpu.memory_space<vmem>>) semaphore(%arg10 : memref<!tpu.dma_semaphore, #tpu.memory_space<semaphore_mem>>)
    %dma_start3A_132 = arith.constant 2 : i32
    %dma_start3A_133 = arith.constant 3 : i32
    %dma_start3A_134 = arith.constant 2 : i32
    %dma_start3A_135 = arith.constant 3 : i32
    %dma_start3A_136 = arith.constant 0 : i32
    %dma_start3A_137 = tpu.memref_slice %arg7[%dma_start3A_134, %dma_start3A_135, %dma_start3A_136] : memref<26x4x128xf32, #tpu.memory_space<vmem>> -> memref<1x1x128xf32, #tpu.memory_space<vmem>>
    %dma_start3A_138 = tpu.memref_squeeze %dma_start3A_137 : memref<1x1x128xf32, #tpu.memory_space<vmem>> -> memref<128xf32, #tpu.memory_space<vmem>>
    %dma_start3A_139 = arith.constant 0 : i32
    %dma_start3A_140 = tpu.memref_slice %arg6[%dma_start3A_132, %dma_start3A_133, %dma_start3A_139] : memref<26x4x128xi32, #tpu.memory_space<vmem>> -> memref<1x1x128xi32, #tpu.memory_space<vmem>>
    %dma_start3A_141 = tpu.memref_squeeze %dma_start3A_140 : memref<1x1x128xi32, #tpu.memory_space<vmem>> -> memref<128xi32, #tpu.memory_space<vmem>>
    %dma_start3A_142 = arith.constant 0 : i32
    %dma_start3A_143 = tpu.memref_slice %arg3[%dma_start3A_142] : memref<1040000xf32, #tpu.memory_space<hbm>> -> memref<1040000xf32, #tpu.memory_space<hbm>>
    tpu.enqueue_indirect_dma source(%dma_start3A_143 : memref<1040000xf32, #tpu.memory_space<hbm>>) target(%dma_start3A_138 : memref<128xf32, #tpu.memory_space<vmem>>) offsets(%dma_start3A_141 : memref<128xi32, #tpu.memory_space<vmem>>) semaphore(%arg10 : memref<!tpu.dma_semaphore, #tpu.memory_space<semaphore_mem>>)
    %dma_start3A_144 = arith.constant 3 : i32
    %dma_start3A_145 = arith.constant 0 : i32
    %dma_start3A_146 = arith.constant 3 : i32
    %dma_start3A_147 = arith.constant 0 : i32
    %dma_start3A_148 = arith.constant 0 : i32
    %dma_start3A_149 = tpu.memref_slice %arg7[%dma_start3A_146, %dma_start3A_147, %dma_start3A_148] : memref<26x4x128xf32, #tpu.memory_space<vmem>> -> memref<1x1x128xf32, #tpu.memory_space<vmem>>
    %dma_start3A_150 = tpu.memref_squeeze %dma_start3A_149 : memref<1x1x128xf32, #tpu.memory_space<vmem>> -> memref<128xf32, #tpu.memory_space<vmem>>
    %dma_start3A_151 = arith.constant 0 : i32
    %dma_start3A_152 = tpu.memref_slice %arg6[%dma_start3A_144, %dma_start3A_145, %dma_start3A_151] : memref<26x4x128xi32, #tpu.memory_space<vmem>> -> memref<1x1x128xi32, #tpu.memory_space<vmem>>
    %dma_start3A_153 = tpu.memref_squeeze %dma_start3A_152 : memref<1x1x128xi32, #tpu.memory_space<vmem>> -> memref<128xi32, #tpu.memory_space<vmem>>
    %dma_start3A_154 = arith.constant 0 : i32
    %dma_start3A_155 = tpu.memref_slice %arg3[%dma_start3A_154] : memref<1040000xf32, #tpu.memory_space<hbm>> -> memref<1040000xf32, #tpu.memory_space<hbm>>
    tpu.enqueue_indirect_dma source(%dma_start3A_155 : memref<1040000xf32, #tpu.memory_space<hbm>>) target(%dma_start3A_150 : memref<128xf32, #tpu.memory_space<vmem>>) offsets(%dma_start3A_153 : memref<128xi32, #tpu.memory_space<vmem>>) semaphore(%arg10 : memref<!tpu.dma_semaphore, #tpu.memory_space<semaphore_mem>>)
    %dma_start3A_156 = arith.constant 3 : i32
    %dma_start3A_157 = arith.constant 1 : i32
    %dma_start3A_158 = arith.constant 3 : i32
    %dma_start3A_159 = arith.constant 1 : i32
    %dma_start3A_160 = arith.constant 0 : i32
    %dma_start3A_161 = tpu.memref_slice %arg7[%dma_start3A_158, %dma_start3A_159, %dma_start3A_160] : memref<26x4x128xf32, #tpu.memory_space<vmem>> -> memref<1x1x128xf32, #tpu.memory_space<vmem>>
    %dma_start3A_162 = tpu.memref_squeeze %dma_start3A_161 : memref<1x1x128xf32, #tpu.memory_space<vmem>> -> memref<128xf32, #tpu.memory_space<vmem>>
    %dma_start3A_163 = arith.constant 0 : i32
    %dma_start3A_164 = tpu.memref_slice %arg6[%dma_start3A_156, %dma_start3A_157, %dma_start3A_163] : memref<26x4x128xi32, #tpu.memory_space<vmem>> -> memref<1x1x128xi32, #tpu.memory_space<vmem>>
    %dma_start3A_165 = tpu.memref_squeeze %dma_start3A_164 : memref<1x1x128xi32, #tpu.memory_space<vmem>> -> memref<128xi32, #tpu.memory_space<vmem>>
    %dma_start3A_166 = arith.constant 0 : i32
    %dma_start3A_167 = tpu.memref_slice %arg3[%dma_start3A_166] : memref<1040000xf32, #tpu.memory_space<hbm>> -> memref<1040000xf32, #tpu.memory_space<hbm>>
    tpu.enqueue_indirect_dma source(%dma_start3A_167 : memref<1040000xf32, #tpu.memory_space<hbm>>) target(%dma_start3A_162 : memref<128xf32, #tpu.memory_space<vmem>>) offsets(%dma_start3A_165 : memref<128xi32, #tpu.memory_space<vmem>>) semaphore(%arg10 : memref<!tpu.dma_semaphore, #tpu.memory_space<semaphore_mem>>)
    %dma_start3A_168 = arith.constant 3 : i32
    %dma_start3A_169 = arith.constant 2 : i32
    %dma_start3A_170 = arith.constant 3 : i32
    %dma_start3A_171 = arith.constant 2 : i32
    %dma_start3A_172 = arith.constant 0 : i32
    %dma_start3A_173 = tpu.memref_slice %arg7[%dma_start3A_170, %dma_start3A_171, %dma_start3A_172] : memref<26x4x128xf32, #tpu.memory_space<vmem>> -> memref<1x1x128xf32, #tpu.memory_space<vmem>>
    %dma_start3A_174 = tpu.memref_squeeze %dma_start3A_173 : memref<1x1x128xf32, #tpu.memory_space<vmem>> -> memref<128xf32, #tpu.memory_space<vmem>>
    %dma_start3A_175 = arith.constant 0 : i32
    %dma_start3A_176 = tpu.memref_slice %arg6[%dma_start3A_168, %dma_start3A_169, %dma_start3A_175] : memref<26x4x128xi32, #tpu.memory_space<vmem>> -> memref<1x1x128xi32, #tpu.memory_space<vmem>>
    %dma_start3A_177 = tpu.memref_squeeze %dma_start3A_176 : memref<1x1x128xi32, #tpu.memory_space<vmem>> -> memref<128xi32, #tpu.memory_space<vmem>>
    %dma_start3A_178 = arith.constant 0 : i32
    %dma_start3A_179 = tpu.memref_slice %arg3[%dma_start3A_178] : memref<1040000xf32, #tpu.memory_space<hbm>> -> memref<1040000xf32, #tpu.memory_space<hbm>>
    tpu.enqueue_indirect_dma source(%dma_start3A_179 : memref<1040000xf32, #tpu.memory_space<hbm>>) target(%dma_start3A_174 : memref<128xf32, #tpu.memory_space<vmem>>) offsets(%dma_start3A_177 : memref<128xi32, #tpu.memory_space<vmem>>) semaphore(%arg10 : memref<!tpu.dma_semaphore, #tpu.memory_space<semaphore_mem>>)
    %dma_start3A_180 = arith.constant 3 : i32
    %dma_start3A_181 = arith.constant 3 : i32
    %dma_start3A_182 = arith.constant 3 : i32
    %dma_start3A_183 = arith.constant 3 : i32
    %dma_start3A_184 = arith.constant 0 : i32
    %dma_start3A_185 = tpu.memref_slice %arg7[%dma_start3A_182, %dma_start3A_183, %dma_start3A_184] : memref<26x4x128xf32, #tpu.memory_space<vmem>> -> memref<1x1x128xf32, #tpu.memory_space<vmem>>
    %dma_start3A_186 = tpu.memref_squeeze %dma_start3A_185 : memref<1x1x128xf32, #tpu.memory_space<vmem>> -> memref<128xf32, #tpu.memory_space<vmem>>
    %dma_start3A_187 = arith.constant 0 : i32
    %dma_start3A_188 = tpu.memref_slice %arg6[%dma_start3A_180, %dma_start3A_181, %dma_start3A_187] : memref<26x4x128xi32, #tpu.memory_space<vmem>> -> memref<1x1x128xi32, #tpu.memory_space<vmem>>
    %dma_start3A_189 = tpu.memref_squeeze %dma_start3A_188 : memref<1x1x128xi32, #tpu.memory_space<vmem>> -> memref<128xi32, #tpu.memory_space<vmem>>
    %dma_start3A_190 = arith.constant 0 : i32
    %dma_start3A_191 = tpu.memref_slice %arg3[%dma_start3A_190] : memref<1040000xf32, #tpu.memory_space<hbm>> -> memref<1040000xf32, #tpu.memory_space<hbm>>
    tpu.enqueue_indirect_dma source(%dma_start3A_191 : memref<1040000xf32, #tpu.memory_space<hbm>>) target(%dma_start3A_186 : memref<128xf32, #tpu.memory_space<vmem>>) offsets(%dma_start3A_189 : memref<128xi32, #tpu.memory_space<vmem>>) semaphore(%arg10 : memref<!tpu.dma_semaphore, #tpu.memory_space<semaphore_mem>>)
    %dma_start3A_192 = arith.constant 4 : i32
    %dma_start3A_193 = arith.constant 0 : i32
    %dma_start3A_194 = arith.constant 4 : i32
    %dma_start3A_195 = arith.constant 0 : i32
    %dma_start3A_196 = arith.constant 0 : i32
    %dma_start3A_197 = tpu.memref_slice %arg7[%dma_start3A_194, %dma_start3A_195, %dma_start3A_196] : memref<26x4x128xf32, #tpu.memory_space<vmem>> -> memref<1x1x128xf32, #tpu.memory_space<vmem>>
    %dma_start3A_198 = tpu.memref_squeeze %dma_start3A_197 : memref<1x1x128xf32, #tpu.memory_space<vmem>> -> memref<128xf32, #tpu.memory_space<vmem>>
    %dma_start3A_199 = arith.constant 0 : i32
    %dma_start3A_200 = tpu.memref_slice %arg6[%dma_start3A_192, %dma_start3A_193, %dma_start3A_199] : memref<26x4x128xi32, #tpu.memory_space<vmem>> -> memref<1x1x128xi32, #tpu.memory_space<vmem>>
    %dma_start3A_201 = tpu.memref_squeeze %dma_start3A_200 : memref<1x1x128xi32, #tpu.memory_space<vmem>> -> memref<128xi32, #tpu.memory_space<vmem>>
    %dma_start3A_202 = arith.constant 0 : i32
    %dma_start3A_203 = tpu.memref_slice %arg3[%dma_start3A_202] : memref<1040000xf32, #tpu.memory_space<hbm>> -> memref<1040000xf32, #tpu.memory_space<hbm>>
    tpu.enqueue_indirect_dma source(%dma_start3A_203 : memref<1040000xf32, #tpu.memory_space<hbm>>) target(%dma_start3A_198 : memref<128xf32, #tpu.memory_space<vmem>>) offsets(%dma_start3A_201 : memref<128xi32, #tpu.memory_space<vmem>>) semaphore(%arg10 : memref<!tpu.dma_semaphore, #tpu.memory_space<semaphore_mem>>)
    %dma_start3A_204 = arith.constant 4 : i32
    %dma_start3A_205 = arith.constant 1 : i32
    %dma_start3A_206 = arith.constant 4 : i32
    %dma_start3A_207 = arith.constant 1 : i32
    %dma_start3A_208 = arith.constant 0 : i32
    %dma_start3A_209 = tpu.memref_slice %arg7[%dma_start3A_206, %dma_start3A_207, %dma_start3A_208] : memref<26x4x128xf32, #tpu.memory_space<vmem>> -> memref<1x1x128xf32, #tpu.memory_space<vmem>>
    %dma_start3A_210 = tpu.memref_squeeze %dma_start3A_209 : memref<1x1x128xf32, #tpu.memory_space<vmem>> -> memref<128xf32, #tpu.memory_space<vmem>>
    %dma_start3A_211 = arith.constant 0 : i32
    %dma_start3A_212 = tpu.memref_slice %arg6[%dma_start3A_204, %dma_start3A_205, %dma_start3A_211] : memref<26x4x128xi32, #tpu.memory_space<vmem>> -> memref<1x1x128xi32, #tpu.memory_space<vmem>>
    %dma_start3A_213 = tpu.memref_squeeze %dma_start3A_212 : memref<1x1x128xi32, #tpu.memory_space<vmem>> -> memref<128xi32, #tpu.memory_space<vmem>>
    %dma_start3A_214 = arith.constant 0 : i32
    %dma_start3A_215 = tpu.memref_slice %arg3[%dma_start3A_214] : memref<1040000xf32, #tpu.memory_space<hbm>> -> memref<1040000xf32, #tpu.memory_space<hbm>>
    tpu.enqueue_indirect_dma source(%dma_start3A_215 : memref<1040000xf32, #tpu.memory_space<hbm>>) target(%dma_start3A_210 : memref<128xf32, #tpu.memory_space<vmem>>) offsets(%dma_start3A_213 : memref<128xi32, #tpu.memory_space<vmem>>) semaphore(%arg10 : memref<!tpu.dma_semaphore, #tpu.memory_space<semaphore_mem>>)
    %dma_start3A_216 = arith.constant 4 : i32
    %dma_start3A_217 = arith.constant 2 : i32
    %dma_start3A_218 = arith.constant 4 : i32
    %dma_start3A_219 = arith.constant 2 : i32
    %dma_start3A_220 = arith.constant 0 : i32
    %dma_start3A_221 = tpu.memref_slice %arg7[%dma_start3A_218, %dma_start3A_219, %dma_start3A_220] : memref<26x4x128xf32, #tpu.memory_space<vmem>> -> memref<1x1x128xf32, #tpu.memory_space<vmem>>
    %dma_start3A_222 = tpu.memref_squeeze %dma_start3A_221 : memref<1x1x128xf32, #tpu.memory_space<vmem>> -> memref<128xf32, #tpu.memory_space<vmem>>
    %dma_start3A_223 = arith.constant 0 : i32
    %dma_start3A_224 = tpu.memref_slice %arg6[%dma_start3A_216, %dma_start3A_217, %dma_start3A_223] : memref<26x4x128xi32, #tpu.memory_space<vmem>> -> memref<1x1x128xi32, #tpu.memory_space<vmem>>
    %dma_start3A_225 = tpu.memref_squeeze %dma_start3A_224 : memref<1x1x128xi32, #tpu.memory_space<vmem>> -> memref<128xi32, #tpu.memory_space<vmem>>
    %dma_start3A_226 = arith.constant 0 : i32
    %dma_start3A_227 = tpu.memref_slice %arg3[%dma_start3A_226] : memref<1040000xf32, #tpu.memory_space<hbm>> -> memref<1040000xf32, #tpu.memory_space<hbm>>
    tpu.enqueue_indirect_dma source(%dma_start3A_227 : memref<1040000xf32, #tpu.memory_space<hbm>>) target(%dma_start3A_222 : memref<128xf32, #tpu.memory_space<vmem>>) offsets(%dma_start3A_225 : memref<128xi32, #tpu.memory_space<vmem>>) semaphore(%arg10 : memref<!tpu.dma_semaphore, #tpu.memory_space<semaphore_mem>>)
    %dma_start3A_228 = arith.constant 4 : i32
    %dma_start3A_229 = arith.constant 3 : i32
    %dma_start3A_230 = arith.constant 4 : i32
    %dma_start3A_231 = arith.constant 3 : i32
    %dma_start3A_232 = arith.constant 0 : i32
    %dma_start3A_233 = tpu.memref_slice %arg7[%dma_start3A_230, %dma_start3A_231, %dma_start3A_232] : memref<26x4x128xf32, #tpu.memory_space<vmem>> -> memref<1x1x128xf32, #tpu.memory_space<vmem>>
    %dma_start3A_234 = tpu.memref_squeeze %dma_start3A_233 : memref<1x1x128xf32, #tpu.memory_space<vmem>> -> memref<128xf32, #tpu.memory_space<vmem>>
    %dma_start3A_235 = arith.constant 0 : i32
    %dma_start3A_236 = tpu.memref_slice %arg6[%dma_start3A_228, %dma_start3A_229, %dma_start3A_235] : memref<26x4x128xi32, #tpu.memory_space<vmem>> -> memref<1x1x128xi32, #tpu.memory_space<vmem>>
    %dma_start3A_237 = tpu.memref_squeeze %dma_start3A_236 : memref<1x1x128xi32, #tpu.memory_space<vmem>> -> memref<128xi32, #tpu.memory_space<vmem>>
    %dma_start3A_238 = arith.constant 0 : i32
    %dma_start3A_239 = tpu.memref_slice %arg3[%dma_start3A_238] : memref<1040000xf32, #tpu.memory_space<hbm>> -> memref<1040000xf32, #tpu.memory_space<hbm>>
    tpu.enqueue_indirect_dma source(%dma_start3A_239 : memref<1040000xf32, #tpu.memory_space<hbm>>) target(%dma_start3A_234 : memref<128xf32, #tpu.memory_space<vmem>>) offsets(%dma_start3A_237 : memref<128xi32, #tpu.memory_space<vmem>>) semaphore(%arg10 : memref<!tpu.dma_semaphore, #tpu.memory_space<semaphore_mem>>)
    %dma_start3A_240 = arith.constant 5 : i32
    %dma_start3A_241 = arith.constant 0 : i32
    %dma_start3A_242 = arith.constant 5 : i32
    %dma_start3A_243 = arith.constant 0 : i32
    %dma_start3A_244 = arith.constant 0 : i32
    %dma_start3A_245 = tpu.memref_slice %arg7[%dma_start3A_242, %dma_start3A_243, %dma_start3A_244] : memref<26x4x128xf32, #tpu.memory_space<vmem>> -> memref<1x1x128xf32, #tpu.memory_space<vmem>>
    %dma_start3A_246 = tpu.memref_squeeze %dma_start3A_245 : memref<1x1x128xf32, #tpu.memory_space<vmem>> -> memref<128xf32, #tpu.memory_space<vmem>>
    %dma_start3A_247 = arith.constant 0 : i32
    %dma_start3A_248 = tpu.memref_slice %arg6[%dma_start3A_240, %dma_start3A_241, %dma_start3A_247] : memref<26x4x128xi32, #tpu.memory_space<vmem>> -> memref<1x1x128xi32, #tpu.memory_space<vmem>>
    %dma_start3A_249 = tpu.memref_squeeze %dma_start3A_248 : memref<1x1x128xi32, #tpu.memory_space<vmem>> -> memref<128xi32, #tpu.memory_space<vmem>>
    %dma_start3A_250 = arith.constant 0 : i32
    %dma_start3A_251 = tpu.memref_slice %arg3[%dma_start3A_250] : memref<1040000xf32, #tpu.memory_space<hbm>> -> memref<1040000xf32, #tpu.memory_space<hbm>>
    tpu.enqueue_indirect_dma source(%dma_start3A_251 : memref<1040000xf32, #tpu.memory_space<hbm>>) target(%dma_start3A_246 : memref<128xf32, #tpu.memory_space<vmem>>) offsets(%dma_start3A_249 : memref<128xi32, #tpu.memory_space<vmem>>) semaphore(%arg10 : memref<!tpu.dma_semaphore, #tpu.memory_space<semaphore_mem>>)
    %dma_start3A_252 = arith.constant 5 : i32
    %dma_start3A_253 = arith.constant 1 : i32
    %dma_start3A_254 = arith.constant 5 : i32
    %dma_start3A_255 = arith.constant 1 : i32
    %dma_start3A_256 = arith.constant 0 : i32
    %dma_start3A_257 = tpu.memref_slice %arg7[%dma_start3A_254, %dma_start3A_255, %dma_start3A_256] : memref<26x4x128xf32, #tpu.memory_space<vmem>> -> memref<1x1x128xf32, #tpu.memory_space<vmem>>
    %dma_start3A_258 = tpu.memref_squeeze %dma_start3A_257 : memref<1x1x128xf32, #tpu.memory_space<vmem>> -> memref<128xf32, #tpu.memory_space<vmem>>
    %dma_start3A_259 = arith.constant 0 : i32
    %dma_start3A_260 = tpu.memref_slice %arg6[%dma_start3A_252, %dma_start3A_253, %dma_start3A_259] : memref<26x4x128xi32, #tpu.memory_space<vmem>> -> memref<1x1x128xi32, #tpu.memory_space<vmem>>
    %dma_start3A_261 = tpu.memref_squeeze %dma_start3A_260 : memref<1x1x128xi32, #tpu.memory_space<vmem>> -> memref<128xi32, #tpu.memory_space<vmem>>
    %dma_start3A_262 = arith.constant 0 : i32
    %dma_start3A_263 = tpu.memref_slice %arg3[%dma_start3A_262] : memref<1040000xf32, #tpu.memory_space<hbm>> -> memref<1040000xf32, #tpu.memory_space<hbm>>
    tpu.enqueue_indirect_dma source(%dma_start3A_263 : memref<1040000xf32, #tpu.memory_space<hbm>>) target(%dma_start3A_258 : memref<128xf32, #tpu.memory_space<vmem>>) offsets(%dma_start3A_261 : memref<128xi32, #tpu.memory_space<vmem>>) semaphore(%arg10 : memref<!tpu.dma_semaphore, #tpu.memory_space<semaphore_mem>>)
    %dma_start3A_264 = arith.constant 5 : i32
    %dma_start3A_265 = arith.constant 2 : i32
    %dma_start3A_266 = arith.constant 5 : i32
    %dma_start3A_267 = arith.constant 2 : i32
    %dma_start3A_268 = arith.constant 0 : i32
    %dma_start3A_269 = tpu.memref_slice %arg7[%dma_start3A_266, %dma_start3A_267, %dma_start3A_268] : memref<26x4x128xf32, #tpu.memory_space<vmem>> -> memref<1x1x128xf32, #tpu.memory_space<vmem>>
    %dma_start3A_270 = tpu.memref_squeeze %dma_start3A_269 : memref<1x1x128xf32, #tpu.memory_space<vmem>> -> memref<128xf32, #tpu.memory_space<vmem>>
    %dma_start3A_271 = arith.constant 0 : i32
    %dma_start3A_272 = tpu.memref_slice %arg6[%dma_start3A_264, %dma_start3A_265, %dma_start3A_271] : memref<26x4x128xi32, #tpu.memory_space<vmem>> -> memref<1x1x128xi32, #tpu.memory_space<vmem>>
    %dma_start3A_273 = tpu.memref_squeeze %dma_start3A_272 : memref<1x1x128xi32, #tpu.memory_space<vmem>> -> memref<128xi32, #tpu.memory_space<vmem>>
    %dma_start3A_274 = arith.constant 0 : i32
    %dma_start3A_275 = tpu.memref_slice %arg3[%dma_start3A_274] : memref<1040000xf32, #tpu.memory_space<hbm>> -> memref<1040000xf32, #tpu.memory_space<hbm>>
    tpu.enqueue_indirect_dma source(%dma_start3A_275 : memref<1040000xf32, #tpu.memory_space<hbm>>) target(%dma_start3A_270 : memref<128xf32, #tpu.memory_space<vmem>>) offsets(%dma_start3A_273 : memref<128xi32, #tpu.memory_space<vmem>>) semaphore(%arg10 : memref<!tpu.dma_semaphore, #tpu.memory_space<semaphore_mem>>)
    %dma_start3A_276 = arith.constant 5 : i32
    %dma_start3A_277 = arith.constant 3 : i32
    %dma_start3A_278 = arith.constant 5 : i32
    %dma_start3A_279 = arith.constant 3 : i32
    %dma_start3A_280 = arith.constant 0 : i32
    %dma_start3A_281 = tpu.memref_slice %arg7[%dma_start3A_278, %dma_start3A_279, %dma_start3A_280] : memref<26x4x128xf32, #tpu.memory_space<vmem>> -> memref<1x1x128xf32, #tpu.memory_space<vmem>>
    %dma_start3A_282 = tpu.memref_squeeze %dma_start3A_281 : memref<1x1x128xf32, #tpu.memory_space<vmem>> -> memref<128xf32, #tpu.memory_space<vmem>>
    %dma_start3A_283 = arith.constant 0 : i32
    %dma_start3A_284 = tpu.memref_slice %arg6[%dma_start3A_276, %dma_start3A_277, %dma_start3A_283] : memref<26x4x128xi32, #tpu.memory_space<vmem>> -> memref<1x1x128xi32, #tpu.memory_space<vmem>>
    %dma_start3A_285 = tpu.memref_squeeze %dma_start3A_284 : memref<1x1x128xi32, #tpu.memory_space<vmem>> -> memref<128xi32, #tpu.memory_space<vmem>>
    %dma_start3A_286 = arith.constant 0 : i32
    %dma_start3A_287 = tpu.memref_slice %arg3[%dma_start3A_286] : memref<1040000xf32, #tpu.memory_space<hbm>> -> memref<1040000xf32, #tpu.memory_space<hbm>>
    tpu.enqueue_indirect_dma source(%dma_start3A_287 : memref<1040000xf32, #tpu.memory_space<hbm>>) target(%dma_start3A_282 : memref<128xf32, #tpu.memory_space<vmem>>) offsets(%dma_start3A_285 : memref<128xi32, #tpu.memory_space<vmem>>) semaphore(%arg10 : memref<!tpu.dma_semaphore, #tpu.memory_space<semaphore_mem>>)
    %dma_start3A_288 = arith.constant 6 : i32
    %dma_start3A_289 = arith.constant 0 : i32
    %dma_start3A_290 = arith.constant 6 : i32
    %dma_start3A_291 = arith.constant 0 : i32
    %dma_start3A_292 = arith.constant 0 : i32
    %dma_start3A_293 = tpu.memref_slice %arg7[%dma_start3A_290, %dma_start3A_291, %dma_start3A_292] : memref<26x4x128xf32, #tpu.memory_space<vmem>> -> memref<1x1x128xf32, #tpu.memory_space<vmem>>
    %dma_start3A_294 = tpu.memref_squeeze %dma_start3A_293 : memref<1x1x128xf32, #tpu.memory_space<vmem>> -> memref<128xf32, #tpu.memory_space<vmem>>
    %dma_start3A_295 = arith.constant 0 : i32
    %dma_start3A_296 = tpu.memref_slice %arg6[%dma_start3A_288, %dma_start3A_289, %dma_start3A_295] : memref<26x4x128xi32, #tpu.memory_space<vmem>> -> memref<1x1x128xi32, #tpu.memory_space<vmem>>
    %dma_start3A_297 = tpu.memref_squeeze %dma_start3A_296 : memref<1x1x128xi32, #tpu.memory_space<vmem>> -> memref<128xi32, #tpu.memory_space<vmem>>
    %dma_start3A_298 = arith.constant 0 : i32
    %dma_start3A_299 = tpu.memref_slice %arg3[%dma_start3A_298] : memref<1040000xf32, #tpu.memory_space<hbm>> -> memref<1040000xf32, #tpu.memory_space<hbm>>
    tpu.enqueue_indirect_dma source(%dma_start3A_299 : memref<1040000xf32, #tpu.memory_space<hbm>>) target(%dma_start3A_294 : memref<128xf32, #tpu.memory_space<vmem>>) offsets(%dma_start3A_297 : memref<128xi32, #tpu.memory_space<vmem>>) semaphore(%arg10 : memref<!tpu.dma_semaphore, #tpu.memory_space<semaphore_mem>>)
    %dma_start3A_300 = arith.constant 6 : i32
    %dma_start3A_301 = arith.constant 1 : i32
    %dma_start3A_302 = arith.constant 6 : i32
    %dma_start3A_303 = arith.constant 1 : i32
    %dma_start3A_304 = arith.constant 0 : i32
    %dma_start3A_305 = tpu.memref_slice %arg7[%dma_start3A_302, %dma_start3A_303, %dma_start3A_304] : memref<26x4x128xf32, #tpu.memory_space<vmem>> -> memref<1x1x128xf32, #tpu.memory_space<vmem>>
    %dma_start3A_306 = tpu.memref_squeeze %dma_start3A_305 : memref<1x1x128xf32, #tpu.memory_space<vmem>> -> memref<128xf32, #tpu.memory_space<vmem>>
    %dma_start3A_307 = arith.constant 0 : i32
    %dma_start3A_308 = tpu.memref_slice %arg6[%dma_start3A_300, %dma_start3A_301, %dma_start3A_307] : memref<26x4x128xi32, #tpu.memory_space<vmem>> -> memref<1x1x128xi32, #tpu.memory_space<vmem>>
    %dma_start3A_309 = tpu.memref_squeeze %dma_start3A_308 : memref<1x1x128xi32, #tpu.memory_space<vmem>> -> memref<128xi32, #tpu.memory_space<vmem>>
    %dma_start3A_310 = arith.constant 0 : i32
    %dma_start3A_311 = tpu.memref_slice %arg3[%dma_start3A_310] : memref<1040000xf32, #tpu.memory_space<hbm>> -> memref<1040000xf32, #tpu.memory_space<hbm>>
    tpu.enqueue_indirect_dma source(%dma_start3A_311 : memref<1040000xf32, #tpu.memory_space<hbm>>) target(%dma_start3A_306 : memref<128xf32, #tpu.memory_space<vmem>>) offsets(%dma_start3A_309 : memref<128xi32, #tpu.memory_space<vmem>>) semaphore(%arg10 : memref<!tpu.dma_semaphore, #tpu.memory_space<semaphore_mem>>)
    %dma_start3A_312 = arith.constant 6 : i32
    %dma_start3A_313 = arith.constant 2 : i32
    %dma_start3A_314 = arith.constant 6 : i32
    %dma_start3A_315 = arith.constant 2 : i32
    %dma_start3A_316 = arith.constant 0 : i32
    %dma_start3A_317 = tpu.memref_slice %arg7[%dma_start3A_314, %dma_start3A_315, %dma_start3A_316] : memref<26x4x128xf32, #tpu.memory_space<vmem>> -> memref<1x1x128xf32, #tpu.memory_space<vmem>>
    %dma_start3A_318 = tpu.memref_squeeze %dma_start3A_317 : memref<1x1x128xf32, #tpu.memory_space<vmem>> -> memref<128xf32, #tpu.memory_space<vmem>>
    %dma_start3A_319 = arith.constant 0 : i32
    %dma_start3A_320 = tpu.memref_slice %arg6[%dma_start3A_312, %dma_start3A_313, %dma_start3A_319] : memref<26x4x128xi32, #tpu.memory_space<vmem>> -> memref<1x1x128xi32, #tpu.memory_space<vmem>>
    %dma_start3A_321 = tpu.memref_squeeze %dma_start3A_320 : memref<1x1x128xi32, #tpu.memory_space<vmem>> -> memref<128xi32, #tpu.memory_space<vmem>>
    %dma_start3A_322 = arith.constant 0 : i32
    %dma_start3A_323 = tpu.memref_slice %arg3[%dma_start3A_322] : memref<1040000xf32, #tpu.memory_space<hbm>> -> memref<1040000xf32, #tpu.memory_space<hbm>>
    tpu.enqueue_indirect_dma source(%dma_start3A_323 : memref<1040000xf32, #tpu.memory_space<hbm>>) target(%dma_start3A_318 : memref<128xf32, #tpu.memory_space<vmem>>) offsets(%dma_start3A_321 : memref<128xi32, #tpu.memory_space<vmem>>) semaphore(%arg10 : memref<!tpu.dma_semaphore, #tpu.memory_space<semaphore_mem>>)
    %dma_start3A_324 = arith.constant 6 : i32
    %dma_start3A_325 = arith.constant 3 : i32
    %dma_start3A_326 = arith.constant 6 : i32
    %dma_start3A_327 = arith.constant 3 : i32
    %dma_start3A_328 = arith.constant 0 : i32
    %dma_start3A_329 = tpu.memref_slice %arg7[%dma_start3A_326, %dma_start3A_327, %dma_start3A_328] : memref<26x4x128xf32, #tpu.memory_space<vmem>> -> memref<1x1x128xf32, #tpu.memory_space<vmem>>
    %dma_start3A_330 = tpu.memref_squeeze %dma_start3A_329 : memref<1x1x128xf32, #tpu.memory_space<vmem>> -> memref<128xf32, #tpu.memory_space<vmem>>
    %dma_start3A_331 = arith.constant 0 : i32
    %dma_start3A_332 = tpu.memref_slice %arg6[%dma_start3A_324, %dma_start3A_325, %dma_start3A_331] : memref<26x4x128xi32, #tpu.memory_space<vmem>> -> memref<1x1x128xi32, #tpu.memory_space<vmem>>
    %dma_start3A_333 = tpu.memref_squeeze %dma_start3A_332 : memref<1x1x128xi32, #tpu.memory_space<vmem>> -> memref<128xi32, #tpu.memory_space<vmem>>
    %dma_start3A_334 = arith.constant 0 : i32
    %dma_start3A_335 = tpu.memref_slice %arg3[%dma_start3A_334] : memref<1040000xf32, #tpu.memory_space<hbm>> -> memref<1040000xf32, #tpu.memory_space<hbm>>
    tpu.enqueue_indirect_dma source(%dma_start3A_335 : memref<1040000xf32, #tpu.memory_space<hbm>>) target(%dma_start3A_330 : memref<128xf32, #tpu.memory_space<vmem>>) offsets(%dma_start3A_333 : memref<128xi32, #tpu.memory_space<vmem>>) semaphore(%arg10 : memref<!tpu.dma_semaphore, #tpu.memory_space<semaphore_mem>>)
    %dma_start3A_336 = arith.constant 7 : i32
    %dma_start3A_337 = arith.constant 0 : i32
    %dma_start3A_338 = arith.constant 7 : i32
    %dma_start3A_339 = arith.constant 0 : i32
    %dma_start3A_340 = arith.constant 0 : i32
    %dma_start3A_341 = tpu.memref_slice %arg7[%dma_start3A_338, %dma_start3A_339, %dma_start3A_340] : memref<26x4x128xf32, #tpu.memory_space<vmem>> -> memref<1x1x128xf32, #tpu.memory_space<vmem>>
    %dma_start3A_342 = tpu.memref_squeeze %dma_start3A_341 : memref<1x1x128xf32, #tpu.memory_space<vmem>> -> memref<128xf32, #tpu.memory_space<vmem>>
    %dma_start3A_343 = arith.constant 0 : i32
    %dma_start3A_344 = tpu.memref_slice %arg6[%dma_start3A_336, %dma_start3A_337, %dma_start3A_343] : memref<26x4x128xi32, #tpu.memory_space<vmem>> -> memref<1x1x128xi32, #tpu.memory_space<vmem>>
    %dma_start3A_345 = tpu.memref_squeeze %dma_start3A_344 : memref<1x1x128xi32, #tpu.memory_space<vmem>> -> memref<128xi32, #tpu.memory_space<vmem>>
    %dma_start3A_346 = arith.constant 0 : i32
    %dma_start3A_347 = tpu.memref_slice %arg3[%dma_start3A_346] : memref<1040000xf32, #tpu.memory_space<hbm>> -> memref<1040000xf32, #tpu.memory_space<hbm>>
    tpu.enqueue_indirect_dma source(%dma_start3A_347 : memref<1040000xf32, #tpu.memory_space<hbm>>) target(%dma_start3A_342 : memref<128xf32, #tpu.memory_space<vmem>>) offsets(%dma_start3A_345 : memref<128xi32, #tpu.memory_space<vmem>>) semaphore(%arg10 : memref<!tpu.dma_semaphore, #tpu.memory_space<semaphore_mem>>)
    %dma_start3A_348 = arith.constant 7 : i32
    %dma_start3A_349 = arith.constant 1 : i32
    %dma_start3A_350 = arith.constant 7 : i32
    %dma_start3A_351 = arith.constant 1 : i32
    %dma_start3A_352 = arith.constant 0 : i32
    %dma_start3A_353 = tpu.memref_slice %arg7[%dma_start3A_350, %dma_start3A_351, %dma_start3A_352] : memref<26x4x128xf32, #tpu.memory_space<vmem>> -> memref<1x1x128xf32, #tpu.memory_space<vmem>>
    %dma_start3A_354 = tpu.memref_squeeze %dma_start3A_353 : memref<1x1x128xf32, #tpu.memory_space<vmem>> -> memref<128xf32, #tpu.memory_space<vmem>>
    %dma_start3A_355 = arith.constant 0 : i32
    %dma_start3A_356 = tpu.memref_slice %arg6[%dma_start3A_348, %dma_start3A_349, %dma_start3A_355] : memref<26x4x128xi32, #tpu.memory_space<vmem>> -> memref<1x1x128xi32, #tpu.memory_space<vmem>>
    %dma_start3A_357 = tpu.memref_squeeze %dma_start3A_356 : memref<1x1x128xi32, #tpu.memory_space<vmem>> -> memref<128xi32, #tpu.memory_space<vmem>>
    %dma_start3A_358 = arith.constant 0 : i32
    %dma_start3A_359 = tpu.memref_slice %arg3[%dma_start3A_358] : memref<1040000xf32, #tpu.memory_space<hbm>> -> memref<1040000xf32, #tpu.memory_space<hbm>>
    tpu.enqueue_indirect_dma source(%dma_start3A_359 : memref<1040000xf32, #tpu.memory_space<hbm>>) target(%dma_start3A_354 : memref<128xf32, #tpu.memory_space<vmem>>) offsets(%dma_start3A_357 : memref<128xi32, #tpu.memory_space<vmem>>) semaphore(%arg10 : memref<!tpu.dma_semaphore, #tpu.memory_space<semaphore_mem>>)
    %dma_start3A_360 = arith.constant 7 : i32
    %dma_start3A_361 = arith.constant 2 : i32
    %dma_start3A_362 = arith.constant 7 : i32
    %dma_start3A_363 = arith.constant 2 : i32
    %dma_start3A_364 = arith.constant 0 : i32
    %dma_start3A_365 = tpu.memref_slice %arg7[%dma_start3A_362, %dma_start3A_363, %dma_start3A_364] : memref<26x4x128xf32, #tpu.memory_space<vmem>> -> memref<1x1x128xf32, #tpu.memory_space<vmem>>
    %dma_start3A_366 = tpu.memref_squeeze %dma_start3A_365 : memref<1x1x128xf32, #tpu.memory_space<vmem>> -> memref<128xf32, #tpu.memory_space<vmem>>
    %dma_start3A_367 = arith.constant 0 : i32
    %dma_start3A_368 = tpu.memref_slice %arg6[%dma_start3A_360, %dma_start3A_361, %dma_start3A_367] : memref<26x4x128xi32, #tpu.memory_space<vmem>> -> memref<1x1x128xi32, #tpu.memory_space<vmem>>
    %dma_start3A_369 = tpu.memref_squeeze %dma_start3A_368 : memref<1x1x128xi32, #tpu.memory_space<vmem>> -> memref<128xi32, #tpu.memory_space<vmem>>
    %dma_start3A_370 = arith.constant 0 : i32
    %dma_start3A_371 = tpu.memref_slice %arg3[%dma_start3A_370] : memref<1040000xf32, #tpu.memory_space<hbm>> -> memref<1040000xf32, #tpu.memory_space<hbm>>
    tpu.enqueue_indirect_dma source(%dma_start3A_371 : memref<1040000xf32, #tpu.memory_space<hbm>>) target(%dma_start3A_366 : memref<128xf32, #tpu.memory_space<vmem>>) offsets(%dma_start3A_369 : memref<128xi32, #tpu.memory_space<vmem>>) semaphore(%arg10 : memref<!tpu.dma_semaphore, #tpu.memory_space<semaphore_mem>>)
    %dma_start3A_372 = arith.constant 7 : i32
    %dma_start3A_373 = arith.constant 3 : i32
    %dma_start3A_374 = arith.constant 7 : i32
    %dma_start3A_375 = arith.constant 3 : i32
    %dma_start3A_376 = arith.constant 0 : i32
    %dma_start3A_377 = tpu.memref_slice %arg7[%dma_start3A_374, %dma_start3A_375, %dma_start3A_376] : memref<26x4x128xf32, #tpu.memory_space<vmem>> -> memref<1x1x128xf32, #tpu.memory_space<vmem>>
    %dma_start3A_378 = tpu.memref_squeeze %dma_start3A_377 : memref<1x1x128xf32, #tpu.memory_space<vmem>> -> memref<128xf32, #tpu.memory_space<vmem>>
    %dma_start3A_379 = arith.constant 0 : i32
    %dma_start3A_380 = tpu.memref_slice %arg6[%dma_start3A_372, %dma_start3A_373, %dma_start3A_379] : memref<26x4x128xi32, #tpu.memory_space<vmem>> -> memref<1x1x128xi32, #tpu.memory_space<vmem>>
    %dma_start3A_381 = tpu.memref_squeeze %dma_start3A_380 : memref<1x1x128xi32, #tpu.memory_space<vmem>> -> memref<128xi32, #tpu.memory_space<vmem>>
    %dma_start3A_382 = arith.constant 0 : i32
    %dma_start3A_383 = tpu.memref_slice %arg3[%dma_start3A_382] : memref<1040000xf32, #tpu.memory_space<hbm>> -> memref<1040000xf32, #tpu.memory_space<hbm>>
    tpu.enqueue_indirect_dma source(%dma_start3A_383 : memref<1040000xf32, #tpu.memory_space<hbm>>) target(%dma_start3A_378 : memref<128xf32, #tpu.memory_space<vmem>>) offsets(%dma_start3A_381 : memref<128xi32, #tpu.memory_space<vmem>>) semaphore(%arg10 : memref<!tpu.dma_semaphore, #tpu.memory_space<semaphore_mem>>)
    %dma_start3A_384 = arith.constant 8 : i32
    %dma_start3A_385 = arith.constant 0 : i32
    %dma_start3A_386 = arith.constant 8 : i32
    %dma_start3A_387 = arith.constant 0 : i32
    %dma_start3A_388 = arith.constant 0 : i32
    %dma_start3A_389 = tpu.memref_slice %arg7[%dma_start3A_386, %dma_start3A_387, %dma_start3A_388] : memref<26x4x128xf32, #tpu.memory_space<vmem>> -> memref<1x1x128xf32, #tpu.memory_space<vmem>>
    %dma_start3A_390 = tpu.memref_squeeze %dma_start3A_389 : memref<1x1x128xf32, #tpu.memory_space<vmem>> -> memref<128xf32, #tpu.memory_space<vmem>>
    %dma_start3A_391 = arith.constant 0 : i32
    %dma_start3A_392 = tpu.memref_slice %arg6[%dma_start3A_384, %dma_start3A_385, %dma_start3A_391] : memref<26x4x128xi32, #tpu.memory_space<vmem>> -> memref<1x1x128xi32, #tpu.memory_space<vmem>>
    %dma_start3A_393 = tpu.memref_squeeze %dma_start3A_392 : memref<1x1x128xi32, #tpu.memory_space<vmem>> -> memref<128xi32, #tpu.memory_space<vmem>>
    %dma_start3A_394 = arith.constant 0 : i32
    %dma_start3A_395 = tpu.memref_slice %arg3[%dma_start3A_394] : memref<1040000xf32, #tpu.memory_space<hbm>> -> memref<1040000xf32, #tpu.memory_space<hbm>>
    tpu.enqueue_indirect_dma source(%dma_start3A_395 : memref<1040000xf32, #tpu.memory_space<hbm>>) target(%dma_start3A_390 : memref<128xf32, #tpu.memory_space<vmem>>) offsets(%dma_start3A_393 : memref<128xi32, #tpu.memory_space<vmem>>) semaphore(%arg10 : memref<!tpu.dma_semaphore, #tpu.memory_space<semaphore_mem>>)
    %dma_start3A_396 = arith.constant 8 : i32
    %dma_start3A_397 = arith.constant 1 : i32
    %dma_start3A_398 = arith.constant 8 : i32
    %dma_start3A_399 = arith.constant 1 : i32
    %dma_start3A_400 = arith.constant 0 : i32
    %dma_start3A_401 = tpu.memref_slice %arg7[%dma_start3A_398, %dma_start3A_399, %dma_start3A_400] : memref<26x4x128xf32, #tpu.memory_space<vmem>> -> memref<1x1x128xf32, #tpu.memory_space<vmem>>
    %dma_start3A_402 = tpu.memref_squeeze %dma_start3A_401 : memref<1x1x128xf32, #tpu.memory_space<vmem>> -> memref<128xf32, #tpu.memory_space<vmem>>
    %dma_start3A_403 = arith.constant 0 : i32
    %dma_start3A_404 = tpu.memref_slice %arg6[%dma_start3A_396, %dma_start3A_397, %dma_start3A_403] : memref<26x4x128xi32, #tpu.memory_space<vmem>> -> memref<1x1x128xi32, #tpu.memory_space<vmem>>
    %dma_start3A_405 = tpu.memref_squeeze %dma_start3A_404 : memref<1x1x128xi32, #tpu.memory_space<vmem>> -> memref<128xi32, #tpu.memory_space<vmem>>
    %dma_start3A_406 = arith.constant 0 : i32
    %dma_start3A_407 = tpu.memref_slice %arg3[%dma_start3A_406] : memref<1040000xf32, #tpu.memory_space<hbm>> -> memref<1040000xf32, #tpu.memory_space<hbm>>
    tpu.enqueue_indirect_dma source(%dma_start3A_407 : memref<1040000xf32, #tpu.memory_space<hbm>>) target(%dma_start3A_402 : memref<128xf32, #tpu.memory_space<vmem>>) offsets(%dma_start3A_405 : memref<128xi32, #tpu.memory_space<vmem>>) semaphore(%arg10 : memref<!tpu.dma_semaphore, #tpu.memory_space<semaphore_mem>>)
    %dma_start3A_408 = arith.constant 8 : i32
    %dma_start3A_409 = arith.constant 2 : i32
    %dma_start3A_410 = arith.constant 8 : i32
    %dma_start3A_411 = arith.constant 2 : i32
    %dma_start3A_412 = arith.constant 0 : i32
    %dma_start3A_413 = tpu.memref_slice %arg7[%dma_start3A_410, %dma_start3A_411, %dma_start3A_412] : memref<26x4x128xf32, #tpu.memory_space<vmem>> -> memref<1x1x128xf32, #tpu.memory_space<vmem>>
    %dma_start3A_414 = tpu.memref_squeeze %dma_start3A_413 : memref<1x1x128xf32, #tpu.memory_space<vmem>> -> memref<128xf32, #tpu.memory_space<vmem>>
    %dma_start3A_415 = arith.constant 0 : i32
    %dma_start3A_416 = tpu.memref_slice %arg6[%dma_start3A_408, %dma_start3A_409, %dma_start3A_415] : memref<26x4x128xi32, #tpu.memory_space<vmem>> -> memref<1x1x128xi32, #tpu.memory_space<vmem>>
    %dma_start3A_417 = tpu.memref_squeeze %dma_start3A_416 : memref<1x1x128xi32, #tpu.memory_space<vmem>> -> memref<128xi32, #tpu.memory_space<vmem>>
    %dma_start3A_418 = arith.constant 0 : i32
    %dma_start3A_419 = tpu.memref_slice %arg3[%dma_start3A_418] : memref<1040000xf32, #tpu.memory_space<hbm>> -> memref<1040000xf32, #tpu.memory_space<hbm>>
    tpu.enqueue_indirect_dma source(%dma_start3A_419 : memref<1040000xf32, #tpu.memory_space<hbm>>) target(%dma_start3A_414 : memref<128xf32, #tpu.memory_space<vmem>>) offsets(%dma_start3A_417 : memref<128xi32, #tpu.memory_space<vmem>>) semaphore(%arg10 : memref<!tpu.dma_semaphore, #tpu.memory_space<semaphore_mem>>)
    %dma_start3A_420 = arith.constant 8 : i32
    %dma_start3A_421 = arith.constant 3 : i32
    %dma_start3A_422 = arith.constant 8 : i32
    %dma_start3A_423 = arith.constant 3 : i32
    %dma_start3A_424 = arith.constant 0 : i32
    %dma_start3A_425 = tpu.memref_slice %arg7[%dma_start3A_422, %dma_start3A_423, %dma_start3A_424] : memref<26x4x128xf32, #tpu.memory_space<vmem>> -> memref<1x1x128xf32, #tpu.memory_space<vmem>>
    %dma_start3A_426 = tpu.memref_squeeze %dma_start3A_425 : memref<1x1x128xf32, #tpu.memory_space<vmem>> -> memref<128xf32, #tpu.memory_space<vmem>>
    %dma_start3A_427 = arith.constant 0 : i32
    %dma_start3A_428 = tpu.memref_slice %arg6[%dma_start3A_420, %dma_start3A_421, %dma_start3A_427] : memref<26x4x128xi32, #tpu.memory_space<vmem>> -> memref<1x1x128xi32, #tpu.memory_space<vmem>>
    %dma_start3A_429 = tpu.memref_squeeze %dma_start3A_428 : memref<1x1x128xi32, #tpu.memory_space<vmem>> -> memref<128xi32, #tpu.memory_space<vmem>>
    %dma_start3A_430 = arith.constant 0 : i32
    %dma_start3A_431 = tpu.memref_slice %arg3[%dma_start3A_430] : memref<1040000xf32, #tpu.memory_space<hbm>> -> memref<1040000xf32, #tpu.memory_space<hbm>>
    tpu.enqueue_indirect_dma source(%dma_start3A_431 : memref<1040000xf32, #tpu.memory_space<hbm>>) target(%dma_start3A_426 : memref<128xf32, #tpu.memory_space<vmem>>) offsets(%dma_start3A_429 : memref<128xi32, #tpu.memory_space<vmem>>) semaphore(%arg10 : memref<!tpu.dma_semaphore, #tpu.memory_space<semaphore_mem>>)
    %dma_start3A_432 = arith.constant 9 : i32
    %dma_start3A_433 = arith.constant 0 : i32
    %dma_start3A_434 = arith.constant 9 : i32
    %dma_start3A_435 = arith.constant 0 : i32
    %dma_start3A_436 = arith.constant 0 : i32
    %dma_start3A_437 = tpu.memref_slice %arg7[%dma_start3A_434, %dma_start3A_435, %dma_start3A_436] : memref<26x4x128xf32, #tpu.memory_space<vmem>> -> memref<1x1x128xf32, #tpu.memory_space<vmem>>
    %dma_start3A_438 = tpu.memref_squeeze %dma_start3A_437 : memref<1x1x128xf32, #tpu.memory_space<vmem>> -> memref<128xf32, #tpu.memory_space<vmem>>
    %dma_start3A_439 = arith.constant 0 : i32
    %dma_start3A_440 = tpu.memref_slice %arg6[%dma_start3A_432, %dma_start3A_433, %dma_start3A_439] : memref<26x4x128xi32, #tpu.memory_space<vmem>> -> memref<1x1x128xi32, #tpu.memory_space<vmem>>
    %dma_start3A_441 = tpu.memref_squeeze %dma_start3A_440 : memref<1x1x128xi32, #tpu.memory_space<vmem>> -> memref<128xi32, #tpu.memory_space<vmem>>
    %dma_start3A_442 = arith.constant 0 : i32
    %dma_start3A_443 = tpu.memref_slice %arg3[%dma_start3A_442] : memref<1040000xf32, #tpu.memory_space<hbm>> -> memref<1040000xf32, #tpu.memory_space<hbm>>
    tpu.enqueue_indirect_dma source(%dma_start3A_443 : memref<1040000xf32, #tpu.memory_space<hbm>>) target(%dma_start3A_438 : memref<128xf32, #tpu.memory_space<vmem>>) offsets(%dma_start3A_441 : memref<128xi32, #tpu.memory_space<vmem>>) semaphore(%arg10 : memref<!tpu.dma_semaphore, #tpu.memory_space<semaphore_mem>>)
    %dma_start3A_444 = arith.constant 9 : i32
    %dma_start3A_445 = arith.constant 1 : i32
    %dma_start3A_446 = arith.constant 9 : i32
    %dma_start3A_447 = arith.constant 1 : i32
    %dma_start3A_448 = arith.constant 0 : i32
    %dma_start3A_449 = tpu.memref_slice %arg7[%dma_start3A_446, %dma_start3A_447, %dma_start3A_448] : memref<26x4x128xf32, #tpu.memory_space<vmem>> -> memref<1x1x128xf32, #tpu.memory_space<vmem>>
    %dma_start3A_450 = tpu.memref_squeeze %dma_start3A_449 : memref<1x1x128xf32, #tpu.memory_space<vmem>> -> memref<128xf32, #tpu.memory_space<vmem>>
    %dma_start3A_451 = arith.constant 0 : i32
    %dma_start3A_452 = tpu.memref_slice %arg6[%dma_start3A_444, %dma_start3A_445, %dma_start3A_451] : memref<26x4x128xi32, #tpu.memory_space<vmem>> -> memref<1x1x128xi32, #tpu.memory_space<vmem>>
    %dma_start3A_453 = tpu.memref_squeeze %dma_start3A_452 : memref<1x1x128xi32, #tpu.memory_space<vmem>> -> memref<128xi32, #tpu.memory_space<vmem>>
    %dma_start3A_454 = arith.constant 0 : i32
    %dma_start3A_455 = tpu.memref_slice %arg3[%dma_start3A_454] : memref<1040000xf32, #tpu.memory_space<hbm>> -> memref<1040000xf32, #tpu.memory_space<hbm>>
    tpu.enqueue_indirect_dma source(%dma_start3A_455 : memref<1040000xf32, #tpu.memory_space<hbm>>) target(%dma_start3A_450 : memref<128xf32, #tpu.memory_space<vmem>>) offsets(%dma_start3A_453 : memref<128xi32, #tpu.memory_space<vmem>>) semaphore(%arg10 : memref<!tpu.dma_semaphore, #tpu.memory_space<semaphore_mem>>)
    %dma_start3A_456 = arith.constant 9 : i32
    %dma_start3A_457 = arith.constant 2 : i32
    %dma_start3A_458 = arith.constant 9 : i32
    %dma_start3A_459 = arith.constant 2 : i32
    %dma_start3A_460 = arith.constant 0 : i32
    %dma_start3A_461 = tpu.memref_slice %arg7[%dma_start3A_458, %dma_start3A_459, %dma_start3A_460] : memref<26x4x128xf32, #tpu.memory_space<vmem>> -> memref<1x1x128xf32, #tpu.memory_space<vmem>>
    %dma_start3A_462 = tpu.memref_squeeze %dma_start3A_461 : memref<1x1x128xf32, #tpu.memory_space<vmem>> -> memref<128xf32, #tpu.memory_space<vmem>>
    %dma_start3A_463 = arith.constant 0 : i32
    %dma_start3A_464 = tpu.memref_slice %arg6[%dma_start3A_456, %dma_start3A_457, %dma_start3A_463] : memref<26x4x128xi32, #tpu.memory_space<vmem>> -> memref<1x1x128xi32, #tpu.memory_space<vmem>>
    %dma_start3A_465 = tpu.memref_squeeze %dma_start3A_464 : memref<1x1x128xi32, #tpu.memory_space<vmem>> -> memref<128xi32, #tpu.memory_space<vmem>>
    %dma_start3A_466 = arith.constant 0 : i32
    %dma_start3A_467 = tpu.memref_slice %arg3[%dma_start3A_466] : memref<1040000xf32, #tpu.memory_space<hbm>> -> memref<1040000xf32, #tpu.memory_space<hbm>>
    tpu.enqueue_indirect_dma source(%dma_start3A_467 : memref<1040000xf32, #tpu.memory_space<hbm>>) target(%dma_start3A_462 : memref<128xf32, #tpu.memory_space<vmem>>) offsets(%dma_start3A_465 : memref<128xi32, #tpu.memory_space<vmem>>) semaphore(%arg10 : memref<!tpu.dma_semaphore, #tpu.memory_space<semaphore_mem>>)
    %dma_start3A_468 = arith.constant 9 : i32
    %dma_start3A_469 = arith.constant 3 : i32
    %dma_start3A_470 = arith.constant 9 : i32
    %dma_start3A_471 = arith.constant 3 : i32
    %dma_start3A_472 = arith.constant 0 : i32
    %dma_start3A_473 = tpu.memref_slice %arg7[%dma_start3A_470, %dma_start3A_471, %dma_start3A_472] : memref<26x4x128xf32, #tpu.memory_space<vmem>> -> memref<1x1x128xf32, #tpu.memory_space<vmem>>
    %dma_start3A_474 = tpu.memref_squeeze %dma_start3A_473 : memref<1x1x128xf32, #tpu.memory_space<vmem>> -> memref<128xf32, #tpu.memory_space<vmem>>
    %dma_start3A_475 = arith.constant 0 : i32
    %dma_start3A_476 = tpu.memref_slice %arg6[%dma_start3A_468, %dma_start3A_469, %dma_start3A_475] : memref<26x4x128xi32, #tpu.memory_space<vmem>> -> memref<1x1x128xi32, #tpu.memory_space<vmem>>
    %dma_start3A_477 = tpu.memref_squeeze %dma_start3A_476 : memref<1x1x128xi32, #tpu.memory_space<vmem>> -> memref<128xi32, #tpu.memory_space<vmem>>
    %dma_start3A_478 = arith.constant 0 : i32
    %dma_start3A_479 = tpu.memref_slice %arg3[%dma_start3A_478] : memref<1040000xf32, #tpu.memory_space<hbm>> -> memref<1040000xf32, #tpu.memory_space<hbm>>
    tpu.enqueue_indirect_dma source(%dma_start3A_479 : memref<1040000xf32, #tpu.memory_space<hbm>>) target(%dma_start3A_474 : memref<128xf32, #tpu.memory_space<vmem>>) offsets(%dma_start3A_477 : memref<128xi32, #tpu.memory_space<vmem>>) semaphore(%arg10 : memref<!tpu.dma_semaphore, #tpu.memory_space<semaphore_mem>>)
    %dma_start3A_480 = arith.constant 10 : i32
    %dma_start3A_481 = arith.constant 0 : i32
    %dma_start3A_482 = arith.constant 10 : i32
    %dma_start3A_483 = arith.constant 0 : i32
    %dma_start3A_484 = arith.constant 0 : i32
    %dma_start3A_485 = tpu.memref_slice %arg7[%dma_start3A_482, %dma_start3A_483, %dma_start3A_484] : memref<26x4x128xf32, #tpu.memory_space<vmem>> -> memref<1x1x128xf32, #tpu.memory_space<vmem>>
    %dma_start3A_486 = tpu.memref_squeeze %dma_start3A_485 : memref<1x1x128xf32, #tpu.memory_space<vmem>> -> memref<128xf32, #tpu.memory_space<vmem>>
    %dma_start3A_487 = arith.constant 0 : i32
    %dma_start3A_488 = tpu.memref_slice %arg6[%dma_start3A_480, %dma_start3A_481, %dma_start3A_487] : memref<26x4x128xi32, #tpu.memory_space<vmem>> -> memref<1x1x128xi32, #tpu.memory_space<vmem>>
    %dma_start3A_489 = tpu.memref_squeeze %dma_start3A_488 : memref<1x1x128xi32, #tpu.memory_space<vmem>> -> memref<128xi32, #tpu.memory_space<vmem>>
    %dma_start3A_490 = arith.constant 0 : i32
    %dma_start3A_491 = tpu.memref_slice %arg3[%dma_start3A_490] : memref<1040000xf32, #tpu.memory_space<hbm>> -> memref<1040000xf32, #tpu.memory_space<hbm>>
    tpu.enqueue_indirect_dma source(%dma_start3A_491 : memref<1040000xf32, #tpu.memory_space<hbm>>) target(%dma_start3A_486 : memref<128xf32, #tpu.memory_space<vmem>>) offsets(%dma_start3A_489 : memref<128xi32, #tpu.memory_space<vmem>>) semaphore(%arg10 : memref<!tpu.dma_semaphore, #tpu.memory_space<semaphore_mem>>)
    %dma_start3A_492 = arith.constant 10 : i32
    %dma_start3A_493 = arith.constant 1 : i32
    %dma_start3A_494 = arith.constant 10 : i32
    %dma_start3A_495 = arith.constant 1 : i32
    %dma_start3A_496 = arith.constant 0 : i32
    %dma_start3A_497 = tpu.memref_slice %arg7[%dma_start3A_494, %dma_start3A_495, %dma_start3A_496] : memref<26x4x128xf32, #tpu.memory_space<vmem>> -> memref<1x1x128xf32, #tpu.memory_space<vmem>>
    %dma_start3A_498 = tpu.memref_squeeze %dma_start3A_497 : memref<1x1x128xf32, #tpu.memory_space<vmem>> -> memref<128xf32, #tpu.memory_space<vmem>>
    %dma_start3A_499 = arith.constant 0 : i32
    %dma_start3A_500 = tpu.memref_slice %arg6[%dma_start3A_492, %dma_start3A_493, %dma_start3A_499] : memref<26x4x128xi32, #tpu.memory_space<vmem>> -> memref<1x1x128xi32, #tpu.memory_space<vmem>>
    %dma_start3A_501 = tpu.memref_squeeze %dma_start3A_500 : memref<1x1x128xi32, #tpu.memory_space<vmem>> -> memref<128xi32, #tpu.memory_space<vmem>>
    %dma_start3A_502 = arith.constant 0 : i32
    %dma_start3A_503 = tpu.memref_slice %arg3[%dma_start3A_502] : memref<1040000xf32, #tpu.memory_space<hbm>> -> memref<1040000xf32, #tpu.memory_space<hbm>>
    tpu.enqueue_indirect_dma source(%dma_start3A_503 : memref<1040000xf32, #tpu.memory_space<hbm>>) target(%dma_start3A_498 : memref<128xf32, #tpu.memory_space<vmem>>) offsets(%dma_start3A_501 : memref<128xi32, #tpu.memory_space<vmem>>) semaphore(%arg10 : memref<!tpu.dma_semaphore, #tpu.memory_space<semaphore_mem>>)
    %dma_start3A_504 = arith.constant 10 : i32
    %dma_start3A_505 = arith.constant 2 : i32
    %dma_start3A_506 = arith.constant 10 : i32
    %dma_start3A_507 = arith.constant 2 : i32
    %dma_start3A_508 = arith.constant 0 : i32
    %dma_start3A_509 = tpu.memref_slice %arg7[%dma_start3A_506, %dma_start3A_507, %dma_start3A_508] : memref<26x4x128xf32, #tpu.memory_space<vmem>> -> memref<1x1x128xf32, #tpu.memory_space<vmem>>
    %dma_start3A_510 = tpu.memref_squeeze %dma_start3A_509 : memref<1x1x128xf32, #tpu.memory_space<vmem>> -> memref<128xf32, #tpu.memory_space<vmem>>
    %dma_start3A_511 = arith.constant 0 : i32
    %dma_start3A_512 = tpu.memref_slice %arg6[%dma_start3A_504, %dma_start3A_505, %dma_start3A_511] : memref<26x4x128xi32, #tpu.memory_space<vmem>> -> memref<1x1x128xi32, #tpu.memory_space<vmem>>
    %dma_start3A_513 = tpu.memref_squeeze %dma_start3A_512 : memref<1x1x128xi32, #tpu.memory_space<vmem>> -> memref<128xi32, #tpu.memory_space<vmem>>
    %dma_start3A_514 = arith.constant 0 : i32
    %dma_start3A_515 = tpu.memref_slice %arg3[%dma_start3A_514] : memref<1040000xf32, #tpu.memory_space<hbm>> -> memref<1040000xf32, #tpu.memory_space<hbm>>
    tpu.enqueue_indirect_dma source(%dma_start3A_515 : memref<1040000xf32, #tpu.memory_space<hbm>>) target(%dma_start3A_510 : memref<128xf32, #tpu.memory_space<vmem>>) offsets(%dma_start3A_513 : memref<128xi32, #tpu.memory_space<vmem>>) semaphore(%arg10 : memref<!tpu.dma_semaphore, #tpu.memory_space<semaphore_mem>>)
    %dma_start3A_516 = arith.constant 10 : i32
    %dma_start3A_517 = arith.constant 3 : i32
    %dma_start3A_518 = arith.constant 10 : i32
    %dma_start3A_519 = arith.constant 3 : i32
    %dma_start3A_520 = arith.constant 0 : i32
    %dma_start3A_521 = tpu.memref_slice %arg7[%dma_start3A_518, %dma_start3A_519, %dma_start3A_520] : memref<26x4x128xf32, #tpu.memory_space<vmem>> -> memref<1x1x128xf32, #tpu.memory_space<vmem>>
    %dma_start3A_522 = tpu.memref_squeeze %dma_start3A_521 : memref<1x1x128xf32, #tpu.memory_space<vmem>> -> memref<128xf32, #tpu.memory_space<vmem>>
    %dma_start3A_523 = arith.constant 0 : i32
    %dma_start3A_524 = tpu.memref_slice %arg6[%dma_start3A_516, %dma_start3A_517, %dma_start3A_523] : memref<26x4x128xi32, #tpu.memory_space<vmem>> -> memref<1x1x128xi32, #tpu.memory_space<vmem>>
    %dma_start3A_525 = tpu.memref_squeeze %dma_start3A_524 : memref<1x1x128xi32, #tpu.memory_space<vmem>> -> memref<128xi32, #tpu.memory_space<vmem>>
    %dma_start3A_526 = arith.constant 0 : i32
    %dma_start3A_527 = tpu.memref_slice %arg3[%dma_start3A_526] : memref<1040000xf32, #tpu.memory_space<hbm>> -> memref<1040000xf32, #tpu.memory_space<hbm>>
    tpu.enqueue_indirect_dma source(%dma_start3A_527 : memref<1040000xf32, #tpu.memory_space<hbm>>) target(%dma_start3A_522 : memref<128xf32, #tpu.memory_space<vmem>>) offsets(%dma_start3A_525 : memref<128xi32, #tpu.memory_space<vmem>>) semaphore(%arg10 : memref<!tpu.dma_semaphore, #tpu.memory_space<semaphore_mem>>)
    %dma_start3A_528 = arith.constant 11 : i32
    %dma_start3A_529 = arith.constant 0 : i32
    %dma_start3A_530 = arith.constant 11 : i32
    %dma_start3A_531 = arith.constant 0 : i32
    %dma_start3A_532 = arith.constant 0 : i32
    %dma_start3A_533 = tpu.memref_slice %arg7[%dma_start3A_530, %dma_start3A_531, %dma_start3A_532] : memref<26x4x128xf32, #tpu.memory_space<vmem>> -> memref<1x1x128xf32, #tpu.memory_space<vmem>>
    %dma_start3A_534 = tpu.memref_squeeze %dma_start3A_533 : memref<1x1x128xf32, #tpu.memory_space<vmem>> -> memref<128xf32, #tpu.memory_space<vmem>>
    %dma_start3A_535 = arith.constant 0 : i32
    %dma_start3A_536 = tpu.memref_slice %arg6[%dma_start3A_528, %dma_start3A_529, %dma_start3A_535] : memref<26x4x128xi32, #tpu.memory_space<vmem>> -> memref<1x1x128xi32, #tpu.memory_space<vmem>>
    %dma_start3A_537 = tpu.memref_squeeze %dma_start3A_536 : memref<1x1x128xi32, #tpu.memory_space<vmem>> -> memref<128xi32, #tpu.memory_space<vmem>>
    %dma_start3A_538 = arith.constant 0 : i32
    %dma_start3A_539 = tpu.memref_slice %arg3[%dma_start3A_538] : memref<1040000xf32, #tpu.memory_space<hbm>> -> memref<1040000xf32, #tpu.memory_space<hbm>>
    tpu.enqueue_indirect_dma source(%dma_start3A_539 : memref<1040000xf32, #tpu.memory_space<hbm>>) target(%dma_start3A_534 : memref<128xf32, #tpu.memory_space<vmem>>) offsets(%dma_start3A_537 : memref<128xi32, #tpu.memory_space<vmem>>) semaphore(%arg10 : memref<!tpu.dma_semaphore, #tpu.memory_space<semaphore_mem>>)
    %dma_start3A_540 = arith.constant 11 : i32
    %dma_start3A_541 = arith.constant 1 : i32
    %dma_start3A_542 = arith.constant 11 : i32
    %dma_start3A_543 = arith.constant 1 : i32
    %dma_start3A_544 = arith.constant 0 : i32
    %dma_start3A_545 = tpu.memref_slice %arg7[%dma_start3A_542, %dma_start3A_543, %dma_start3A_544] : memref<26x4x128xf32, #tpu.memory_space<vmem>> -> memref<1x1x128xf32, #tpu.memory_space<vmem>>
    %dma_start3A_546 = tpu.memref_squeeze %dma_start3A_545 : memref<1x1x128xf32, #tpu.memory_space<vmem>> -> memref<128xf32, #tpu.memory_space<vmem>>
    %dma_start3A_547 = arith.constant 0 : i32
    %dma_start3A_548 = tpu.memref_slice %arg6[%dma_start3A_540, %dma_start3A_541, %dma_start3A_547] : memref<26x4x128xi32, #tpu.memory_space<vmem>> -> memref<1x1x128xi32, #tpu.memory_space<vmem>>
    %dma_start3A_549 = tpu.memref_squeeze %dma_start3A_548 : memref<1x1x128xi32, #tpu.memory_space<vmem>> -> memref<128xi32, #tpu.memory_space<vmem>>
    %dma_start3A_550 = arith.constant 0 : i32
    %dma_start3A_551 = tpu.memref_slice %arg3[%dma_start3A_550] : memref<1040000xf32, #tpu.memory_space<hbm>> -> memref<1040000xf32, #tpu.memory_space<hbm>>
    tpu.enqueue_indirect_dma source(%dma_start3A_551 : memref<1040000xf32, #tpu.memory_space<hbm>>) target(%dma_start3A_546 : memref<128xf32, #tpu.memory_space<vmem>>) offsets(%dma_start3A_549 : memref<128xi32, #tpu.memory_space<vmem>>) semaphore(%arg10 : memref<!tpu.dma_semaphore, #tpu.memory_space<semaphore_mem>>)
    %dma_start3A_552 = arith.constant 11 : i32
    %dma_start3A_553 = arith.constant 2 : i32
    %dma_start3A_554 = arith.constant 11 : i32
    %dma_start3A_555 = arith.constant 2 : i32
    %dma_start3A_556 = arith.constant 0 : i32
    %dma_start3A_557 = tpu.memref_slice %arg7[%dma_start3A_554, %dma_start3A_555, %dma_start3A_556] : memref<26x4x128xf32, #tpu.memory_space<vmem>> -> memref<1x1x128xf32, #tpu.memory_space<vmem>>
    %dma_start3A_558 = tpu.memref_squeeze %dma_start3A_557 : memref<1x1x128xf32, #tpu.memory_space<vmem>> -> memref<128xf32, #tpu.memory_space<vmem>>
    %dma_start3A_559 = arith.constant 0 : i32
    %dma_start3A_560 = tpu.memref_slice %arg6[%dma_start3A_552, %dma_start3A_553, %dma_start3A_559] : memref<26x4x128xi32, #tpu.memory_space<vmem>> -> memref<1x1x128xi32, #tpu.memory_space<vmem>>
    %dma_start3A_561 = tpu.memref_squeeze %dma_start3A_560 : memref<1x1x128xi32, #tpu.memory_space<vmem>> -> memref<128xi32, #tpu.memory_space<vmem>>
    %dma_start3A_562 = arith.constant 0 : i32
    %dma_start3A_563 = tpu.memref_slice %arg3[%dma_start3A_562] : memref<1040000xf32, #tpu.memory_space<hbm>> -> memref<1040000xf32, #tpu.memory_space<hbm>>
    tpu.enqueue_indirect_dma source(%dma_start3A_563 : memref<1040000xf32, #tpu.memory_space<hbm>>) target(%dma_start3A_558 : memref<128xf32, #tpu.memory_space<vmem>>) offsets(%dma_start3A_561 : memref<128xi32, #tpu.memory_space<vmem>>) semaphore(%arg10 : memref<!tpu.dma_semaphore, #tpu.memory_space<semaphore_mem>>)
    %dma_start3A_564 = arith.constant 11 : i32
    %dma_start3A_565 = arith.constant 3 : i32
    %dma_start3A_566 = arith.constant 11 : i32
    %dma_start3A_567 = arith.constant 3 : i32
    %dma_start3A_568 = arith.constant 0 : i32
    %dma_start3A_569 = tpu.memref_slice %arg7[%dma_start3A_566, %dma_start3A_567, %dma_start3A_568] : memref<26x4x128xf32, #tpu.memory_space<vmem>> -> memref<1x1x128xf32, #tpu.memory_space<vmem>>
    %dma_start3A_570 = tpu.memref_squeeze %dma_start3A_569 : memref<1x1x128xf32, #tpu.memory_space<vmem>> -> memref<128xf32, #tpu.memory_space<vmem>>
    %dma_start3A_571 = arith.constant 0 : i32
    %dma_start3A_572 = tpu.memref_slice %arg6[%dma_start3A_564, %dma_start3A_565, %dma_start3A_571] : memref<26x4x128xi32, #tpu.memory_space<vmem>> -> memref<1x1x128xi32, #tpu.memory_space<vmem>>
    %dma_start3A_573 = tpu.memref_squeeze %dma_start3A_572 : memref<1x1x128xi32, #tpu.memory_space<vmem>> -> memref<128xi32, #tpu.memory_space<vmem>>
    %dma_start3A_574 = arith.constant 0 : i32
    %dma_start3A_575 = tpu.memref_slice %arg3[%dma_start3A_574] : memref<1040000xf32, #tpu.memory_space<hbm>> -> memref<1040000xf32, #tpu.memory_space<hbm>>
    tpu.enqueue_indirect_dma source(%dma_start3A_575 : memref<1040000xf32, #tpu.memory_space<hbm>>) target(%dma_start3A_570 : memref<128xf32, #tpu.memory_space<vmem>>) offsets(%dma_start3A_573 : memref<128xi32, #tpu.memory_space<vmem>>) semaphore(%arg10 : memref<!tpu.dma_semaphore, #tpu.memory_space<semaphore_mem>>)
    %dma_start3A_576 = arith.constant 12 : i32
    %dma_start3A_577 = arith.constant 0 : i32
    %dma_start3A_578 = arith.constant 12 : i32
    %dma_start3A_579 = arith.constant 0 : i32
    %dma_start3A_580 = arith.constant 0 : i32
    %dma_start3A_581 = tpu.memref_slice %arg7[%dma_start3A_578, %dma_start3A_579, %dma_start3A_580] : memref<26x4x128xf32, #tpu.memory_space<vmem>> -> memref<1x1x128xf32, #tpu.memory_space<vmem>>
    %dma_start3A_582 = tpu.memref_squeeze %dma_start3A_581 : memref<1x1x128xf32, #tpu.memory_space<vmem>> -> memref<128xf32, #tpu.memory_space<vmem>>
    %dma_start3A_583 = arith.constant 0 : i32
    %dma_start3A_584 = tpu.memref_slice %arg6[%dma_start3A_576, %dma_start3A_577, %dma_start3A_583] : memref<26x4x128xi32, #tpu.memory_space<vmem>> -> memref<1x1x128xi32, #tpu.memory_space<vmem>>
    %dma_start3A_585 = tpu.memref_squeeze %dma_start3A_584 : memref<1x1x128xi32, #tpu.memory_space<vmem>> -> memref<128xi32, #tpu.memory_space<vmem>>
    %dma_start3A_586 = arith.constant 0 : i32
    %dma_start3A_587 = tpu.memref_slice %arg3[%dma_start3A_586] : memref<1040000xf32, #tpu.memory_space<hbm>> -> memref<1040000xf32, #tpu.memory_space<hbm>>
    tpu.enqueue_indirect_dma source(%dma_start3A_587 : memref<1040000xf32, #tpu.memory_space<hbm>>) target(%dma_start3A_582 : memref<128xf32, #tpu.memory_space<vmem>>) offsets(%dma_start3A_585 : memref<128xi32, #tpu.memory_space<vmem>>) semaphore(%arg10 : memref<!tpu.dma_semaphore, #tpu.memory_space<semaphore_mem>>)
    %dma_start3A_588 = arith.constant 12 : i32
    %dma_start3A_589 = arith.constant 1 : i32
    %dma_start3A_590 = arith.constant 12 : i32
    %dma_start3A_591 = arith.constant 1 : i32
    %dma_start3A_592 = arith.constant 0 : i32
    %dma_start3A_593 = tpu.memref_slice %arg7[%dma_start3A_590, %dma_start3A_591, %dma_start3A_592] : memref<26x4x128xf32, #tpu.memory_space<vmem>> -> memref<1x1x128xf32, #tpu.memory_space<vmem>>
    %dma_start3A_594 = tpu.memref_squeeze %dma_start3A_593 : memref<1x1x128xf32, #tpu.memory_space<vmem>> -> memref<128xf32, #tpu.memory_space<vmem>>
    %dma_start3A_595 = arith.constant 0 : i32
    %dma_start3A_596 = tpu.memref_slice %arg6[%dma_start3A_588, %dma_start3A_589, %dma_start3A_595] : memref<26x4x128xi32, #tpu.memory_space<vmem>> -> memref<1x1x128xi32, #tpu.memory_space<vmem>>
    %dma_start3A_597 = tpu.memref_squeeze %dma_start3A_596 : memref<1x1x128xi32, #tpu.memory_space<vmem>> -> memref<128xi32, #tpu.memory_space<vmem>>
    %dma_start3A_598 = arith.constant 0 : i32
    %dma_start3A_599 = tpu.memref_slice %arg3[%dma_start3A_598] : memref<1040000xf32, #tpu.memory_space<hbm>> -> memref<1040000xf32, #tpu.memory_space<hbm>>
    tpu.enqueue_indirect_dma source(%dma_start3A_599 : memref<1040000xf32, #tpu.memory_space<hbm>>) target(%dma_start3A_594 : memref<128xf32, #tpu.memory_space<vmem>>) offsets(%dma_start3A_597 : memref<128xi32, #tpu.memory_space<vmem>>) semaphore(%arg10 : memref<!tpu.dma_semaphore, #tpu.memory_space<semaphore_mem>>)
    %dma_start3A_600 = arith.constant 12 : i32
    %dma_start3A_601 = arith.constant 2 : i32
    %dma_start3A_602 = arith.constant 12 : i32
    %dma_start3A_603 = arith.constant 2 : i32
    %dma_start3A_604 = arith.constant 0 : i32
    %dma_start3A_605 = tpu.memref_slice %arg7[%dma_start3A_602, %dma_start3A_603, %dma_start3A_604] : memref<26x4x128xf32, #tpu.memory_space<vmem>> -> memref<1x1x128xf32, #tpu.memory_space<vmem>>
    %dma_start3A_606 = tpu.memref_squeeze %dma_start3A_605 : memref<1x1x128xf32, #tpu.memory_space<vmem>> -> memref<128xf32, #tpu.memory_space<vmem>>
    %dma_start3A_607 = arith.constant 0 : i32
    %dma_start3A_608 = tpu.memref_slice %arg6[%dma_start3A_600, %dma_start3A_601, %dma_start3A_607] : memref<26x4x128xi32, #tpu.memory_space<vmem>> -> memref<1x1x128xi32, #tpu.memory_space<vmem>>
    %dma_start3A_609 = tpu.memref_squeeze %dma_start3A_608 : memref<1x1x128xi32, #tpu.memory_space<vmem>> -> memref<128xi32, #tpu.memory_space<vmem>>
    %dma_start3A_610 = arith.constant 0 : i32
    %dma_start3A_611 = tpu.memref_slice %arg3[%dma_start3A_610] : memref<1040000xf32, #tpu.memory_space<hbm>> -> memref<1040000xf32, #tpu.memory_space<hbm>>
    tpu.enqueue_indirect_dma source(%dma_start3A_611 : memref<1040000xf32, #tpu.memory_space<hbm>>) target(%dma_start3A_606 : memref<128xf32, #tpu.memory_space<vmem>>) offsets(%dma_start3A_609 : memref<128xi32, #tpu.memory_space<vmem>>) semaphore(%arg10 : memref<!tpu.dma_semaphore, #tpu.memory_space<semaphore_mem>>)
    %dma_start3A_612 = arith.constant 12 : i32
    %dma_start3A_613 = arith.constant 3 : i32
    %dma_start3A_614 = arith.constant 12 : i32
    %dma_start3A_615 = arith.constant 3 : i32
    %dma_start3A_616 = arith.constant 0 : i32
    %dma_start3A_617 = tpu.memref_slice %arg7[%dma_start3A_614, %dma_start3A_615, %dma_start3A_616] : memref<26x4x128xf32, #tpu.memory_space<vmem>> -> memref<1x1x128xf32, #tpu.memory_space<vmem>>
    %dma_start3A_618 = tpu.memref_squeeze %dma_start3A_617 : memref<1x1x128xf32, #tpu.memory_space<vmem>> -> memref<128xf32, #tpu.memory_space<vmem>>
    %dma_start3A_619 = arith.constant 0 : i32
    %dma_start3A_620 = tpu.memref_slice %arg6[%dma_start3A_612, %dma_start3A_613, %dma_start3A_619] : memref<26x4x128xi32, #tpu.memory_space<vmem>> -> memref<1x1x128xi32, #tpu.memory_space<vmem>>
    %dma_start3A_621 = tpu.memref_squeeze %dma_start3A_620 : memref<1x1x128xi32, #tpu.memory_space<vmem>> -> memref<128xi32, #tpu.memory_space<vmem>>
    %dma_start3A_622 = arith.constant 0 : i32
    %dma_start3A_623 = tpu.memref_slice %arg3[%dma_start3A_622] : memref<1040000xf32, #tpu.memory_space<hbm>> -> memref<1040000xf32, #tpu.memory_space<hbm>>
    tpu.enqueue_indirect_dma source(%dma_start3A_623 : memref<1040000xf32, #tpu.memory_space<hbm>>) target(%dma_start3A_618 : memref<128xf32, #tpu.memory_space<vmem>>) offsets(%dma_start3A_621 : memref<128xi32, #tpu.memory_space<vmem>>) semaphore(%arg10 : memref<!tpu.dma_semaphore, #tpu.memory_space<semaphore_mem>>)
    %dma_start3A_624 = arith.constant 13 : i32
    %dma_start3A_625 = arith.constant 0 : i32
    %dma_start3A_626 = arith.constant 13 : i32
    %dma_start3A_627 = arith.constant 0 : i32
    %dma_start3A_628 = arith.constant 0 : i32
    %dma_start3A_629 = tpu.memref_slice %arg7[%dma_start3A_626, %dma_start3A_627, %dma_start3A_628] : memref<26x4x128xf32, #tpu.memory_space<vmem>> -> memref<1x1x128xf32, #tpu.memory_space<vmem>>
    %dma_start3A_630 = tpu.memref_squeeze %dma_start3A_629 : memref<1x1x128xf32, #tpu.memory_space<vmem>> -> memref<128xf32, #tpu.memory_space<vmem>>
    %dma_start3A_631 = arith.constant 0 : i32
    %dma_start3A_632 = tpu.memref_slice %arg6[%dma_start3A_624, %dma_start3A_625, %dma_start3A_631] : memref<26x4x128xi32, #tpu.memory_space<vmem>> -> memref<1x1x128xi32, #tpu.memory_space<vmem>>
    %dma_start3A_633 = tpu.memref_squeeze %dma_start3A_632 : memref<1x1x128xi32, #tpu.memory_space<vmem>> -> memref<128xi32, #tpu.memory_space<vmem>>
    %dma_start3A_634 = arith.constant 0 : i32
    %dma_start3A_635 = tpu.memref_slice %arg3[%dma_start3A_634] : memref<1040000xf32, #tpu.memory_space<hbm>> -> memref<1040000xf32, #tpu.memory_space<hbm>>
    tpu.enqueue_indirect_dma source(%dma_start3A_635 : memref<1040000xf32, #tpu.memory_space<hbm>>) target(%dma_start3A_630 : memref<128xf32, #tpu.memory_space<vmem>>) offsets(%dma_start3A_633 : memref<128xi32, #tpu.memory_space<vmem>>) semaphore(%arg10 : memref<!tpu.dma_semaphore, #tpu.memory_space<semaphore_mem>>)
    %dma_start3A_636 = arith.constant 13 : i32
    %dma_start3A_637 = arith.constant 1 : i32
    %dma_start3A_638 = arith.constant 13 : i32
    %dma_start3A_639 = arith.constant 1 : i32
    %dma_start3A_640 = arith.constant 0 : i32
    %dma_start3A_641 = tpu.memref_slice %arg7[%dma_start3A_638, %dma_start3A_639, %dma_start3A_640] : memref<26x4x128xf32, #tpu.memory_space<vmem>> -> memref<1x1x128xf32, #tpu.memory_space<vmem>>
    %dma_start3A_642 = tpu.memref_squeeze %dma_start3A_641 : memref<1x1x128xf32, #tpu.memory_space<vmem>> -> memref<128xf32, #tpu.memory_space<vmem>>
    %dma_start3A_643 = arith.constant 0 : i32
    %dma_start3A_644 = tpu.memref_slice %arg6[%dma_start3A_636, %dma_start3A_637, %dma_start3A_643] : memref<26x4x128xi32, #tpu.memory_space<vmem>> -> memref<1x1x128xi32, #tpu.memory_space<vmem>>
    %dma_start3A_645 = tpu.memref_squeeze %dma_start3A_644 : memref<1x1x128xi32, #tpu.memory_space<vmem>> -> memref<128xi32, #tpu.memory_space<vmem>>
    %dma_start3A_646 = arith.constant 0 : i32
    %dma_start3A_647 = tpu.memref_slice %arg3[%dma_start3A_646] : memref<1040000xf32, #tpu.memory_space<hbm>> -> memref<1040000xf32, #tpu.memory_space<hbm>>
    tpu.enqueue_indirect_dma source(%dma_start3A_647 : memref<1040000xf32, #tpu.memory_space<hbm>>) target(%dma_start3A_642 : memref<128xf32, #tpu.memory_space<vmem>>) offsets(%dma_start3A_645 : memref<128xi32, #tpu.memory_space<vmem>>) semaphore(%arg10 : memref<!tpu.dma_semaphore, #tpu.memory_space<semaphore_mem>>)
    %dma_start3A_648 = arith.constant 13 : i32
    %dma_start3A_649 = arith.constant 2 : i32
    %dma_start3A_650 = arith.constant 13 : i32
    %dma_start3A_651 = arith.constant 2 : i32
    %dma_start3A_652 = arith.constant 0 : i32
    %dma_start3A_653 = tpu.memref_slice %arg7[%dma_start3A_650, %dma_start3A_651, %dma_start3A_652] : memref<26x4x128xf32, #tpu.memory_space<vmem>> -> memref<1x1x128xf32, #tpu.memory_space<vmem>>
    %dma_start3A_654 = tpu.memref_squeeze %dma_start3A_653 : memref<1x1x128xf32, #tpu.memory_space<vmem>> -> memref<128xf32, #tpu.memory_space<vmem>>
    %dma_start3A_655 = arith.constant 0 : i32
    %dma_start3A_656 = tpu.memref_slice %arg6[%dma_start3A_648, %dma_start3A_649, %dma_start3A_655] : memref<26x4x128xi32, #tpu.memory_space<vmem>> -> memref<1x1x128xi32, #tpu.memory_space<vmem>>
    %dma_start3A_657 = tpu.memref_squeeze %dma_start3A_656 : memref<1x1x128xi32, #tpu.memory_space<vmem>> -> memref<128xi32, #tpu.memory_space<vmem>>
    %dma_start3A_658 = arith.constant 0 : i32
    %dma_start3A_659 = tpu.memref_slice %arg3[%dma_start3A_658] : memref<1040000xf32, #tpu.memory_space<hbm>> -> memref<1040000xf32, #tpu.memory_space<hbm>>
    tpu.enqueue_indirect_dma source(%dma_start3A_659 : memref<1040000xf32, #tpu.memory_space<hbm>>) target(%dma_start3A_654 : memref<128xf32, #tpu.memory_space<vmem>>) offsets(%dma_start3A_657 : memref<128xi32, #tpu.memory_space<vmem>>) semaphore(%arg10 : memref<!tpu.dma_semaphore, #tpu.memory_space<semaphore_mem>>)
    %dma_start3A_660 = arith.constant 13 : i32
    %dma_start3A_661 = arith.constant 3 : i32
    %dma_start3A_662 = arith.constant 13 : i32
    %dma_start3A_663 = arith.constant 3 : i32
    %dma_start3A_664 = arith.constant 0 : i32
    %dma_start3A_665 = tpu.memref_slice %arg7[%dma_start3A_662, %dma_start3A_663, %dma_start3A_664] : memref<26x4x128xf32, #tpu.memory_space<vmem>> -> memref<1x1x128xf32, #tpu.memory_space<vmem>>
    %dma_start3A_666 = tpu.memref_squeeze %dma_start3A_665 : memref<1x1x128xf32, #tpu.memory_space<vmem>> -> memref<128xf32, #tpu.memory_space<vmem>>
    %dma_start3A_667 = arith.constant 0 : i32
    %dma_start3A_668 = tpu.memref_slice %arg6[%dma_start3A_660, %dma_start3A_661, %dma_start3A_667] : memref<26x4x128xi32, #tpu.memory_space<vmem>> -> memref<1x1x128xi32, #tpu.memory_space<vmem>>
    %dma_start3A_669 = tpu.memref_squeeze %dma_start3A_668 : memref<1x1x128xi32, #tpu.memory_space<vmem>> -> memref<128xi32, #tpu.memory_space<vmem>>
    %dma_start3A_670 = arith.constant 0 : i32
    %dma_start3A_671 = tpu.memref_slice %arg3[%dma_start3A_670] : memref<1040000xf32, #tpu.memory_space<hbm>> -> memref<1040000xf32, #tpu.memory_space<hbm>>
    tpu.enqueue_indirect_dma source(%dma_start3A_671 : memref<1040000xf32, #tpu.memory_space<hbm>>) target(%dma_start3A_666 : memref<128xf32, #tpu.memory_space<vmem>>) offsets(%dma_start3A_669 : memref<128xi32, #tpu.memory_space<vmem>>) semaphore(%arg10 : memref<!tpu.dma_semaphore, #tpu.memory_space<semaphore_mem>>)
    %dma_start3A_672 = arith.constant 14 : i32
    %dma_start3A_673 = arith.constant 0 : i32
    %dma_start3A_674 = arith.constant 14 : i32
    %dma_start3A_675 = arith.constant 0 : i32
    %dma_start3A_676 = arith.constant 0 : i32
    %dma_start3A_677 = tpu.memref_slice %arg7[%dma_start3A_674, %dma_start3A_675, %dma_start3A_676] : memref<26x4x128xf32, #tpu.memory_space<vmem>> -> memref<1x1x128xf32, #tpu.memory_space<vmem>>
    %dma_start3A_678 = tpu.memref_squeeze %dma_start3A_677 : memref<1x1x128xf32, #tpu.memory_space<vmem>> -> memref<128xf32, #tpu.memory_space<vmem>>
    %dma_start3A_679 = arith.constant 0 : i32
    %dma_start3A_680 = tpu.memref_slice %arg6[%dma_start3A_672, %dma_start3A_673, %dma_start3A_679] : memref<26x4x128xi32, #tpu.memory_space<vmem>> -> memref<1x1x128xi32, #tpu.memory_space<vmem>>
    %dma_start3A_681 = tpu.memref_squeeze %dma_start3A_680 : memref<1x1x128xi32, #tpu.memory_space<vmem>> -> memref<128xi32, #tpu.memory_space<vmem>>
    %dma_start3A_682 = arith.constant 0 : i32
    %dma_start3A_683 = tpu.memref_slice %arg3[%dma_start3A_682] : memref<1040000xf32, #tpu.memory_space<hbm>> -> memref<1040000xf32, #tpu.memory_space<hbm>>
    tpu.enqueue_indirect_dma source(%dma_start3A_683 : memref<1040000xf32, #tpu.memory_space<hbm>>) target(%dma_start3A_678 : memref<128xf32, #tpu.memory_space<vmem>>) offsets(%dma_start3A_681 : memref<128xi32, #tpu.memory_space<vmem>>) semaphore(%arg10 : memref<!tpu.dma_semaphore, #tpu.memory_space<semaphore_mem>>)
    %dma_start3A_684 = arith.constant 14 : i32
    %dma_start3A_685 = arith.constant 1 : i32
    %dma_start3A_686 = arith.constant 14 : i32
    %dma_start3A_687 = arith.constant 1 : i32
    %dma_start3A_688 = arith.constant 0 : i32
    %dma_start3A_689 = tpu.memref_slice %arg7[%dma_start3A_686, %dma_start3A_687, %dma_start3A_688] : memref<26x4x128xf32, #tpu.memory_space<vmem>> -> memref<1x1x128xf32, #tpu.memory_space<vmem>>
    %dma_start3A_690 = tpu.memref_squeeze %dma_start3A_689 : memref<1x1x128xf32, #tpu.memory_space<vmem>> -> memref<128xf32, #tpu.memory_space<vmem>>
    %dma_start3A_691 = arith.constant 0 : i32
    %dma_start3A_692 = tpu.memref_slice %arg6[%dma_start3A_684, %dma_start3A_685, %dma_start3A_691] : memref<26x4x128xi32, #tpu.memory_space<vmem>> -> memref<1x1x128xi32, #tpu.memory_space<vmem>>
    %dma_start3A_693 = tpu.memref_squeeze %dma_start3A_692 : memref<1x1x128xi32, #tpu.memory_space<vmem>> -> memref<128xi32, #tpu.memory_space<vmem>>
    %dma_start3A_694 = arith.constant 0 : i32
    %dma_start3A_695 = tpu.memref_slice %arg3[%dma_start3A_694] : memref<1040000xf32, #tpu.memory_space<hbm>> -> memref<1040000xf32, #tpu.memory_space<hbm>>
    tpu.enqueue_indirect_dma source(%dma_start3A_695 : memref<1040000xf32, #tpu.memory_space<hbm>>) target(%dma_start3A_690 : memref<128xf32, #tpu.memory_space<vmem>>) offsets(%dma_start3A_693 : memref<128xi32, #tpu.memory_space<vmem>>) semaphore(%arg10 : memref<!tpu.dma_semaphore, #tpu.memory_space<semaphore_mem>>)
    %dma_start3A_696 = arith.constant 14 : i32
    %dma_start3A_697 = arith.constant 2 : i32
    %dma_start3A_698 = arith.constant 14 : i32
    %dma_start3A_699 = arith.constant 2 : i32
    %dma_start3A_700 = arith.constant 0 : i32
    %dma_start3A_701 = tpu.memref_slice %arg7[%dma_start3A_698, %dma_start3A_699, %dma_start3A_700] : memref<26x4x128xf32, #tpu.memory_space<vmem>> -> memref<1x1x128xf32, #tpu.memory_space<vmem>>
    %dma_start3A_702 = tpu.memref_squeeze %dma_start3A_701 : memref<1x1x128xf32, #tpu.memory_space<vmem>> -> memref<128xf32, #tpu.memory_space<vmem>>
    %dma_start3A_703 = arith.constant 0 : i32
    %dma_start3A_704 = tpu.memref_slice %arg6[%dma_start3A_696, %dma_start3A_697, %dma_start3A_703] : memref<26x4x128xi32, #tpu.memory_space<vmem>> -> memref<1x1x128xi32, #tpu.memory_space<vmem>>
    %dma_start3A_705 = tpu.memref_squeeze %dma_start3A_704 : memref<1x1x128xi32, #tpu.memory_space<vmem>> -> memref<128xi32, #tpu.memory_space<vmem>>
    %dma_start3A_706 = arith.constant 0 : i32
    %dma_start3A_707 = tpu.memref_slice %arg3[%dma_start3A_706] : memref<1040000xf32, #tpu.memory_space<hbm>> -> memref<1040000xf32, #tpu.memory_space<hbm>>
    tpu.enqueue_indirect_dma source(%dma_start3A_707 : memref<1040000xf32, #tpu.memory_space<hbm>>) target(%dma_start3A_702 : memref<128xf32, #tpu.memory_space<vmem>>) offsets(%dma_start3A_705 : memref<128xi32, #tpu.memory_space<vmem>>) semaphore(%arg10 : memref<!tpu.dma_semaphore, #tpu.memory_space<semaphore_mem>>)
    %dma_start3A_708 = arith.constant 14 : i32
    %dma_start3A_709 = arith.constant 3 : i32
    %dma_start3A_710 = arith.constant 14 : i32
    %dma_start3A_711 = arith.constant 3 : i32
    %dma_start3A_712 = arith.constant 0 : i32
    %dma_start3A_713 = tpu.memref_slice %arg7[%dma_start3A_710, %dma_start3A_711, %dma_start3A_712] : memref<26x4x128xf32, #tpu.memory_space<vmem>> -> memref<1x1x128xf32, #tpu.memory_space<vmem>>
    %dma_start3A_714 = tpu.memref_squeeze %dma_start3A_713 : memref<1x1x128xf32, #tpu.memory_space<vmem>> -> memref<128xf32, #tpu.memory_space<vmem>>
    %dma_start3A_715 = arith.constant 0 : i32
    %dma_start3A_716 = tpu.memref_slice %arg6[%dma_start3A_708, %dma_start3A_709, %dma_start3A_715] : memref<26x4x128xi32, #tpu.memory_space<vmem>> -> memref<1x1x128xi32, #tpu.memory_space<vmem>>
    %dma_start3A_717 = tpu.memref_squeeze %dma_start3A_716 : memref<1x1x128xi32, #tpu.memory_space<vmem>> -> memref<128xi32, #tpu.memory_space<vmem>>
    %dma_start3A_718 = arith.constant 0 : i32
    %dma_start3A_719 = tpu.memref_slice %arg3[%dma_start3A_718] : memref<1040000xf32, #tpu.memory_space<hbm>> -> memref<1040000xf32, #tpu.memory_space<hbm>>
    tpu.enqueue_indirect_dma source(%dma_start3A_719 : memref<1040000xf32, #tpu.memory_space<hbm>>) target(%dma_start3A_714 : memref<128xf32, #tpu.memory_space<vmem>>) offsets(%dma_start3A_717 : memref<128xi32, #tpu.memory_space<vmem>>) semaphore(%arg10 : memref<!tpu.dma_semaphore, #tpu.memory_space<semaphore_mem>>)
    %dma_start3A_720 = arith.constant 15 : i32
    %dma_start3A_721 = arith.constant 0 : i32
    %dma_start3A_722 = arith.constant 15 : i32
    %dma_start3A_723 = arith.constant 0 : i32
    %dma_start3A_724 = arith.constant 0 : i32
    %dma_start3A_725 = tpu.memref_slice %arg7[%dma_start3A_722, %dma_start3A_723, %dma_start3A_724] : memref<26x4x128xf32, #tpu.memory_space<vmem>> -> memref<1x1x128xf32, #tpu.memory_space<vmem>>
    %dma_start3A_726 = tpu.memref_squeeze %dma_start3A_725 : memref<1x1x128xf32, #tpu.memory_space<vmem>> -> memref<128xf32, #tpu.memory_space<vmem>>
    %dma_start3A_727 = arith.constant 0 : i32
    %dma_start3A_728 = tpu.memref_slice %arg6[%dma_start3A_720, %dma_start3A_721, %dma_start3A_727] : memref<26x4x128xi32, #tpu.memory_space<vmem>> -> memref<1x1x128xi32, #tpu.memory_space<vmem>>
    %dma_start3A_729 = tpu.memref_squeeze %dma_start3A_728 : memref<1x1x128xi32, #tpu.memory_space<vmem>> -> memref<128xi32, #tpu.memory_space<vmem>>
    %dma_start3A_730 = arith.constant 0 : i32
    %dma_start3A_731 = tpu.memref_slice %arg3[%dma_start3A_730] : memref<1040000xf32, #tpu.memory_space<hbm>> -> memref<1040000xf32, #tpu.memory_space<hbm>>
    tpu.enqueue_indirect_dma source(%dma_start3A_731 : memref<1040000xf32, #tpu.memory_space<hbm>>) target(%dma_start3A_726 : memref<128xf32, #tpu.memory_space<vmem>>) offsets(%dma_start3A_729 : memref<128xi32, #tpu.memory_space<vmem>>) semaphore(%arg10 : memref<!tpu.dma_semaphore, #tpu.memory_space<semaphore_mem>>)
    %dma_start3A_732 = arith.constant 15 : i32
    %dma_start3A_733 = arith.constant 1 : i32
    %dma_start3A_734 = arith.constant 15 : i32
    %dma_start3A_735 = arith.constant 1 : i32
    %dma_start3A_736 = arith.constant 0 : i32
    %dma_start3A_737 = tpu.memref_slice %arg7[%dma_start3A_734, %dma_start3A_735, %dma_start3A_736] : memref<26x4x128xf32, #tpu.memory_space<vmem>> -> memref<1x1x128xf32, #tpu.memory_space<vmem>>
    %dma_start3A_738 = tpu.memref_squeeze %dma_start3A_737 : memref<1x1x128xf32, #tpu.memory_space<vmem>> -> memref<128xf32, #tpu.memory_space<vmem>>
    %dma_start3A_739 = arith.constant 0 : i32
    %dma_start3A_740 = tpu.memref_slice %arg6[%dma_start3A_732, %dma_start3A_733, %dma_start3A_739] : memref<26x4x128xi32, #tpu.memory_space<vmem>> -> memref<1x1x128xi32, #tpu.memory_space<vmem>>
    %dma_start3A_741 = tpu.memref_squeeze %dma_start3A_740 : memref<1x1x128xi32, #tpu.memory_space<vmem>> -> memref<128xi32, #tpu.memory_space<vmem>>
    %dma_start3A_742 = arith.constant 0 : i32
    %dma_start3A_743 = tpu.memref_slice %arg3[%dma_start3A_742] : memref<1040000xf32, #tpu.memory_space<hbm>> -> memref<1040000xf32, #tpu.memory_space<hbm>>
    tpu.enqueue_indirect_dma source(%dma_start3A_743 : memref<1040000xf32, #tpu.memory_space<hbm>>) target(%dma_start3A_738 : memref<128xf32, #tpu.memory_space<vmem>>) offsets(%dma_start3A_741 : memref<128xi32, #tpu.memory_space<vmem>>) semaphore(%arg10 : memref<!tpu.dma_semaphore, #tpu.memory_space<semaphore_mem>>)
    %dma_start3A_744 = arith.constant 15 : i32
    %dma_start3A_745 = arith.constant 2 : i32
    %dma_start3A_746 = arith.constant 15 : i32
    %dma_start3A_747 = arith.constant 2 : i32
    %dma_start3A_748 = arith.constant 0 : i32
    %dma_start3A_749 = tpu.memref_slice %arg7[%dma_start3A_746, %dma_start3A_747, %dma_start3A_748] : memref<26x4x128xf32, #tpu.memory_space<vmem>> -> memref<1x1x128xf32, #tpu.memory_space<vmem>>
    %dma_start3A_750 = tpu.memref_squeeze %dma_start3A_749 : memref<1x1x128xf32, #tpu.memory_space<vmem>> -> memref<128xf32, #tpu.memory_space<vmem>>
    %dma_start3A_751 = arith.constant 0 : i32
    %dma_start3A_752 = tpu.memref_slice %arg6[%dma_start3A_744, %dma_start3A_745, %dma_start3A_751] : memref<26x4x128xi32, #tpu.memory_space<vmem>> -> memref<1x1x128xi32, #tpu.memory_space<vmem>>
    %dma_start3A_753 = tpu.memref_squeeze %dma_start3A_752 : memref<1x1x128xi32, #tpu.memory_space<vmem>> -> memref<128xi32, #tpu.memory_space<vmem>>
    %dma_start3A_754 = arith.constant 0 : i32
    %dma_start3A_755 = tpu.memref_slice %arg3[%dma_start3A_754] : memref<1040000xf32, #tpu.memory_space<hbm>> -> memref<1040000xf32, #tpu.memory_space<hbm>>
    tpu.enqueue_indirect_dma source(%dma_start3A_755 : memref<1040000xf32, #tpu.memory_space<hbm>>) target(%dma_start3A_750 : memref<128xf32, #tpu.memory_space<vmem>>) offsets(%dma_start3A_753 : memref<128xi32, #tpu.memory_space<vmem>>) semaphore(%arg10 : memref<!tpu.dma_semaphore, #tpu.memory_space<semaphore_mem>>)
    %dma_start3A_756 = arith.constant 15 : i32
    %dma_start3A_757 = arith.constant 3 : i32
    %dma_start3A_758 = arith.constant 15 : i32
    %dma_start3A_759 = arith.constant 3 : i32
    %dma_start3A_760 = arith.constant 0 : i32
    %dma_start3A_761 = tpu.memref_slice %arg7[%dma_start3A_758, %dma_start3A_759, %dma_start3A_760] : memref<26x4x128xf32, #tpu.memory_space<vmem>> -> memref<1x1x128xf32, #tpu.memory_space<vmem>>
    %dma_start3A_762 = tpu.memref_squeeze %dma_start3A_761 : memref<1x1x128xf32, #tpu.memory_space<vmem>> -> memref<128xf32, #tpu.memory_space<vmem>>
    %dma_start3A_763 = arith.constant 0 : i32
    %dma_start3A_764 = tpu.memref_slice %arg6[%dma_start3A_756, %dma_start3A_757, %dma_start3A_763] : memref<26x4x128xi32, #tpu.memory_space<vmem>> -> memref<1x1x128xi32, #tpu.memory_space<vmem>>
    %dma_start3A_765 = tpu.memref_squeeze %dma_start3A_764 : memref<1x1x128xi32, #tpu.memory_space<vmem>> -> memref<128xi32, #tpu.memory_space<vmem>>
    %dma_start3A_766 = arith.constant 0 : i32
    %dma_start3A_767 = tpu.memref_slice %arg3[%dma_start3A_766] : memref<1040000xf32, #tpu.memory_space<hbm>> -> memref<1040000xf32, #tpu.memory_space<hbm>>
    tpu.enqueue_indirect_dma source(%dma_start3A_767 : memref<1040000xf32, #tpu.memory_space<hbm>>) target(%dma_start3A_762 : memref<128xf32, #tpu.memory_space<vmem>>) offsets(%dma_start3A_765 : memref<128xi32, #tpu.memory_space<vmem>>) semaphore(%arg10 : memref<!tpu.dma_semaphore, #tpu.memory_space<semaphore_mem>>)
    %dma_start3A_768 = arith.constant 16 : i32
    %dma_start3A_769 = arith.constant 0 : i32
    %dma_start3A_770 = arith.constant 16 : i32
    %dma_start3A_771 = arith.constant 0 : i32
    %dma_start3A_772 = arith.constant 0 : i32
    %dma_start3A_773 = tpu.memref_slice %arg7[%dma_start3A_770, %dma_start3A_771, %dma_start3A_772] : memref<26x4x128xf32, #tpu.memory_space<vmem>> -> memref<1x1x128xf32, #tpu.memory_space<vmem>>
    %dma_start3A_774 = tpu.memref_squeeze %dma_start3A_773 : memref<1x1x128xf32, #tpu.memory_space<vmem>> -> memref<128xf32, #tpu.memory_space<vmem>>
    %dma_start3A_775 = arith.constant 0 : i32
    %dma_start3A_776 = tpu.memref_slice %arg6[%dma_start3A_768, %dma_start3A_769, %dma_start3A_775] : memref<26x4x128xi32, #tpu.memory_space<vmem>> -> memref<1x1x128xi32, #tpu.memory_space<vmem>>
    %dma_start3A_777 = tpu.memref_squeeze %dma_start3A_776 : memref<1x1x128xi32, #tpu.memory_space<vmem>> -> memref<128xi32, #tpu.memory_space<vmem>>
    %dma_start3A_778 = arith.constant 0 : i32
    %dma_start3A_779 = tpu.memref_slice %arg3[%dma_start3A_778] : memref<1040000xf32, #tpu.memory_space<hbm>> -> memref<1040000xf32, #tpu.memory_space<hbm>>
    tpu.enqueue_indirect_dma source(%dma_start3A_779 : memref<1040000xf32, #tpu.memory_space<hbm>>) target(%dma_start3A_774 : memref<128xf32, #tpu.memory_space<vmem>>) offsets(%dma_start3A_777 : memref<128xi32, #tpu.memory_space<vmem>>) semaphore(%arg10 : memref<!tpu.dma_semaphore, #tpu.memory_space<semaphore_mem>>)
    %dma_start3A_780 = arith.constant 16 : i32
    %dma_start3A_781 = arith.constant 1 : i32
    %dma_start3A_782 = arith.constant 16 : i32
    %dma_start3A_783 = arith.constant 1 : i32
    %dma_start3A_784 = arith.constant 0 : i32
    %dma_start3A_785 = tpu.memref_slice %arg7[%dma_start3A_782, %dma_start3A_783, %dma_start3A_784] : memref<26x4x128xf32, #tpu.memory_space<vmem>> -> memref<1x1x128xf32, #tpu.memory_space<vmem>>
    %dma_start3A_786 = tpu.memref_squeeze %dma_start3A_785 : memref<1x1x128xf32, #tpu.memory_space<vmem>> -> memref<128xf32, #tpu.memory_space<vmem>>
    %dma_start3A_787 = arith.constant 0 : i32
    %dma_start3A_788 = tpu.memref_slice %arg6[%dma_start3A_780, %dma_start3A_781, %dma_start3A_787] : memref<26x4x128xi32, #tpu.memory_space<vmem>> -> memref<1x1x128xi32, #tpu.memory_space<vmem>>
    %dma_start3A_789 = tpu.memref_squeeze %dma_start3A_788 : memref<1x1x128xi32, #tpu.memory_space<vmem>> -> memref<128xi32, #tpu.memory_space<vmem>>
    %dma_start3A_790 = arith.constant 0 : i32
    %dma_start3A_791 = tpu.memref_slice %arg3[%dma_start3A_790] : memref<1040000xf32, #tpu.memory_space<hbm>> -> memref<1040000xf32, #tpu.memory_space<hbm>>
    tpu.enqueue_indirect_dma source(%dma_start3A_791 : memref<1040000xf32, #tpu.memory_space<hbm>>) target(%dma_start3A_786 : memref<128xf32, #tpu.memory_space<vmem>>) offsets(%dma_start3A_789 : memref<128xi32, #tpu.memory_space<vmem>>) semaphore(%arg10 : memref<!tpu.dma_semaphore, #tpu.memory_space<semaphore_mem>>)
    %dma_start3A_792 = arith.constant 16 : i32
    %dma_start3A_793 = arith.constant 2 : i32
    %dma_start3A_794 = arith.constant 16 : i32
    %dma_start3A_795 = arith.constant 2 : i32
    %dma_start3A_796 = arith.constant 0 : i32
    %dma_start3A_797 = tpu.memref_slice %arg7[%dma_start3A_794, %dma_start3A_795, %dma_start3A_796] : memref<26x4x128xf32, #tpu.memory_space<vmem>> -> memref<1x1x128xf32, #tpu.memory_space<vmem>>
    %dma_start3A_798 = tpu.memref_squeeze %dma_start3A_797 : memref<1x1x128xf32, #tpu.memory_space<vmem>> -> memref<128xf32, #tpu.memory_space<vmem>>
    %dma_start3A_799 = arith.constant 0 : i32
    %dma_start3A_800 = tpu.memref_slice %arg6[%dma_start3A_792, %dma_start3A_793, %dma_start3A_799] : memref<26x4x128xi32, #tpu.memory_space<vmem>> -> memref<1x1x128xi32, #tpu.memory_space<vmem>>
    %dma_start3A_801 = tpu.memref_squeeze %dma_start3A_800 : memref<1x1x128xi32, #tpu.memory_space<vmem>> -> memref<128xi32, #tpu.memory_space<vmem>>
    %dma_start3A_802 = arith.constant 0 : i32
    %dma_start3A_803 = tpu.memref_slice %arg3[%dma_start3A_802] : memref<1040000xf32, #tpu.memory_space<hbm>> -> memref<1040000xf32, #tpu.memory_space<hbm>>
    tpu.enqueue_indirect_dma source(%dma_start3A_803 : memref<1040000xf32, #tpu.memory_space<hbm>>) target(%dma_start3A_798 : memref<128xf32, #tpu.memory_space<vmem>>) offsets(%dma_start3A_801 : memref<128xi32, #tpu.memory_space<vmem>>) semaphore(%arg10 : memref<!tpu.dma_semaphore, #tpu.memory_space<semaphore_mem>>)
    %dma_start3A_804 = arith.constant 16 : i32
    %dma_start3A_805 = arith.constant 3 : i32
    %dma_start3A_806 = arith.constant 16 : i32
    %dma_start3A_807 = arith.constant 3 : i32
    %dma_start3A_808 = arith.constant 0 : i32
    %dma_start3A_809 = tpu.memref_slice %arg7[%dma_start3A_806, %dma_start3A_807, %dma_start3A_808] : memref<26x4x128xf32, #tpu.memory_space<vmem>> -> memref<1x1x128xf32, #tpu.memory_space<vmem>>
    %dma_start3A_810 = tpu.memref_squeeze %dma_start3A_809 : memref<1x1x128xf32, #tpu.memory_space<vmem>> -> memref<128xf32, #tpu.memory_space<vmem>>
    %dma_start3A_811 = arith.constant 0 : i32
    %dma_start3A_812 = tpu.memref_slice %arg6[%dma_start3A_804, %dma_start3A_805, %dma_start3A_811] : memref<26x4x128xi32, #tpu.memory_space<vmem>> -> memref<1x1x128xi32, #tpu.memory_space<vmem>>
    %dma_start3A_813 = tpu.memref_squeeze %dma_start3A_812 : memref<1x1x128xi32, #tpu.memory_space<vmem>> -> memref<128xi32, #tpu.memory_space<vmem>>
    %dma_start3A_814 = arith.constant 0 : i32
    %dma_start3A_815 = tpu.memref_slice %arg3[%dma_start3A_814] : memref<1040000xf32, #tpu.memory_space<hbm>> -> memref<1040000xf32, #tpu.memory_space<hbm>>
    tpu.enqueue_indirect_dma source(%dma_start3A_815 : memref<1040000xf32, #tpu.memory_space<hbm>>) target(%dma_start3A_810 : memref<128xf32, #tpu.memory_space<vmem>>) offsets(%dma_start3A_813 : memref<128xi32, #tpu.memory_space<vmem>>) semaphore(%arg10 : memref<!tpu.dma_semaphore, #tpu.memory_space<semaphore_mem>>)
    %dma_start3A_816 = arith.constant 17 : i32
    %dma_start3A_817 = arith.constant 0 : i32
    %dma_start3A_818 = arith.constant 17 : i32
    %dma_start3A_819 = arith.constant 0 : i32
    %dma_start3A_820 = arith.constant 0 : i32
    %dma_start3A_821 = tpu.memref_slice %arg7[%dma_start3A_818, %dma_start3A_819, %dma_start3A_820] : memref<26x4x128xf32, #tpu.memory_space<vmem>> -> memref<1x1x128xf32, #tpu.memory_space<vmem>>
    %dma_start3A_822 = tpu.memref_squeeze %dma_start3A_821 : memref<1x1x128xf32, #tpu.memory_space<vmem>> -> memref<128xf32, #tpu.memory_space<vmem>>
    %dma_start3A_823 = arith.constant 0 : i32
    %dma_start3A_824 = tpu.memref_slice %arg6[%dma_start3A_816, %dma_start3A_817, %dma_start3A_823] : memref<26x4x128xi32, #tpu.memory_space<vmem>> -> memref<1x1x128xi32, #tpu.memory_space<vmem>>
    %dma_start3A_825 = tpu.memref_squeeze %dma_start3A_824 : memref<1x1x128xi32, #tpu.memory_space<vmem>> -> memref<128xi32, #tpu.memory_space<vmem>>
    %dma_start3A_826 = arith.constant 0 : i32
    %dma_start3A_827 = tpu.memref_slice %arg3[%dma_start3A_826] : memref<1040000xf32, #tpu.memory_space<hbm>> -> memref<1040000xf32, #tpu.memory_space<hbm>>
    tpu.enqueue_indirect_dma source(%dma_start3A_827 : memref<1040000xf32, #tpu.memory_space<hbm>>) target(%dma_start3A_822 : memref<128xf32, #tpu.memory_space<vmem>>) offsets(%dma_start3A_825 : memref<128xi32, #tpu.memory_space<vmem>>) semaphore(%arg10 : memref<!tpu.dma_semaphore, #tpu.memory_space<semaphore_mem>>)
    %dma_start3A_828 = arith.constant 17 : i32
    %dma_start3A_829 = arith.constant 1 : i32
    %dma_start3A_830 = arith.constant 17 : i32
    %dma_start3A_831 = arith.constant 1 : i32
    %dma_start3A_832 = arith.constant 0 : i32
    %dma_start3A_833 = tpu.memref_slice %arg7[%dma_start3A_830, %dma_start3A_831, %dma_start3A_832] : memref<26x4x128xf32, #tpu.memory_space<vmem>> -> memref<1x1x128xf32, #tpu.memory_space<vmem>>
    %dma_start3A_834 = tpu.memref_squeeze %dma_start3A_833 : memref<1x1x128xf32, #tpu.memory_space<vmem>> -> memref<128xf32, #tpu.memory_space<vmem>>
    %dma_start3A_835 = arith.constant 0 : i32
    %dma_start3A_836 = tpu.memref_slice %arg6[%dma_start3A_828, %dma_start3A_829, %dma_start3A_835] : memref<26x4x128xi32, #tpu.memory_space<vmem>> -> memref<1x1x128xi32, #tpu.memory_space<vmem>>
    %dma_start3A_837 = tpu.memref_squeeze %dma_start3A_836 : memref<1x1x128xi32, #tpu.memory_space<vmem>> -> memref<128xi32, #tpu.memory_space<vmem>>
    %dma_start3A_838 = arith.constant 0 : i32
    %dma_start3A_839 = tpu.memref_slice %arg3[%dma_start3A_838] : memref<1040000xf32, #tpu.memory_space<hbm>> -> memref<1040000xf32, #tpu.memory_space<hbm>>
    tpu.enqueue_indirect_dma source(%dma_start3A_839 : memref<1040000xf32, #tpu.memory_space<hbm>>) target(%dma_start3A_834 : memref<128xf32, #tpu.memory_space<vmem>>) offsets(%dma_start3A_837 : memref<128xi32, #tpu.memory_space<vmem>>) semaphore(%arg10 : memref<!tpu.dma_semaphore, #tpu.memory_space<semaphore_mem>>)
    %dma_start3A_840 = arith.constant 17 : i32
    %dma_start3A_841 = arith.constant 2 : i32
    %dma_start3A_842 = arith.constant 17 : i32
    %dma_start3A_843 = arith.constant 2 : i32
    %dma_start3A_844 = arith.constant 0 : i32
    %dma_start3A_845 = tpu.memref_slice %arg7[%dma_start3A_842, %dma_start3A_843, %dma_start3A_844] : memref<26x4x128xf32, #tpu.memory_space<vmem>> -> memref<1x1x128xf32, #tpu.memory_space<vmem>>
    %dma_start3A_846 = tpu.memref_squeeze %dma_start3A_845 : memref<1x1x128xf32, #tpu.memory_space<vmem>> -> memref<128xf32, #tpu.memory_space<vmem>>
    %dma_start3A_847 = arith.constant 0 : i32
    %dma_start3A_848 = tpu.memref_slice %arg6[%dma_start3A_840, %dma_start3A_841, %dma_start3A_847] : memref<26x4x128xi32, #tpu.memory_space<vmem>> -> memref<1x1x128xi32, #tpu.memory_space<vmem>>
    %dma_start3A_849 = tpu.memref_squeeze %dma_start3A_848 : memref<1x1x128xi32, #tpu.memory_space<vmem>> -> memref<128xi32, #tpu.memory_space<vmem>>
    %dma_start3A_850 = arith.constant 0 : i32
    %dma_start3A_851 = tpu.memref_slice %arg3[%dma_start3A_850] : memref<1040000xf32, #tpu.memory_space<hbm>> -> memref<1040000xf32, #tpu.memory_space<hbm>>
    tpu.enqueue_indirect_dma source(%dma_start3A_851 : memref<1040000xf32, #tpu.memory_space<hbm>>) target(%dma_start3A_846 : memref<128xf32, #tpu.memory_space<vmem>>) offsets(%dma_start3A_849 : memref<128xi32, #tpu.memory_space<vmem>>) semaphore(%arg10 : memref<!tpu.dma_semaphore, #tpu.memory_space<semaphore_mem>>)
    %dma_start3A_852 = arith.constant 17 : i32
    %dma_start3A_853 = arith.constant 3 : i32
    %dma_start3A_854 = arith.constant 17 : i32
    %dma_start3A_855 = arith.constant 3 : i32
    %dma_start3A_856 = arith.constant 0 : i32
    %dma_start3A_857 = tpu.memref_slice %arg7[%dma_start3A_854, %dma_start3A_855, %dma_start3A_856] : memref<26x4x128xf32, #tpu.memory_space<vmem>> -> memref<1x1x128xf32, #tpu.memory_space<vmem>>
    %dma_start3A_858 = tpu.memref_squeeze %dma_start3A_857 : memref<1x1x128xf32, #tpu.memory_space<vmem>> -> memref<128xf32, #tpu.memory_space<vmem>>
    %dma_start3A_859 = arith.constant 0 : i32
    %dma_start3A_860 = tpu.memref_slice %arg6[%dma_start3A_852, %dma_start3A_853, %dma_start3A_859] : memref<26x4x128xi32, #tpu.memory_space<vmem>> -> memref<1x1x128xi32, #tpu.memory_space<vmem>>
    %dma_start3A_861 = tpu.memref_squeeze %dma_start3A_860 : memref<1x1x128xi32, #tpu.memory_space<vmem>> -> memref<128xi32, #tpu.memory_space<vmem>>
    %dma_start3A_862 = arith.constant 0 : i32
    %dma_start3A_863 = tpu.memref_slice %arg3[%dma_start3A_862] : memref<1040000xf32, #tpu.memory_space<hbm>> -> memref<1040000xf32, #tpu.memory_space<hbm>>
    tpu.enqueue_indirect_dma source(%dma_start3A_863 : memref<1040000xf32, #tpu.memory_space<hbm>>) target(%dma_start3A_858 : memref<128xf32, #tpu.memory_space<vmem>>) offsets(%dma_start3A_861 : memref<128xi32, #tpu.memory_space<vmem>>) semaphore(%arg10 : memref<!tpu.dma_semaphore, #tpu.memory_space<semaphore_mem>>)
    %dma_start3A_864 = arith.constant 18 : i32
    %dma_start3A_865 = arith.constant 0 : i32
    %dma_start3A_866 = arith.constant 18 : i32
    %dma_start3A_867 = arith.constant 0 : i32
    %dma_start3A_868 = arith.constant 0 : i32
    %dma_start3A_869 = tpu.memref_slice %arg7[%dma_start3A_866, %dma_start3A_867, %dma_start3A_868] : memref<26x4x128xf32, #tpu.memory_space<vmem>> -> memref<1x1x128xf32, #tpu.memory_space<vmem>>
    %dma_start3A_870 = tpu.memref_squeeze %dma_start3A_869 : memref<1x1x128xf32, #tpu.memory_space<vmem>> -> memref<128xf32, #tpu.memory_space<vmem>>
    %dma_start3A_871 = arith.constant 0 : i32
    %dma_start3A_872 = tpu.memref_slice %arg6[%dma_start3A_864, %dma_start3A_865, %dma_start3A_871] : memref<26x4x128xi32, #tpu.memory_space<vmem>> -> memref<1x1x128xi32, #tpu.memory_space<vmem>>
    %dma_start3A_873 = tpu.memref_squeeze %dma_start3A_872 : memref<1x1x128xi32, #tpu.memory_space<vmem>> -> memref<128xi32, #tpu.memory_space<vmem>>
    %dma_start3A_874 = arith.constant 0 : i32
    %dma_start3A_875 = tpu.memref_slice %arg3[%dma_start3A_874] : memref<1040000xf32, #tpu.memory_space<hbm>> -> memref<1040000xf32, #tpu.memory_space<hbm>>
    tpu.enqueue_indirect_dma source(%dma_start3A_875 : memref<1040000xf32, #tpu.memory_space<hbm>>) target(%dma_start3A_870 : memref<128xf32, #tpu.memory_space<vmem>>) offsets(%dma_start3A_873 : memref<128xi32, #tpu.memory_space<vmem>>) semaphore(%arg10 : memref<!tpu.dma_semaphore, #tpu.memory_space<semaphore_mem>>)
    %dma_start3A_876 = arith.constant 18 : i32
    %dma_start3A_877 = arith.constant 1 : i32
    %dma_start3A_878 = arith.constant 18 : i32
    %dma_start3A_879 = arith.constant 1 : i32
    %dma_start3A_880 = arith.constant 0 : i32
    %dma_start3A_881 = tpu.memref_slice %arg7[%dma_start3A_878, %dma_start3A_879, %dma_start3A_880] : memref<26x4x128xf32, #tpu.memory_space<vmem>> -> memref<1x1x128xf32, #tpu.memory_space<vmem>>
    %dma_start3A_882 = tpu.memref_squeeze %dma_start3A_881 : memref<1x1x128xf32, #tpu.memory_space<vmem>> -> memref<128xf32, #tpu.memory_space<vmem>>
    %dma_start3A_883 = arith.constant 0 : i32
    %dma_start3A_884 = tpu.memref_slice %arg6[%dma_start3A_876, %dma_start3A_877, %dma_start3A_883] : memref<26x4x128xi32, #tpu.memory_space<vmem>> -> memref<1x1x128xi32, #tpu.memory_space<vmem>>
    %dma_start3A_885 = tpu.memref_squeeze %dma_start3A_884 : memref<1x1x128xi32, #tpu.memory_space<vmem>> -> memref<128xi32, #tpu.memory_space<vmem>>
    %dma_start3A_886 = arith.constant 0 : i32
    %dma_start3A_887 = tpu.memref_slice %arg3[%dma_start3A_886] : memref<1040000xf32, #tpu.memory_space<hbm>> -> memref<1040000xf32, #tpu.memory_space<hbm>>
    tpu.enqueue_indirect_dma source(%dma_start3A_887 : memref<1040000xf32, #tpu.memory_space<hbm>>) target(%dma_start3A_882 : memref<128xf32, #tpu.memory_space<vmem>>) offsets(%dma_start3A_885 : memref<128xi32, #tpu.memory_space<vmem>>) semaphore(%arg10 : memref<!tpu.dma_semaphore, #tpu.memory_space<semaphore_mem>>)
    %dma_start3A_888 = arith.constant 18 : i32
    %dma_start3A_889 = arith.constant 2 : i32
    %dma_start3A_890 = arith.constant 18 : i32
    %dma_start3A_891 = arith.constant 2 : i32
    %dma_start3A_892 = arith.constant 0 : i32
    %dma_start3A_893 = tpu.memref_slice %arg7[%dma_start3A_890, %dma_start3A_891, %dma_start3A_892] : memref<26x4x128xf32, #tpu.memory_space<vmem>> -> memref<1x1x128xf32, #tpu.memory_space<vmem>>
    %dma_start3A_894 = tpu.memref_squeeze %dma_start3A_893 : memref<1x1x128xf32, #tpu.memory_space<vmem>> -> memref<128xf32, #tpu.memory_space<vmem>>
    %dma_start3A_895 = arith.constant 0 : i32
    %dma_start3A_896 = tpu.memref_slice %arg6[%dma_start3A_888, %dma_start3A_889, %dma_start3A_895] : memref<26x4x128xi32, #tpu.memory_space<vmem>> -> memref<1x1x128xi32, #tpu.memory_space<vmem>>
    %dma_start3A_897 = tpu.memref_squeeze %dma_start3A_896 : memref<1x1x128xi32, #tpu.memory_space<vmem>> -> memref<128xi32, #tpu.memory_space<vmem>>
    %dma_start3A_898 = arith.constant 0 : i32
    %dma_start3A_899 = tpu.memref_slice %arg3[%dma_start3A_898] : memref<1040000xf32, #tpu.memory_space<hbm>> -> memref<1040000xf32, #tpu.memory_space<hbm>>
    tpu.enqueue_indirect_dma source(%dma_start3A_899 : memref<1040000xf32, #tpu.memory_space<hbm>>) target(%dma_start3A_894 : memref<128xf32, #tpu.memory_space<vmem>>) offsets(%dma_start3A_897 : memref<128xi32, #tpu.memory_space<vmem>>) semaphore(%arg10 : memref<!tpu.dma_semaphore, #tpu.memory_space<semaphore_mem>>)
    %dma_start3A_900 = arith.constant 18 : i32
    %dma_start3A_901 = arith.constant 3 : i32
    %dma_start3A_902 = arith.constant 18 : i32
    %dma_start3A_903 = arith.constant 3 : i32
    %dma_start3A_904 = arith.constant 0 : i32
    %dma_start3A_905 = tpu.memref_slice %arg7[%dma_start3A_902, %dma_start3A_903, %dma_start3A_904] : memref<26x4x128xf32, #tpu.memory_space<vmem>> -> memref<1x1x128xf32, #tpu.memory_space<vmem>>
    %dma_start3A_906 = tpu.memref_squeeze %dma_start3A_905 : memref<1x1x128xf32, #tpu.memory_space<vmem>> -> memref<128xf32, #tpu.memory_space<vmem>>
    %dma_start3A_907 = arith.constant 0 : i32
    %dma_start3A_908 = tpu.memref_slice %arg6[%dma_start3A_900, %dma_start3A_901, %dma_start3A_907] : memref<26x4x128xi32, #tpu.memory_space<vmem>> -> memref<1x1x128xi32, #tpu.memory_space<vmem>>
    %dma_start3A_909 = tpu.memref_squeeze %dma_start3A_908 : memref<1x1x128xi32, #tpu.memory_space<vmem>> -> memref<128xi32, #tpu.memory_space<vmem>>
    %dma_start3A_910 = arith.constant 0 : i32
    %dma_start3A_911 = tpu.memref_slice %arg3[%dma_start3A_910] : memref<1040000xf32, #tpu.memory_space<hbm>> -> memref<1040000xf32, #tpu.memory_space<hbm>>
    tpu.enqueue_indirect_dma source(%dma_start3A_911 : memref<1040000xf32, #tpu.memory_space<hbm>>) target(%dma_start3A_906 : memref<128xf32, #tpu.memory_space<vmem>>) offsets(%dma_start3A_909 : memref<128xi32, #tpu.memory_space<vmem>>) semaphore(%arg10 : memref<!tpu.dma_semaphore, #tpu.memory_space<semaphore_mem>>)
    %dma_start3A_912 = arith.constant 19 : i32
    %dma_start3A_913 = arith.constant 0 : i32
    %dma_start3A_914 = arith.constant 19 : i32
    %dma_start3A_915 = arith.constant 0 : i32
    %dma_start3A_916 = arith.constant 0 : i32
    %dma_start3A_917 = tpu.memref_slice %arg7[%dma_start3A_914, %dma_start3A_915, %dma_start3A_916] : memref<26x4x128xf32, #tpu.memory_space<vmem>> -> memref<1x1x128xf32, #tpu.memory_space<vmem>>
    %dma_start3A_918 = tpu.memref_squeeze %dma_start3A_917 : memref<1x1x128xf32, #tpu.memory_space<vmem>> -> memref<128xf32, #tpu.memory_space<vmem>>
    %dma_start3A_919 = arith.constant 0 : i32
    %dma_start3A_920 = tpu.memref_slice %arg6[%dma_start3A_912, %dma_start3A_913, %dma_start3A_919] : memref<26x4x128xi32, #tpu.memory_space<vmem>> -> memref<1x1x128xi32, #tpu.memory_space<vmem>>
    %dma_start3A_921 = tpu.memref_squeeze %dma_start3A_920 : memref<1x1x128xi32, #tpu.memory_space<vmem>> -> memref<128xi32, #tpu.memory_space<vmem>>
    %dma_start3A_922 = arith.constant 0 : i32
    %dma_start3A_923 = tpu.memref_slice %arg3[%dma_start3A_922] : memref<1040000xf32, #tpu.memory_space<hbm>> -> memref<1040000xf32, #tpu.memory_space<hbm>>
    tpu.enqueue_indirect_dma source(%dma_start3A_923 : memref<1040000xf32, #tpu.memory_space<hbm>>) target(%dma_start3A_918 : memref<128xf32, #tpu.memory_space<vmem>>) offsets(%dma_start3A_921 : memref<128xi32, #tpu.memory_space<vmem>>) semaphore(%arg10 : memref<!tpu.dma_semaphore, #tpu.memory_space<semaphore_mem>>)
    %dma_start3A_924 = arith.constant 19 : i32
    %dma_start3A_925 = arith.constant 1 : i32
    %dma_start3A_926 = arith.constant 19 : i32
    %dma_start3A_927 = arith.constant 1 : i32
    %dma_start3A_928 = arith.constant 0 : i32
    %dma_start3A_929 = tpu.memref_slice %arg7[%dma_start3A_926, %dma_start3A_927, %dma_start3A_928] : memref<26x4x128xf32, #tpu.memory_space<vmem>> -> memref<1x1x128xf32, #tpu.memory_space<vmem>>
    %dma_start3A_930 = tpu.memref_squeeze %dma_start3A_929 : memref<1x1x128xf32, #tpu.memory_space<vmem>> -> memref<128xf32, #tpu.memory_space<vmem>>
    %dma_start3A_931 = arith.constant 0 : i32
    %dma_start3A_932 = tpu.memref_slice %arg6[%dma_start3A_924, %dma_start3A_925, %dma_start3A_931] : memref<26x4x128xi32, #tpu.memory_space<vmem>> -> memref<1x1x128xi32, #tpu.memory_space<vmem>>
    %dma_start3A_933 = tpu.memref_squeeze %dma_start3A_932 : memref<1x1x128xi32, #tpu.memory_space<vmem>> -> memref<128xi32, #tpu.memory_space<vmem>>
    %dma_start3A_934 = arith.constant 0 : i32
    %dma_start3A_935 = tpu.memref_slice %arg3[%dma_start3A_934] : memref<1040000xf32, #tpu.memory_space<hbm>> -> memref<1040000xf32, #tpu.memory_space<hbm>>
    tpu.enqueue_indirect_dma source(%dma_start3A_935 : memref<1040000xf32, #tpu.memory_space<hbm>>) target(%dma_start3A_930 : memref<128xf32, #tpu.memory_space<vmem>>) offsets(%dma_start3A_933 : memref<128xi32, #tpu.memory_space<vmem>>) semaphore(%arg10 : memref<!tpu.dma_semaphore, #tpu.memory_space<semaphore_mem>>)
    %dma_start3A_936 = arith.constant 19 : i32
    %dma_start3A_937 = arith.constant 2 : i32
    %dma_start3A_938 = arith.constant 19 : i32
    %dma_start3A_939 = arith.constant 2 : i32
    %dma_start3A_940 = arith.constant 0 : i32
    %dma_start3A_941 = tpu.memref_slice %arg7[%dma_start3A_938, %dma_start3A_939, %dma_start3A_940] : memref<26x4x128xf32, #tpu.memory_space<vmem>> -> memref<1x1x128xf32, #tpu.memory_space<vmem>>
    %dma_start3A_942 = tpu.memref_squeeze %dma_start3A_941 : memref<1x1x128xf32, #tpu.memory_space<vmem>> -> memref<128xf32, #tpu.memory_space<vmem>>
    %dma_start3A_943 = arith.constant 0 : i32
    %dma_start3A_944 = tpu.memref_slice %arg6[%dma_start3A_936, %dma_start3A_937, %dma_start3A_943] : memref<26x4x128xi32, #tpu.memory_space<vmem>> -> memref<1x1x128xi32, #tpu.memory_space<vmem>>
    %dma_start3A_945 = tpu.memref_squeeze %dma_start3A_944 : memref<1x1x128xi32, #tpu.memory_space<vmem>> -> memref<128xi32, #tpu.memory_space<vmem>>
    %dma_start3A_946 = arith.constant 0 : i32
    %dma_start3A_947 = tpu.memref_slice %arg3[%dma_start3A_946] : memref<1040000xf32, #tpu.memory_space<hbm>> -> memref<1040000xf32, #tpu.memory_space<hbm>>
    tpu.enqueue_indirect_dma source(%dma_start3A_947 : memref<1040000xf32, #tpu.memory_space<hbm>>) target(%dma_start3A_942 : memref<128xf32, #tpu.memory_space<vmem>>) offsets(%dma_start3A_945 : memref<128xi32, #tpu.memory_space<vmem>>) semaphore(%arg10 : memref<!tpu.dma_semaphore, #tpu.memory_space<semaphore_mem>>)
    %dma_start3A_948 = arith.constant 19 : i32
    %dma_start3A_949 = arith.constant 3 : i32
    %dma_start3A_950 = arith.constant 19 : i32
    %dma_start3A_951 = arith.constant 3 : i32
    %dma_start3A_952 = arith.constant 0 : i32
    %dma_start3A_953 = tpu.memref_slice %arg7[%dma_start3A_950, %dma_start3A_951, %dma_start3A_952] : memref<26x4x128xf32, #tpu.memory_space<vmem>> -> memref<1x1x128xf32, #tpu.memory_space<vmem>>
    %dma_start3A_954 = tpu.memref_squeeze %dma_start3A_953 : memref<1x1x128xf32, #tpu.memory_space<vmem>> -> memref<128xf32, #tpu.memory_space<vmem>>
    %dma_start3A_955 = arith.constant 0 : i32
    %dma_start3A_956 = tpu.memref_slice %arg6[%dma_start3A_948, %dma_start3A_949, %dma_start3A_955] : memref<26x4x128xi32, #tpu.memory_space<vmem>> -> memref<1x1x128xi32, #tpu.memory_space<vmem>>
    %dma_start3A_957 = tpu.memref_squeeze %dma_start3A_956 : memref<1x1x128xi32, #tpu.memory_space<vmem>> -> memref<128xi32, #tpu.memory_space<vmem>>
    %dma_start3A_958 = arith.constant 0 : i32
    %dma_start3A_959 = tpu.memref_slice %arg3[%dma_start3A_958] : memref<1040000xf32, #tpu.memory_space<hbm>> -> memref<1040000xf32, #tpu.memory_space<hbm>>
    tpu.enqueue_indirect_dma source(%dma_start3A_959 : memref<1040000xf32, #tpu.memory_space<hbm>>) target(%dma_start3A_954 : memref<128xf32, #tpu.memory_space<vmem>>) offsets(%dma_start3A_957 : memref<128xi32, #tpu.memory_space<vmem>>) semaphore(%arg10 : memref<!tpu.dma_semaphore, #tpu.memory_space<semaphore_mem>>)
    %dma_start3A_960 = arith.constant 20 : i32
    %dma_start3A_961 = arith.constant 0 : i32
    %dma_start3A_962 = arith.constant 20 : i32
    %dma_start3A_963 = arith.constant 0 : i32
    %dma_start3A_964 = arith.constant 0 : i32
    %dma_start3A_965 = tpu.memref_slice %arg7[%dma_start3A_962, %dma_start3A_963, %dma_start3A_964] : memref<26x4x128xf32, #tpu.memory_space<vmem>> -> memref<1x1x128xf32, #tpu.memory_space<vmem>>
    %dma_start3A_966 = tpu.memref_squeeze %dma_start3A_965 : memref<1x1x128xf32, #tpu.memory_space<vmem>> -> memref<128xf32, #tpu.memory_space<vmem>>
    %dma_start3A_967 = arith.constant 0 : i32
    %dma_start3A_968 = tpu.memref_slice %arg6[%dma_start3A_960, %dma_start3A_961, %dma_start3A_967] : memref<26x4x128xi32, #tpu.memory_space<vmem>> -> memref<1x1x128xi32, #tpu.memory_space<vmem>>
    %dma_start3A_969 = tpu.memref_squeeze %dma_start3A_968 : memref<1x1x128xi32, #tpu.memory_space<vmem>> -> memref<128xi32, #tpu.memory_space<vmem>>
    %dma_start3A_970 = arith.constant 0 : i32
    %dma_start3A_971 = tpu.memref_slice %arg3[%dma_start3A_970] : memref<1040000xf32, #tpu.memory_space<hbm>> -> memref<1040000xf32, #tpu.memory_space<hbm>>
    tpu.enqueue_indirect_dma source(%dma_start3A_971 : memref<1040000xf32, #tpu.memory_space<hbm>>) target(%dma_start3A_966 : memref<128xf32, #tpu.memory_space<vmem>>) offsets(%dma_start3A_969 : memref<128xi32, #tpu.memory_space<vmem>>) semaphore(%arg10 : memref<!tpu.dma_semaphore, #tpu.memory_space<semaphore_mem>>)
    %dma_start3A_972 = arith.constant 20 : i32
    %dma_start3A_973 = arith.constant 1 : i32
    %dma_start3A_974 = arith.constant 20 : i32
    %dma_start3A_975 = arith.constant 1 : i32
    %dma_start3A_976 = arith.constant 0 : i32
    %dma_start3A_977 = tpu.memref_slice %arg7[%dma_start3A_974, %dma_start3A_975, %dma_start3A_976] : memref<26x4x128xf32, #tpu.memory_space<vmem>> -> memref<1x1x128xf32, #tpu.memory_space<vmem>>
    %dma_start3A_978 = tpu.memref_squeeze %dma_start3A_977 : memref<1x1x128xf32, #tpu.memory_space<vmem>> -> memref<128xf32, #tpu.memory_space<vmem>>
    %dma_start3A_979 = arith.constant 0 : i32
    %dma_start3A_980 = tpu.memref_slice %arg6[%dma_start3A_972, %dma_start3A_973, %dma_start3A_979] : memref<26x4x128xi32, #tpu.memory_space<vmem>> -> memref<1x1x128xi32, #tpu.memory_space<vmem>>
    %dma_start3A_981 = tpu.memref_squeeze %dma_start3A_980 : memref<1x1x128xi32, #tpu.memory_space<vmem>> -> memref<128xi32, #tpu.memory_space<vmem>>
    %dma_start3A_982 = arith.constant 0 : i32
    %dma_start3A_983 = tpu.memref_slice %arg3[%dma_start3A_982] : memref<1040000xf32, #tpu.memory_space<hbm>> -> memref<1040000xf32, #tpu.memory_space<hbm>>
    tpu.enqueue_indirect_dma source(%dma_start3A_983 : memref<1040000xf32, #tpu.memory_space<hbm>>) target(%dma_start3A_978 : memref<128xf32, #tpu.memory_space<vmem>>) offsets(%dma_start3A_981 : memref<128xi32, #tpu.memory_space<vmem>>) semaphore(%arg10 : memref<!tpu.dma_semaphore, #tpu.memory_space<semaphore_mem>>)
    %dma_start3A_984 = arith.constant 20 : i32
    %dma_start3A_985 = arith.constant 2 : i32
    %dma_start3A_986 = arith.constant 20 : i32
    %dma_start3A_987 = arith.constant 2 : i32
    %dma_start3A_988 = arith.constant 0 : i32
    %dma_start3A_989 = tpu.memref_slice %arg7[%dma_start3A_986, %dma_start3A_987, %dma_start3A_988] : memref<26x4x128xf32, #tpu.memory_space<vmem>> -> memref<1x1x128xf32, #tpu.memory_space<vmem>>
    %dma_start3A_990 = tpu.memref_squeeze %dma_start3A_989 : memref<1x1x128xf32, #tpu.memory_space<vmem>> -> memref<128xf32, #tpu.memory_space<vmem>>
    %dma_start3A_991 = arith.constant 0 : i32
    %dma_start3A_992 = tpu.memref_slice %arg6[%dma_start3A_984, %dma_start3A_985, %dma_start3A_991] : memref<26x4x128xi32, #tpu.memory_space<vmem>> -> memref<1x1x128xi32, #tpu.memory_space<vmem>>
    %dma_start3A_993 = tpu.memref_squeeze %dma_start3A_992 : memref<1x1x128xi32, #tpu.memory_space<vmem>> -> memref<128xi32, #tpu.memory_space<vmem>>
    %dma_start3A_994 = arith.constant 0 : i32
    %dma_start3A_995 = tpu.memref_slice %arg3[%dma_start3A_994] : memref<1040000xf32, #tpu.memory_space<hbm>> -> memref<1040000xf32, #tpu.memory_space<hbm>>
    tpu.enqueue_indirect_dma source(%dma_start3A_995 : memref<1040000xf32, #tpu.memory_space<hbm>>) target(%dma_start3A_990 : memref<128xf32, #tpu.memory_space<vmem>>) offsets(%dma_start3A_993 : memref<128xi32, #tpu.memory_space<vmem>>) semaphore(%arg10 : memref<!tpu.dma_semaphore, #tpu.memory_space<semaphore_mem>>)
    %dma_start3A_996 = arith.constant 20 : i32
    %dma_start3A_997 = arith.constant 3 : i32
    %dma_start3A_998 = arith.constant 20 : i32
    %dma_start3A_999 = arith.constant 3 : i32
    %dma_start3A_1000 = arith.constant 0 : i32
    %dma_start3A_1001 = tpu.memref_slice %arg7[%dma_start3A_998, %dma_start3A_999, %dma_start3A_1000] : memref<26x4x128xf32, #tpu.memory_space<vmem>> -> memref<1x1x128xf32, #tpu.memory_space<vmem>>
    %dma_start3A_1002 = tpu.memref_squeeze %dma_start3A_1001 : memref<1x1x128xf32, #tpu.memory_space<vmem>> -> memref<128xf32, #tpu.memory_space<vmem>>
    %dma_start3A_1003 = arith.constant 0 : i32
    %dma_start3A_1004 = tpu.memref_slice %arg6[%dma_start3A_996, %dma_start3A_997, %dma_start3A_1003] : memref<26x4x128xi32, #tpu.memory_space<vmem>> -> memref<1x1x128xi32, #tpu.memory_space<vmem>>
    %dma_start3A_1005 = tpu.memref_squeeze %dma_start3A_1004 : memref<1x1x128xi32, #tpu.memory_space<vmem>> -> memref<128xi32, #tpu.memory_space<vmem>>
    %dma_start3A_1006 = arith.constant 0 : i32
    %dma_start3A_1007 = tpu.memref_slice %arg3[%dma_start3A_1006] : memref<1040000xf32, #tpu.memory_space<hbm>> -> memref<1040000xf32, #tpu.memory_space<hbm>>
    tpu.enqueue_indirect_dma source(%dma_start3A_1007 : memref<1040000xf32, #tpu.memory_space<hbm>>) target(%dma_start3A_1002 : memref<128xf32, #tpu.memory_space<vmem>>) offsets(%dma_start3A_1005 : memref<128xi32, #tpu.memory_space<vmem>>) semaphore(%arg10 : memref<!tpu.dma_semaphore, #tpu.memory_space<semaphore_mem>>)
    %dma_start3A_1008 = arith.constant 21 : i32
    %dma_start3A_1009 = arith.constant 0 : i32
    %dma_start3A_1010 = arith.constant 21 : i32
    %dma_start3A_1011 = arith.constant 0 : i32
    %dma_start3A_1012 = arith.constant 0 : i32
    %dma_start3A_1013 = tpu.memref_slice %arg7[%dma_start3A_1010, %dma_start3A_1011, %dma_start3A_1012] : memref<26x4x128xf32, #tpu.memory_space<vmem>> -> memref<1x1x128xf32, #tpu.memory_space<vmem>>
    %dma_start3A_1014 = tpu.memref_squeeze %dma_start3A_1013 : memref<1x1x128xf32, #tpu.memory_space<vmem>> -> memref<128xf32, #tpu.memory_space<vmem>>
    %dma_start3A_1015 = arith.constant 0 : i32
    %dma_start3A_1016 = tpu.memref_slice %arg6[%dma_start3A_1008, %dma_start3A_1009, %dma_start3A_1015] : memref<26x4x128xi32, #tpu.memory_space<vmem>> -> memref<1x1x128xi32, #tpu.memory_space<vmem>>
    %dma_start3A_1017 = tpu.memref_squeeze %dma_start3A_1016 : memref<1x1x128xi32, #tpu.memory_space<vmem>> -> memref<128xi32, #tpu.memory_space<vmem>>
    %dma_start3A_1018 = arith.constant 0 : i32
    %dma_start3A_1019 = tpu.memref_slice %arg3[%dma_start3A_1018] : memref<1040000xf32, #tpu.memory_space<hbm>> -> memref<1040000xf32, #tpu.memory_space<hbm>>
    tpu.enqueue_indirect_dma source(%dma_start3A_1019 : memref<1040000xf32, #tpu.memory_space<hbm>>) target(%dma_start3A_1014 : memref<128xf32, #tpu.memory_space<vmem>>) offsets(%dma_start3A_1017 : memref<128xi32, #tpu.memory_space<vmem>>) semaphore(%arg10 : memref<!tpu.dma_semaphore, #tpu.memory_space<semaphore_mem>>)
    %dma_start3A_1020 = arith.constant 21 : i32
    %dma_start3A_1021 = arith.constant 1 : i32
    %dma_start3A_1022 = arith.constant 21 : i32
    %dma_start3A_1023 = arith.constant 1 : i32
    %dma_start3A_1024 = arith.constant 0 : i32
    %dma_start3A_1025 = tpu.memref_slice %arg7[%dma_start3A_1022, %dma_start3A_1023, %dma_start3A_1024] : memref<26x4x128xf32, #tpu.memory_space<vmem>> -> memref<1x1x128xf32, #tpu.memory_space<vmem>>
    %dma_start3A_1026 = tpu.memref_squeeze %dma_start3A_1025 : memref<1x1x128xf32, #tpu.memory_space<vmem>> -> memref<128xf32, #tpu.memory_space<vmem>>
    %dma_start3A_1027 = arith.constant 0 : i32
    %dma_start3A_1028 = tpu.memref_slice %arg6[%dma_start3A_1020, %dma_start3A_1021, %dma_start3A_1027] : memref<26x4x128xi32, #tpu.memory_space<vmem>> -> memref<1x1x128xi32, #tpu.memory_space<vmem>>
    %dma_start3A_1029 = tpu.memref_squeeze %dma_start3A_1028 : memref<1x1x128xi32, #tpu.memory_space<vmem>> -> memref<128xi32, #tpu.memory_space<vmem>>
    %dma_start3A_1030 = arith.constant 0 : i32
    %dma_start3A_1031 = tpu.memref_slice %arg3[%dma_start3A_1030] : memref<1040000xf32, #tpu.memory_space<hbm>> -> memref<1040000xf32, #tpu.memory_space<hbm>>
    tpu.enqueue_indirect_dma source(%dma_start3A_1031 : memref<1040000xf32, #tpu.memory_space<hbm>>) target(%dma_start3A_1026 : memref<128xf32, #tpu.memory_space<vmem>>) offsets(%dma_start3A_1029 : memref<128xi32, #tpu.memory_space<vmem>>) semaphore(%arg10 : memref<!tpu.dma_semaphore, #tpu.memory_space<semaphore_mem>>)
    %dma_start3A_1032 = arith.constant 21 : i32
    %dma_start3A_1033 = arith.constant 2 : i32
    %dma_start3A_1034 = arith.constant 21 : i32
    %dma_start3A_1035 = arith.constant 2 : i32
    %dma_start3A_1036 = arith.constant 0 : i32
    %dma_start3A_1037 = tpu.memref_slice %arg7[%dma_start3A_1034, %dma_start3A_1035, %dma_start3A_1036] : memref<26x4x128xf32, #tpu.memory_space<vmem>> -> memref<1x1x128xf32, #tpu.memory_space<vmem>>
    %dma_start3A_1038 = tpu.memref_squeeze %dma_start3A_1037 : memref<1x1x128xf32, #tpu.memory_space<vmem>> -> memref<128xf32, #tpu.memory_space<vmem>>
    %dma_start3A_1039 = arith.constant 0 : i32
    %dma_start3A_1040 = tpu.memref_slice %arg6[%dma_start3A_1032, %dma_start3A_1033, %dma_start3A_1039] : memref<26x4x128xi32, #tpu.memory_space<vmem>> -> memref<1x1x128xi32, #tpu.memory_space<vmem>>
    %dma_start3A_1041 = tpu.memref_squeeze %dma_start3A_1040 : memref<1x1x128xi32, #tpu.memory_space<vmem>> -> memref<128xi32, #tpu.memory_space<vmem>>
    %dma_start3A_1042 = arith.constant 0 : i32
    %dma_start3A_1043 = tpu.memref_slice %arg3[%dma_start3A_1042] : memref<1040000xf32, #tpu.memory_space<hbm>> -> memref<1040000xf32, #tpu.memory_space<hbm>>
    tpu.enqueue_indirect_dma source(%dma_start3A_1043 : memref<1040000xf32, #tpu.memory_space<hbm>>) target(%dma_start3A_1038 : memref<128xf32, #tpu.memory_space<vmem>>) offsets(%dma_start3A_1041 : memref<128xi32, #tpu.memory_space<vmem>>) semaphore(%arg10 : memref<!tpu.dma_semaphore, #tpu.memory_space<semaphore_mem>>)
    %dma_start3A_1044 = arith.constant 21 : i32
    %dma_start3A_1045 = arith.constant 3 : i32
    %dma_start3A_1046 = arith.constant 21 : i32
    %dma_start3A_1047 = arith.constant 3 : i32
    %dma_start3A_1048 = arith.constant 0 : i32
    %dma_start3A_1049 = tpu.memref_slice %arg7[%dma_start3A_1046, %dma_start3A_1047, %dma_start3A_1048] : memref<26x4x128xf32, #tpu.memory_space<vmem>> -> memref<1x1x128xf32, #tpu.memory_space<vmem>>
    %dma_start3A_1050 = tpu.memref_squeeze %dma_start3A_1049 : memref<1x1x128xf32, #tpu.memory_space<vmem>> -> memref<128xf32, #tpu.memory_space<vmem>>
    %dma_start3A_1051 = arith.constant 0 : i32
    %dma_start3A_1052 = tpu.memref_slice %arg6[%dma_start3A_1044, %dma_start3A_1045, %dma_start3A_1051] : memref<26x4x128xi32, #tpu.memory_space<vmem>> -> memref<1x1x128xi32, #tpu.memory_space<vmem>>
    %dma_start3A_1053 = tpu.memref_squeeze %dma_start3A_1052 : memref<1x1x128xi32, #tpu.memory_space<vmem>> -> memref<128xi32, #tpu.memory_space<vmem>>
    %dma_start3A_1054 = arith.constant 0 : i32
    %dma_start3A_1055 = tpu.memref_slice %arg3[%dma_start3A_1054] : memref<1040000xf32, #tpu.memory_space<hbm>> -> memref<1040000xf32, #tpu.memory_space<hbm>>
    tpu.enqueue_indirect_dma source(%dma_start3A_1055 : memref<1040000xf32, #tpu.memory_space<hbm>>) target(%dma_start3A_1050 : memref<128xf32, #tpu.memory_space<vmem>>) offsets(%dma_start3A_1053 : memref<128xi32, #tpu.memory_space<vmem>>) semaphore(%arg10 : memref<!tpu.dma_semaphore, #tpu.memory_space<semaphore_mem>>)
    %dma_start3A_1056 = arith.constant 22 : i32
    %dma_start3A_1057 = arith.constant 0 : i32
    %dma_start3A_1058 = arith.constant 22 : i32
    %dma_start3A_1059 = arith.constant 0 : i32
    %dma_start3A_1060 = arith.constant 0 : i32
    %dma_start3A_1061 = tpu.memref_slice %arg7[%dma_start3A_1058, %dma_start3A_1059, %dma_start3A_1060] : memref<26x4x128xf32, #tpu.memory_space<vmem>> -> memref<1x1x128xf32, #tpu.memory_space<vmem>>
    %dma_start3A_1062 = tpu.memref_squeeze %dma_start3A_1061 : memref<1x1x128xf32, #tpu.memory_space<vmem>> -> memref<128xf32, #tpu.memory_space<vmem>>
    %dma_start3A_1063 = arith.constant 0 : i32
    %dma_start3A_1064 = tpu.memref_slice %arg6[%dma_start3A_1056, %dma_start3A_1057, %dma_start3A_1063] : memref<26x4x128xi32, #tpu.memory_space<vmem>> -> memref<1x1x128xi32, #tpu.memory_space<vmem>>
    %dma_start3A_1065 = tpu.memref_squeeze %dma_start3A_1064 : memref<1x1x128xi32, #tpu.memory_space<vmem>> -> memref<128xi32, #tpu.memory_space<vmem>>
    %dma_start3A_1066 = arith.constant 0 : i32
    %dma_start3A_1067 = tpu.memref_slice %arg3[%dma_start3A_1066] : memref<1040000xf32, #tpu.memory_space<hbm>> -> memref<1040000xf32, #tpu.memory_space<hbm>>
    tpu.enqueue_indirect_dma source(%dma_start3A_1067 : memref<1040000xf32, #tpu.memory_space<hbm>>) target(%dma_start3A_1062 : memref<128xf32, #tpu.memory_space<vmem>>) offsets(%dma_start3A_1065 : memref<128xi32, #tpu.memory_space<vmem>>) semaphore(%arg10 : memref<!tpu.dma_semaphore, #tpu.memory_space<semaphore_mem>>)
    %dma_start3A_1068 = arith.constant 22 : i32
    %dma_start3A_1069 = arith.constant 1 : i32
    %dma_start3A_1070 = arith.constant 22 : i32
    %dma_start3A_1071 = arith.constant 1 : i32
    %dma_start3A_1072 = arith.constant 0 : i32
    %dma_start3A_1073 = tpu.memref_slice %arg7[%dma_start3A_1070, %dma_start3A_1071, %dma_start3A_1072] : memref<26x4x128xf32, #tpu.memory_space<vmem>> -> memref<1x1x128xf32, #tpu.memory_space<vmem>>
    %dma_start3A_1074 = tpu.memref_squeeze %dma_start3A_1073 : memref<1x1x128xf32, #tpu.memory_space<vmem>> -> memref<128xf32, #tpu.memory_space<vmem>>
    %dma_start3A_1075 = arith.constant 0 : i32
    %dma_start3A_1076 = tpu.memref_slice %arg6[%dma_start3A_1068, %dma_start3A_1069, %dma_start3A_1075] : memref<26x4x128xi32, #tpu.memory_space<vmem>> -> memref<1x1x128xi32, #tpu.memory_space<vmem>>
    %dma_start3A_1077 = tpu.memref_squeeze %dma_start3A_1076 : memref<1x1x128xi32, #tpu.memory_space<vmem>> -> memref<128xi32, #tpu.memory_space<vmem>>
    %dma_start3A_1078 = arith.constant 0 : i32
    %dma_start3A_1079 = tpu.memref_slice %arg3[%dma_start3A_1078] : memref<1040000xf32, #tpu.memory_space<hbm>> -> memref<1040000xf32, #tpu.memory_space<hbm>>
    tpu.enqueue_indirect_dma source(%dma_start3A_1079 : memref<1040000xf32, #tpu.memory_space<hbm>>) target(%dma_start3A_1074 : memref<128xf32, #tpu.memory_space<vmem>>) offsets(%dma_start3A_1077 : memref<128xi32, #tpu.memory_space<vmem>>) semaphore(%arg10 : memref<!tpu.dma_semaphore, #tpu.memory_space<semaphore_mem>>)
    %dma_start3A_1080 = arith.constant 22 : i32
    %dma_start3A_1081 = arith.constant 2 : i32
    %dma_start3A_1082 = arith.constant 22 : i32
    %dma_start3A_1083 = arith.constant 2 : i32
    %dma_start3A_1084 = arith.constant 0 : i32
    %dma_start3A_1085 = tpu.memref_slice %arg7[%dma_start3A_1082, %dma_start3A_1083, %dma_start3A_1084] : memref<26x4x128xf32, #tpu.memory_space<vmem>> -> memref<1x1x128xf32, #tpu.memory_space<vmem>>
    %dma_start3A_1086 = tpu.memref_squeeze %dma_start3A_1085 : memref<1x1x128xf32, #tpu.memory_space<vmem>> -> memref<128xf32, #tpu.memory_space<vmem>>
    %dma_start3A_1087 = arith.constant 0 : i32
    %dma_start3A_1088 = tpu.memref_slice %arg6[%dma_start3A_1080, %dma_start3A_1081, %dma_start3A_1087] : memref<26x4x128xi32, #tpu.memory_space<vmem>> -> memref<1x1x128xi32, #tpu.memory_space<vmem>>
    %dma_start3A_1089 = tpu.memref_squeeze %dma_start3A_1088 : memref<1x1x128xi32, #tpu.memory_space<vmem>> -> memref<128xi32, #tpu.memory_space<vmem>>
    %dma_start3A_1090 = arith.constant 0 : i32
    %dma_start3A_1091 = tpu.memref_slice %arg3[%dma_start3A_1090] : memref<1040000xf32, #tpu.memory_space<hbm>> -> memref<1040000xf32, #tpu.memory_space<hbm>>
    tpu.enqueue_indirect_dma source(%dma_start3A_1091 : memref<1040000xf32, #tpu.memory_space<hbm>>) target(%dma_start3A_1086 : memref<128xf32, #tpu.memory_space<vmem>>) offsets(%dma_start3A_1089 : memref<128xi32, #tpu.memory_space<vmem>>) semaphore(%arg10 : memref<!tpu.dma_semaphore, #tpu.memory_space<semaphore_mem>>)
    %dma_start3A_1092 = arith.constant 22 : i32
    %dma_start3A_1093 = arith.constant 3 : i32
    %dma_start3A_1094 = arith.constant 22 : i32
    %dma_start3A_1095 = arith.constant 3 : i32
    %dma_start3A_1096 = arith.constant 0 : i32
    %dma_start3A_1097 = tpu.memref_slice %arg7[%dma_start3A_1094, %dma_start3A_1095, %dma_start3A_1096] : memref<26x4x128xf32, #tpu.memory_space<vmem>> -> memref<1x1x128xf32, #tpu.memory_space<vmem>>
    %dma_start3A_1098 = tpu.memref_squeeze %dma_start3A_1097 : memref<1x1x128xf32, #tpu.memory_space<vmem>> -> memref<128xf32, #tpu.memory_space<vmem>>
    %dma_start3A_1099 = arith.constant 0 : i32
    %dma_start3A_1100 = tpu.memref_slice %arg6[%dma_start3A_1092, %dma_start3A_1093, %dma_start3A_1099] : memref<26x4x128xi32, #tpu.memory_space<vmem>> -> memref<1x1x128xi32, #tpu.memory_space<vmem>>
    %dma_start3A_1101 = tpu.memref_squeeze %dma_start3A_1100 : memref<1x1x128xi32, #tpu.memory_space<vmem>> -> memref<128xi32, #tpu.memory_space<vmem>>
    %dma_start3A_1102 = arith.constant 0 : i32
    %dma_start3A_1103 = tpu.memref_slice %arg3[%dma_start3A_1102] : memref<1040000xf32, #tpu.memory_space<hbm>> -> memref<1040000xf32, #tpu.memory_space<hbm>>
    tpu.enqueue_indirect_dma source(%dma_start3A_1103 : memref<1040000xf32, #tpu.memory_space<hbm>>) target(%dma_start3A_1098 : memref<128xf32, #tpu.memory_space<vmem>>) offsets(%dma_start3A_1101 : memref<128xi32, #tpu.memory_space<vmem>>) semaphore(%arg10 : memref<!tpu.dma_semaphore, #tpu.memory_space<semaphore_mem>>)
    %dma_start3A_1104 = arith.constant 23 : i32
    %dma_start3A_1105 = arith.constant 0 : i32
    %dma_start3A_1106 = arith.constant 23 : i32
    %dma_start3A_1107 = arith.constant 0 : i32
    %dma_start3A_1108 = arith.constant 0 : i32
    %dma_start3A_1109 = tpu.memref_slice %arg7[%dma_start3A_1106, %dma_start3A_1107, %dma_start3A_1108] : memref<26x4x128xf32, #tpu.memory_space<vmem>> -> memref<1x1x128xf32, #tpu.memory_space<vmem>>
    %dma_start3A_1110 = tpu.memref_squeeze %dma_start3A_1109 : memref<1x1x128xf32, #tpu.memory_space<vmem>> -> memref<128xf32, #tpu.memory_space<vmem>>
    %dma_start3A_1111 = arith.constant 0 : i32
    %dma_start3A_1112 = tpu.memref_slice %arg6[%dma_start3A_1104, %dma_start3A_1105, %dma_start3A_1111] : memref<26x4x128xi32, #tpu.memory_space<vmem>> -> memref<1x1x128xi32, #tpu.memory_space<vmem>>
    %dma_start3A_1113 = tpu.memref_squeeze %dma_start3A_1112 : memref<1x1x128xi32, #tpu.memory_space<vmem>> -> memref<128xi32, #tpu.memory_space<vmem>>
    %dma_start3A_1114 = arith.constant 0 : i32
    %dma_start3A_1115 = tpu.memref_slice %arg3[%dma_start3A_1114] : memref<1040000xf32, #tpu.memory_space<hbm>> -> memref<1040000xf32, #tpu.memory_space<hbm>>
    tpu.enqueue_indirect_dma source(%dma_start3A_1115 : memref<1040000xf32, #tpu.memory_space<hbm>>) target(%dma_start3A_1110 : memref<128xf32, #tpu.memory_space<vmem>>) offsets(%dma_start3A_1113 : memref<128xi32, #tpu.memory_space<vmem>>) semaphore(%arg10 : memref<!tpu.dma_semaphore, #tpu.memory_space<semaphore_mem>>)
    %dma_start3A_1116 = arith.constant 23 : i32
    %dma_start3A_1117 = arith.constant 1 : i32
    %dma_start3A_1118 = arith.constant 23 : i32
    %dma_start3A_1119 = arith.constant 1 : i32
    %dma_start3A_1120 = arith.constant 0 : i32
    %dma_start3A_1121 = tpu.memref_slice %arg7[%dma_start3A_1118, %dma_start3A_1119, %dma_start3A_1120] : memref<26x4x128xf32, #tpu.memory_space<vmem>> -> memref<1x1x128xf32, #tpu.memory_space<vmem>>
    %dma_start3A_1122 = tpu.memref_squeeze %dma_start3A_1121 : memref<1x1x128xf32, #tpu.memory_space<vmem>> -> memref<128xf32, #tpu.memory_space<vmem>>
    %dma_start3A_1123 = arith.constant 0 : i32
    %dma_start3A_1124 = tpu.memref_slice %arg6[%dma_start3A_1116, %dma_start3A_1117, %dma_start3A_1123] : memref<26x4x128xi32, #tpu.memory_space<vmem>> -> memref<1x1x128xi32, #tpu.memory_space<vmem>>
    %dma_start3A_1125 = tpu.memref_squeeze %dma_start3A_1124 : memref<1x1x128xi32, #tpu.memory_space<vmem>> -> memref<128xi32, #tpu.memory_space<vmem>>
    %dma_start3A_1126 = arith.constant 0 : i32
    %dma_start3A_1127 = tpu.memref_slice %arg3[%dma_start3A_1126] : memref<1040000xf32, #tpu.memory_space<hbm>> -> memref<1040000xf32, #tpu.memory_space<hbm>>
    tpu.enqueue_indirect_dma source(%dma_start3A_1127 : memref<1040000xf32, #tpu.memory_space<hbm>>) target(%dma_start3A_1122 : memref<128xf32, #tpu.memory_space<vmem>>) offsets(%dma_start3A_1125 : memref<128xi32, #tpu.memory_space<vmem>>) semaphore(%arg10 : memref<!tpu.dma_semaphore, #tpu.memory_space<semaphore_mem>>)
    %dma_start3A_1128 = arith.constant 23 : i32
    %dma_start3A_1129 = arith.constant 2 : i32
    %dma_start3A_1130 = arith.constant 23 : i32
    %dma_start3A_1131 = arith.constant 2 : i32
    %dma_start3A_1132 = arith.constant 0 : i32
    %dma_start3A_1133 = tpu.memref_slice %arg7[%dma_start3A_1130, %dma_start3A_1131, %dma_start3A_1132] : memref<26x4x128xf32, #tpu.memory_space<vmem>> -> memref<1x1x128xf32, #tpu.memory_space<vmem>>
    %dma_start3A_1134 = tpu.memref_squeeze %dma_start3A_1133 : memref<1x1x128xf32, #tpu.memory_space<vmem>> -> memref<128xf32, #tpu.memory_space<vmem>>
    %dma_start3A_1135 = arith.constant 0 : i32
    %dma_start3A_1136 = tpu.memref_slice %arg6[%dma_start3A_1128, %dma_start3A_1129, %dma_start3A_1135] : memref<26x4x128xi32, #tpu.memory_space<vmem>> -> memref<1x1x128xi32, #tpu.memory_space<vmem>>
    %dma_start3A_1137 = tpu.memref_squeeze %dma_start3A_1136 : memref<1x1x128xi32, #tpu.memory_space<vmem>> -> memref<128xi32, #tpu.memory_space<vmem>>
    %dma_start3A_1138 = arith.constant 0 : i32
    %dma_start3A_1139 = tpu.memref_slice %arg3[%dma_start3A_1138] : memref<1040000xf32, #tpu.memory_space<hbm>> -> memref<1040000xf32, #tpu.memory_space<hbm>>
    tpu.enqueue_indirect_dma source(%dma_start3A_1139 : memref<1040000xf32, #tpu.memory_space<hbm>>) target(%dma_start3A_1134 : memref<128xf32, #tpu.memory_space<vmem>>) offsets(%dma_start3A_1137 : memref<128xi32, #tpu.memory_space<vmem>>) semaphore(%arg10 : memref<!tpu.dma_semaphore, #tpu.memory_space<semaphore_mem>>)
    %dma_start3A_1140 = arith.constant 23 : i32
    %dma_start3A_1141 = arith.constant 3 : i32
    %dma_start3A_1142 = arith.constant 23 : i32
    %dma_start3A_1143 = arith.constant 3 : i32
    %dma_start3A_1144 = arith.constant 0 : i32
    %dma_start3A_1145 = tpu.memref_slice %arg7[%dma_start3A_1142, %dma_start3A_1143, %dma_start3A_1144] : memref<26x4x128xf32, #tpu.memory_space<vmem>> -> memref<1x1x128xf32, #tpu.memory_space<vmem>>
    %dma_start3A_1146 = tpu.memref_squeeze %dma_start3A_1145 : memref<1x1x128xf32, #tpu.memory_space<vmem>> -> memref<128xf32, #tpu.memory_space<vmem>>
    %dma_start3A_1147 = arith.constant 0 : i32
    %dma_start3A_1148 = tpu.memref_slice %arg6[%dma_start3A_1140, %dma_start3A_1141, %dma_start3A_1147] : memref<26x4x128xi32, #tpu.memory_space<vmem>> -> memref<1x1x128xi32, #tpu.memory_space<vmem>>
    %dma_start3A_1149 = tpu.memref_squeeze %dma_start3A_1148 : memref<1x1x128xi32, #tpu.memory_space<vmem>> -> memref<128xi32, #tpu.memory_space<vmem>>
    %dma_start3A_1150 = arith.constant 0 : i32
    %dma_start3A_1151 = tpu.memref_slice %arg3[%dma_start3A_1150] : memref<1040000xf32, #tpu.memory_space<hbm>> -> memref<1040000xf32, #tpu.memory_space<hbm>>
    tpu.enqueue_indirect_dma source(%dma_start3A_1151 : memref<1040000xf32, #tpu.memory_space<hbm>>) target(%dma_start3A_1146 : memref<128xf32, #tpu.memory_space<vmem>>) offsets(%dma_start3A_1149 : memref<128xi32, #tpu.memory_space<vmem>>) semaphore(%arg10 : memref<!tpu.dma_semaphore, #tpu.memory_space<semaphore_mem>>)
    %dma_start3A_1152 = arith.constant 24 : i32
    %dma_start3A_1153 = arith.constant 0 : i32
    %dma_start3A_1154 = arith.constant 24 : i32
    %dma_start3A_1155 = arith.constant 0 : i32
    %dma_start3A_1156 = arith.constant 0 : i32
    %dma_start3A_1157 = tpu.memref_slice %arg7[%dma_start3A_1154, %dma_start3A_1155, %dma_start3A_1156] : memref<26x4x128xf32, #tpu.memory_space<vmem>> -> memref<1x1x128xf32, #tpu.memory_space<vmem>>
    %dma_start3A_1158 = tpu.memref_squeeze %dma_start3A_1157 : memref<1x1x128xf32, #tpu.memory_space<vmem>> -> memref<128xf32, #tpu.memory_space<vmem>>
    %dma_start3A_1159 = arith.constant 0 : i32
    %dma_start3A_1160 = tpu.memref_slice %arg6[%dma_start3A_1152, %dma_start3A_1153, %dma_start3A_1159] : memref<26x4x128xi32, #tpu.memory_space<vmem>> -> memref<1x1x128xi32, #tpu.memory_space<vmem>>
    %dma_start3A_1161 = tpu.memref_squeeze %dma_start3A_1160 : memref<1x1x128xi32, #tpu.memory_space<vmem>> -> memref<128xi32, #tpu.memory_space<vmem>>
    %dma_start3A_1162 = arith.constant 0 : i32
    %dma_start3A_1163 = tpu.memref_slice %arg3[%dma_start3A_1162] : memref<1040000xf32, #tpu.memory_space<hbm>> -> memref<1040000xf32, #tpu.memory_space<hbm>>
    tpu.enqueue_indirect_dma source(%dma_start3A_1163 : memref<1040000xf32, #tpu.memory_space<hbm>>) target(%dma_start3A_1158 : memref<128xf32, #tpu.memory_space<vmem>>) offsets(%dma_start3A_1161 : memref<128xi32, #tpu.memory_space<vmem>>) semaphore(%arg10 : memref<!tpu.dma_semaphore, #tpu.memory_space<semaphore_mem>>)
    %dma_start3A_1164 = arith.constant 24 : i32
    %dma_start3A_1165 = arith.constant 1 : i32
    %dma_start3A_1166 = arith.constant 24 : i32
    %dma_start3A_1167 = arith.constant 1 : i32
    %dma_start3A_1168 = arith.constant 0 : i32
    %dma_start3A_1169 = tpu.memref_slice %arg7[%dma_start3A_1166, %dma_start3A_1167, %dma_start3A_1168] : memref<26x4x128xf32, #tpu.memory_space<vmem>> -> memref<1x1x128xf32, #tpu.memory_space<vmem>>
    %dma_start3A_1170 = tpu.memref_squeeze %dma_start3A_1169 : memref<1x1x128xf32, #tpu.memory_space<vmem>> -> memref<128xf32, #tpu.memory_space<vmem>>
    %dma_start3A_1171 = arith.constant 0 : i32
    %dma_start3A_1172 = tpu.memref_slice %arg6[%dma_start3A_1164, %dma_start3A_1165, %dma_start3A_1171] : memref<26x4x128xi32, #tpu.memory_space<vmem>> -> memref<1x1x128xi32, #tpu.memory_space<vmem>>
    %dma_start3A_1173 = tpu.memref_squeeze %dma_start3A_1172 : memref<1x1x128xi32, #tpu.memory_space<vmem>> -> memref<128xi32, #tpu.memory_space<vmem>>
    %dma_start3A_1174 = arith.constant 0 : i32
    %dma_start3A_1175 = tpu.memref_slice %arg3[%dma_start3A_1174] : memref<1040000xf32, #tpu.memory_space<hbm>> -> memref<1040000xf32, #tpu.memory_space<hbm>>
    tpu.enqueue_indirect_dma source(%dma_start3A_1175 : memref<1040000xf32, #tpu.memory_space<hbm>>) target(%dma_start3A_1170 : memref<128xf32, #tpu.memory_space<vmem>>) offsets(%dma_start3A_1173 : memref<128xi32, #tpu.memory_space<vmem>>) semaphore(%arg10 : memref<!tpu.dma_semaphore, #tpu.memory_space<semaphore_mem>>)
    %dma_start3A_1176 = arith.constant 24 : i32
    %dma_start3A_1177 = arith.constant 2 : i32
    %dma_start3A_1178 = arith.constant 24 : i32
    %dma_start3A_1179 = arith.constant 2 : i32
    %dma_start3A_1180 = arith.constant 0 : i32
    %dma_start3A_1181 = tpu.memref_slice %arg7[%dma_start3A_1178, %dma_start3A_1179, %dma_start3A_1180] : memref<26x4x128xf32, #tpu.memory_space<vmem>> -> memref<1x1x128xf32, #tpu.memory_space<vmem>>
    %dma_start3A_1182 = tpu.memref_squeeze %dma_start3A_1181 : memref<1x1x128xf32, #tpu.memory_space<vmem>> -> memref<128xf32, #tpu.memory_space<vmem>>
    %dma_start3A_1183 = arith.constant 0 : i32
    %dma_start3A_1184 = tpu.memref_slice %arg6[%dma_start3A_1176, %dma_start3A_1177, %dma_start3A_1183] : memref<26x4x128xi32, #tpu.memory_space<vmem>> -> memref<1x1x128xi32, #tpu.memory_space<vmem>>
    %dma_start3A_1185 = tpu.memref_squeeze %dma_start3A_1184 : memref<1x1x128xi32, #tpu.memory_space<vmem>> -> memref<128xi32, #tpu.memory_space<vmem>>
    %dma_start3A_1186 = arith.constant 0 : i32
    %dma_start3A_1187 = tpu.memref_slice %arg3[%dma_start3A_1186] : memref<1040000xf32, #tpu.memory_space<hbm>> -> memref<1040000xf32, #tpu.memory_space<hbm>>
    tpu.enqueue_indirect_dma source(%dma_start3A_1187 : memref<1040000xf32, #tpu.memory_space<hbm>>) target(%dma_start3A_1182 : memref<128xf32, #tpu.memory_space<vmem>>) offsets(%dma_start3A_1185 : memref<128xi32, #tpu.memory_space<vmem>>) semaphore(%arg10 : memref<!tpu.dma_semaphore, #tpu.memory_space<semaphore_mem>>)
    %dma_start3A_1188 = arith.constant 24 : i32
    %dma_start3A_1189 = arith.constant 3 : i32
    %dma_start3A_1190 = arith.constant 24 : i32
    %dma_start3A_1191 = arith.constant 3 : i32
    %dma_start3A_1192 = arith.constant 0 : i32
    %dma_start3A_1193 = tpu.memref_slice %arg7[%dma_start3A_1190, %dma_start3A_1191, %dma_start3A_1192] : memref<26x4x128xf32, #tpu.memory_space<vmem>> -> memref<1x1x128xf32, #tpu.memory_space<vmem>>
    %dma_start3A_1194 = tpu.memref_squeeze %dma_start3A_1193 : memref<1x1x128xf32, #tpu.memory_space<vmem>> -> memref<128xf32, #tpu.memory_space<vmem>>
    %dma_start3A_1195 = arith.constant 0 : i32
    %dma_start3A_1196 = tpu.memref_slice %arg6[%dma_start3A_1188, %dma_start3A_1189, %dma_start3A_1195] : memref<26x4x128xi32, #tpu.memory_space<vmem>> -> memref<1x1x128xi32, #tpu.memory_space<vmem>>
    %dma_start3A_1197 = tpu.memref_squeeze %dma_start3A_1196 : memref<1x1x128xi32, #tpu.memory_space<vmem>> -> memref<128xi32, #tpu.memory_space<vmem>>
    %dma_start3A_1198 = arith.constant 0 : i32
    %dma_start3A_1199 = tpu.memref_slice %arg3[%dma_start3A_1198] : memref<1040000xf32, #tpu.memory_space<hbm>> -> memref<1040000xf32, #tpu.memory_space<hbm>>
    tpu.enqueue_indirect_dma source(%dma_start3A_1199 : memref<1040000xf32, #tpu.memory_space<hbm>>) target(%dma_start3A_1194 : memref<128xf32, #tpu.memory_space<vmem>>) offsets(%dma_start3A_1197 : memref<128xi32, #tpu.memory_space<vmem>>) semaphore(%arg10 : memref<!tpu.dma_semaphore, #tpu.memory_space<semaphore_mem>>)
    %dma_start3A_1200 = arith.constant 25 : i32
    %dma_start3A_1201 = arith.constant 0 : i32
    %dma_start3A_1202 = arith.constant 25 : i32
    %dma_start3A_1203 = arith.constant 0 : i32
    %dma_start3A_1204 = arith.constant 0 : i32
    %dma_start3A_1205 = tpu.memref_slice %arg7[%dma_start3A_1202, %dma_start3A_1203, %dma_start3A_1204] : memref<26x4x128xf32, #tpu.memory_space<vmem>> -> memref<1x1x128xf32, #tpu.memory_space<vmem>>
    %dma_start3A_1206 = tpu.memref_squeeze %dma_start3A_1205 : memref<1x1x128xf32, #tpu.memory_space<vmem>> -> memref<128xf32, #tpu.memory_space<vmem>>
    %dma_start3A_1207 = arith.constant 0 : i32
    %dma_start3A_1208 = tpu.memref_slice %arg6[%dma_start3A_1200, %dma_start3A_1201, %dma_start3A_1207] : memref<26x4x128xi32, #tpu.memory_space<vmem>> -> memref<1x1x128xi32, #tpu.memory_space<vmem>>
    %dma_start3A_1209 = tpu.memref_squeeze %dma_start3A_1208 : memref<1x1x128xi32, #tpu.memory_space<vmem>> -> memref<128xi32, #tpu.memory_space<vmem>>
    %dma_start3A_1210 = arith.constant 0 : i32
    %dma_start3A_1211 = tpu.memref_slice %arg3[%dma_start3A_1210] : memref<1040000xf32, #tpu.memory_space<hbm>> -> memref<1040000xf32, #tpu.memory_space<hbm>>
    tpu.enqueue_indirect_dma source(%dma_start3A_1211 : memref<1040000xf32, #tpu.memory_space<hbm>>) target(%dma_start3A_1206 : memref<128xf32, #tpu.memory_space<vmem>>) offsets(%dma_start3A_1209 : memref<128xi32, #tpu.memory_space<vmem>>) semaphore(%arg10 : memref<!tpu.dma_semaphore, #tpu.memory_space<semaphore_mem>>)
    %dma_start3A_1212 = arith.constant 25 : i32
    %dma_start3A_1213 = arith.constant 1 : i32
    %dma_start3A_1214 = arith.constant 25 : i32
    %dma_start3A_1215 = arith.constant 1 : i32
    %dma_start3A_1216 = arith.constant 0 : i32
    %dma_start3A_1217 = tpu.memref_slice %arg7[%dma_start3A_1214, %dma_start3A_1215, %dma_start3A_1216] : memref<26x4x128xf32, #tpu.memory_space<vmem>> -> memref<1x1x128xf32, #tpu.memory_space<vmem>>
    %dma_start3A_1218 = tpu.memref_squeeze %dma_start3A_1217 : memref<1x1x128xf32, #tpu.memory_space<vmem>> -> memref<128xf32, #tpu.memory_space<vmem>>
    %dma_start3A_1219 = arith.constant 0 : i32
    %dma_start3A_1220 = tpu.memref_slice %arg6[%dma_start3A_1212, %dma_start3A_1213, %dma_start3A_1219] : memref<26x4x128xi32, #tpu.memory_space<vmem>> -> memref<1x1x128xi32, #tpu.memory_space<vmem>>
    %dma_start3A_1221 = tpu.memref_squeeze %dma_start3A_1220 : memref<1x1x128xi32, #tpu.memory_space<vmem>> -> memref<128xi32, #tpu.memory_space<vmem>>
    %dma_start3A_1222 = arith.constant 0 : i32
    %dma_start3A_1223 = tpu.memref_slice %arg3[%dma_start3A_1222] : memref<1040000xf32, #tpu.memory_space<hbm>> -> memref<1040000xf32, #tpu.memory_space<hbm>>
    tpu.enqueue_indirect_dma source(%dma_start3A_1223 : memref<1040000xf32, #tpu.memory_space<hbm>>) target(%dma_start3A_1218 : memref<128xf32, #tpu.memory_space<vmem>>) offsets(%dma_start3A_1221 : memref<128xi32, #tpu.memory_space<vmem>>) semaphore(%arg10 : memref<!tpu.dma_semaphore, #tpu.memory_space<semaphore_mem>>)
    %dma_start3A_1224 = arith.constant 25 : i32
    %dma_start3A_1225 = arith.constant 2 : i32
    %dma_start3A_1226 = arith.constant 25 : i32
    %dma_start3A_1227 = arith.constant 2 : i32
    %dma_start3A_1228 = arith.constant 0 : i32
    %dma_start3A_1229 = tpu.memref_slice %arg7[%dma_start3A_1226, %dma_start3A_1227, %dma_start3A_1228] : memref<26x4x128xf32, #tpu.memory_space<vmem>> -> memref<1x1x128xf32, #tpu.memory_space<vmem>>
    %dma_start3A_1230 = tpu.memref_squeeze %dma_start3A_1229 : memref<1x1x128xf32, #tpu.memory_space<vmem>> -> memref<128xf32, #tpu.memory_space<vmem>>
    %dma_start3A_1231 = arith.constant 0 : i32
    %dma_start3A_1232 = tpu.memref_slice %arg6[%dma_start3A_1224, %dma_start3A_1225, %dma_start3A_1231] : memref<26x4x128xi32, #tpu.memory_space<vmem>> -> memref<1x1x128xi32, #tpu.memory_space<vmem>>
    %dma_start3A_1233 = tpu.memref_squeeze %dma_start3A_1232 : memref<1x1x128xi32, #tpu.memory_space<vmem>> -> memref<128xi32, #tpu.memory_space<vmem>>
    %dma_start3A_1234 = arith.constant 0 : i32
    %dma_start3A_1235 = tpu.memref_slice %arg3[%dma_start3A_1234] : memref<1040000xf32, #tpu.memory_space<hbm>> -> memref<1040000xf32, #tpu.memory_space<hbm>>
    tpu.enqueue_indirect_dma source(%dma_start3A_1235 : memref<1040000xf32, #tpu.memory_space<hbm>>) target(%dma_start3A_1230 : memref<128xf32, #tpu.memory_space<vmem>>) offsets(%dma_start3A_1233 : memref<128xi32, #tpu.memory_space<vmem>>) semaphore(%arg10 : memref<!tpu.dma_semaphore, #tpu.memory_space<semaphore_mem>>)
    %dma_start3A_1236 = arith.constant 25 : i32
    %dma_start3A_1237 = arith.constant 3 : i32
    %dma_start3A_1238 = arith.constant 25 : i32
    %dma_start3A_1239 = arith.constant 3 : i32
    %dma_start3A_1240 = arith.constant 0 : i32
    %dma_start3A_1241 = tpu.memref_slice %arg7[%dma_start3A_1238, %dma_start3A_1239, %dma_start3A_1240] : memref<26x4x128xf32, #tpu.memory_space<vmem>> -> memref<1x1x128xf32, #tpu.memory_space<vmem>>
    %dma_start3A_1242 = tpu.memref_squeeze %dma_start3A_1241 : memref<1x1x128xf32, #tpu.memory_space<vmem>> -> memref<128xf32, #tpu.memory_space<vmem>>
    %dma_start3A_1243 = arith.constant 0 : i32
    %dma_start3A_1244 = tpu.memref_slice %arg6[%dma_start3A_1236, %dma_start3A_1237, %dma_start3A_1243] : memref<26x4x128xi32, #tpu.memory_space<vmem>> -> memref<1x1x128xi32, #tpu.memory_space<vmem>>
    %dma_start3A_1245 = tpu.memref_squeeze %dma_start3A_1244 : memref<1x1x128xi32, #tpu.memory_space<vmem>> -> memref<128xi32, #tpu.memory_space<vmem>>
    %dma_start3A_1246 = arith.constant 0 : i32
    %dma_start3A_1247 = tpu.memref_slice %arg3[%dma_start3A_1246] : memref<1040000xf32, #tpu.memory_space<hbm>> -> memref<1040000xf32, #tpu.memory_space<hbm>>
    tpu.enqueue_indirect_dma source(%dma_start3A_1247 : memref<1040000xf32, #tpu.memory_space<hbm>>) target(%dma_start3A_1242 : memref<128xf32, #tpu.memory_space<vmem>>) offsets(%dma_start3A_1245 : memref<128xi32, #tpu.memory_space<vmem>>) semaphore(%arg10 : memref<!tpu.dma_semaphore, #tpu.memory_space<semaphore_mem>>)
    %dma_wait3A = arith.constant 0 : i32
    %dma_wait3A_1248 = arith.constant 0 : i32
    %dma_wait3A_1249 = arith.constant 0 : i32
    %dma_wait3A_1250 = arith.constant 0 : i32
    %dma_wait3A_1251 = arith.constant 0 : i32
    %dma_wait3A_1252 = tpu.memref_slice %arg7[%dma_wait3A_1249, %dma_wait3A_1250, %dma_wait3A_1251] : memref<26x4x128xf32, #tpu.memory_space<vmem>> -> memref<1x1x128xf32, #tpu.memory_space<vmem>>
    %dma_wait3A_1253 = tpu.memref_squeeze %dma_wait3A_1252 : memref<1x1x128xf32, #tpu.memory_space<vmem>> -> memref<128xf32, #tpu.memory_space<vmem>>
    %dma_wait3A_1254 = arith.constant 0 : i32
    %dma_wait3A_1255 = tpu.memref_slice %arg6[%dma_wait3A, %dma_wait3A_1248, %dma_wait3A_1254] : memref<26x4x128xi32, #tpu.memory_space<vmem>> -> memref<1x1x128xi32, #tpu.memory_space<vmem>>
    %dma_wait3A_1256 = tpu.memref_squeeze %dma_wait3A_1255 : memref<1x1x128xi32, #tpu.memory_space<vmem>> -> memref<128xi32, #tpu.memory_space<vmem>>
    %dma_wait3A_1257 = arith.constant 0 : i32
    %dma_wait3A_1258 = tpu.memref_slice %arg3[%dma_wait3A_1257] : memref<1040000xf32, #tpu.memory_space<hbm>> -> memref<1040000xf32, #tpu.memory_space<hbm>>
    tpu.wait_indirect_dma semaphore(%arg10 : memref<!tpu.dma_semaphore, #tpu.memory_space<semaphore_mem>>) src(%dma_wait3A_1258 : memref<1040000xf32, #tpu.memory_space<hbm>>) dst(%dma_wait3A_1253 : memref<128xf32, #tpu.memory_space<vmem>>)
    %dma_wait3A_1259 = arith.constant 0 : i32
    %dma_wait3A_1260 = arith.constant 1 : i32
    %dma_wait3A_1261 = arith.constant 0 : i32
    %dma_wait3A_1262 = arith.constant 1 : i32
    %dma_wait3A_1263 = arith.constant 0 : i32
    %dma_wait3A_1264 = tpu.memref_slice %arg7[%dma_wait3A_1261, %dma_wait3A_1262, %dma_wait3A_1263] : memref<26x4x128xf32, #tpu.memory_space<vmem>> -> memref<1x1x128xf32, #tpu.memory_space<vmem>>
    %dma_wait3A_1265 = tpu.memref_squeeze %dma_wait3A_1264 : memref<1x1x128xf32, #tpu.memory_space<vmem>> -> memref<128xf32, #tpu.memory_space<vmem>>
    %dma_wait3A_1266 = arith.constant 0 : i32
    %dma_wait3A_1267 = tpu.memref_slice %arg6[%dma_wait3A_1259, %dma_wait3A_1260, %dma_wait3A_1266] : memref<26x4x128xi32, #tpu.memory_space<vmem>> -> memref<1x1x128xi32, #tpu.memory_space<vmem>>
    %dma_wait3A_1268 = tpu.memref_squeeze %dma_wait3A_1267 : memref<1x1x128xi32, #tpu.memory_space<vmem>> -> memref<128xi32, #tpu.memory_space<vmem>>
    %dma_wait3A_1269 = arith.constant 0 : i32
    %dma_wait3A_1270 = tpu.memref_slice %arg3[%dma_wait3A_1269] : memref<1040000xf32, #tpu.memory_space<hbm>> -> memref<1040000xf32, #tpu.memory_space<hbm>>
    tpu.wait_indirect_dma semaphore(%arg10 : memref<!tpu.dma_semaphore, #tpu.memory_space<semaphore_mem>>) src(%dma_wait3A_1270 : memref<1040000xf32, #tpu.memory_space<hbm>>) dst(%dma_wait3A_1265 : memref<128xf32, #tpu.memory_space<vmem>>)
    %dma_wait3A_1271 = arith.constant 0 : i32
    %dma_wait3A_1272 = arith.constant 2 : i32
    %dma_wait3A_1273 = arith.constant 0 : i32
    %dma_wait3A_1274 = arith.constant 2 : i32
    %dma_wait3A_1275 = arith.constant 0 : i32
    %dma_wait3A_1276 = tpu.memref_slice %arg7[%dma_wait3A_1273, %dma_wait3A_1274, %dma_wait3A_1275] : memref<26x4x128xf32, #tpu.memory_space<vmem>> -> memref<1x1x128xf32, #tpu.memory_space<vmem>>
    %dma_wait3A_1277 = tpu.memref_squeeze %dma_wait3A_1276 : memref<1x1x128xf32, #tpu.memory_space<vmem>> -> memref<128xf32, #tpu.memory_space<vmem>>
    %dma_wait3A_1278 = arith.constant 0 : i32
    %dma_wait3A_1279 = tpu.memref_slice %arg6[%dma_wait3A_1271, %dma_wait3A_1272, %dma_wait3A_1278] : memref<26x4x128xi32, #tpu.memory_space<vmem>> -> memref<1x1x128xi32, #tpu.memory_space<vmem>>
    %dma_wait3A_1280 = tpu.memref_squeeze %dma_wait3A_1279 : memref<1x1x128xi32, #tpu.memory_space<vmem>> -> memref<128xi32, #tpu.memory_space<vmem>>
    %dma_wait3A_1281 = arith.constant 0 : i32
    %dma_wait3A_1282 = tpu.memref_slice %arg3[%dma_wait3A_1281] : memref<1040000xf32, #tpu.memory_space<hbm>> -> memref<1040000xf32, #tpu.memory_space<hbm>>
    tpu.wait_indirect_dma semaphore(%arg10 : memref<!tpu.dma_semaphore, #tpu.memory_space<semaphore_mem>>) src(%dma_wait3A_1282 : memref<1040000xf32, #tpu.memory_space<hbm>>) dst(%dma_wait3A_1277 : memref<128xf32, #tpu.memory_space<vmem>>)
    %dma_wait3A_1283 = arith.constant 0 : i32
    %dma_wait3A_1284 = arith.constant 3 : i32
    %dma_wait3A_1285 = arith.constant 0 : i32
    %dma_wait3A_1286 = arith.constant 3 : i32
    %dma_wait3A_1287 = arith.constant 0 : i32
    %dma_wait3A_1288 = tpu.memref_slice %arg7[%dma_wait3A_1285, %dma_wait3A_1286, %dma_wait3A_1287] : memref<26x4x128xf32, #tpu.memory_space<vmem>> -> memref<1x1x128xf32, #tpu.memory_space<vmem>>
    %dma_wait3A_1289 = tpu.memref_squeeze %dma_wait3A_1288 : memref<1x1x128xf32, #tpu.memory_space<vmem>> -> memref<128xf32, #tpu.memory_space<vmem>>
    %dma_wait3A_1290 = arith.constant 0 : i32
    %dma_wait3A_1291 = tpu.memref_slice %arg6[%dma_wait3A_1283, %dma_wait3A_1284, %dma_wait3A_1290] : memref<26x4x128xi32, #tpu.memory_space<vmem>> -> memref<1x1x128xi32, #tpu.memory_space<vmem>>
    %dma_wait3A_1292 = tpu.memref_squeeze %dma_wait3A_1291 : memref<1x1x128xi32, #tpu.memory_space<vmem>> -> memref<128xi32, #tpu.memory_space<vmem>>
    %dma_wait3A_1293 = arith.constant 0 : i32
    %dma_wait3A_1294 = tpu.memref_slice %arg3[%dma_wait3A_1293] : memref<1040000xf32, #tpu.memory_space<hbm>> -> memref<1040000xf32, #tpu.memory_space<hbm>>
    tpu.wait_indirect_dma semaphore(%arg10 : memref<!tpu.dma_semaphore, #tpu.memory_space<semaphore_mem>>) src(%dma_wait3A_1294 : memref<1040000xf32, #tpu.memory_space<hbm>>) dst(%dma_wait3A_1289 : memref<128xf32, #tpu.memory_space<vmem>>)
    %dma_wait3A_1295 = arith.constant 1 : i32
    %dma_wait3A_1296 = arith.constant 0 : i32
    %dma_wait3A_1297 = arith.constant 1 : i32
    %dma_wait3A_1298 = arith.constant 0 : i32
    %dma_wait3A_1299 = arith.constant 0 : i32
    %dma_wait3A_1300 = tpu.memref_slice %arg7[%dma_wait3A_1297, %dma_wait3A_1298, %dma_wait3A_1299] : memref<26x4x128xf32, #tpu.memory_space<vmem>> -> memref<1x1x128xf32, #tpu.memory_space<vmem>>
    %dma_wait3A_1301 = tpu.memref_squeeze %dma_wait3A_1300 : memref<1x1x128xf32, #tpu.memory_space<vmem>> -> memref<128xf32, #tpu.memory_space<vmem>>
    %dma_wait3A_1302 = arith.constant 0 : i32
    %dma_wait3A_1303 = tpu.memref_slice %arg6[%dma_wait3A_1295, %dma_wait3A_1296, %dma_wait3A_1302] : memref<26x4x128xi32, #tpu.memory_space<vmem>> -> memref<1x1x128xi32, #tpu.memory_space<vmem>>
    %dma_wait3A_1304 = tpu.memref_squeeze %dma_wait3A_1303 : memref<1x1x128xi32, #tpu.memory_space<vmem>> -> memref<128xi32, #tpu.memory_space<vmem>>
    %dma_wait3A_1305 = arith.constant 0 : i32
    %dma_wait3A_1306 = tpu.memref_slice %arg3[%dma_wait3A_1305] : memref<1040000xf32, #tpu.memory_space<hbm>> -> memref<1040000xf32, #tpu.memory_space<hbm>>
    tpu.wait_indirect_dma semaphore(%arg10 : memref<!tpu.dma_semaphore, #tpu.memory_space<semaphore_mem>>) src(%dma_wait3A_1306 : memref<1040000xf32, #tpu.memory_space<hbm>>) dst(%dma_wait3A_1301 : memref<128xf32, #tpu.memory_space<vmem>>)
    %dma_wait3A_1307 = arith.constant 1 : i32
    %dma_wait3A_1308 = arith.constant 1 : i32
    %dma_wait3A_1309 = arith.constant 1 : i32
    %dma_wait3A_1310 = arith.constant 1 : i32
    %dma_wait3A_1311 = arith.constant 0 : i32
    %dma_wait3A_1312 = tpu.memref_slice %arg7[%dma_wait3A_1309, %dma_wait3A_1310, %dma_wait3A_1311] : memref<26x4x128xf32, #tpu.memory_space<vmem>> -> memref<1x1x128xf32, #tpu.memory_space<vmem>>
    %dma_wait3A_1313 = tpu.memref_squeeze %dma_wait3A_1312 : memref<1x1x128xf32, #tpu.memory_space<vmem>> -> memref<128xf32, #tpu.memory_space<vmem>>
    %dma_wait3A_1314 = arith.constant 0 : i32
    %dma_wait3A_1315 = tpu.memref_slice %arg6[%dma_wait3A_1307, %dma_wait3A_1308, %dma_wait3A_1314] : memref<26x4x128xi32, #tpu.memory_space<vmem>> -> memref<1x1x128xi32, #tpu.memory_space<vmem>>
    %dma_wait3A_1316 = tpu.memref_squeeze %dma_wait3A_1315 : memref<1x1x128xi32, #tpu.memory_space<vmem>> -> memref<128xi32, #tpu.memory_space<vmem>>
    %dma_wait3A_1317 = arith.constant 0 : i32
    %dma_wait3A_1318 = tpu.memref_slice %arg3[%dma_wait3A_1317] : memref<1040000xf32, #tpu.memory_space<hbm>> -> memref<1040000xf32, #tpu.memory_space<hbm>>
    tpu.wait_indirect_dma semaphore(%arg10 : memref<!tpu.dma_semaphore, #tpu.memory_space<semaphore_mem>>) src(%dma_wait3A_1318 : memref<1040000xf32, #tpu.memory_space<hbm>>) dst(%dma_wait3A_1313 : memref<128xf32, #tpu.memory_space<vmem>>)
    %dma_wait3A_1319 = arith.constant 1 : i32
    %dma_wait3A_1320 = arith.constant 2 : i32
    %dma_wait3A_1321 = arith.constant 1 : i32
    %dma_wait3A_1322 = arith.constant 2 : i32
    %dma_wait3A_1323 = arith.constant 0 : i32
    %dma_wait3A_1324 = tpu.memref_slice %arg7[%dma_wait3A_1321, %dma_wait3A_1322, %dma_wait3A_1323] : memref<26x4x128xf32, #tpu.memory_space<vmem>> -> memref<1x1x128xf32, #tpu.memory_space<vmem>>
    %dma_wait3A_1325 = tpu.memref_squeeze %dma_wait3A_1324 : memref<1x1x128xf32, #tpu.memory_space<vmem>> -> memref<128xf32, #tpu.memory_space<vmem>>
    %dma_wait3A_1326 = arith.constant 0 : i32
    %dma_wait3A_1327 = tpu.memref_slice %arg6[%dma_wait3A_1319, %dma_wait3A_1320, %dma_wait3A_1326] : memref<26x4x128xi32, #tpu.memory_space<vmem>> -> memref<1x1x128xi32, #tpu.memory_space<vmem>>
    %dma_wait3A_1328 = tpu.memref_squeeze %dma_wait3A_1327 : memref<1x1x128xi32, #tpu.memory_space<vmem>> -> memref<128xi32, #tpu.memory_space<vmem>>
    %dma_wait3A_1329 = arith.constant 0 : i32
    %dma_wait3A_1330 = tpu.memref_slice %arg3[%dma_wait3A_1329] : memref<1040000xf32, #tpu.memory_space<hbm>> -> memref<1040000xf32, #tpu.memory_space<hbm>>
    tpu.wait_indirect_dma semaphore(%arg10 : memref<!tpu.dma_semaphore, #tpu.memory_space<semaphore_mem>>) src(%dma_wait3A_1330 : memref<1040000xf32, #tpu.memory_space<hbm>>) dst(%dma_wait3A_1325 : memref<128xf32, #tpu.memory_space<vmem>>)
    %dma_wait3A_1331 = arith.constant 1 : i32
    %dma_wait3A_1332 = arith.constant 3 : i32
    %dma_wait3A_1333 = arith.constant 1 : i32
    %dma_wait3A_1334 = arith.constant 3 : i32
    %dma_wait3A_1335 = arith.constant 0 : i32
    %dma_wait3A_1336 = tpu.memref_slice %arg7[%dma_wait3A_1333, %dma_wait3A_1334, %dma_wait3A_1335] : memref<26x4x128xf32, #tpu.memory_space<vmem>> -> memref<1x1x128xf32, #tpu.memory_space<vmem>>
    %dma_wait3A_1337 = tpu.memref_squeeze %dma_wait3A_1336 : memref<1x1x128xf32, #tpu.memory_space<vmem>> -> memref<128xf32, #tpu.memory_space<vmem>>
    %dma_wait3A_1338 = arith.constant 0 : i32
    %dma_wait3A_1339 = tpu.memref_slice %arg6[%dma_wait3A_1331, %dma_wait3A_1332, %dma_wait3A_1338] : memref<26x4x128xi32, #tpu.memory_space<vmem>> -> memref<1x1x128xi32, #tpu.memory_space<vmem>>
    %dma_wait3A_1340 = tpu.memref_squeeze %dma_wait3A_1339 : memref<1x1x128xi32, #tpu.memory_space<vmem>> -> memref<128xi32, #tpu.memory_space<vmem>>
    %dma_wait3A_1341 = arith.constant 0 : i32
    %dma_wait3A_1342 = tpu.memref_slice %arg3[%dma_wait3A_1341] : memref<1040000xf32, #tpu.memory_space<hbm>> -> memref<1040000xf32, #tpu.memory_space<hbm>>
    tpu.wait_indirect_dma semaphore(%arg10 : memref<!tpu.dma_semaphore, #tpu.memory_space<semaphore_mem>>) src(%dma_wait3A_1342 : memref<1040000xf32, #tpu.memory_space<hbm>>) dst(%dma_wait3A_1337 : memref<128xf32, #tpu.memory_space<vmem>>)
    %dma_wait3A_1343 = arith.constant 2 : i32
    %dma_wait3A_1344 = arith.constant 0 : i32
    %dma_wait3A_1345 = arith.constant 2 : i32
    %dma_wait3A_1346 = arith.constant 0 : i32
    %dma_wait3A_1347 = arith.constant 0 : i32
    %dma_wait3A_1348 = tpu.memref_slice %arg7[%dma_wait3A_1345, %dma_wait3A_1346, %dma_wait3A_1347] : memref<26x4x128xf32, #tpu.memory_space<vmem>> -> memref<1x1x128xf32, #tpu.memory_space<vmem>>
    %dma_wait3A_1349 = tpu.memref_squeeze %dma_wait3A_1348 : memref<1x1x128xf32, #tpu.memory_space<vmem>> -> memref<128xf32, #tpu.memory_space<vmem>>
    %dma_wait3A_1350 = arith.constant 0 : i32
    %dma_wait3A_1351 = tpu.memref_slice %arg6[%dma_wait3A_1343, %dma_wait3A_1344, %dma_wait3A_1350] : memref<26x4x128xi32, #tpu.memory_space<vmem>> -> memref<1x1x128xi32, #tpu.memory_space<vmem>>
    %dma_wait3A_1352 = tpu.memref_squeeze %dma_wait3A_1351 : memref<1x1x128xi32, #tpu.memory_space<vmem>> -> memref<128xi32, #tpu.memory_space<vmem>>
    %dma_wait3A_1353 = arith.constant 0 : i32
    %dma_wait3A_1354 = tpu.memref_slice %arg3[%dma_wait3A_1353] : memref<1040000xf32, #tpu.memory_space<hbm>> -> memref<1040000xf32, #tpu.memory_space<hbm>>
    tpu.wait_indirect_dma semaphore(%arg10 : memref<!tpu.dma_semaphore, #tpu.memory_space<semaphore_mem>>) src(%dma_wait3A_1354 : memref<1040000xf32, #tpu.memory_space<hbm>>) dst(%dma_wait3A_1349 : memref<128xf32, #tpu.memory_space<vmem>>)
    %dma_wait3A_1355 = arith.constant 2 : i32
    %dma_wait3A_1356 = arith.constant 1 : i32
    %dma_wait3A_1357 = arith.constant 2 : i32
    %dma_wait3A_1358 = arith.constant 1 : i32
    %dma_wait3A_1359 = arith.constant 0 : i32
    %dma_wait3A_1360 = tpu.memref_slice %arg7[%dma_wait3A_1357, %dma_wait3A_1358, %dma_wait3A_1359] : memref<26x4x128xf32, #tpu.memory_space<vmem>> -> memref<1x1x128xf32, #tpu.memory_space<vmem>>
    %dma_wait3A_1361 = tpu.memref_squeeze %dma_wait3A_1360 : memref<1x1x128xf32, #tpu.memory_space<vmem>> -> memref<128xf32, #tpu.memory_space<vmem>>
    %dma_wait3A_1362 = arith.constant 0 : i32
    %dma_wait3A_1363 = tpu.memref_slice %arg6[%dma_wait3A_1355, %dma_wait3A_1356, %dma_wait3A_1362] : memref<26x4x128xi32, #tpu.memory_space<vmem>> -> memref<1x1x128xi32, #tpu.memory_space<vmem>>
    %dma_wait3A_1364 = tpu.memref_squeeze %dma_wait3A_1363 : memref<1x1x128xi32, #tpu.memory_space<vmem>> -> memref<128xi32, #tpu.memory_space<vmem>>
    %dma_wait3A_1365 = arith.constant 0 : i32
    %dma_wait3A_1366 = tpu.memref_slice %arg3[%dma_wait3A_1365] : memref<1040000xf32, #tpu.memory_space<hbm>> -> memref<1040000xf32, #tpu.memory_space<hbm>>
    tpu.wait_indirect_dma semaphore(%arg10 : memref<!tpu.dma_semaphore, #tpu.memory_space<semaphore_mem>>) src(%dma_wait3A_1366 : memref<1040000xf32, #tpu.memory_space<hbm>>) dst(%dma_wait3A_1361 : memref<128xf32, #tpu.memory_space<vmem>>)
    %dma_wait3A_1367 = arith.constant 2 : i32
    %dma_wait3A_1368 = arith.constant 2 : i32
    %dma_wait3A_1369 = arith.constant 2 : i32
    %dma_wait3A_1370 = arith.constant 2 : i32
    %dma_wait3A_1371 = arith.constant 0 : i32
    %dma_wait3A_1372 = tpu.memref_slice %arg7[%dma_wait3A_1369, %dma_wait3A_1370, %dma_wait3A_1371] : memref<26x4x128xf32, #tpu.memory_space<vmem>> -> memref<1x1x128xf32, #tpu.memory_space<vmem>>
    %dma_wait3A_1373 = tpu.memref_squeeze %dma_wait3A_1372 : memref<1x1x128xf32, #tpu.memory_space<vmem>> -> memref<128xf32, #tpu.memory_space<vmem>>
    %dma_wait3A_1374 = arith.constant 0 : i32
    %dma_wait3A_1375 = tpu.memref_slice %arg6[%dma_wait3A_1367, %dma_wait3A_1368, %dma_wait3A_1374] : memref<26x4x128xi32, #tpu.memory_space<vmem>> -> memref<1x1x128xi32, #tpu.memory_space<vmem>>
    %dma_wait3A_1376 = tpu.memref_squeeze %dma_wait3A_1375 : memref<1x1x128xi32, #tpu.memory_space<vmem>> -> memref<128xi32, #tpu.memory_space<vmem>>
    %dma_wait3A_1377 = arith.constant 0 : i32
    %dma_wait3A_1378 = tpu.memref_slice %arg3[%dma_wait3A_1377] : memref<1040000xf32, #tpu.memory_space<hbm>> -> memref<1040000xf32, #tpu.memory_space<hbm>>
    tpu.wait_indirect_dma semaphore(%arg10 : memref<!tpu.dma_semaphore, #tpu.memory_space<semaphore_mem>>) src(%dma_wait3A_1378 : memref<1040000xf32, #tpu.memory_space<hbm>>) dst(%dma_wait3A_1373 : memref<128xf32, #tpu.memory_space<vmem>>)
    %dma_wait3A_1379 = arith.constant 2 : i32
    %dma_wait3A_1380 = arith.constant 3 : i32
    %dma_wait3A_1381 = arith.constant 2 : i32
    %dma_wait3A_1382 = arith.constant 3 : i32
    %dma_wait3A_1383 = arith.constant 0 : i32
    %dma_wait3A_1384 = tpu.memref_slice %arg7[%dma_wait3A_1381, %dma_wait3A_1382, %dma_wait3A_1383] : memref<26x4x128xf32, #tpu.memory_space<vmem>> -> memref<1x1x128xf32, #tpu.memory_space<vmem>>
    %dma_wait3A_1385 = tpu.memref_squeeze %dma_wait3A_1384 : memref<1x1x128xf32, #tpu.memory_space<vmem>> -> memref<128xf32, #tpu.memory_space<vmem>>
    %dma_wait3A_1386 = arith.constant 0 : i32
    %dma_wait3A_1387 = tpu.memref_slice %arg6[%dma_wait3A_1379, %dma_wait3A_1380, %dma_wait3A_1386] : memref<26x4x128xi32, #tpu.memory_space<vmem>> -> memref<1x1x128xi32, #tpu.memory_space<vmem>>
    %dma_wait3A_1388 = tpu.memref_squeeze %dma_wait3A_1387 : memref<1x1x128xi32, #tpu.memory_space<vmem>> -> memref<128xi32, #tpu.memory_space<vmem>>
    %dma_wait3A_1389 = arith.constant 0 : i32
    %dma_wait3A_1390 = tpu.memref_slice %arg3[%dma_wait3A_1389] : memref<1040000xf32, #tpu.memory_space<hbm>> -> memref<1040000xf32, #tpu.memory_space<hbm>>
    tpu.wait_indirect_dma semaphore(%arg10 : memref<!tpu.dma_semaphore, #tpu.memory_space<semaphore_mem>>) src(%dma_wait3A_1390 : memref<1040000xf32, #tpu.memory_space<hbm>>) dst(%dma_wait3A_1385 : memref<128xf32, #tpu.memory_space<vmem>>)
    %dma_wait3A_1391 = arith.constant 3 : i32
    %dma_wait3A_1392 = arith.constant 0 : i32
    %dma_wait3A_1393 = arith.constant 3 : i32
    %dma_wait3A_1394 = arith.constant 0 : i32
    %dma_wait3A_1395 = arith.constant 0 : i32
    %dma_wait3A_1396 = tpu.memref_slice %arg7[%dma_wait3A_1393, %dma_wait3A_1394, %dma_wait3A_1395] : memref<26x4x128xf32, #tpu.memory_space<vmem>> -> memref<1x1x128xf32, #tpu.memory_space<vmem>>
    %dma_wait3A_1397 = tpu.memref_squeeze %dma_wait3A_1396 : memref<1x1x128xf32, #tpu.memory_space<vmem>> -> memref<128xf32, #tpu.memory_space<vmem>>
    %dma_wait3A_1398 = arith.constant 0 : i32
    %dma_wait3A_1399 = tpu.memref_slice %arg6[%dma_wait3A_1391, %dma_wait3A_1392, %dma_wait3A_1398] : memref<26x4x128xi32, #tpu.memory_space<vmem>> -> memref<1x1x128xi32, #tpu.memory_space<vmem>>
    %dma_wait3A_1400 = tpu.memref_squeeze %dma_wait3A_1399 : memref<1x1x128xi32, #tpu.memory_space<vmem>> -> memref<128xi32, #tpu.memory_space<vmem>>
    %dma_wait3A_1401 = arith.constant 0 : i32
    %dma_wait3A_1402 = tpu.memref_slice %arg3[%dma_wait3A_1401] : memref<1040000xf32, #tpu.memory_space<hbm>> -> memref<1040000xf32, #tpu.memory_space<hbm>>
    tpu.wait_indirect_dma semaphore(%arg10 : memref<!tpu.dma_semaphore, #tpu.memory_space<semaphore_mem>>) src(%dma_wait3A_1402 : memref<1040000xf32, #tpu.memory_space<hbm>>) dst(%dma_wait3A_1397 : memref<128xf32, #tpu.memory_space<vmem>>)
    %dma_wait3A_1403 = arith.constant 3 : i32
    %dma_wait3A_1404 = arith.constant 1 : i32
    %dma_wait3A_1405 = arith.constant 3 : i32
    %dma_wait3A_1406 = arith.constant 1 : i32
    %dma_wait3A_1407 = arith.constant 0 : i32
    %dma_wait3A_1408 = tpu.memref_slice %arg7[%dma_wait3A_1405, %dma_wait3A_1406, %dma_wait3A_1407] : memref<26x4x128xf32, #tpu.memory_space<vmem>> -> memref<1x1x128xf32, #tpu.memory_space<vmem>>
    %dma_wait3A_1409 = tpu.memref_squeeze %dma_wait3A_1408 : memref<1x1x128xf32, #tpu.memory_space<vmem>> -> memref<128xf32, #tpu.memory_space<vmem>>
    %dma_wait3A_1410 = arith.constant 0 : i32
    %dma_wait3A_1411 = tpu.memref_slice %arg6[%dma_wait3A_1403, %dma_wait3A_1404, %dma_wait3A_1410] : memref<26x4x128xi32, #tpu.memory_space<vmem>> -> memref<1x1x128xi32, #tpu.memory_space<vmem>>
    %dma_wait3A_1412 = tpu.memref_squeeze %dma_wait3A_1411 : memref<1x1x128xi32, #tpu.memory_space<vmem>> -> memref<128xi32, #tpu.memory_space<vmem>>
    %dma_wait3A_1413 = arith.constant 0 : i32
    %dma_wait3A_1414 = tpu.memref_slice %arg3[%dma_wait3A_1413] : memref<1040000xf32, #tpu.memory_space<hbm>> -> memref<1040000xf32, #tpu.memory_space<hbm>>
    tpu.wait_indirect_dma semaphore(%arg10 : memref<!tpu.dma_semaphore, #tpu.memory_space<semaphore_mem>>) src(%dma_wait3A_1414 : memref<1040000xf32, #tpu.memory_space<hbm>>) dst(%dma_wait3A_1409 : memref<128xf32, #tpu.memory_space<vmem>>)
    %dma_wait3A_1415 = arith.constant 3 : i32
    %dma_wait3A_1416 = arith.constant 2 : i32
    %dma_wait3A_1417 = arith.constant 3 : i32
    %dma_wait3A_1418 = arith.constant 2 : i32
    %dma_wait3A_1419 = arith.constant 0 : i32
    %dma_wait3A_1420 = tpu.memref_slice %arg7[%dma_wait3A_1417, %dma_wait3A_1418, %dma_wait3A_1419] : memref<26x4x128xf32, #tpu.memory_space<vmem>> -> memref<1x1x128xf32, #tpu.memory_space<vmem>>
    %dma_wait3A_1421 = tpu.memref_squeeze %dma_wait3A_1420 : memref<1x1x128xf32, #tpu.memory_space<vmem>> -> memref<128xf32, #tpu.memory_space<vmem>>
    %dma_wait3A_1422 = arith.constant 0 : i32
    %dma_wait3A_1423 = tpu.memref_slice %arg6[%dma_wait3A_1415, %dma_wait3A_1416, %dma_wait3A_1422] : memref<26x4x128xi32, #tpu.memory_space<vmem>> -> memref<1x1x128xi32, #tpu.memory_space<vmem>>
    %dma_wait3A_1424 = tpu.memref_squeeze %dma_wait3A_1423 : memref<1x1x128xi32, #tpu.memory_space<vmem>> -> memref<128xi32, #tpu.memory_space<vmem>>
    %dma_wait3A_1425 = arith.constant 0 : i32
    %dma_wait3A_1426 = tpu.memref_slice %arg3[%dma_wait3A_1425] : memref<1040000xf32, #tpu.memory_space<hbm>> -> memref<1040000xf32, #tpu.memory_space<hbm>>
    tpu.wait_indirect_dma semaphore(%arg10 : memref<!tpu.dma_semaphore, #tpu.memory_space<semaphore_mem>>) src(%dma_wait3A_1426 : memref<1040000xf32, #tpu.memory_space<hbm>>) dst(%dma_wait3A_1421 : memref<128xf32, #tpu.memory_space<vmem>>)
    %dma_wait3A_1427 = arith.constant 3 : i32
    %dma_wait3A_1428 = arith.constant 3 : i32
    %dma_wait3A_1429 = arith.constant 3 : i32
    %dma_wait3A_1430 = arith.constant 3 : i32
    %dma_wait3A_1431 = arith.constant 0 : i32
    %dma_wait3A_1432 = tpu.memref_slice %arg7[%dma_wait3A_1429, %dma_wait3A_1430, %dma_wait3A_1431] : memref<26x4x128xf32, #tpu.memory_space<vmem>> -> memref<1x1x128xf32, #tpu.memory_space<vmem>>
    %dma_wait3A_1433 = tpu.memref_squeeze %dma_wait3A_1432 : memref<1x1x128xf32, #tpu.memory_space<vmem>> -> memref<128xf32, #tpu.memory_space<vmem>>
    %dma_wait3A_1434 = arith.constant 0 : i32
    %dma_wait3A_1435 = tpu.memref_slice %arg6[%dma_wait3A_1427, %dma_wait3A_1428, %dma_wait3A_1434] : memref<26x4x128xi32, #tpu.memory_space<vmem>> -> memref<1x1x128xi32, #tpu.memory_space<vmem>>
    %dma_wait3A_1436 = tpu.memref_squeeze %dma_wait3A_1435 : memref<1x1x128xi32, #tpu.memory_space<vmem>> -> memref<128xi32, #tpu.memory_space<vmem>>
    %dma_wait3A_1437 = arith.constant 0 : i32
    %dma_wait3A_1438 = tpu.memref_slice %arg3[%dma_wait3A_1437] : memref<1040000xf32, #tpu.memory_space<hbm>> -> memref<1040000xf32, #tpu.memory_space<hbm>>
    tpu.wait_indirect_dma semaphore(%arg10 : memref<!tpu.dma_semaphore, #tpu.memory_space<semaphore_mem>>) src(%dma_wait3A_1438 : memref<1040000xf32, #tpu.memory_space<hbm>>) dst(%dma_wait3A_1433 : memref<128xf32, #tpu.memory_space<vmem>>)
    %dma_wait3A_1439 = arith.constant 4 : i32
    %dma_wait3A_1440 = arith.constant 0 : i32
    %dma_wait3A_1441 = arith.constant 4 : i32
    %dma_wait3A_1442 = arith.constant 0 : i32
    %dma_wait3A_1443 = arith.constant 0 : i32
    %dma_wait3A_1444 = tpu.memref_slice %arg7[%dma_wait3A_1441, %dma_wait3A_1442, %dma_wait3A_1443] : memref<26x4x128xf32, #tpu.memory_space<vmem>> -> memref<1x1x128xf32, #tpu.memory_space<vmem>>
    %dma_wait3A_1445 = tpu.memref_squeeze %dma_wait3A_1444 : memref<1x1x128xf32, #tpu.memory_space<vmem>> -> memref<128xf32, #tpu.memory_space<vmem>>
    %dma_wait3A_1446 = arith.constant 0 : i32
    %dma_wait3A_1447 = tpu.memref_slice %arg6[%dma_wait3A_1439, %dma_wait3A_1440, %dma_wait3A_1446] : memref<26x4x128xi32, #tpu.memory_space<vmem>> -> memref<1x1x128xi32, #tpu.memory_space<vmem>>
    %dma_wait3A_1448 = tpu.memref_squeeze %dma_wait3A_1447 : memref<1x1x128xi32, #tpu.memory_space<vmem>> -> memref<128xi32, #tpu.memory_space<vmem>>
    %dma_wait3A_1449 = arith.constant 0 : i32
    %dma_wait3A_1450 = tpu.memref_slice %arg3[%dma_wait3A_1449] : memref<1040000xf32, #tpu.memory_space<hbm>> -> memref<1040000xf32, #tpu.memory_space<hbm>>
    tpu.wait_indirect_dma semaphore(%arg10 : memref<!tpu.dma_semaphore, #tpu.memory_space<semaphore_mem>>) src(%dma_wait3A_1450 : memref<1040000xf32, #tpu.memory_space<hbm>>) dst(%dma_wait3A_1445 : memref<128xf32, #tpu.memory_space<vmem>>)
    %dma_wait3A_1451 = arith.constant 4 : i32
    %dma_wait3A_1452 = arith.constant 1 : i32
    %dma_wait3A_1453 = arith.constant 4 : i32
    %dma_wait3A_1454 = arith.constant 1 : i32
    %dma_wait3A_1455 = arith.constant 0 : i32
    %dma_wait3A_1456 = tpu.memref_slice %arg7[%dma_wait3A_1453, %dma_wait3A_1454, %dma_wait3A_1455] : memref<26x4x128xf32, #tpu.memory_space<vmem>> -> memref<1x1x128xf32, #tpu.memory_space<vmem>>
    %dma_wait3A_1457 = tpu.memref_squeeze %dma_wait3A_1456 : memref<1x1x128xf32, #tpu.memory_space<vmem>> -> memref<128xf32, #tpu.memory_space<vmem>>
    %dma_wait3A_1458 = arith.constant 0 : i32
    %dma_wait3A_1459 = tpu.memref_slice %arg6[%dma_wait3A_1451, %dma_wait3A_1452, %dma_wait3A_1458] : memref<26x4x128xi32, #tpu.memory_space<vmem>> -> memref<1x1x128xi32, #tpu.memory_space<vmem>>
    %dma_wait3A_1460 = tpu.memref_squeeze %dma_wait3A_1459 : memref<1x1x128xi32, #tpu.memory_space<vmem>> -> memref<128xi32, #tpu.memory_space<vmem>>
    %dma_wait3A_1461 = arith.constant 0 : i32
    %dma_wait3A_1462 = tpu.memref_slice %arg3[%dma_wait3A_1461] : memref<1040000xf32, #tpu.memory_space<hbm>> -> memref<1040000xf32, #tpu.memory_space<hbm>>
    tpu.wait_indirect_dma semaphore(%arg10 : memref<!tpu.dma_semaphore, #tpu.memory_space<semaphore_mem>>) src(%dma_wait3A_1462 : memref<1040000xf32, #tpu.memory_space<hbm>>) dst(%dma_wait3A_1457 : memref<128xf32, #tpu.memory_space<vmem>>)
    %dma_wait3A_1463 = arith.constant 4 : i32
    %dma_wait3A_1464 = arith.constant 2 : i32
    %dma_wait3A_1465 = arith.constant 4 : i32
    %dma_wait3A_1466 = arith.constant 2 : i32
    %dma_wait3A_1467 = arith.constant 0 : i32
    %dma_wait3A_1468 = tpu.memref_slice %arg7[%dma_wait3A_1465, %dma_wait3A_1466, %dma_wait3A_1467] : memref<26x4x128xf32, #tpu.memory_space<vmem>> -> memref<1x1x128xf32, #tpu.memory_space<vmem>>
    %dma_wait3A_1469 = tpu.memref_squeeze %dma_wait3A_1468 : memref<1x1x128xf32, #tpu.memory_space<vmem>> -> memref<128xf32, #tpu.memory_space<vmem>>
    %dma_wait3A_1470 = arith.constant 0 : i32
    %dma_wait3A_1471 = tpu.memref_slice %arg6[%dma_wait3A_1463, %dma_wait3A_1464, %dma_wait3A_1470] : memref<26x4x128xi32, #tpu.memory_space<vmem>> -> memref<1x1x128xi32, #tpu.memory_space<vmem>>
    %dma_wait3A_1472 = tpu.memref_squeeze %dma_wait3A_1471 : memref<1x1x128xi32, #tpu.memory_space<vmem>> -> memref<128xi32, #tpu.memory_space<vmem>>
    %dma_wait3A_1473 = arith.constant 0 : i32
    %dma_wait3A_1474 = tpu.memref_slice %arg3[%dma_wait3A_1473] : memref<1040000xf32, #tpu.memory_space<hbm>> -> memref<1040000xf32, #tpu.memory_space<hbm>>
    tpu.wait_indirect_dma semaphore(%arg10 : memref<!tpu.dma_semaphore, #tpu.memory_space<semaphore_mem>>) src(%dma_wait3A_1474 : memref<1040000xf32, #tpu.memory_space<hbm>>) dst(%dma_wait3A_1469 : memref<128xf32, #tpu.memory_space<vmem>>)
    %dma_wait3A_1475 = arith.constant 4 : i32
    %dma_wait3A_1476 = arith.constant 3 : i32
    %dma_wait3A_1477 = arith.constant 4 : i32
    %dma_wait3A_1478 = arith.constant 3 : i32
    %dma_wait3A_1479 = arith.constant 0 : i32
    %dma_wait3A_1480 = tpu.memref_slice %arg7[%dma_wait3A_1477, %dma_wait3A_1478, %dma_wait3A_1479] : memref<26x4x128xf32, #tpu.memory_space<vmem>> -> memref<1x1x128xf32, #tpu.memory_space<vmem>>
    %dma_wait3A_1481 = tpu.memref_squeeze %dma_wait3A_1480 : memref<1x1x128xf32, #tpu.memory_space<vmem>> -> memref<128xf32, #tpu.memory_space<vmem>>
    %dma_wait3A_1482 = arith.constant 0 : i32
    %dma_wait3A_1483 = tpu.memref_slice %arg6[%dma_wait3A_1475, %dma_wait3A_1476, %dma_wait3A_1482] : memref<26x4x128xi32, #tpu.memory_space<vmem>> -> memref<1x1x128xi32, #tpu.memory_space<vmem>>
    %dma_wait3A_1484 = tpu.memref_squeeze %dma_wait3A_1483 : memref<1x1x128xi32, #tpu.memory_space<vmem>> -> memref<128xi32, #tpu.memory_space<vmem>>
    %dma_wait3A_1485 = arith.constant 0 : i32
    %dma_wait3A_1486 = tpu.memref_slice %arg3[%dma_wait3A_1485] : memref<1040000xf32, #tpu.memory_space<hbm>> -> memref<1040000xf32, #tpu.memory_space<hbm>>
    tpu.wait_indirect_dma semaphore(%arg10 : memref<!tpu.dma_semaphore, #tpu.memory_space<semaphore_mem>>) src(%dma_wait3A_1486 : memref<1040000xf32, #tpu.memory_space<hbm>>) dst(%dma_wait3A_1481 : memref<128xf32, #tpu.memory_space<vmem>>)
    %dma_wait3A_1487 = arith.constant 5 : i32
    %dma_wait3A_1488 = arith.constant 0 : i32
    %dma_wait3A_1489 = arith.constant 5 : i32
    %dma_wait3A_1490 = arith.constant 0 : i32
    %dma_wait3A_1491 = arith.constant 0 : i32
    %dma_wait3A_1492 = tpu.memref_slice %arg7[%dma_wait3A_1489, %dma_wait3A_1490, %dma_wait3A_1491] : memref<26x4x128xf32, #tpu.memory_space<vmem>> -> memref<1x1x128xf32, #tpu.memory_space<vmem>>
    %dma_wait3A_1493 = tpu.memref_squeeze %dma_wait3A_1492 : memref<1x1x128xf32, #tpu.memory_space<vmem>> -> memref<128xf32, #tpu.memory_space<vmem>>
    %dma_wait3A_1494 = arith.constant 0 : i32
    %dma_wait3A_1495 = tpu.memref_slice %arg6[%dma_wait3A_1487, %dma_wait3A_1488, %dma_wait3A_1494] : memref<26x4x128xi32, #tpu.memory_space<vmem>> -> memref<1x1x128xi32, #tpu.memory_space<vmem>>
    %dma_wait3A_1496 = tpu.memref_squeeze %dma_wait3A_1495 : memref<1x1x128xi32, #tpu.memory_space<vmem>> -> memref<128xi32, #tpu.memory_space<vmem>>
    %dma_wait3A_1497 = arith.constant 0 : i32
    %dma_wait3A_1498 = tpu.memref_slice %arg3[%dma_wait3A_1497] : memref<1040000xf32, #tpu.memory_space<hbm>> -> memref<1040000xf32, #tpu.memory_space<hbm>>
    tpu.wait_indirect_dma semaphore(%arg10 : memref<!tpu.dma_semaphore, #tpu.memory_space<semaphore_mem>>) src(%dma_wait3A_1498 : memref<1040000xf32, #tpu.memory_space<hbm>>) dst(%dma_wait3A_1493 : memref<128xf32, #tpu.memory_space<vmem>>)
    %dma_wait3A_1499 = arith.constant 5 : i32
    %dma_wait3A_1500 = arith.constant 1 : i32
    %dma_wait3A_1501 = arith.constant 5 : i32
    %dma_wait3A_1502 = arith.constant 1 : i32
    %dma_wait3A_1503 = arith.constant 0 : i32
    %dma_wait3A_1504 = tpu.memref_slice %arg7[%dma_wait3A_1501, %dma_wait3A_1502, %dma_wait3A_1503] : memref<26x4x128xf32, #tpu.memory_space<vmem>> -> memref<1x1x128xf32, #tpu.memory_space<vmem>>
    %dma_wait3A_1505 = tpu.memref_squeeze %dma_wait3A_1504 : memref<1x1x128xf32, #tpu.memory_space<vmem>> -> memref<128xf32, #tpu.memory_space<vmem>>
    %dma_wait3A_1506 = arith.constant 0 : i32
    %dma_wait3A_1507 = tpu.memref_slice %arg6[%dma_wait3A_1499, %dma_wait3A_1500, %dma_wait3A_1506] : memref<26x4x128xi32, #tpu.memory_space<vmem>> -> memref<1x1x128xi32, #tpu.memory_space<vmem>>
    %dma_wait3A_1508 = tpu.memref_squeeze %dma_wait3A_1507 : memref<1x1x128xi32, #tpu.memory_space<vmem>> -> memref<128xi32, #tpu.memory_space<vmem>>
    %dma_wait3A_1509 = arith.constant 0 : i32
    %dma_wait3A_1510 = tpu.memref_slice %arg3[%dma_wait3A_1509] : memref<1040000xf32, #tpu.memory_space<hbm>> -> memref<1040000xf32, #tpu.memory_space<hbm>>
    tpu.wait_indirect_dma semaphore(%arg10 : memref<!tpu.dma_semaphore, #tpu.memory_space<semaphore_mem>>) src(%dma_wait3A_1510 : memref<1040000xf32, #tpu.memory_space<hbm>>) dst(%dma_wait3A_1505 : memref<128xf32, #tpu.memory_space<vmem>>)
    %dma_wait3A_1511 = arith.constant 5 : i32
    %dma_wait3A_1512 = arith.constant 2 : i32
    %dma_wait3A_1513 = arith.constant 5 : i32
    %dma_wait3A_1514 = arith.constant 2 : i32
    %dma_wait3A_1515 = arith.constant 0 : i32
    %dma_wait3A_1516 = tpu.memref_slice %arg7[%dma_wait3A_1513, %dma_wait3A_1514, %dma_wait3A_1515] : memref<26x4x128xf32, #tpu.memory_space<vmem>> -> memref<1x1x128xf32, #tpu.memory_space<vmem>>
    %dma_wait3A_1517 = tpu.memref_squeeze %dma_wait3A_1516 : memref<1x1x128xf32, #tpu.memory_space<vmem>> -> memref<128xf32, #tpu.memory_space<vmem>>
    %dma_wait3A_1518 = arith.constant 0 : i32
    %dma_wait3A_1519 = tpu.memref_slice %arg6[%dma_wait3A_1511, %dma_wait3A_1512, %dma_wait3A_1518] : memref<26x4x128xi32, #tpu.memory_space<vmem>> -> memref<1x1x128xi32, #tpu.memory_space<vmem>>
    %dma_wait3A_1520 = tpu.memref_squeeze %dma_wait3A_1519 : memref<1x1x128xi32, #tpu.memory_space<vmem>> -> memref<128xi32, #tpu.memory_space<vmem>>
    %dma_wait3A_1521 = arith.constant 0 : i32
    %dma_wait3A_1522 = tpu.memref_slice %arg3[%dma_wait3A_1521] : memref<1040000xf32, #tpu.memory_space<hbm>> -> memref<1040000xf32, #tpu.memory_space<hbm>>
    tpu.wait_indirect_dma semaphore(%arg10 : memref<!tpu.dma_semaphore, #tpu.memory_space<semaphore_mem>>) src(%dma_wait3A_1522 : memref<1040000xf32, #tpu.memory_space<hbm>>) dst(%dma_wait3A_1517 : memref<128xf32, #tpu.memory_space<vmem>>)
    %dma_wait3A_1523 = arith.constant 5 : i32
    %dma_wait3A_1524 = arith.constant 3 : i32
    %dma_wait3A_1525 = arith.constant 5 : i32
    %dma_wait3A_1526 = arith.constant 3 : i32
    %dma_wait3A_1527 = arith.constant 0 : i32
    %dma_wait3A_1528 = tpu.memref_slice %arg7[%dma_wait3A_1525, %dma_wait3A_1526, %dma_wait3A_1527] : memref<26x4x128xf32, #tpu.memory_space<vmem>> -> memref<1x1x128xf32, #tpu.memory_space<vmem>>
    %dma_wait3A_1529 = tpu.memref_squeeze %dma_wait3A_1528 : memref<1x1x128xf32, #tpu.memory_space<vmem>> -> memref<128xf32, #tpu.memory_space<vmem>>
    %dma_wait3A_1530 = arith.constant 0 : i32
    %dma_wait3A_1531 = tpu.memref_slice %arg6[%dma_wait3A_1523, %dma_wait3A_1524, %dma_wait3A_1530] : memref<26x4x128xi32, #tpu.memory_space<vmem>> -> memref<1x1x128xi32, #tpu.memory_space<vmem>>
    %dma_wait3A_1532 = tpu.memref_squeeze %dma_wait3A_1531 : memref<1x1x128xi32, #tpu.memory_space<vmem>> -> memref<128xi32, #tpu.memory_space<vmem>>
    %dma_wait3A_1533 = arith.constant 0 : i32
    %dma_wait3A_1534 = tpu.memref_slice %arg3[%dma_wait3A_1533] : memref<1040000xf32, #tpu.memory_space<hbm>> -> memref<1040000xf32, #tpu.memory_space<hbm>>
    tpu.wait_indirect_dma semaphore(%arg10 : memref<!tpu.dma_semaphore, #tpu.memory_space<semaphore_mem>>) src(%dma_wait3A_1534 : memref<1040000xf32, #tpu.memory_space<hbm>>) dst(%dma_wait3A_1529 : memref<128xf32, #tpu.memory_space<vmem>>)
    %dma_wait3A_1535 = arith.constant 6 : i32
    %dma_wait3A_1536 = arith.constant 0 : i32
    %dma_wait3A_1537 = arith.constant 6 : i32
    %dma_wait3A_1538 = arith.constant 0 : i32
    %dma_wait3A_1539 = arith.constant 0 : i32
    %dma_wait3A_1540 = tpu.memref_slice %arg7[%dma_wait3A_1537, %dma_wait3A_1538, %dma_wait3A_1539] : memref<26x4x128xf32, #tpu.memory_space<vmem>> -> memref<1x1x128xf32, #tpu.memory_space<vmem>>
    %dma_wait3A_1541 = tpu.memref_squeeze %dma_wait3A_1540 : memref<1x1x128xf32, #tpu.memory_space<vmem>> -> memref<128xf32, #tpu.memory_space<vmem>>
    %dma_wait3A_1542 = arith.constant 0 : i32
    %dma_wait3A_1543 = tpu.memref_slice %arg6[%dma_wait3A_1535, %dma_wait3A_1536, %dma_wait3A_1542] : memref<26x4x128xi32, #tpu.memory_space<vmem>> -> memref<1x1x128xi32, #tpu.memory_space<vmem>>
    %dma_wait3A_1544 = tpu.memref_squeeze %dma_wait3A_1543 : memref<1x1x128xi32, #tpu.memory_space<vmem>> -> memref<128xi32, #tpu.memory_space<vmem>>
    %dma_wait3A_1545 = arith.constant 0 : i32
    %dma_wait3A_1546 = tpu.memref_slice %arg3[%dma_wait3A_1545] : memref<1040000xf32, #tpu.memory_space<hbm>> -> memref<1040000xf32, #tpu.memory_space<hbm>>
    tpu.wait_indirect_dma semaphore(%arg10 : memref<!tpu.dma_semaphore, #tpu.memory_space<semaphore_mem>>) src(%dma_wait3A_1546 : memref<1040000xf32, #tpu.memory_space<hbm>>) dst(%dma_wait3A_1541 : memref<128xf32, #tpu.memory_space<vmem>>)
    %dma_wait3A_1547 = arith.constant 6 : i32
    %dma_wait3A_1548 = arith.constant 1 : i32
    %dma_wait3A_1549 = arith.constant 6 : i32
    %dma_wait3A_1550 = arith.constant 1 : i32
    %dma_wait3A_1551 = arith.constant 0 : i32
    %dma_wait3A_1552 = tpu.memref_slice %arg7[%dma_wait3A_1549, %dma_wait3A_1550, %dma_wait3A_1551] : memref<26x4x128xf32, #tpu.memory_space<vmem>> -> memref<1x1x128xf32, #tpu.memory_space<vmem>>
    %dma_wait3A_1553 = tpu.memref_squeeze %dma_wait3A_1552 : memref<1x1x128xf32, #tpu.memory_space<vmem>> -> memref<128xf32, #tpu.memory_space<vmem>>
    %dma_wait3A_1554 = arith.constant 0 : i32
    %dma_wait3A_1555 = tpu.memref_slice %arg6[%dma_wait3A_1547, %dma_wait3A_1548, %dma_wait3A_1554] : memref<26x4x128xi32, #tpu.memory_space<vmem>> -> memref<1x1x128xi32, #tpu.memory_space<vmem>>
    %dma_wait3A_1556 = tpu.memref_squeeze %dma_wait3A_1555 : memref<1x1x128xi32, #tpu.memory_space<vmem>> -> memref<128xi32, #tpu.memory_space<vmem>>
    %dma_wait3A_1557 = arith.constant 0 : i32
    %dma_wait3A_1558 = tpu.memref_slice %arg3[%dma_wait3A_1557] : memref<1040000xf32, #tpu.memory_space<hbm>> -> memref<1040000xf32, #tpu.memory_space<hbm>>
    tpu.wait_indirect_dma semaphore(%arg10 : memref<!tpu.dma_semaphore, #tpu.memory_space<semaphore_mem>>) src(%dma_wait3A_1558 : memref<1040000xf32, #tpu.memory_space<hbm>>) dst(%dma_wait3A_1553 : memref<128xf32, #tpu.memory_space<vmem>>)
    %dma_wait3A_1559 = arith.constant 6 : i32
    %dma_wait3A_1560 = arith.constant 2 : i32
    %dma_wait3A_1561 = arith.constant 6 : i32
    %dma_wait3A_1562 = arith.constant 2 : i32
    %dma_wait3A_1563 = arith.constant 0 : i32
    %dma_wait3A_1564 = tpu.memref_slice %arg7[%dma_wait3A_1561, %dma_wait3A_1562, %dma_wait3A_1563] : memref<26x4x128xf32, #tpu.memory_space<vmem>> -> memref<1x1x128xf32, #tpu.memory_space<vmem>>
    %dma_wait3A_1565 = tpu.memref_squeeze %dma_wait3A_1564 : memref<1x1x128xf32, #tpu.memory_space<vmem>> -> memref<128xf32, #tpu.memory_space<vmem>>
    %dma_wait3A_1566 = arith.constant 0 : i32
    %dma_wait3A_1567 = tpu.memref_slice %arg6[%dma_wait3A_1559, %dma_wait3A_1560, %dma_wait3A_1566] : memref<26x4x128xi32, #tpu.memory_space<vmem>> -> memref<1x1x128xi32, #tpu.memory_space<vmem>>
    %dma_wait3A_1568 = tpu.memref_squeeze %dma_wait3A_1567 : memref<1x1x128xi32, #tpu.memory_space<vmem>> -> memref<128xi32, #tpu.memory_space<vmem>>
    %dma_wait3A_1569 = arith.constant 0 : i32
    %dma_wait3A_1570 = tpu.memref_slice %arg3[%dma_wait3A_1569] : memref<1040000xf32, #tpu.memory_space<hbm>> -> memref<1040000xf32, #tpu.memory_space<hbm>>
    tpu.wait_indirect_dma semaphore(%arg10 : memref<!tpu.dma_semaphore, #tpu.memory_space<semaphore_mem>>) src(%dma_wait3A_1570 : memref<1040000xf32, #tpu.memory_space<hbm>>) dst(%dma_wait3A_1565 : memref<128xf32, #tpu.memory_space<vmem>>)
    %dma_wait3A_1571 = arith.constant 6 : i32
    %dma_wait3A_1572 = arith.constant 3 : i32
    %dma_wait3A_1573 = arith.constant 6 : i32
    %dma_wait3A_1574 = arith.constant 3 : i32
    %dma_wait3A_1575 = arith.constant 0 : i32
    %dma_wait3A_1576 = tpu.memref_slice %arg7[%dma_wait3A_1573, %dma_wait3A_1574, %dma_wait3A_1575] : memref<26x4x128xf32, #tpu.memory_space<vmem>> -> memref<1x1x128xf32, #tpu.memory_space<vmem>>
    %dma_wait3A_1577 = tpu.memref_squeeze %dma_wait3A_1576 : memref<1x1x128xf32, #tpu.memory_space<vmem>> -> memref<128xf32, #tpu.memory_space<vmem>>
    %dma_wait3A_1578 = arith.constant 0 : i32
    %dma_wait3A_1579 = tpu.memref_slice %arg6[%dma_wait3A_1571, %dma_wait3A_1572, %dma_wait3A_1578] : memref<26x4x128xi32, #tpu.memory_space<vmem>> -> memref<1x1x128xi32, #tpu.memory_space<vmem>>
    %dma_wait3A_1580 = tpu.memref_squeeze %dma_wait3A_1579 : memref<1x1x128xi32, #tpu.memory_space<vmem>> -> memref<128xi32, #tpu.memory_space<vmem>>
    %dma_wait3A_1581 = arith.constant 0 : i32
    %dma_wait3A_1582 = tpu.memref_slice %arg3[%dma_wait3A_1581] : memref<1040000xf32, #tpu.memory_space<hbm>> -> memref<1040000xf32, #tpu.memory_space<hbm>>
    tpu.wait_indirect_dma semaphore(%arg10 : memref<!tpu.dma_semaphore, #tpu.memory_space<semaphore_mem>>) src(%dma_wait3A_1582 : memref<1040000xf32, #tpu.memory_space<hbm>>) dst(%dma_wait3A_1577 : memref<128xf32, #tpu.memory_space<vmem>>)
    %dma_wait3A_1583 = arith.constant 7 : i32
    %dma_wait3A_1584 = arith.constant 0 : i32
    %dma_wait3A_1585 = arith.constant 7 : i32
    %dma_wait3A_1586 = arith.constant 0 : i32
    %dma_wait3A_1587 = arith.constant 0 : i32
    %dma_wait3A_1588 = tpu.memref_slice %arg7[%dma_wait3A_1585, %dma_wait3A_1586, %dma_wait3A_1587] : memref<26x4x128xf32, #tpu.memory_space<vmem>> -> memref<1x1x128xf32, #tpu.memory_space<vmem>>
    %dma_wait3A_1589 = tpu.memref_squeeze %dma_wait3A_1588 : memref<1x1x128xf32, #tpu.memory_space<vmem>> -> memref<128xf32, #tpu.memory_space<vmem>>
    %dma_wait3A_1590 = arith.constant 0 : i32
    %dma_wait3A_1591 = tpu.memref_slice %arg6[%dma_wait3A_1583, %dma_wait3A_1584, %dma_wait3A_1590] : memref<26x4x128xi32, #tpu.memory_space<vmem>> -> memref<1x1x128xi32, #tpu.memory_space<vmem>>
    %dma_wait3A_1592 = tpu.memref_squeeze %dma_wait3A_1591 : memref<1x1x128xi32, #tpu.memory_space<vmem>> -> memref<128xi32, #tpu.memory_space<vmem>>
    %dma_wait3A_1593 = arith.constant 0 : i32
    %dma_wait3A_1594 = tpu.memref_slice %arg3[%dma_wait3A_1593] : memref<1040000xf32, #tpu.memory_space<hbm>> -> memref<1040000xf32, #tpu.memory_space<hbm>>
    tpu.wait_indirect_dma semaphore(%arg10 : memref<!tpu.dma_semaphore, #tpu.memory_space<semaphore_mem>>) src(%dma_wait3A_1594 : memref<1040000xf32, #tpu.memory_space<hbm>>) dst(%dma_wait3A_1589 : memref<128xf32, #tpu.memory_space<vmem>>)
    %dma_wait3A_1595 = arith.constant 7 : i32
    %dma_wait3A_1596 = arith.constant 1 : i32
    %dma_wait3A_1597 = arith.constant 7 : i32
    %dma_wait3A_1598 = arith.constant 1 : i32
    %dma_wait3A_1599 = arith.constant 0 : i32
    %dma_wait3A_1600 = tpu.memref_slice %arg7[%dma_wait3A_1597, %dma_wait3A_1598, %dma_wait3A_1599] : memref<26x4x128xf32, #tpu.memory_space<vmem>> -> memref<1x1x128xf32, #tpu.memory_space<vmem>>
    %dma_wait3A_1601 = tpu.memref_squeeze %dma_wait3A_1600 : memref<1x1x128xf32, #tpu.memory_space<vmem>> -> memref<128xf32, #tpu.memory_space<vmem>>
    %dma_wait3A_1602 = arith.constant 0 : i32
    %dma_wait3A_1603 = tpu.memref_slice %arg6[%dma_wait3A_1595, %dma_wait3A_1596, %dma_wait3A_1602] : memref<26x4x128xi32, #tpu.memory_space<vmem>> -> memref<1x1x128xi32, #tpu.memory_space<vmem>>
    %dma_wait3A_1604 = tpu.memref_squeeze %dma_wait3A_1603 : memref<1x1x128xi32, #tpu.memory_space<vmem>> -> memref<128xi32, #tpu.memory_space<vmem>>
    %dma_wait3A_1605 = arith.constant 0 : i32
    %dma_wait3A_1606 = tpu.memref_slice %arg3[%dma_wait3A_1605] : memref<1040000xf32, #tpu.memory_space<hbm>> -> memref<1040000xf32, #tpu.memory_space<hbm>>
    tpu.wait_indirect_dma semaphore(%arg10 : memref<!tpu.dma_semaphore, #tpu.memory_space<semaphore_mem>>) src(%dma_wait3A_1606 : memref<1040000xf32, #tpu.memory_space<hbm>>) dst(%dma_wait3A_1601 : memref<128xf32, #tpu.memory_space<vmem>>)
    %dma_wait3A_1607 = arith.constant 7 : i32
    %dma_wait3A_1608 = arith.constant 2 : i32
    %dma_wait3A_1609 = arith.constant 7 : i32
    %dma_wait3A_1610 = arith.constant 2 : i32
    %dma_wait3A_1611 = arith.constant 0 : i32
    %dma_wait3A_1612 = tpu.memref_slice %arg7[%dma_wait3A_1609, %dma_wait3A_1610, %dma_wait3A_1611] : memref<26x4x128xf32, #tpu.memory_space<vmem>> -> memref<1x1x128xf32, #tpu.memory_space<vmem>>
    %dma_wait3A_1613 = tpu.memref_squeeze %dma_wait3A_1612 : memref<1x1x128xf32, #tpu.memory_space<vmem>> -> memref<128xf32, #tpu.memory_space<vmem>>
    %dma_wait3A_1614 = arith.constant 0 : i32
    %dma_wait3A_1615 = tpu.memref_slice %arg6[%dma_wait3A_1607, %dma_wait3A_1608, %dma_wait3A_1614] : memref<26x4x128xi32, #tpu.memory_space<vmem>> -> memref<1x1x128xi32, #tpu.memory_space<vmem>>
    %dma_wait3A_1616 = tpu.memref_squeeze %dma_wait3A_1615 : memref<1x1x128xi32, #tpu.memory_space<vmem>> -> memref<128xi32, #tpu.memory_space<vmem>>
    %dma_wait3A_1617 = arith.constant 0 : i32
    %dma_wait3A_1618 = tpu.memref_slice %arg3[%dma_wait3A_1617] : memref<1040000xf32, #tpu.memory_space<hbm>> -> memref<1040000xf32, #tpu.memory_space<hbm>>
    tpu.wait_indirect_dma semaphore(%arg10 : memref<!tpu.dma_semaphore, #tpu.memory_space<semaphore_mem>>) src(%dma_wait3A_1618 : memref<1040000xf32, #tpu.memory_space<hbm>>) dst(%dma_wait3A_1613 : memref<128xf32, #tpu.memory_space<vmem>>)
    %dma_wait3A_1619 = arith.constant 7 : i32
    %dma_wait3A_1620 = arith.constant 3 : i32
    %dma_wait3A_1621 = arith.constant 7 : i32
    %dma_wait3A_1622 = arith.constant 3 : i32
    %dma_wait3A_1623 = arith.constant 0 : i32
    %dma_wait3A_1624 = tpu.memref_slice %arg7[%dma_wait3A_1621, %dma_wait3A_1622, %dma_wait3A_1623] : memref<26x4x128xf32, #tpu.memory_space<vmem>> -> memref<1x1x128xf32, #tpu.memory_space<vmem>>
    %dma_wait3A_1625 = tpu.memref_squeeze %dma_wait3A_1624 : memref<1x1x128xf32, #tpu.memory_space<vmem>> -> memref<128xf32, #tpu.memory_space<vmem>>
    %dma_wait3A_1626 = arith.constant 0 : i32
    %dma_wait3A_1627 = tpu.memref_slice %arg6[%dma_wait3A_1619, %dma_wait3A_1620, %dma_wait3A_1626] : memref<26x4x128xi32, #tpu.memory_space<vmem>> -> memref<1x1x128xi32, #tpu.memory_space<vmem>>
    %dma_wait3A_1628 = tpu.memref_squeeze %dma_wait3A_1627 : memref<1x1x128xi32, #tpu.memory_space<vmem>> -> memref<128xi32, #tpu.memory_space<vmem>>
    %dma_wait3A_1629 = arith.constant 0 : i32
    %dma_wait3A_1630 = tpu.memref_slice %arg3[%dma_wait3A_1629] : memref<1040000xf32, #tpu.memory_space<hbm>> -> memref<1040000xf32, #tpu.memory_space<hbm>>
    tpu.wait_indirect_dma semaphore(%arg10 : memref<!tpu.dma_semaphore, #tpu.memory_space<semaphore_mem>>) src(%dma_wait3A_1630 : memref<1040000xf32, #tpu.memory_space<hbm>>) dst(%dma_wait3A_1625 : memref<128xf32, #tpu.memory_space<vmem>>)
    %dma_wait3A_1631 = arith.constant 8 : i32
    %dma_wait3A_1632 = arith.constant 0 : i32
    %dma_wait3A_1633 = arith.constant 8 : i32
    %dma_wait3A_1634 = arith.constant 0 : i32
    %dma_wait3A_1635 = arith.constant 0 : i32
    %dma_wait3A_1636 = tpu.memref_slice %arg7[%dma_wait3A_1633, %dma_wait3A_1634, %dma_wait3A_1635] : memref<26x4x128xf32, #tpu.memory_space<vmem>> -> memref<1x1x128xf32, #tpu.memory_space<vmem>>
    %dma_wait3A_1637 = tpu.memref_squeeze %dma_wait3A_1636 : memref<1x1x128xf32, #tpu.memory_space<vmem>> -> memref<128xf32, #tpu.memory_space<vmem>>
    %dma_wait3A_1638 = arith.constant 0 : i32
    %dma_wait3A_1639 = tpu.memref_slice %arg6[%dma_wait3A_1631, %dma_wait3A_1632, %dma_wait3A_1638] : memref<26x4x128xi32, #tpu.memory_space<vmem>> -> memref<1x1x128xi32, #tpu.memory_space<vmem>>
    %dma_wait3A_1640 = tpu.memref_squeeze %dma_wait3A_1639 : memref<1x1x128xi32, #tpu.memory_space<vmem>> -> memref<128xi32, #tpu.memory_space<vmem>>
    %dma_wait3A_1641 = arith.constant 0 : i32
    %dma_wait3A_1642 = tpu.memref_slice %arg3[%dma_wait3A_1641] : memref<1040000xf32, #tpu.memory_space<hbm>> -> memref<1040000xf32, #tpu.memory_space<hbm>>
    tpu.wait_indirect_dma semaphore(%arg10 : memref<!tpu.dma_semaphore, #tpu.memory_space<semaphore_mem>>) src(%dma_wait3A_1642 : memref<1040000xf32, #tpu.memory_space<hbm>>) dst(%dma_wait3A_1637 : memref<128xf32, #tpu.memory_space<vmem>>)
    %dma_wait3A_1643 = arith.constant 8 : i32
    %dma_wait3A_1644 = arith.constant 1 : i32
    %dma_wait3A_1645 = arith.constant 8 : i32
    %dma_wait3A_1646 = arith.constant 1 : i32
    %dma_wait3A_1647 = arith.constant 0 : i32
    %dma_wait3A_1648 = tpu.memref_slice %arg7[%dma_wait3A_1645, %dma_wait3A_1646, %dma_wait3A_1647] : memref<26x4x128xf32, #tpu.memory_space<vmem>> -> memref<1x1x128xf32, #tpu.memory_space<vmem>>
    %dma_wait3A_1649 = tpu.memref_squeeze %dma_wait3A_1648 : memref<1x1x128xf32, #tpu.memory_space<vmem>> -> memref<128xf32, #tpu.memory_space<vmem>>
    %dma_wait3A_1650 = arith.constant 0 : i32
    %dma_wait3A_1651 = tpu.memref_slice %arg6[%dma_wait3A_1643, %dma_wait3A_1644, %dma_wait3A_1650] : memref<26x4x128xi32, #tpu.memory_space<vmem>> -> memref<1x1x128xi32, #tpu.memory_space<vmem>>
    %dma_wait3A_1652 = tpu.memref_squeeze %dma_wait3A_1651 : memref<1x1x128xi32, #tpu.memory_space<vmem>> -> memref<128xi32, #tpu.memory_space<vmem>>
    %dma_wait3A_1653 = arith.constant 0 : i32
    %dma_wait3A_1654 = tpu.memref_slice %arg3[%dma_wait3A_1653] : memref<1040000xf32, #tpu.memory_space<hbm>> -> memref<1040000xf32, #tpu.memory_space<hbm>>
    tpu.wait_indirect_dma semaphore(%arg10 : memref<!tpu.dma_semaphore, #tpu.memory_space<semaphore_mem>>) src(%dma_wait3A_1654 : memref<1040000xf32, #tpu.memory_space<hbm>>) dst(%dma_wait3A_1649 : memref<128xf32, #tpu.memory_space<vmem>>)
    %dma_wait3A_1655 = arith.constant 8 : i32
    %dma_wait3A_1656 = arith.constant 2 : i32
    %dma_wait3A_1657 = arith.constant 8 : i32
    %dma_wait3A_1658 = arith.constant 2 : i32
    %dma_wait3A_1659 = arith.constant 0 : i32
    %dma_wait3A_1660 = tpu.memref_slice %arg7[%dma_wait3A_1657, %dma_wait3A_1658, %dma_wait3A_1659] : memref<26x4x128xf32, #tpu.memory_space<vmem>> -> memref<1x1x128xf32, #tpu.memory_space<vmem>>
    %dma_wait3A_1661 = tpu.memref_squeeze %dma_wait3A_1660 : memref<1x1x128xf32, #tpu.memory_space<vmem>> -> memref<128xf32, #tpu.memory_space<vmem>>
    %dma_wait3A_1662 = arith.constant 0 : i32
    %dma_wait3A_1663 = tpu.memref_slice %arg6[%dma_wait3A_1655, %dma_wait3A_1656, %dma_wait3A_1662] : memref<26x4x128xi32, #tpu.memory_space<vmem>> -> memref<1x1x128xi32, #tpu.memory_space<vmem>>
    %dma_wait3A_1664 = tpu.memref_squeeze %dma_wait3A_1663 : memref<1x1x128xi32, #tpu.memory_space<vmem>> -> memref<128xi32, #tpu.memory_space<vmem>>
    %dma_wait3A_1665 = arith.constant 0 : i32
    %dma_wait3A_1666 = tpu.memref_slice %arg3[%dma_wait3A_1665] : memref<1040000xf32, #tpu.memory_space<hbm>> -> memref<1040000xf32, #tpu.memory_space<hbm>>
    tpu.wait_indirect_dma semaphore(%arg10 : memref<!tpu.dma_semaphore, #tpu.memory_space<semaphore_mem>>) src(%dma_wait3A_1666 : memref<1040000xf32, #tpu.memory_space<hbm>>) dst(%dma_wait3A_1661 : memref<128xf32, #tpu.memory_space<vmem>>)
    %dma_wait3A_1667 = arith.constant 8 : i32
    %dma_wait3A_1668 = arith.constant 3 : i32
    %dma_wait3A_1669 = arith.constant 8 : i32
    %dma_wait3A_1670 = arith.constant 3 : i32
    %dma_wait3A_1671 = arith.constant 0 : i32
    %dma_wait3A_1672 = tpu.memref_slice %arg7[%dma_wait3A_1669, %dma_wait3A_1670, %dma_wait3A_1671] : memref<26x4x128xf32, #tpu.memory_space<vmem>> -> memref<1x1x128xf32, #tpu.memory_space<vmem>>
    %dma_wait3A_1673 = tpu.memref_squeeze %dma_wait3A_1672 : memref<1x1x128xf32, #tpu.memory_space<vmem>> -> memref<128xf32, #tpu.memory_space<vmem>>
    %dma_wait3A_1674 = arith.constant 0 : i32
    %dma_wait3A_1675 = tpu.memref_slice %arg6[%dma_wait3A_1667, %dma_wait3A_1668, %dma_wait3A_1674] : memref<26x4x128xi32, #tpu.memory_space<vmem>> -> memref<1x1x128xi32, #tpu.memory_space<vmem>>
    %dma_wait3A_1676 = tpu.memref_squeeze %dma_wait3A_1675 : memref<1x1x128xi32, #tpu.memory_space<vmem>> -> memref<128xi32, #tpu.memory_space<vmem>>
    %dma_wait3A_1677 = arith.constant 0 : i32
    %dma_wait3A_1678 = tpu.memref_slice %arg3[%dma_wait3A_1677] : memref<1040000xf32, #tpu.memory_space<hbm>> -> memref<1040000xf32, #tpu.memory_space<hbm>>
    tpu.wait_indirect_dma semaphore(%arg10 : memref<!tpu.dma_semaphore, #tpu.memory_space<semaphore_mem>>) src(%dma_wait3A_1678 : memref<1040000xf32, #tpu.memory_space<hbm>>) dst(%dma_wait3A_1673 : memref<128xf32, #tpu.memory_space<vmem>>)
    %dma_wait3A_1679 = arith.constant 9 : i32
    %dma_wait3A_1680 = arith.constant 0 : i32
    %dma_wait3A_1681 = arith.constant 9 : i32
    %dma_wait3A_1682 = arith.constant 0 : i32
    %dma_wait3A_1683 = arith.constant 0 : i32
    %dma_wait3A_1684 = tpu.memref_slice %arg7[%dma_wait3A_1681, %dma_wait3A_1682, %dma_wait3A_1683] : memref<26x4x128xf32, #tpu.memory_space<vmem>> -> memref<1x1x128xf32, #tpu.memory_space<vmem>>
    %dma_wait3A_1685 = tpu.memref_squeeze %dma_wait3A_1684 : memref<1x1x128xf32, #tpu.memory_space<vmem>> -> memref<128xf32, #tpu.memory_space<vmem>>
    %dma_wait3A_1686 = arith.constant 0 : i32
    %dma_wait3A_1687 = tpu.memref_slice %arg6[%dma_wait3A_1679, %dma_wait3A_1680, %dma_wait3A_1686] : memref<26x4x128xi32, #tpu.memory_space<vmem>> -> memref<1x1x128xi32, #tpu.memory_space<vmem>>
    %dma_wait3A_1688 = tpu.memref_squeeze %dma_wait3A_1687 : memref<1x1x128xi32, #tpu.memory_space<vmem>> -> memref<128xi32, #tpu.memory_space<vmem>>
    %dma_wait3A_1689 = arith.constant 0 : i32
    %dma_wait3A_1690 = tpu.memref_slice %arg3[%dma_wait3A_1689] : memref<1040000xf32, #tpu.memory_space<hbm>> -> memref<1040000xf32, #tpu.memory_space<hbm>>
    tpu.wait_indirect_dma semaphore(%arg10 : memref<!tpu.dma_semaphore, #tpu.memory_space<semaphore_mem>>) src(%dma_wait3A_1690 : memref<1040000xf32, #tpu.memory_space<hbm>>) dst(%dma_wait3A_1685 : memref<128xf32, #tpu.memory_space<vmem>>)
    %dma_wait3A_1691 = arith.constant 9 : i32
    %dma_wait3A_1692 = arith.constant 1 : i32
    %dma_wait3A_1693 = arith.constant 9 : i32
    %dma_wait3A_1694 = arith.constant 1 : i32
    %dma_wait3A_1695 = arith.constant 0 : i32
    %dma_wait3A_1696 = tpu.memref_slice %arg7[%dma_wait3A_1693, %dma_wait3A_1694, %dma_wait3A_1695] : memref<26x4x128xf32, #tpu.memory_space<vmem>> -> memref<1x1x128xf32, #tpu.memory_space<vmem>>
    %dma_wait3A_1697 = tpu.memref_squeeze %dma_wait3A_1696 : memref<1x1x128xf32, #tpu.memory_space<vmem>> -> memref<128xf32, #tpu.memory_space<vmem>>
    %dma_wait3A_1698 = arith.constant 0 : i32
    %dma_wait3A_1699 = tpu.memref_slice %arg6[%dma_wait3A_1691, %dma_wait3A_1692, %dma_wait3A_1698] : memref<26x4x128xi32, #tpu.memory_space<vmem>> -> memref<1x1x128xi32, #tpu.memory_space<vmem>>
    %dma_wait3A_1700 = tpu.memref_squeeze %dma_wait3A_1699 : memref<1x1x128xi32, #tpu.memory_space<vmem>> -> memref<128xi32, #tpu.memory_space<vmem>>
    %dma_wait3A_1701 = arith.constant 0 : i32
    %dma_wait3A_1702 = tpu.memref_slice %arg3[%dma_wait3A_1701] : memref<1040000xf32, #tpu.memory_space<hbm>> -> memref<1040000xf32, #tpu.memory_space<hbm>>
    tpu.wait_indirect_dma semaphore(%arg10 : memref<!tpu.dma_semaphore, #tpu.memory_space<semaphore_mem>>) src(%dma_wait3A_1702 : memref<1040000xf32, #tpu.memory_space<hbm>>) dst(%dma_wait3A_1697 : memref<128xf32, #tpu.memory_space<vmem>>)
    %dma_wait3A_1703 = arith.constant 9 : i32
    %dma_wait3A_1704 = arith.constant 2 : i32
    %dma_wait3A_1705 = arith.constant 9 : i32
    %dma_wait3A_1706 = arith.constant 2 : i32
    %dma_wait3A_1707 = arith.constant 0 : i32
    %dma_wait3A_1708 = tpu.memref_slice %arg7[%dma_wait3A_1705, %dma_wait3A_1706, %dma_wait3A_1707] : memref<26x4x128xf32, #tpu.memory_space<vmem>> -> memref<1x1x128xf32, #tpu.memory_space<vmem>>
    %dma_wait3A_1709 = tpu.memref_squeeze %dma_wait3A_1708 : memref<1x1x128xf32, #tpu.memory_space<vmem>> -> memref<128xf32, #tpu.memory_space<vmem>>
    %dma_wait3A_1710 = arith.constant 0 : i32
    %dma_wait3A_1711 = tpu.memref_slice %arg6[%dma_wait3A_1703, %dma_wait3A_1704, %dma_wait3A_1710] : memref<26x4x128xi32, #tpu.memory_space<vmem>> -> memref<1x1x128xi32, #tpu.memory_space<vmem>>
    %dma_wait3A_1712 = tpu.memref_squeeze %dma_wait3A_1711 : memref<1x1x128xi32, #tpu.memory_space<vmem>> -> memref<128xi32, #tpu.memory_space<vmem>>
    %dma_wait3A_1713 = arith.constant 0 : i32
    %dma_wait3A_1714 = tpu.memref_slice %arg3[%dma_wait3A_1713] : memref<1040000xf32, #tpu.memory_space<hbm>> -> memref<1040000xf32, #tpu.memory_space<hbm>>
    tpu.wait_indirect_dma semaphore(%arg10 : memref<!tpu.dma_semaphore, #tpu.memory_space<semaphore_mem>>) src(%dma_wait3A_1714 : memref<1040000xf32, #tpu.memory_space<hbm>>) dst(%dma_wait3A_1709 : memref<128xf32, #tpu.memory_space<vmem>>)
    %dma_wait3A_1715 = arith.constant 9 : i32
    %dma_wait3A_1716 = arith.constant 3 : i32
    %dma_wait3A_1717 = arith.constant 9 : i32
    %dma_wait3A_1718 = arith.constant 3 : i32
    %dma_wait3A_1719 = arith.constant 0 : i32
    %dma_wait3A_1720 = tpu.memref_slice %arg7[%dma_wait3A_1717, %dma_wait3A_1718, %dma_wait3A_1719] : memref<26x4x128xf32, #tpu.memory_space<vmem>> -> memref<1x1x128xf32, #tpu.memory_space<vmem>>
    %dma_wait3A_1721 = tpu.memref_squeeze %dma_wait3A_1720 : memref<1x1x128xf32, #tpu.memory_space<vmem>> -> memref<128xf32, #tpu.memory_space<vmem>>
    %dma_wait3A_1722 = arith.constant 0 : i32
    %dma_wait3A_1723 = tpu.memref_slice %arg6[%dma_wait3A_1715, %dma_wait3A_1716, %dma_wait3A_1722] : memref<26x4x128xi32, #tpu.memory_space<vmem>> -> memref<1x1x128xi32, #tpu.memory_space<vmem>>
    %dma_wait3A_1724 = tpu.memref_squeeze %dma_wait3A_1723 : memref<1x1x128xi32, #tpu.memory_space<vmem>> -> memref<128xi32, #tpu.memory_space<vmem>>
    %dma_wait3A_1725 = arith.constant 0 : i32
    %dma_wait3A_1726 = tpu.memref_slice %arg3[%dma_wait3A_1725] : memref<1040000xf32, #tpu.memory_space<hbm>> -> memref<1040000xf32, #tpu.memory_space<hbm>>
    tpu.wait_indirect_dma semaphore(%arg10 : memref<!tpu.dma_semaphore, #tpu.memory_space<semaphore_mem>>) src(%dma_wait3A_1726 : memref<1040000xf32, #tpu.memory_space<hbm>>) dst(%dma_wait3A_1721 : memref<128xf32, #tpu.memory_space<vmem>>)
    %dma_wait3A_1727 = arith.constant 10 : i32
    %dma_wait3A_1728 = arith.constant 0 : i32
    %dma_wait3A_1729 = arith.constant 10 : i32
    %dma_wait3A_1730 = arith.constant 0 : i32
    %dma_wait3A_1731 = arith.constant 0 : i32
    %dma_wait3A_1732 = tpu.memref_slice %arg7[%dma_wait3A_1729, %dma_wait3A_1730, %dma_wait3A_1731] : memref<26x4x128xf32, #tpu.memory_space<vmem>> -> memref<1x1x128xf32, #tpu.memory_space<vmem>>
    %dma_wait3A_1733 = tpu.memref_squeeze %dma_wait3A_1732 : memref<1x1x128xf32, #tpu.memory_space<vmem>> -> memref<128xf32, #tpu.memory_space<vmem>>
    %dma_wait3A_1734 = arith.constant 0 : i32
    %dma_wait3A_1735 = tpu.memref_slice %arg6[%dma_wait3A_1727, %dma_wait3A_1728, %dma_wait3A_1734] : memref<26x4x128xi32, #tpu.memory_space<vmem>> -> memref<1x1x128xi32, #tpu.memory_space<vmem>>
    %dma_wait3A_1736 = tpu.memref_squeeze %dma_wait3A_1735 : memref<1x1x128xi32, #tpu.memory_space<vmem>> -> memref<128xi32, #tpu.memory_space<vmem>>
    %dma_wait3A_1737 = arith.constant 0 : i32
    %dma_wait3A_1738 = tpu.memref_slice %arg3[%dma_wait3A_1737] : memref<1040000xf32, #tpu.memory_space<hbm>> -> memref<1040000xf32, #tpu.memory_space<hbm>>
    tpu.wait_indirect_dma semaphore(%arg10 : memref<!tpu.dma_semaphore, #tpu.memory_space<semaphore_mem>>) src(%dma_wait3A_1738 : memref<1040000xf32, #tpu.memory_space<hbm>>) dst(%dma_wait3A_1733 : memref<128xf32, #tpu.memory_space<vmem>>)
    %dma_wait3A_1739 = arith.constant 10 : i32
    %dma_wait3A_1740 = arith.constant 1 : i32
    %dma_wait3A_1741 = arith.constant 10 : i32
    %dma_wait3A_1742 = arith.constant 1 : i32
    %dma_wait3A_1743 = arith.constant 0 : i32
    %dma_wait3A_1744 = tpu.memref_slice %arg7[%dma_wait3A_1741, %dma_wait3A_1742, %dma_wait3A_1743] : memref<26x4x128xf32, #tpu.memory_space<vmem>> -> memref<1x1x128xf32, #tpu.memory_space<vmem>>
    %dma_wait3A_1745 = tpu.memref_squeeze %dma_wait3A_1744 : memref<1x1x128xf32, #tpu.memory_space<vmem>> -> memref<128xf32, #tpu.memory_space<vmem>>
    %dma_wait3A_1746 = arith.constant 0 : i32
    %dma_wait3A_1747 = tpu.memref_slice %arg6[%dma_wait3A_1739, %dma_wait3A_1740, %dma_wait3A_1746] : memref<26x4x128xi32, #tpu.memory_space<vmem>> -> memref<1x1x128xi32, #tpu.memory_space<vmem>>
    %dma_wait3A_1748 = tpu.memref_squeeze %dma_wait3A_1747 : memref<1x1x128xi32, #tpu.memory_space<vmem>> -> memref<128xi32, #tpu.memory_space<vmem>>
    %dma_wait3A_1749 = arith.constant 0 : i32
    %dma_wait3A_1750 = tpu.memref_slice %arg3[%dma_wait3A_1749] : memref<1040000xf32, #tpu.memory_space<hbm>> -> memref<1040000xf32, #tpu.memory_space<hbm>>
    tpu.wait_indirect_dma semaphore(%arg10 : memref<!tpu.dma_semaphore, #tpu.memory_space<semaphore_mem>>) src(%dma_wait3A_1750 : memref<1040000xf32, #tpu.memory_space<hbm>>) dst(%dma_wait3A_1745 : memref<128xf32, #tpu.memory_space<vmem>>)
    %dma_wait3A_1751 = arith.constant 10 : i32
    %dma_wait3A_1752 = arith.constant 2 : i32
    %dma_wait3A_1753 = arith.constant 10 : i32
    %dma_wait3A_1754 = arith.constant 2 : i32
    %dma_wait3A_1755 = arith.constant 0 : i32
    %dma_wait3A_1756 = tpu.memref_slice %arg7[%dma_wait3A_1753, %dma_wait3A_1754, %dma_wait3A_1755] : memref<26x4x128xf32, #tpu.memory_space<vmem>> -> memref<1x1x128xf32, #tpu.memory_space<vmem>>
    %dma_wait3A_1757 = tpu.memref_squeeze %dma_wait3A_1756 : memref<1x1x128xf32, #tpu.memory_space<vmem>> -> memref<128xf32, #tpu.memory_space<vmem>>
    %dma_wait3A_1758 = arith.constant 0 : i32
    %dma_wait3A_1759 = tpu.memref_slice %arg6[%dma_wait3A_1751, %dma_wait3A_1752, %dma_wait3A_1758] : memref<26x4x128xi32, #tpu.memory_space<vmem>> -> memref<1x1x128xi32, #tpu.memory_space<vmem>>
    %dma_wait3A_1760 = tpu.memref_squeeze %dma_wait3A_1759 : memref<1x1x128xi32, #tpu.memory_space<vmem>> -> memref<128xi32, #tpu.memory_space<vmem>>
    %dma_wait3A_1761 = arith.constant 0 : i32
    %dma_wait3A_1762 = tpu.memref_slice %arg3[%dma_wait3A_1761] : memref<1040000xf32, #tpu.memory_space<hbm>> -> memref<1040000xf32, #tpu.memory_space<hbm>>
    tpu.wait_indirect_dma semaphore(%arg10 : memref<!tpu.dma_semaphore, #tpu.memory_space<semaphore_mem>>) src(%dma_wait3A_1762 : memref<1040000xf32, #tpu.memory_space<hbm>>) dst(%dma_wait3A_1757 : memref<128xf32, #tpu.memory_space<vmem>>)
    %dma_wait3A_1763 = arith.constant 10 : i32
    %dma_wait3A_1764 = arith.constant 3 : i32
    %dma_wait3A_1765 = arith.constant 10 : i32
    %dma_wait3A_1766 = arith.constant 3 : i32
    %dma_wait3A_1767 = arith.constant 0 : i32
    %dma_wait3A_1768 = tpu.memref_slice %arg7[%dma_wait3A_1765, %dma_wait3A_1766, %dma_wait3A_1767] : memref<26x4x128xf32, #tpu.memory_space<vmem>> -> memref<1x1x128xf32, #tpu.memory_space<vmem>>
    %dma_wait3A_1769 = tpu.memref_squeeze %dma_wait3A_1768 : memref<1x1x128xf32, #tpu.memory_space<vmem>> -> memref<128xf32, #tpu.memory_space<vmem>>
    %dma_wait3A_1770 = arith.constant 0 : i32
    %dma_wait3A_1771 = tpu.memref_slice %arg6[%dma_wait3A_1763, %dma_wait3A_1764, %dma_wait3A_1770] : memref<26x4x128xi32, #tpu.memory_space<vmem>> -> memref<1x1x128xi32, #tpu.memory_space<vmem>>
    %dma_wait3A_1772 = tpu.memref_squeeze %dma_wait3A_1771 : memref<1x1x128xi32, #tpu.memory_space<vmem>> -> memref<128xi32, #tpu.memory_space<vmem>>
    %dma_wait3A_1773 = arith.constant 0 : i32
    %dma_wait3A_1774 = tpu.memref_slice %arg3[%dma_wait3A_1773] : memref<1040000xf32, #tpu.memory_space<hbm>> -> memref<1040000xf32, #tpu.memory_space<hbm>>
    tpu.wait_indirect_dma semaphore(%arg10 : memref<!tpu.dma_semaphore, #tpu.memory_space<semaphore_mem>>) src(%dma_wait3A_1774 : memref<1040000xf32, #tpu.memory_space<hbm>>) dst(%dma_wait3A_1769 : memref<128xf32, #tpu.memory_space<vmem>>)
    %dma_wait3A_1775 = arith.constant 11 : i32
    %dma_wait3A_1776 = arith.constant 0 : i32
    %dma_wait3A_1777 = arith.constant 11 : i32
    %dma_wait3A_1778 = arith.constant 0 : i32
    %dma_wait3A_1779 = arith.constant 0 : i32
    %dma_wait3A_1780 = tpu.memref_slice %arg7[%dma_wait3A_1777, %dma_wait3A_1778, %dma_wait3A_1779] : memref<26x4x128xf32, #tpu.memory_space<vmem>> -> memref<1x1x128xf32, #tpu.memory_space<vmem>>
    %dma_wait3A_1781 = tpu.memref_squeeze %dma_wait3A_1780 : memref<1x1x128xf32, #tpu.memory_space<vmem>> -> memref<128xf32, #tpu.memory_space<vmem>>
    %dma_wait3A_1782 = arith.constant 0 : i32
    %dma_wait3A_1783 = tpu.memref_slice %arg6[%dma_wait3A_1775, %dma_wait3A_1776, %dma_wait3A_1782] : memref<26x4x128xi32, #tpu.memory_space<vmem>> -> memref<1x1x128xi32, #tpu.memory_space<vmem>>
    %dma_wait3A_1784 = tpu.memref_squeeze %dma_wait3A_1783 : memref<1x1x128xi32, #tpu.memory_space<vmem>> -> memref<128xi32, #tpu.memory_space<vmem>>
    %dma_wait3A_1785 = arith.constant 0 : i32
    %dma_wait3A_1786 = tpu.memref_slice %arg3[%dma_wait3A_1785] : memref<1040000xf32, #tpu.memory_space<hbm>> -> memref<1040000xf32, #tpu.memory_space<hbm>>
    tpu.wait_indirect_dma semaphore(%arg10 : memref<!tpu.dma_semaphore, #tpu.memory_space<semaphore_mem>>) src(%dma_wait3A_1786 : memref<1040000xf32, #tpu.memory_space<hbm>>) dst(%dma_wait3A_1781 : memref<128xf32, #tpu.memory_space<vmem>>)
    %dma_wait3A_1787 = arith.constant 11 : i32
    %dma_wait3A_1788 = arith.constant 1 : i32
    %dma_wait3A_1789 = arith.constant 11 : i32
    %dma_wait3A_1790 = arith.constant 1 : i32
    %dma_wait3A_1791 = arith.constant 0 : i32
    %dma_wait3A_1792 = tpu.memref_slice %arg7[%dma_wait3A_1789, %dma_wait3A_1790, %dma_wait3A_1791] : memref<26x4x128xf32, #tpu.memory_space<vmem>> -> memref<1x1x128xf32, #tpu.memory_space<vmem>>
    %dma_wait3A_1793 = tpu.memref_squeeze %dma_wait3A_1792 : memref<1x1x128xf32, #tpu.memory_space<vmem>> -> memref<128xf32, #tpu.memory_space<vmem>>
    %dma_wait3A_1794 = arith.constant 0 : i32
    %dma_wait3A_1795 = tpu.memref_slice %arg6[%dma_wait3A_1787, %dma_wait3A_1788, %dma_wait3A_1794] : memref<26x4x128xi32, #tpu.memory_space<vmem>> -> memref<1x1x128xi32, #tpu.memory_space<vmem>>
    %dma_wait3A_1796 = tpu.memref_squeeze %dma_wait3A_1795 : memref<1x1x128xi32, #tpu.memory_space<vmem>> -> memref<128xi32, #tpu.memory_space<vmem>>
    %dma_wait3A_1797 = arith.constant 0 : i32
    %dma_wait3A_1798 = tpu.memref_slice %arg3[%dma_wait3A_1797] : memref<1040000xf32, #tpu.memory_space<hbm>> -> memref<1040000xf32, #tpu.memory_space<hbm>>
    tpu.wait_indirect_dma semaphore(%arg10 : memref<!tpu.dma_semaphore, #tpu.memory_space<semaphore_mem>>) src(%dma_wait3A_1798 : memref<1040000xf32, #tpu.memory_space<hbm>>) dst(%dma_wait3A_1793 : memref<128xf32, #tpu.memory_space<vmem>>)
    %dma_wait3A_1799 = arith.constant 11 : i32
    %dma_wait3A_1800 = arith.constant 2 : i32
    %dma_wait3A_1801 = arith.constant 11 : i32
    %dma_wait3A_1802 = arith.constant 2 : i32
    %dma_wait3A_1803 = arith.constant 0 : i32
    %dma_wait3A_1804 = tpu.memref_slice %arg7[%dma_wait3A_1801, %dma_wait3A_1802, %dma_wait3A_1803] : memref<26x4x128xf32, #tpu.memory_space<vmem>> -> memref<1x1x128xf32, #tpu.memory_space<vmem>>
    %dma_wait3A_1805 = tpu.memref_squeeze %dma_wait3A_1804 : memref<1x1x128xf32, #tpu.memory_space<vmem>> -> memref<128xf32, #tpu.memory_space<vmem>>
    %dma_wait3A_1806 = arith.constant 0 : i32
    %dma_wait3A_1807 = tpu.memref_slice %arg6[%dma_wait3A_1799, %dma_wait3A_1800, %dma_wait3A_1806] : memref<26x4x128xi32, #tpu.memory_space<vmem>> -> memref<1x1x128xi32, #tpu.memory_space<vmem>>
    %dma_wait3A_1808 = tpu.memref_squeeze %dma_wait3A_1807 : memref<1x1x128xi32, #tpu.memory_space<vmem>> -> memref<128xi32, #tpu.memory_space<vmem>>
    %dma_wait3A_1809 = arith.constant 0 : i32
    %dma_wait3A_1810 = tpu.memref_slice %arg3[%dma_wait3A_1809] : memref<1040000xf32, #tpu.memory_space<hbm>> -> memref<1040000xf32, #tpu.memory_space<hbm>>
    tpu.wait_indirect_dma semaphore(%arg10 : memref<!tpu.dma_semaphore, #tpu.memory_space<semaphore_mem>>) src(%dma_wait3A_1810 : memref<1040000xf32, #tpu.memory_space<hbm>>) dst(%dma_wait3A_1805 : memref<128xf32, #tpu.memory_space<vmem>>)
    %dma_wait3A_1811 = arith.constant 11 : i32
    %dma_wait3A_1812 = arith.constant 3 : i32
    %dma_wait3A_1813 = arith.constant 11 : i32
    %dma_wait3A_1814 = arith.constant 3 : i32
    %dma_wait3A_1815 = arith.constant 0 : i32
    %dma_wait3A_1816 = tpu.memref_slice %arg7[%dma_wait3A_1813, %dma_wait3A_1814, %dma_wait3A_1815] : memref<26x4x128xf32, #tpu.memory_space<vmem>> -> memref<1x1x128xf32, #tpu.memory_space<vmem>>
    %dma_wait3A_1817 = tpu.memref_squeeze %dma_wait3A_1816 : memref<1x1x128xf32, #tpu.memory_space<vmem>> -> memref<128xf32, #tpu.memory_space<vmem>>
    %dma_wait3A_1818 = arith.constant 0 : i32
    %dma_wait3A_1819 = tpu.memref_slice %arg6[%dma_wait3A_1811, %dma_wait3A_1812, %dma_wait3A_1818] : memref<26x4x128xi32, #tpu.memory_space<vmem>> -> memref<1x1x128xi32, #tpu.memory_space<vmem>>
    %dma_wait3A_1820 = tpu.memref_squeeze %dma_wait3A_1819 : memref<1x1x128xi32, #tpu.memory_space<vmem>> -> memref<128xi32, #tpu.memory_space<vmem>>
    %dma_wait3A_1821 = arith.constant 0 : i32
    %dma_wait3A_1822 = tpu.memref_slice %arg3[%dma_wait3A_1821] : memref<1040000xf32, #tpu.memory_space<hbm>> -> memref<1040000xf32, #tpu.memory_space<hbm>>
    tpu.wait_indirect_dma semaphore(%arg10 : memref<!tpu.dma_semaphore, #tpu.memory_space<semaphore_mem>>) src(%dma_wait3A_1822 : memref<1040000xf32, #tpu.memory_space<hbm>>) dst(%dma_wait3A_1817 : memref<128xf32, #tpu.memory_space<vmem>>)
    %dma_wait3A_1823 = arith.constant 12 : i32
    %dma_wait3A_1824 = arith.constant 0 : i32
    %dma_wait3A_1825 = arith.constant 12 : i32
    %dma_wait3A_1826 = arith.constant 0 : i32
    %dma_wait3A_1827 = arith.constant 0 : i32
    %dma_wait3A_1828 = tpu.memref_slice %arg7[%dma_wait3A_1825, %dma_wait3A_1826, %dma_wait3A_1827] : memref<26x4x128xf32, #tpu.memory_space<vmem>> -> memref<1x1x128xf32, #tpu.memory_space<vmem>>
    %dma_wait3A_1829 = tpu.memref_squeeze %dma_wait3A_1828 : memref<1x1x128xf32, #tpu.memory_space<vmem>> -> memref<128xf32, #tpu.memory_space<vmem>>
    %dma_wait3A_1830 = arith.constant 0 : i32
    %dma_wait3A_1831 = tpu.memref_slice %arg6[%dma_wait3A_1823, %dma_wait3A_1824, %dma_wait3A_1830] : memref<26x4x128xi32, #tpu.memory_space<vmem>> -> memref<1x1x128xi32, #tpu.memory_space<vmem>>
    %dma_wait3A_1832 = tpu.memref_squeeze %dma_wait3A_1831 : memref<1x1x128xi32, #tpu.memory_space<vmem>> -> memref<128xi32, #tpu.memory_space<vmem>>
    %dma_wait3A_1833 = arith.constant 0 : i32
    %dma_wait3A_1834 = tpu.memref_slice %arg3[%dma_wait3A_1833] : memref<1040000xf32, #tpu.memory_space<hbm>> -> memref<1040000xf32, #tpu.memory_space<hbm>>
    tpu.wait_indirect_dma semaphore(%arg10 : memref<!tpu.dma_semaphore, #tpu.memory_space<semaphore_mem>>) src(%dma_wait3A_1834 : memref<1040000xf32, #tpu.memory_space<hbm>>) dst(%dma_wait3A_1829 : memref<128xf32, #tpu.memory_space<vmem>>)
    %dma_wait3A_1835 = arith.constant 12 : i32
    %dma_wait3A_1836 = arith.constant 1 : i32
    %dma_wait3A_1837 = arith.constant 12 : i32
    %dma_wait3A_1838 = arith.constant 1 : i32
    %dma_wait3A_1839 = arith.constant 0 : i32
    %dma_wait3A_1840 = tpu.memref_slice %arg7[%dma_wait3A_1837, %dma_wait3A_1838, %dma_wait3A_1839] : memref<26x4x128xf32, #tpu.memory_space<vmem>> -> memref<1x1x128xf32, #tpu.memory_space<vmem>>
    %dma_wait3A_1841 = tpu.memref_squeeze %dma_wait3A_1840 : memref<1x1x128xf32, #tpu.memory_space<vmem>> -> memref<128xf32, #tpu.memory_space<vmem>>
    %dma_wait3A_1842 = arith.constant 0 : i32
    %dma_wait3A_1843 = tpu.memref_slice %arg6[%dma_wait3A_1835, %dma_wait3A_1836, %dma_wait3A_1842] : memref<26x4x128xi32, #tpu.memory_space<vmem>> -> memref<1x1x128xi32, #tpu.memory_space<vmem>>
    %dma_wait3A_1844 = tpu.memref_squeeze %dma_wait3A_1843 : memref<1x1x128xi32, #tpu.memory_space<vmem>> -> memref<128xi32, #tpu.memory_space<vmem>>
    %dma_wait3A_1845 = arith.constant 0 : i32
    %dma_wait3A_1846 = tpu.memref_slice %arg3[%dma_wait3A_1845] : memref<1040000xf32, #tpu.memory_space<hbm>> -> memref<1040000xf32, #tpu.memory_space<hbm>>
    tpu.wait_indirect_dma semaphore(%arg10 : memref<!tpu.dma_semaphore, #tpu.memory_space<semaphore_mem>>) src(%dma_wait3A_1846 : memref<1040000xf32, #tpu.memory_space<hbm>>) dst(%dma_wait3A_1841 : memref<128xf32, #tpu.memory_space<vmem>>)
    %dma_wait3A_1847 = arith.constant 12 : i32
    %dma_wait3A_1848 = arith.constant 2 : i32
    %dma_wait3A_1849 = arith.constant 12 : i32
    %dma_wait3A_1850 = arith.constant 2 : i32
    %dma_wait3A_1851 = arith.constant 0 : i32
    %dma_wait3A_1852 = tpu.memref_slice %arg7[%dma_wait3A_1849, %dma_wait3A_1850, %dma_wait3A_1851] : memref<26x4x128xf32, #tpu.memory_space<vmem>> -> memref<1x1x128xf32, #tpu.memory_space<vmem>>
    %dma_wait3A_1853 = tpu.memref_squeeze %dma_wait3A_1852 : memref<1x1x128xf32, #tpu.memory_space<vmem>> -> memref<128xf32, #tpu.memory_space<vmem>>
    %dma_wait3A_1854 = arith.constant 0 : i32
    %dma_wait3A_1855 = tpu.memref_slice %arg6[%dma_wait3A_1847, %dma_wait3A_1848, %dma_wait3A_1854] : memref<26x4x128xi32, #tpu.memory_space<vmem>> -> memref<1x1x128xi32, #tpu.memory_space<vmem>>
    %dma_wait3A_1856 = tpu.memref_squeeze %dma_wait3A_1855 : memref<1x1x128xi32, #tpu.memory_space<vmem>> -> memref<128xi32, #tpu.memory_space<vmem>>
    %dma_wait3A_1857 = arith.constant 0 : i32
    %dma_wait3A_1858 = tpu.memref_slice %arg3[%dma_wait3A_1857] : memref<1040000xf32, #tpu.memory_space<hbm>> -> memref<1040000xf32, #tpu.memory_space<hbm>>
    tpu.wait_indirect_dma semaphore(%arg10 : memref<!tpu.dma_semaphore, #tpu.memory_space<semaphore_mem>>) src(%dma_wait3A_1858 : memref<1040000xf32, #tpu.memory_space<hbm>>) dst(%dma_wait3A_1853 : memref<128xf32, #tpu.memory_space<vmem>>)
    %dma_wait3A_1859 = arith.constant 12 : i32
    %dma_wait3A_1860 = arith.constant 3 : i32
    %dma_wait3A_1861 = arith.constant 12 : i32
    %dma_wait3A_1862 = arith.constant 3 : i32
    %dma_wait3A_1863 = arith.constant 0 : i32
    %dma_wait3A_1864 = tpu.memref_slice %arg7[%dma_wait3A_1861, %dma_wait3A_1862, %dma_wait3A_1863] : memref<26x4x128xf32, #tpu.memory_space<vmem>> -> memref<1x1x128xf32, #tpu.memory_space<vmem>>
    %dma_wait3A_1865 = tpu.memref_squeeze %dma_wait3A_1864 : memref<1x1x128xf32, #tpu.memory_space<vmem>> -> memref<128xf32, #tpu.memory_space<vmem>>
    %dma_wait3A_1866 = arith.constant 0 : i32
    %dma_wait3A_1867 = tpu.memref_slice %arg6[%dma_wait3A_1859, %dma_wait3A_1860, %dma_wait3A_1866] : memref<26x4x128xi32, #tpu.memory_space<vmem>> -> memref<1x1x128xi32, #tpu.memory_space<vmem>>
    %dma_wait3A_1868 = tpu.memref_squeeze %dma_wait3A_1867 : memref<1x1x128xi32, #tpu.memory_space<vmem>> -> memref<128xi32, #tpu.memory_space<vmem>>
    %dma_wait3A_1869 = arith.constant 0 : i32
    %dma_wait3A_1870 = tpu.memref_slice %arg3[%dma_wait3A_1869] : memref<1040000xf32, #tpu.memory_space<hbm>> -> memref<1040000xf32, #tpu.memory_space<hbm>>
    tpu.wait_indirect_dma semaphore(%arg10 : memref<!tpu.dma_semaphore, #tpu.memory_space<semaphore_mem>>) src(%dma_wait3A_1870 : memref<1040000xf32, #tpu.memory_space<hbm>>) dst(%dma_wait3A_1865 : memref<128xf32, #tpu.memory_space<vmem>>)
    %dma_wait3A_1871 = arith.constant 13 : i32
    %dma_wait3A_1872 = arith.constant 0 : i32
    %dma_wait3A_1873 = arith.constant 13 : i32
    %dma_wait3A_1874 = arith.constant 0 : i32
    %dma_wait3A_1875 = arith.constant 0 : i32
    %dma_wait3A_1876 = tpu.memref_slice %arg7[%dma_wait3A_1873, %dma_wait3A_1874, %dma_wait3A_1875] : memref<26x4x128xf32, #tpu.memory_space<vmem>> -> memref<1x1x128xf32, #tpu.memory_space<vmem>>
    %dma_wait3A_1877 = tpu.memref_squeeze %dma_wait3A_1876 : memref<1x1x128xf32, #tpu.memory_space<vmem>> -> memref<128xf32, #tpu.memory_space<vmem>>
    %dma_wait3A_1878 = arith.constant 0 : i32
    %dma_wait3A_1879 = tpu.memref_slice %arg6[%dma_wait3A_1871, %dma_wait3A_1872, %dma_wait3A_1878] : memref<26x4x128xi32, #tpu.memory_space<vmem>> -> memref<1x1x128xi32, #tpu.memory_space<vmem>>
    %dma_wait3A_1880 = tpu.memref_squeeze %dma_wait3A_1879 : memref<1x1x128xi32, #tpu.memory_space<vmem>> -> memref<128xi32, #tpu.memory_space<vmem>>
    %dma_wait3A_1881 = arith.constant 0 : i32
    %dma_wait3A_1882 = tpu.memref_slice %arg3[%dma_wait3A_1881] : memref<1040000xf32, #tpu.memory_space<hbm>> -> memref<1040000xf32, #tpu.memory_space<hbm>>
    tpu.wait_indirect_dma semaphore(%arg10 : memref<!tpu.dma_semaphore, #tpu.memory_space<semaphore_mem>>) src(%dma_wait3A_1882 : memref<1040000xf32, #tpu.memory_space<hbm>>) dst(%dma_wait3A_1877 : memref<128xf32, #tpu.memory_space<vmem>>)
    %dma_wait3A_1883 = arith.constant 13 : i32
    %dma_wait3A_1884 = arith.constant 1 : i32
    %dma_wait3A_1885 = arith.constant 13 : i32
    %dma_wait3A_1886 = arith.constant 1 : i32
    %dma_wait3A_1887 = arith.constant 0 : i32
    %dma_wait3A_1888 = tpu.memref_slice %arg7[%dma_wait3A_1885, %dma_wait3A_1886, %dma_wait3A_1887] : memref<26x4x128xf32, #tpu.memory_space<vmem>> -> memref<1x1x128xf32, #tpu.memory_space<vmem>>
    %dma_wait3A_1889 = tpu.memref_squeeze %dma_wait3A_1888 : memref<1x1x128xf32, #tpu.memory_space<vmem>> -> memref<128xf32, #tpu.memory_space<vmem>>
    %dma_wait3A_1890 = arith.constant 0 : i32
    %dma_wait3A_1891 = tpu.memref_slice %arg6[%dma_wait3A_1883, %dma_wait3A_1884, %dma_wait3A_1890] : memref<26x4x128xi32, #tpu.memory_space<vmem>> -> memref<1x1x128xi32, #tpu.memory_space<vmem>>
    %dma_wait3A_1892 = tpu.memref_squeeze %dma_wait3A_1891 : memref<1x1x128xi32, #tpu.memory_space<vmem>> -> memref<128xi32, #tpu.memory_space<vmem>>
    %dma_wait3A_1893 = arith.constant 0 : i32
    %dma_wait3A_1894 = tpu.memref_slice %arg3[%dma_wait3A_1893] : memref<1040000xf32, #tpu.memory_space<hbm>> -> memref<1040000xf32, #tpu.memory_space<hbm>>
    tpu.wait_indirect_dma semaphore(%arg10 : memref<!tpu.dma_semaphore, #tpu.memory_space<semaphore_mem>>) src(%dma_wait3A_1894 : memref<1040000xf32, #tpu.memory_space<hbm>>) dst(%dma_wait3A_1889 : memref<128xf32, #tpu.memory_space<vmem>>)
    %dma_wait3A_1895 = arith.constant 13 : i32
    %dma_wait3A_1896 = arith.constant 2 : i32
    %dma_wait3A_1897 = arith.constant 13 : i32
    %dma_wait3A_1898 = arith.constant 2 : i32
    %dma_wait3A_1899 = arith.constant 0 : i32
    %dma_wait3A_1900 = tpu.memref_slice %arg7[%dma_wait3A_1897, %dma_wait3A_1898, %dma_wait3A_1899] : memref<26x4x128xf32, #tpu.memory_space<vmem>> -> memref<1x1x128xf32, #tpu.memory_space<vmem>>
    %dma_wait3A_1901 = tpu.memref_squeeze %dma_wait3A_1900 : memref<1x1x128xf32, #tpu.memory_space<vmem>> -> memref<128xf32, #tpu.memory_space<vmem>>
    %dma_wait3A_1902 = arith.constant 0 : i32
    %dma_wait3A_1903 = tpu.memref_slice %arg6[%dma_wait3A_1895, %dma_wait3A_1896, %dma_wait3A_1902] : memref<26x4x128xi32, #tpu.memory_space<vmem>> -> memref<1x1x128xi32, #tpu.memory_space<vmem>>
    %dma_wait3A_1904 = tpu.memref_squeeze %dma_wait3A_1903 : memref<1x1x128xi32, #tpu.memory_space<vmem>> -> memref<128xi32, #tpu.memory_space<vmem>>
    %dma_wait3A_1905 = arith.constant 0 : i32
    %dma_wait3A_1906 = tpu.memref_slice %arg3[%dma_wait3A_1905] : memref<1040000xf32, #tpu.memory_space<hbm>> -> memref<1040000xf32, #tpu.memory_space<hbm>>
    tpu.wait_indirect_dma semaphore(%arg10 : memref<!tpu.dma_semaphore, #tpu.memory_space<semaphore_mem>>) src(%dma_wait3A_1906 : memref<1040000xf32, #tpu.memory_space<hbm>>) dst(%dma_wait3A_1901 : memref<128xf32, #tpu.memory_space<vmem>>)
    %dma_wait3A_1907 = arith.constant 13 : i32
    %dma_wait3A_1908 = arith.constant 3 : i32
    %dma_wait3A_1909 = arith.constant 13 : i32
    %dma_wait3A_1910 = arith.constant 3 : i32
    %dma_wait3A_1911 = arith.constant 0 : i32
    %dma_wait3A_1912 = tpu.memref_slice %arg7[%dma_wait3A_1909, %dma_wait3A_1910, %dma_wait3A_1911] : memref<26x4x128xf32, #tpu.memory_space<vmem>> -> memref<1x1x128xf32, #tpu.memory_space<vmem>>
    %dma_wait3A_1913 = tpu.memref_squeeze %dma_wait3A_1912 : memref<1x1x128xf32, #tpu.memory_space<vmem>> -> memref<128xf32, #tpu.memory_space<vmem>>
    %dma_wait3A_1914 = arith.constant 0 : i32
    %dma_wait3A_1915 = tpu.memref_slice %arg6[%dma_wait3A_1907, %dma_wait3A_1908, %dma_wait3A_1914] : memref<26x4x128xi32, #tpu.memory_space<vmem>> -> memref<1x1x128xi32, #tpu.memory_space<vmem>>
    %dma_wait3A_1916 = tpu.memref_squeeze %dma_wait3A_1915 : memref<1x1x128xi32, #tpu.memory_space<vmem>> -> memref<128xi32, #tpu.memory_space<vmem>>
    %dma_wait3A_1917 = arith.constant 0 : i32
    %dma_wait3A_1918 = tpu.memref_slice %arg3[%dma_wait3A_1917] : memref<1040000xf32, #tpu.memory_space<hbm>> -> memref<1040000xf32, #tpu.memory_space<hbm>>
    tpu.wait_indirect_dma semaphore(%arg10 : memref<!tpu.dma_semaphore, #tpu.memory_space<semaphore_mem>>) src(%dma_wait3A_1918 : memref<1040000xf32, #tpu.memory_space<hbm>>) dst(%dma_wait3A_1913 : memref<128xf32, #tpu.memory_space<vmem>>)
    %dma_wait3A_1919 = arith.constant 14 : i32
    %dma_wait3A_1920 = arith.constant 0 : i32
    %dma_wait3A_1921 = arith.constant 14 : i32
    %dma_wait3A_1922 = arith.constant 0 : i32
    %dma_wait3A_1923 = arith.constant 0 : i32
    %dma_wait3A_1924 = tpu.memref_slice %arg7[%dma_wait3A_1921, %dma_wait3A_1922, %dma_wait3A_1923] : memref<26x4x128xf32, #tpu.memory_space<vmem>> -> memref<1x1x128xf32, #tpu.memory_space<vmem>>
    %dma_wait3A_1925 = tpu.memref_squeeze %dma_wait3A_1924 : memref<1x1x128xf32, #tpu.memory_space<vmem>> -> memref<128xf32, #tpu.memory_space<vmem>>
    %dma_wait3A_1926 = arith.constant 0 : i32
    %dma_wait3A_1927 = tpu.memref_slice %arg6[%dma_wait3A_1919, %dma_wait3A_1920, %dma_wait3A_1926] : memref<26x4x128xi32, #tpu.memory_space<vmem>> -> memref<1x1x128xi32, #tpu.memory_space<vmem>>
    %dma_wait3A_1928 = tpu.memref_squeeze %dma_wait3A_1927 : memref<1x1x128xi32, #tpu.memory_space<vmem>> -> memref<128xi32, #tpu.memory_space<vmem>>
    %dma_wait3A_1929 = arith.constant 0 : i32
    %dma_wait3A_1930 = tpu.memref_slice %arg3[%dma_wait3A_1929] : memref<1040000xf32, #tpu.memory_space<hbm>> -> memref<1040000xf32, #tpu.memory_space<hbm>>
    tpu.wait_indirect_dma semaphore(%arg10 : memref<!tpu.dma_semaphore, #tpu.memory_space<semaphore_mem>>) src(%dma_wait3A_1930 : memref<1040000xf32, #tpu.memory_space<hbm>>) dst(%dma_wait3A_1925 : memref<128xf32, #tpu.memory_space<vmem>>)
    %dma_wait3A_1931 = arith.constant 14 : i32
    %dma_wait3A_1932 = arith.constant 1 : i32
    %dma_wait3A_1933 = arith.constant 14 : i32
    %dma_wait3A_1934 = arith.constant 1 : i32
    %dma_wait3A_1935 = arith.constant 0 : i32
    %dma_wait3A_1936 = tpu.memref_slice %arg7[%dma_wait3A_1933, %dma_wait3A_1934, %dma_wait3A_1935] : memref<26x4x128xf32, #tpu.memory_space<vmem>> -> memref<1x1x128xf32, #tpu.memory_space<vmem>>
    %dma_wait3A_1937 = tpu.memref_squeeze %dma_wait3A_1936 : memref<1x1x128xf32, #tpu.memory_space<vmem>> -> memref<128xf32, #tpu.memory_space<vmem>>
    %dma_wait3A_1938 = arith.constant 0 : i32
    %dma_wait3A_1939 = tpu.memref_slice %arg6[%dma_wait3A_1931, %dma_wait3A_1932, %dma_wait3A_1938] : memref<26x4x128xi32, #tpu.memory_space<vmem>> -> memref<1x1x128xi32, #tpu.memory_space<vmem>>
    %dma_wait3A_1940 = tpu.memref_squeeze %dma_wait3A_1939 : memref<1x1x128xi32, #tpu.memory_space<vmem>> -> memref<128xi32, #tpu.memory_space<vmem>>
    %dma_wait3A_1941 = arith.constant 0 : i32
    %dma_wait3A_1942 = tpu.memref_slice %arg3[%dma_wait3A_1941] : memref<1040000xf32, #tpu.memory_space<hbm>> -> memref<1040000xf32, #tpu.memory_space<hbm>>
    tpu.wait_indirect_dma semaphore(%arg10 : memref<!tpu.dma_semaphore, #tpu.memory_space<semaphore_mem>>) src(%dma_wait3A_1942 : memref<1040000xf32, #tpu.memory_space<hbm>>) dst(%dma_wait3A_1937 : memref<128xf32, #tpu.memory_space<vmem>>)
    %dma_wait3A_1943 = arith.constant 14 : i32
    %dma_wait3A_1944 = arith.constant 2 : i32
    %dma_wait3A_1945 = arith.constant 14 : i32
    %dma_wait3A_1946 = arith.constant 2 : i32
    %dma_wait3A_1947 = arith.constant 0 : i32
    %dma_wait3A_1948 = tpu.memref_slice %arg7[%dma_wait3A_1945, %dma_wait3A_1946, %dma_wait3A_1947] : memref<26x4x128xf32, #tpu.memory_space<vmem>> -> memref<1x1x128xf32, #tpu.memory_space<vmem>>
    %dma_wait3A_1949 = tpu.memref_squeeze %dma_wait3A_1948 : memref<1x1x128xf32, #tpu.memory_space<vmem>> -> memref<128xf32, #tpu.memory_space<vmem>>
    %dma_wait3A_1950 = arith.constant 0 : i32
    %dma_wait3A_1951 = tpu.memref_slice %arg6[%dma_wait3A_1943, %dma_wait3A_1944, %dma_wait3A_1950] : memref<26x4x128xi32, #tpu.memory_space<vmem>> -> memref<1x1x128xi32, #tpu.memory_space<vmem>>
    %dma_wait3A_1952 = tpu.memref_squeeze %dma_wait3A_1951 : memref<1x1x128xi32, #tpu.memory_space<vmem>> -> memref<128xi32, #tpu.memory_space<vmem>>
    %dma_wait3A_1953 = arith.constant 0 : i32
    %dma_wait3A_1954 = tpu.memref_slice %arg3[%dma_wait3A_1953] : memref<1040000xf32, #tpu.memory_space<hbm>> -> memref<1040000xf32, #tpu.memory_space<hbm>>
    tpu.wait_indirect_dma semaphore(%arg10 : memref<!tpu.dma_semaphore, #tpu.memory_space<semaphore_mem>>) src(%dma_wait3A_1954 : memref<1040000xf32, #tpu.memory_space<hbm>>) dst(%dma_wait3A_1949 : memref<128xf32, #tpu.memory_space<vmem>>)
    %dma_wait3A_1955 = arith.constant 14 : i32
    %dma_wait3A_1956 = arith.constant 3 : i32
    %dma_wait3A_1957 = arith.constant 14 : i32
    %dma_wait3A_1958 = arith.constant 3 : i32
    %dma_wait3A_1959 = arith.constant 0 : i32
    %dma_wait3A_1960 = tpu.memref_slice %arg7[%dma_wait3A_1957, %dma_wait3A_1958, %dma_wait3A_1959] : memref<26x4x128xf32, #tpu.memory_space<vmem>> -> memref<1x1x128xf32, #tpu.memory_space<vmem>>
    %dma_wait3A_1961 = tpu.memref_squeeze %dma_wait3A_1960 : memref<1x1x128xf32, #tpu.memory_space<vmem>> -> memref<128xf32, #tpu.memory_space<vmem>>
    %dma_wait3A_1962 = arith.constant 0 : i32
    %dma_wait3A_1963 = tpu.memref_slice %arg6[%dma_wait3A_1955, %dma_wait3A_1956, %dma_wait3A_1962] : memref<26x4x128xi32, #tpu.memory_space<vmem>> -> memref<1x1x128xi32, #tpu.memory_space<vmem>>
    %dma_wait3A_1964 = tpu.memref_squeeze %dma_wait3A_1963 : memref<1x1x128xi32, #tpu.memory_space<vmem>> -> memref<128xi32, #tpu.memory_space<vmem>>
    %dma_wait3A_1965 = arith.constant 0 : i32
    %dma_wait3A_1966 = tpu.memref_slice %arg3[%dma_wait3A_1965] : memref<1040000xf32, #tpu.memory_space<hbm>> -> memref<1040000xf32, #tpu.memory_space<hbm>>
    tpu.wait_indirect_dma semaphore(%arg10 : memref<!tpu.dma_semaphore, #tpu.memory_space<semaphore_mem>>) src(%dma_wait3A_1966 : memref<1040000xf32, #tpu.memory_space<hbm>>) dst(%dma_wait3A_1961 : memref<128xf32, #tpu.memory_space<vmem>>)
    %dma_wait3A_1967 = arith.constant 15 : i32
    %dma_wait3A_1968 = arith.constant 0 : i32
    %dma_wait3A_1969 = arith.constant 15 : i32
    %dma_wait3A_1970 = arith.constant 0 : i32
    %dma_wait3A_1971 = arith.constant 0 : i32
    %dma_wait3A_1972 = tpu.memref_slice %arg7[%dma_wait3A_1969, %dma_wait3A_1970, %dma_wait3A_1971] : memref<26x4x128xf32, #tpu.memory_space<vmem>> -> memref<1x1x128xf32, #tpu.memory_space<vmem>>
    %dma_wait3A_1973 = tpu.memref_squeeze %dma_wait3A_1972 : memref<1x1x128xf32, #tpu.memory_space<vmem>> -> memref<128xf32, #tpu.memory_space<vmem>>
    %dma_wait3A_1974 = arith.constant 0 : i32
    %dma_wait3A_1975 = tpu.memref_slice %arg6[%dma_wait3A_1967, %dma_wait3A_1968, %dma_wait3A_1974] : memref<26x4x128xi32, #tpu.memory_space<vmem>> -> memref<1x1x128xi32, #tpu.memory_space<vmem>>
    %dma_wait3A_1976 = tpu.memref_squeeze %dma_wait3A_1975 : memref<1x1x128xi32, #tpu.memory_space<vmem>> -> memref<128xi32, #tpu.memory_space<vmem>>
    %dma_wait3A_1977 = arith.constant 0 : i32
    %dma_wait3A_1978 = tpu.memref_slice %arg3[%dma_wait3A_1977] : memref<1040000xf32, #tpu.memory_space<hbm>> -> memref<1040000xf32, #tpu.memory_space<hbm>>
    tpu.wait_indirect_dma semaphore(%arg10 : memref<!tpu.dma_semaphore, #tpu.memory_space<semaphore_mem>>) src(%dma_wait3A_1978 : memref<1040000xf32, #tpu.memory_space<hbm>>) dst(%dma_wait3A_1973 : memref<128xf32, #tpu.memory_space<vmem>>)
    %dma_wait3A_1979 = arith.constant 15 : i32
    %dma_wait3A_1980 = arith.constant 1 : i32
    %dma_wait3A_1981 = arith.constant 15 : i32
    %dma_wait3A_1982 = arith.constant 1 : i32
    %dma_wait3A_1983 = arith.constant 0 : i32
    %dma_wait3A_1984 = tpu.memref_slice %arg7[%dma_wait3A_1981, %dma_wait3A_1982, %dma_wait3A_1983] : memref<26x4x128xf32, #tpu.memory_space<vmem>> -> memref<1x1x128xf32, #tpu.memory_space<vmem>>
    %dma_wait3A_1985 = tpu.memref_squeeze %dma_wait3A_1984 : memref<1x1x128xf32, #tpu.memory_space<vmem>> -> memref<128xf32, #tpu.memory_space<vmem>>
    %dma_wait3A_1986 = arith.constant 0 : i32
    %dma_wait3A_1987 = tpu.memref_slice %arg6[%dma_wait3A_1979, %dma_wait3A_1980, %dma_wait3A_1986] : memref<26x4x128xi32, #tpu.memory_space<vmem>> -> memref<1x1x128xi32, #tpu.memory_space<vmem>>
    %dma_wait3A_1988 = tpu.memref_squeeze %dma_wait3A_1987 : memref<1x1x128xi32, #tpu.memory_space<vmem>> -> memref<128xi32, #tpu.memory_space<vmem>>
    %dma_wait3A_1989 = arith.constant 0 : i32
    %dma_wait3A_1990 = tpu.memref_slice %arg3[%dma_wait3A_1989] : memref<1040000xf32, #tpu.memory_space<hbm>> -> memref<1040000xf32, #tpu.memory_space<hbm>>
    tpu.wait_indirect_dma semaphore(%arg10 : memref<!tpu.dma_semaphore, #tpu.memory_space<semaphore_mem>>) src(%dma_wait3A_1990 : memref<1040000xf32, #tpu.memory_space<hbm>>) dst(%dma_wait3A_1985 : memref<128xf32, #tpu.memory_space<vmem>>)
    %dma_wait3A_1991 = arith.constant 15 : i32
    %dma_wait3A_1992 = arith.constant 2 : i32
    %dma_wait3A_1993 = arith.constant 15 : i32
    %dma_wait3A_1994 = arith.constant 2 : i32
    %dma_wait3A_1995 = arith.constant 0 : i32
    %dma_wait3A_1996 = tpu.memref_slice %arg7[%dma_wait3A_1993, %dma_wait3A_1994, %dma_wait3A_1995] : memref<26x4x128xf32, #tpu.memory_space<vmem>> -> memref<1x1x128xf32, #tpu.memory_space<vmem>>
    %dma_wait3A_1997 = tpu.memref_squeeze %dma_wait3A_1996 : memref<1x1x128xf32, #tpu.memory_space<vmem>> -> memref<128xf32, #tpu.memory_space<vmem>>
    %dma_wait3A_1998 = arith.constant 0 : i32
    %dma_wait3A_1999 = tpu.memref_slice %arg6[%dma_wait3A_1991, %dma_wait3A_1992, %dma_wait3A_1998] : memref<26x4x128xi32, #tpu.memory_space<vmem>> -> memref<1x1x128xi32, #tpu.memory_space<vmem>>
    %dma_wait3A_2000 = tpu.memref_squeeze %dma_wait3A_1999 : memref<1x1x128xi32, #tpu.memory_space<vmem>> -> memref<128xi32, #tpu.memory_space<vmem>>
    %dma_wait3A_2001 = arith.constant 0 : i32
    %dma_wait3A_2002 = tpu.memref_slice %arg3[%dma_wait3A_2001] : memref<1040000xf32, #tpu.memory_space<hbm>> -> memref<1040000xf32, #tpu.memory_space<hbm>>
    tpu.wait_indirect_dma semaphore(%arg10 : memref<!tpu.dma_semaphore, #tpu.memory_space<semaphore_mem>>) src(%dma_wait3A_2002 : memref<1040000xf32, #tpu.memory_space<hbm>>) dst(%dma_wait3A_1997 : memref<128xf32, #tpu.memory_space<vmem>>)
    %dma_wait3A_2003 = arith.constant 15 : i32
    %dma_wait3A_2004 = arith.constant 3 : i32
    %dma_wait3A_2005 = arith.constant 15 : i32
    %dma_wait3A_2006 = arith.constant 3 : i32
    %dma_wait3A_2007 = arith.constant 0 : i32
    %dma_wait3A_2008 = tpu.memref_slice %arg7[%dma_wait3A_2005, %dma_wait3A_2006, %dma_wait3A_2007] : memref<26x4x128xf32, #tpu.memory_space<vmem>> -> memref<1x1x128xf32, #tpu.memory_space<vmem>>
    %dma_wait3A_2009 = tpu.memref_squeeze %dma_wait3A_2008 : memref<1x1x128xf32, #tpu.memory_space<vmem>> -> memref<128xf32, #tpu.memory_space<vmem>>
    %dma_wait3A_2010 = arith.constant 0 : i32
    %dma_wait3A_2011 = tpu.memref_slice %arg6[%dma_wait3A_2003, %dma_wait3A_2004, %dma_wait3A_2010] : memref<26x4x128xi32, #tpu.memory_space<vmem>> -> memref<1x1x128xi32, #tpu.memory_space<vmem>>
    %dma_wait3A_2012 = tpu.memref_squeeze %dma_wait3A_2011 : memref<1x1x128xi32, #tpu.memory_space<vmem>> -> memref<128xi32, #tpu.memory_space<vmem>>
    %dma_wait3A_2013 = arith.constant 0 : i32
    %dma_wait3A_2014 = tpu.memref_slice %arg3[%dma_wait3A_2013] : memref<1040000xf32, #tpu.memory_space<hbm>> -> memref<1040000xf32, #tpu.memory_space<hbm>>
    tpu.wait_indirect_dma semaphore(%arg10 : memref<!tpu.dma_semaphore, #tpu.memory_space<semaphore_mem>>) src(%dma_wait3A_2014 : memref<1040000xf32, #tpu.memory_space<hbm>>) dst(%dma_wait3A_2009 : memref<128xf32, #tpu.memory_space<vmem>>)
    %dma_wait3A_2015 = arith.constant 16 : i32
    %dma_wait3A_2016 = arith.constant 0 : i32
    %dma_wait3A_2017 = arith.constant 16 : i32
    %dma_wait3A_2018 = arith.constant 0 : i32
    %dma_wait3A_2019 = arith.constant 0 : i32
    %dma_wait3A_2020 = tpu.memref_slice %arg7[%dma_wait3A_2017, %dma_wait3A_2018, %dma_wait3A_2019] : memref<26x4x128xf32, #tpu.memory_space<vmem>> -> memref<1x1x128xf32, #tpu.memory_space<vmem>>
    %dma_wait3A_2021 = tpu.memref_squeeze %dma_wait3A_2020 : memref<1x1x128xf32, #tpu.memory_space<vmem>> -> memref<128xf32, #tpu.memory_space<vmem>>
    %dma_wait3A_2022 = arith.constant 0 : i32
    %dma_wait3A_2023 = tpu.memref_slice %arg6[%dma_wait3A_2015, %dma_wait3A_2016, %dma_wait3A_2022] : memref<26x4x128xi32, #tpu.memory_space<vmem>> -> memref<1x1x128xi32, #tpu.memory_space<vmem>>
    %dma_wait3A_2024 = tpu.memref_squeeze %dma_wait3A_2023 : memref<1x1x128xi32, #tpu.memory_space<vmem>> -> memref<128xi32, #tpu.memory_space<vmem>>
    %dma_wait3A_2025 = arith.constant 0 : i32
    %dma_wait3A_2026 = tpu.memref_slice %arg3[%dma_wait3A_2025] : memref<1040000xf32, #tpu.memory_space<hbm>> -> memref<1040000xf32, #tpu.memory_space<hbm>>
    tpu.wait_indirect_dma semaphore(%arg10 : memref<!tpu.dma_semaphore, #tpu.memory_space<semaphore_mem>>) src(%dma_wait3A_2026 : memref<1040000xf32, #tpu.memory_space<hbm>>) dst(%dma_wait3A_2021 : memref<128xf32, #tpu.memory_space<vmem>>)
    %dma_wait3A_2027 = arith.constant 16 : i32
    %dma_wait3A_2028 = arith.constant 1 : i32
    %dma_wait3A_2029 = arith.constant 16 : i32
    %dma_wait3A_2030 = arith.constant 1 : i32
    %dma_wait3A_2031 = arith.constant 0 : i32
    %dma_wait3A_2032 = tpu.memref_slice %arg7[%dma_wait3A_2029, %dma_wait3A_2030, %dma_wait3A_2031] : memref<26x4x128xf32, #tpu.memory_space<vmem>> -> memref<1x1x128xf32, #tpu.memory_space<vmem>>
    %dma_wait3A_2033 = tpu.memref_squeeze %dma_wait3A_2032 : memref<1x1x128xf32, #tpu.memory_space<vmem>> -> memref<128xf32, #tpu.memory_space<vmem>>
    %dma_wait3A_2034 = arith.constant 0 : i32
    %dma_wait3A_2035 = tpu.memref_slice %arg6[%dma_wait3A_2027, %dma_wait3A_2028, %dma_wait3A_2034] : memref<26x4x128xi32, #tpu.memory_space<vmem>> -> memref<1x1x128xi32, #tpu.memory_space<vmem>>
    %dma_wait3A_2036 = tpu.memref_squeeze %dma_wait3A_2035 : memref<1x1x128xi32, #tpu.memory_space<vmem>> -> memref<128xi32, #tpu.memory_space<vmem>>
    %dma_wait3A_2037 = arith.constant 0 : i32
    %dma_wait3A_2038 = tpu.memref_slice %arg3[%dma_wait3A_2037] : memref<1040000xf32, #tpu.memory_space<hbm>> -> memref<1040000xf32, #tpu.memory_space<hbm>>
    tpu.wait_indirect_dma semaphore(%arg10 : memref<!tpu.dma_semaphore, #tpu.memory_space<semaphore_mem>>) src(%dma_wait3A_2038 : memref<1040000xf32, #tpu.memory_space<hbm>>) dst(%dma_wait3A_2033 : memref<128xf32, #tpu.memory_space<vmem>>)
    %dma_wait3A_2039 = arith.constant 16 : i32
    %dma_wait3A_2040 = arith.constant 2 : i32
    %dma_wait3A_2041 = arith.constant 16 : i32
    %dma_wait3A_2042 = arith.constant 2 : i32
    %dma_wait3A_2043 = arith.constant 0 : i32
    %dma_wait3A_2044 = tpu.memref_slice %arg7[%dma_wait3A_2041, %dma_wait3A_2042, %dma_wait3A_2043] : memref<26x4x128xf32, #tpu.memory_space<vmem>> -> memref<1x1x128xf32, #tpu.memory_space<vmem>>
    %dma_wait3A_2045 = tpu.memref_squeeze %dma_wait3A_2044 : memref<1x1x128xf32, #tpu.memory_space<vmem>> -> memref<128xf32, #tpu.memory_space<vmem>>
    %dma_wait3A_2046 = arith.constant 0 : i32
    %dma_wait3A_2047 = tpu.memref_slice %arg6[%dma_wait3A_2039, %dma_wait3A_2040, %dma_wait3A_2046] : memref<26x4x128xi32, #tpu.memory_space<vmem>> -> memref<1x1x128xi32, #tpu.memory_space<vmem>>
    %dma_wait3A_2048 = tpu.memref_squeeze %dma_wait3A_2047 : memref<1x1x128xi32, #tpu.memory_space<vmem>> -> memref<128xi32, #tpu.memory_space<vmem>>
    %dma_wait3A_2049 = arith.constant 0 : i32
    %dma_wait3A_2050 = tpu.memref_slice %arg3[%dma_wait3A_2049] : memref<1040000xf32, #tpu.memory_space<hbm>> -> memref<1040000xf32, #tpu.memory_space<hbm>>
    tpu.wait_indirect_dma semaphore(%arg10 : memref<!tpu.dma_semaphore, #tpu.memory_space<semaphore_mem>>) src(%dma_wait3A_2050 : memref<1040000xf32, #tpu.memory_space<hbm>>) dst(%dma_wait3A_2045 : memref<128xf32, #tpu.memory_space<vmem>>)
    %dma_wait3A_2051 = arith.constant 16 : i32
    %dma_wait3A_2052 = arith.constant 3 : i32
    %dma_wait3A_2053 = arith.constant 16 : i32
    %dma_wait3A_2054 = arith.constant 3 : i32
    %dma_wait3A_2055 = arith.constant 0 : i32
    %dma_wait3A_2056 = tpu.memref_slice %arg7[%dma_wait3A_2053, %dma_wait3A_2054, %dma_wait3A_2055] : memref<26x4x128xf32, #tpu.memory_space<vmem>> -> memref<1x1x128xf32, #tpu.memory_space<vmem>>
    %dma_wait3A_2057 = tpu.memref_squeeze %dma_wait3A_2056 : memref<1x1x128xf32, #tpu.memory_space<vmem>> -> memref<128xf32, #tpu.memory_space<vmem>>
    %dma_wait3A_2058 = arith.constant 0 : i32
    %dma_wait3A_2059 = tpu.memref_slice %arg6[%dma_wait3A_2051, %dma_wait3A_2052, %dma_wait3A_2058] : memref<26x4x128xi32, #tpu.memory_space<vmem>> -> memref<1x1x128xi32, #tpu.memory_space<vmem>>
    %dma_wait3A_2060 = tpu.memref_squeeze %dma_wait3A_2059 : memref<1x1x128xi32, #tpu.memory_space<vmem>> -> memref<128xi32, #tpu.memory_space<vmem>>
    %dma_wait3A_2061 = arith.constant 0 : i32
    %dma_wait3A_2062 = tpu.memref_slice %arg3[%dma_wait3A_2061] : memref<1040000xf32, #tpu.memory_space<hbm>> -> memref<1040000xf32, #tpu.memory_space<hbm>>
    tpu.wait_indirect_dma semaphore(%arg10 : memref<!tpu.dma_semaphore, #tpu.memory_space<semaphore_mem>>) src(%dma_wait3A_2062 : memref<1040000xf32, #tpu.memory_space<hbm>>) dst(%dma_wait3A_2057 : memref<128xf32, #tpu.memory_space<vmem>>)
    %dma_wait3A_2063 = arith.constant 17 : i32
    %dma_wait3A_2064 = arith.constant 0 : i32
    %dma_wait3A_2065 = arith.constant 17 : i32
    %dma_wait3A_2066 = arith.constant 0 : i32
    %dma_wait3A_2067 = arith.constant 0 : i32
    %dma_wait3A_2068 = tpu.memref_slice %arg7[%dma_wait3A_2065, %dma_wait3A_2066, %dma_wait3A_2067] : memref<26x4x128xf32, #tpu.memory_space<vmem>> -> memref<1x1x128xf32, #tpu.memory_space<vmem>>
    %dma_wait3A_2069 = tpu.memref_squeeze %dma_wait3A_2068 : memref<1x1x128xf32, #tpu.memory_space<vmem>> -> memref<128xf32, #tpu.memory_space<vmem>>
    %dma_wait3A_2070 = arith.constant 0 : i32
    %dma_wait3A_2071 = tpu.memref_slice %arg6[%dma_wait3A_2063, %dma_wait3A_2064, %dma_wait3A_2070] : memref<26x4x128xi32, #tpu.memory_space<vmem>> -> memref<1x1x128xi32, #tpu.memory_space<vmem>>
    %dma_wait3A_2072 = tpu.memref_squeeze %dma_wait3A_2071 : memref<1x1x128xi32, #tpu.memory_space<vmem>> -> memref<128xi32, #tpu.memory_space<vmem>>
    %dma_wait3A_2073 = arith.constant 0 : i32
    %dma_wait3A_2074 = tpu.memref_slice %arg3[%dma_wait3A_2073] : memref<1040000xf32, #tpu.memory_space<hbm>> -> memref<1040000xf32, #tpu.memory_space<hbm>>
    tpu.wait_indirect_dma semaphore(%arg10 : memref<!tpu.dma_semaphore, #tpu.memory_space<semaphore_mem>>) src(%dma_wait3A_2074 : memref<1040000xf32, #tpu.memory_space<hbm>>) dst(%dma_wait3A_2069 : memref<128xf32, #tpu.memory_space<vmem>>)
    %dma_wait3A_2075 = arith.constant 17 : i32
    %dma_wait3A_2076 = arith.constant 1 : i32
    %dma_wait3A_2077 = arith.constant 17 : i32
    %dma_wait3A_2078 = arith.constant 1 : i32
    %dma_wait3A_2079 = arith.constant 0 : i32
    %dma_wait3A_2080 = tpu.memref_slice %arg7[%dma_wait3A_2077, %dma_wait3A_2078, %dma_wait3A_2079] : memref<26x4x128xf32, #tpu.memory_space<vmem>> -> memref<1x1x128xf32, #tpu.memory_space<vmem>>
    %dma_wait3A_2081 = tpu.memref_squeeze %dma_wait3A_2080 : memref<1x1x128xf32, #tpu.memory_space<vmem>> -> memref<128xf32, #tpu.memory_space<vmem>>
    %dma_wait3A_2082 = arith.constant 0 : i32
    %dma_wait3A_2083 = tpu.memref_slice %arg6[%dma_wait3A_2075, %dma_wait3A_2076, %dma_wait3A_2082] : memref<26x4x128xi32, #tpu.memory_space<vmem>> -> memref<1x1x128xi32, #tpu.memory_space<vmem>>
    %dma_wait3A_2084 = tpu.memref_squeeze %dma_wait3A_2083 : memref<1x1x128xi32, #tpu.memory_space<vmem>> -> memref<128xi32, #tpu.memory_space<vmem>>
    %dma_wait3A_2085 = arith.constant 0 : i32
    %dma_wait3A_2086 = tpu.memref_slice %arg3[%dma_wait3A_2085] : memref<1040000xf32, #tpu.memory_space<hbm>> -> memref<1040000xf32, #tpu.memory_space<hbm>>
    tpu.wait_indirect_dma semaphore(%arg10 : memref<!tpu.dma_semaphore, #tpu.memory_space<semaphore_mem>>) src(%dma_wait3A_2086 : memref<1040000xf32, #tpu.memory_space<hbm>>) dst(%dma_wait3A_2081 : memref<128xf32, #tpu.memory_space<vmem>>)
    %dma_wait3A_2087 = arith.constant 17 : i32
    %dma_wait3A_2088 = arith.constant 2 : i32
    %dma_wait3A_2089 = arith.constant 17 : i32
    %dma_wait3A_2090 = arith.constant 2 : i32
    %dma_wait3A_2091 = arith.constant 0 : i32
    %dma_wait3A_2092 = tpu.memref_slice %arg7[%dma_wait3A_2089, %dma_wait3A_2090, %dma_wait3A_2091] : memref<26x4x128xf32, #tpu.memory_space<vmem>> -> memref<1x1x128xf32, #tpu.memory_space<vmem>>
    %dma_wait3A_2093 = tpu.memref_squeeze %dma_wait3A_2092 : memref<1x1x128xf32, #tpu.memory_space<vmem>> -> memref<128xf32, #tpu.memory_space<vmem>>
    %dma_wait3A_2094 = arith.constant 0 : i32
    %dma_wait3A_2095 = tpu.memref_slice %arg6[%dma_wait3A_2087, %dma_wait3A_2088, %dma_wait3A_2094] : memref<26x4x128xi32, #tpu.memory_space<vmem>> -> memref<1x1x128xi32, #tpu.memory_space<vmem>>
    %dma_wait3A_2096 = tpu.memref_squeeze %dma_wait3A_2095 : memref<1x1x128xi32, #tpu.memory_space<vmem>> -> memref<128xi32, #tpu.memory_space<vmem>>
    %dma_wait3A_2097 = arith.constant 0 : i32
    %dma_wait3A_2098 = tpu.memref_slice %arg3[%dma_wait3A_2097] : memref<1040000xf32, #tpu.memory_space<hbm>> -> memref<1040000xf32, #tpu.memory_space<hbm>>
    tpu.wait_indirect_dma semaphore(%arg10 : memref<!tpu.dma_semaphore, #tpu.memory_space<semaphore_mem>>) src(%dma_wait3A_2098 : memref<1040000xf32, #tpu.memory_space<hbm>>) dst(%dma_wait3A_2093 : memref<128xf32, #tpu.memory_space<vmem>>)
    %dma_wait3A_2099 = arith.constant 17 : i32
    %dma_wait3A_2100 = arith.constant 3 : i32
    %dma_wait3A_2101 = arith.constant 17 : i32
    %dma_wait3A_2102 = arith.constant 3 : i32
    %dma_wait3A_2103 = arith.constant 0 : i32
    %dma_wait3A_2104 = tpu.memref_slice %arg7[%dma_wait3A_2101, %dma_wait3A_2102, %dma_wait3A_2103] : memref<26x4x128xf32, #tpu.memory_space<vmem>> -> memref<1x1x128xf32, #tpu.memory_space<vmem>>
    %dma_wait3A_2105 = tpu.memref_squeeze %dma_wait3A_2104 : memref<1x1x128xf32, #tpu.memory_space<vmem>> -> memref<128xf32, #tpu.memory_space<vmem>>
    %dma_wait3A_2106 = arith.constant 0 : i32
    %dma_wait3A_2107 = tpu.memref_slice %arg6[%dma_wait3A_2099, %dma_wait3A_2100, %dma_wait3A_2106] : memref<26x4x128xi32, #tpu.memory_space<vmem>> -> memref<1x1x128xi32, #tpu.memory_space<vmem>>
    %dma_wait3A_2108 = tpu.memref_squeeze %dma_wait3A_2107 : memref<1x1x128xi32, #tpu.memory_space<vmem>> -> memref<128xi32, #tpu.memory_space<vmem>>
    %dma_wait3A_2109 = arith.constant 0 : i32
    %dma_wait3A_2110 = tpu.memref_slice %arg3[%dma_wait3A_2109] : memref<1040000xf32, #tpu.memory_space<hbm>> -> memref<1040000xf32, #tpu.memory_space<hbm>>
    tpu.wait_indirect_dma semaphore(%arg10 : memref<!tpu.dma_semaphore, #tpu.memory_space<semaphore_mem>>) src(%dma_wait3A_2110 : memref<1040000xf32, #tpu.memory_space<hbm>>) dst(%dma_wait3A_2105 : memref<128xf32, #tpu.memory_space<vmem>>)
    %dma_wait3A_2111 = arith.constant 18 : i32
    %dma_wait3A_2112 = arith.constant 0 : i32
    %dma_wait3A_2113 = arith.constant 18 : i32
    %dma_wait3A_2114 = arith.constant 0 : i32
    %dma_wait3A_2115 = arith.constant 0 : i32
    %dma_wait3A_2116 = tpu.memref_slice %arg7[%dma_wait3A_2113, %dma_wait3A_2114, %dma_wait3A_2115] : memref<26x4x128xf32, #tpu.memory_space<vmem>> -> memref<1x1x128xf32, #tpu.memory_space<vmem>>
    %dma_wait3A_2117 = tpu.memref_squeeze %dma_wait3A_2116 : memref<1x1x128xf32, #tpu.memory_space<vmem>> -> memref<128xf32, #tpu.memory_space<vmem>>
    %dma_wait3A_2118 = arith.constant 0 : i32
    %dma_wait3A_2119 = tpu.memref_slice %arg6[%dma_wait3A_2111, %dma_wait3A_2112, %dma_wait3A_2118] : memref<26x4x128xi32, #tpu.memory_space<vmem>> -> memref<1x1x128xi32, #tpu.memory_space<vmem>>
    %dma_wait3A_2120 = tpu.memref_squeeze %dma_wait3A_2119 : memref<1x1x128xi32, #tpu.memory_space<vmem>> -> memref<128xi32, #tpu.memory_space<vmem>>
    %dma_wait3A_2121 = arith.constant 0 : i32
    %dma_wait3A_2122 = tpu.memref_slice %arg3[%dma_wait3A_2121] : memref<1040000xf32, #tpu.memory_space<hbm>> -> memref<1040000xf32, #tpu.memory_space<hbm>>
    tpu.wait_indirect_dma semaphore(%arg10 : memref<!tpu.dma_semaphore, #tpu.memory_space<semaphore_mem>>) src(%dma_wait3A_2122 : memref<1040000xf32, #tpu.memory_space<hbm>>) dst(%dma_wait3A_2117 : memref<128xf32, #tpu.memory_space<vmem>>)
    %dma_wait3A_2123 = arith.constant 18 : i32
    %dma_wait3A_2124 = arith.constant 1 : i32
    %dma_wait3A_2125 = arith.constant 18 : i32
    %dma_wait3A_2126 = arith.constant 1 : i32
    %dma_wait3A_2127 = arith.constant 0 : i32
    %dma_wait3A_2128 = tpu.memref_slice %arg7[%dma_wait3A_2125, %dma_wait3A_2126, %dma_wait3A_2127] : memref<26x4x128xf32, #tpu.memory_space<vmem>> -> memref<1x1x128xf32, #tpu.memory_space<vmem>>
    %dma_wait3A_2129 = tpu.memref_squeeze %dma_wait3A_2128 : memref<1x1x128xf32, #tpu.memory_space<vmem>> -> memref<128xf32, #tpu.memory_space<vmem>>
    %dma_wait3A_2130 = arith.constant 0 : i32
    %dma_wait3A_2131 = tpu.memref_slice %arg6[%dma_wait3A_2123, %dma_wait3A_2124, %dma_wait3A_2130] : memref<26x4x128xi32, #tpu.memory_space<vmem>> -> memref<1x1x128xi32, #tpu.memory_space<vmem>>
    %dma_wait3A_2132 = tpu.memref_squeeze %dma_wait3A_2131 : memref<1x1x128xi32, #tpu.memory_space<vmem>> -> memref<128xi32, #tpu.memory_space<vmem>>
    %dma_wait3A_2133 = arith.constant 0 : i32
    %dma_wait3A_2134 = tpu.memref_slice %arg3[%dma_wait3A_2133] : memref<1040000xf32, #tpu.memory_space<hbm>> -> memref<1040000xf32, #tpu.memory_space<hbm>>
    tpu.wait_indirect_dma semaphore(%arg10 : memref<!tpu.dma_semaphore, #tpu.memory_space<semaphore_mem>>) src(%dma_wait3A_2134 : memref<1040000xf32, #tpu.memory_space<hbm>>) dst(%dma_wait3A_2129 : memref<128xf32, #tpu.memory_space<vmem>>)
    %dma_wait3A_2135 = arith.constant 18 : i32
    %dma_wait3A_2136 = arith.constant 2 : i32
    %dma_wait3A_2137 = arith.constant 18 : i32
    %dma_wait3A_2138 = arith.constant 2 : i32
    %dma_wait3A_2139 = arith.constant 0 : i32
    %dma_wait3A_2140 = tpu.memref_slice %arg7[%dma_wait3A_2137, %dma_wait3A_2138, %dma_wait3A_2139] : memref<26x4x128xf32, #tpu.memory_space<vmem>> -> memref<1x1x128xf32, #tpu.memory_space<vmem>>
    %dma_wait3A_2141 = tpu.memref_squeeze %dma_wait3A_2140 : memref<1x1x128xf32, #tpu.memory_space<vmem>> -> memref<128xf32, #tpu.memory_space<vmem>>
    %dma_wait3A_2142 = arith.constant 0 : i32
    %dma_wait3A_2143 = tpu.memref_slice %arg6[%dma_wait3A_2135, %dma_wait3A_2136, %dma_wait3A_2142] : memref<26x4x128xi32, #tpu.memory_space<vmem>> -> memref<1x1x128xi32, #tpu.memory_space<vmem>>
    %dma_wait3A_2144 = tpu.memref_squeeze %dma_wait3A_2143 : memref<1x1x128xi32, #tpu.memory_space<vmem>> -> memref<128xi32, #tpu.memory_space<vmem>>
    %dma_wait3A_2145 = arith.constant 0 : i32
    %dma_wait3A_2146 = tpu.memref_slice %arg3[%dma_wait3A_2145] : memref<1040000xf32, #tpu.memory_space<hbm>> -> memref<1040000xf32, #tpu.memory_space<hbm>>
    tpu.wait_indirect_dma semaphore(%arg10 : memref<!tpu.dma_semaphore, #tpu.memory_space<semaphore_mem>>) src(%dma_wait3A_2146 : memref<1040000xf32, #tpu.memory_space<hbm>>) dst(%dma_wait3A_2141 : memref<128xf32, #tpu.memory_space<vmem>>)
    %dma_wait3A_2147 = arith.constant 18 : i32
    %dma_wait3A_2148 = arith.constant 3 : i32
    %dma_wait3A_2149 = arith.constant 18 : i32
    %dma_wait3A_2150 = arith.constant 3 : i32
    %dma_wait3A_2151 = arith.constant 0 : i32
    %dma_wait3A_2152 = tpu.memref_slice %arg7[%dma_wait3A_2149, %dma_wait3A_2150, %dma_wait3A_2151] : memref<26x4x128xf32, #tpu.memory_space<vmem>> -> memref<1x1x128xf32, #tpu.memory_space<vmem>>
    %dma_wait3A_2153 = tpu.memref_squeeze %dma_wait3A_2152 : memref<1x1x128xf32, #tpu.memory_space<vmem>> -> memref<128xf32, #tpu.memory_space<vmem>>
    %dma_wait3A_2154 = arith.constant 0 : i32
    %dma_wait3A_2155 = tpu.memref_slice %arg6[%dma_wait3A_2147, %dma_wait3A_2148, %dma_wait3A_2154] : memref<26x4x128xi32, #tpu.memory_space<vmem>> -> memref<1x1x128xi32, #tpu.memory_space<vmem>>
    %dma_wait3A_2156 = tpu.memref_squeeze %dma_wait3A_2155 : memref<1x1x128xi32, #tpu.memory_space<vmem>> -> memref<128xi32, #tpu.memory_space<vmem>>
    %dma_wait3A_2157 = arith.constant 0 : i32
    %dma_wait3A_2158 = tpu.memref_slice %arg3[%dma_wait3A_2157] : memref<1040000xf32, #tpu.memory_space<hbm>> -> memref<1040000xf32, #tpu.memory_space<hbm>>
    tpu.wait_indirect_dma semaphore(%arg10 : memref<!tpu.dma_semaphore, #tpu.memory_space<semaphore_mem>>) src(%dma_wait3A_2158 : memref<1040000xf32, #tpu.memory_space<hbm>>) dst(%dma_wait3A_2153 : memref<128xf32, #tpu.memory_space<vmem>>)
    %dma_wait3A_2159 = arith.constant 19 : i32
    %dma_wait3A_2160 = arith.constant 0 : i32
    %dma_wait3A_2161 = arith.constant 19 : i32
    %dma_wait3A_2162 = arith.constant 0 : i32
    %dma_wait3A_2163 = arith.constant 0 : i32
    %dma_wait3A_2164 = tpu.memref_slice %arg7[%dma_wait3A_2161, %dma_wait3A_2162, %dma_wait3A_2163] : memref<26x4x128xf32, #tpu.memory_space<vmem>> -> memref<1x1x128xf32, #tpu.memory_space<vmem>>
    %dma_wait3A_2165 = tpu.memref_squeeze %dma_wait3A_2164 : memref<1x1x128xf32, #tpu.memory_space<vmem>> -> memref<128xf32, #tpu.memory_space<vmem>>
    %dma_wait3A_2166 = arith.constant 0 : i32
    %dma_wait3A_2167 = tpu.memref_slice %arg6[%dma_wait3A_2159, %dma_wait3A_2160, %dma_wait3A_2166] : memref<26x4x128xi32, #tpu.memory_space<vmem>> -> memref<1x1x128xi32, #tpu.memory_space<vmem>>
    %dma_wait3A_2168 = tpu.memref_squeeze %dma_wait3A_2167 : memref<1x1x128xi32, #tpu.memory_space<vmem>> -> memref<128xi32, #tpu.memory_space<vmem>>
    %dma_wait3A_2169 = arith.constant 0 : i32
    %dma_wait3A_2170 = tpu.memref_slice %arg3[%dma_wait3A_2169] : memref<1040000xf32, #tpu.memory_space<hbm>> -> memref<1040000xf32, #tpu.memory_space<hbm>>
    tpu.wait_indirect_dma semaphore(%arg10 : memref<!tpu.dma_semaphore, #tpu.memory_space<semaphore_mem>>) src(%dma_wait3A_2170 : memref<1040000xf32, #tpu.memory_space<hbm>>) dst(%dma_wait3A_2165 : memref<128xf32, #tpu.memory_space<vmem>>)
    %dma_wait3A_2171 = arith.constant 19 : i32
    %dma_wait3A_2172 = arith.constant 1 : i32
    %dma_wait3A_2173 = arith.constant 19 : i32
    %dma_wait3A_2174 = arith.constant 1 : i32
    %dma_wait3A_2175 = arith.constant 0 : i32
    %dma_wait3A_2176 = tpu.memref_slice %arg7[%dma_wait3A_2173, %dma_wait3A_2174, %dma_wait3A_2175] : memref<26x4x128xf32, #tpu.memory_space<vmem>> -> memref<1x1x128xf32, #tpu.memory_space<vmem>>
    %dma_wait3A_2177 = tpu.memref_squeeze %dma_wait3A_2176 : memref<1x1x128xf32, #tpu.memory_space<vmem>> -> memref<128xf32, #tpu.memory_space<vmem>>
    %dma_wait3A_2178 = arith.constant 0 : i32
    %dma_wait3A_2179 = tpu.memref_slice %arg6[%dma_wait3A_2171, %dma_wait3A_2172, %dma_wait3A_2178] : memref<26x4x128xi32, #tpu.memory_space<vmem>> -> memref<1x1x128xi32, #tpu.memory_space<vmem>>
    %dma_wait3A_2180 = tpu.memref_squeeze %dma_wait3A_2179 : memref<1x1x128xi32, #tpu.memory_space<vmem>> -> memref<128xi32, #tpu.memory_space<vmem>>
    %dma_wait3A_2181 = arith.constant 0 : i32
    %dma_wait3A_2182 = tpu.memref_slice %arg3[%dma_wait3A_2181] : memref<1040000xf32, #tpu.memory_space<hbm>> -> memref<1040000xf32, #tpu.memory_space<hbm>>
    tpu.wait_indirect_dma semaphore(%arg10 : memref<!tpu.dma_semaphore, #tpu.memory_space<semaphore_mem>>) src(%dma_wait3A_2182 : memref<1040000xf32, #tpu.memory_space<hbm>>) dst(%dma_wait3A_2177 : memref<128xf32, #tpu.memory_space<vmem>>)
    %dma_wait3A_2183 = arith.constant 19 : i32
    %dma_wait3A_2184 = arith.constant 2 : i32
    %dma_wait3A_2185 = arith.constant 19 : i32
    %dma_wait3A_2186 = arith.constant 2 : i32
    %dma_wait3A_2187 = arith.constant 0 : i32
    %dma_wait3A_2188 = tpu.memref_slice %arg7[%dma_wait3A_2185, %dma_wait3A_2186, %dma_wait3A_2187] : memref<26x4x128xf32, #tpu.memory_space<vmem>> -> memref<1x1x128xf32, #tpu.memory_space<vmem>>
    %dma_wait3A_2189 = tpu.memref_squeeze %dma_wait3A_2188 : memref<1x1x128xf32, #tpu.memory_space<vmem>> -> memref<128xf32, #tpu.memory_space<vmem>>
    %dma_wait3A_2190 = arith.constant 0 : i32
    %dma_wait3A_2191 = tpu.memref_slice %arg6[%dma_wait3A_2183, %dma_wait3A_2184, %dma_wait3A_2190] : memref<26x4x128xi32, #tpu.memory_space<vmem>> -> memref<1x1x128xi32, #tpu.memory_space<vmem>>
    %dma_wait3A_2192 = tpu.memref_squeeze %dma_wait3A_2191 : memref<1x1x128xi32, #tpu.memory_space<vmem>> -> memref<128xi32, #tpu.memory_space<vmem>>
    %dma_wait3A_2193 = arith.constant 0 : i32
    %dma_wait3A_2194 = tpu.memref_slice %arg3[%dma_wait3A_2193] : memref<1040000xf32, #tpu.memory_space<hbm>> -> memref<1040000xf32, #tpu.memory_space<hbm>>
    tpu.wait_indirect_dma semaphore(%arg10 : memref<!tpu.dma_semaphore, #tpu.memory_space<semaphore_mem>>) src(%dma_wait3A_2194 : memref<1040000xf32, #tpu.memory_space<hbm>>) dst(%dma_wait3A_2189 : memref<128xf32, #tpu.memory_space<vmem>>)
    %dma_wait3A_2195 = arith.constant 19 : i32
    %dma_wait3A_2196 = arith.constant 3 : i32
    %dma_wait3A_2197 = arith.constant 19 : i32
    %dma_wait3A_2198 = arith.constant 3 : i32
    %dma_wait3A_2199 = arith.constant 0 : i32
    %dma_wait3A_2200 = tpu.memref_slice %arg7[%dma_wait3A_2197, %dma_wait3A_2198, %dma_wait3A_2199] : memref<26x4x128xf32, #tpu.memory_space<vmem>> -> memref<1x1x128xf32, #tpu.memory_space<vmem>>
    %dma_wait3A_2201 = tpu.memref_squeeze %dma_wait3A_2200 : memref<1x1x128xf32, #tpu.memory_space<vmem>> -> memref<128xf32, #tpu.memory_space<vmem>>
    %dma_wait3A_2202 = arith.constant 0 : i32
    %dma_wait3A_2203 = tpu.memref_slice %arg6[%dma_wait3A_2195, %dma_wait3A_2196, %dma_wait3A_2202] : memref<26x4x128xi32, #tpu.memory_space<vmem>> -> memref<1x1x128xi32, #tpu.memory_space<vmem>>
    %dma_wait3A_2204 = tpu.memref_squeeze %dma_wait3A_2203 : memref<1x1x128xi32, #tpu.memory_space<vmem>> -> memref<128xi32, #tpu.memory_space<vmem>>
    %dma_wait3A_2205 = arith.constant 0 : i32
    %dma_wait3A_2206 = tpu.memref_slice %arg3[%dma_wait3A_2205] : memref<1040000xf32, #tpu.memory_space<hbm>> -> memref<1040000xf32, #tpu.memory_space<hbm>>
    tpu.wait_indirect_dma semaphore(%arg10 : memref<!tpu.dma_semaphore, #tpu.memory_space<semaphore_mem>>) src(%dma_wait3A_2206 : memref<1040000xf32, #tpu.memory_space<hbm>>) dst(%dma_wait3A_2201 : memref<128xf32, #tpu.memory_space<vmem>>)
    %dma_wait3A_2207 = arith.constant 20 : i32
    %dma_wait3A_2208 = arith.constant 0 : i32
    %dma_wait3A_2209 = arith.constant 20 : i32
    %dma_wait3A_2210 = arith.constant 0 : i32
    %dma_wait3A_2211 = arith.constant 0 : i32
    %dma_wait3A_2212 = tpu.memref_slice %arg7[%dma_wait3A_2209, %dma_wait3A_2210, %dma_wait3A_2211] : memref<26x4x128xf32, #tpu.memory_space<vmem>> -> memref<1x1x128xf32, #tpu.memory_space<vmem>>
    %dma_wait3A_2213 = tpu.memref_squeeze %dma_wait3A_2212 : memref<1x1x128xf32, #tpu.memory_space<vmem>> -> memref<128xf32, #tpu.memory_space<vmem>>
    %dma_wait3A_2214 = arith.constant 0 : i32
    %dma_wait3A_2215 = tpu.memref_slice %arg6[%dma_wait3A_2207, %dma_wait3A_2208, %dma_wait3A_2214] : memref<26x4x128xi32, #tpu.memory_space<vmem>> -> memref<1x1x128xi32, #tpu.memory_space<vmem>>
    %dma_wait3A_2216 = tpu.memref_squeeze %dma_wait3A_2215 : memref<1x1x128xi32, #tpu.memory_space<vmem>> -> memref<128xi32, #tpu.memory_space<vmem>>
    %dma_wait3A_2217 = arith.constant 0 : i32
    %dma_wait3A_2218 = tpu.memref_slice %arg3[%dma_wait3A_2217] : memref<1040000xf32, #tpu.memory_space<hbm>> -> memref<1040000xf32, #tpu.memory_space<hbm>>
    tpu.wait_indirect_dma semaphore(%arg10 : memref<!tpu.dma_semaphore, #tpu.memory_space<semaphore_mem>>) src(%dma_wait3A_2218 : memref<1040000xf32, #tpu.memory_space<hbm>>) dst(%dma_wait3A_2213 : memref<128xf32, #tpu.memory_space<vmem>>)
    %dma_wait3A_2219 = arith.constant 20 : i32
    %dma_wait3A_2220 = arith.constant 1 : i32
    %dma_wait3A_2221 = arith.constant 20 : i32
    %dma_wait3A_2222 = arith.constant 1 : i32
    %dma_wait3A_2223 = arith.constant 0 : i32
    %dma_wait3A_2224 = tpu.memref_slice %arg7[%dma_wait3A_2221, %dma_wait3A_2222, %dma_wait3A_2223] : memref<26x4x128xf32, #tpu.memory_space<vmem>> -> memref<1x1x128xf32, #tpu.memory_space<vmem>>
    %dma_wait3A_2225 = tpu.memref_squeeze %dma_wait3A_2224 : memref<1x1x128xf32, #tpu.memory_space<vmem>> -> memref<128xf32, #tpu.memory_space<vmem>>
    %dma_wait3A_2226 = arith.constant 0 : i32
    %dma_wait3A_2227 = tpu.memref_slice %arg6[%dma_wait3A_2219, %dma_wait3A_2220, %dma_wait3A_2226] : memref<26x4x128xi32, #tpu.memory_space<vmem>> -> memref<1x1x128xi32, #tpu.memory_space<vmem>>
    %dma_wait3A_2228 = tpu.memref_squeeze %dma_wait3A_2227 : memref<1x1x128xi32, #tpu.memory_space<vmem>> -> memref<128xi32, #tpu.memory_space<vmem>>
    %dma_wait3A_2229 = arith.constant 0 : i32
    %dma_wait3A_2230 = tpu.memref_slice %arg3[%dma_wait3A_2229] : memref<1040000xf32, #tpu.memory_space<hbm>> -> memref<1040000xf32, #tpu.memory_space<hbm>>
    tpu.wait_indirect_dma semaphore(%arg10 : memref<!tpu.dma_semaphore, #tpu.memory_space<semaphore_mem>>) src(%dma_wait3A_2230 : memref<1040000xf32, #tpu.memory_space<hbm>>) dst(%dma_wait3A_2225 : memref<128xf32, #tpu.memory_space<vmem>>)
    %dma_wait3A_2231 = arith.constant 20 : i32
    %dma_wait3A_2232 = arith.constant 2 : i32
    %dma_wait3A_2233 = arith.constant 20 : i32
    %dma_wait3A_2234 = arith.constant 2 : i32
    %dma_wait3A_2235 = arith.constant 0 : i32
    %dma_wait3A_2236 = tpu.memref_slice %arg7[%dma_wait3A_2233, %dma_wait3A_2234, %dma_wait3A_2235] : memref<26x4x128xf32, #tpu.memory_space<vmem>> -> memref<1x1x128xf32, #tpu.memory_space<vmem>>
    %dma_wait3A_2237 = tpu.memref_squeeze %dma_wait3A_2236 : memref<1x1x128xf32, #tpu.memory_space<vmem>> -> memref<128xf32, #tpu.memory_space<vmem>>
    %dma_wait3A_2238 = arith.constant 0 : i32
    %dma_wait3A_2239 = tpu.memref_slice %arg6[%dma_wait3A_2231, %dma_wait3A_2232, %dma_wait3A_2238] : memref<26x4x128xi32, #tpu.memory_space<vmem>> -> memref<1x1x128xi32, #tpu.memory_space<vmem>>
    %dma_wait3A_2240 = tpu.memref_squeeze %dma_wait3A_2239 : memref<1x1x128xi32, #tpu.memory_space<vmem>> -> memref<128xi32, #tpu.memory_space<vmem>>
    %dma_wait3A_2241 = arith.constant 0 : i32
    %dma_wait3A_2242 = tpu.memref_slice %arg3[%dma_wait3A_2241] : memref<1040000xf32, #tpu.memory_space<hbm>> -> memref<1040000xf32, #tpu.memory_space<hbm>>
    tpu.wait_indirect_dma semaphore(%arg10 : memref<!tpu.dma_semaphore, #tpu.memory_space<semaphore_mem>>) src(%dma_wait3A_2242 : memref<1040000xf32, #tpu.memory_space<hbm>>) dst(%dma_wait3A_2237 : memref<128xf32, #tpu.memory_space<vmem>>)
    %dma_wait3A_2243 = arith.constant 20 : i32
    %dma_wait3A_2244 = arith.constant 3 : i32
    %dma_wait3A_2245 = arith.constant 20 : i32
    %dma_wait3A_2246 = arith.constant 3 : i32
    %dma_wait3A_2247 = arith.constant 0 : i32
    %dma_wait3A_2248 = tpu.memref_slice %arg7[%dma_wait3A_2245, %dma_wait3A_2246, %dma_wait3A_2247] : memref<26x4x128xf32, #tpu.memory_space<vmem>> -> memref<1x1x128xf32, #tpu.memory_space<vmem>>
    %dma_wait3A_2249 = tpu.memref_squeeze %dma_wait3A_2248 : memref<1x1x128xf32, #tpu.memory_space<vmem>> -> memref<128xf32, #tpu.memory_space<vmem>>
    %dma_wait3A_2250 = arith.constant 0 : i32
    %dma_wait3A_2251 = tpu.memref_slice %arg6[%dma_wait3A_2243, %dma_wait3A_2244, %dma_wait3A_2250] : memref<26x4x128xi32, #tpu.memory_space<vmem>> -> memref<1x1x128xi32, #tpu.memory_space<vmem>>
    %dma_wait3A_2252 = tpu.memref_squeeze %dma_wait3A_2251 : memref<1x1x128xi32, #tpu.memory_space<vmem>> -> memref<128xi32, #tpu.memory_space<vmem>>
    %dma_wait3A_2253 = arith.constant 0 : i32
    %dma_wait3A_2254 = tpu.memref_slice %arg3[%dma_wait3A_2253] : memref<1040000xf32, #tpu.memory_space<hbm>> -> memref<1040000xf32, #tpu.memory_space<hbm>>
    tpu.wait_indirect_dma semaphore(%arg10 : memref<!tpu.dma_semaphore, #tpu.memory_space<semaphore_mem>>) src(%dma_wait3A_2254 : memref<1040000xf32, #tpu.memory_space<hbm>>) dst(%dma_wait3A_2249 : memref<128xf32, #tpu.memory_space<vmem>>)
    %dma_wait3A_2255 = arith.constant 21 : i32
    %dma_wait3A_2256 = arith.constant 0 : i32
    %dma_wait3A_2257 = arith.constant 21 : i32
    %dma_wait3A_2258 = arith.constant 0 : i32
    %dma_wait3A_2259 = arith.constant 0 : i32
    %dma_wait3A_2260 = tpu.memref_slice %arg7[%dma_wait3A_2257, %dma_wait3A_2258, %dma_wait3A_2259] : memref<26x4x128xf32, #tpu.memory_space<vmem>> -> memref<1x1x128xf32, #tpu.memory_space<vmem>>
    %dma_wait3A_2261 = tpu.memref_squeeze %dma_wait3A_2260 : memref<1x1x128xf32, #tpu.memory_space<vmem>> -> memref<128xf32, #tpu.memory_space<vmem>>
    %dma_wait3A_2262 = arith.constant 0 : i32
    %dma_wait3A_2263 = tpu.memref_slice %arg6[%dma_wait3A_2255, %dma_wait3A_2256, %dma_wait3A_2262] : memref<26x4x128xi32, #tpu.memory_space<vmem>> -> memref<1x1x128xi32, #tpu.memory_space<vmem>>
    %dma_wait3A_2264 = tpu.memref_squeeze %dma_wait3A_2263 : memref<1x1x128xi32, #tpu.memory_space<vmem>> -> memref<128xi32, #tpu.memory_space<vmem>>
    %dma_wait3A_2265 = arith.constant 0 : i32
    %dma_wait3A_2266 = tpu.memref_slice %arg3[%dma_wait3A_2265] : memref<1040000xf32, #tpu.memory_space<hbm>> -> memref<1040000xf32, #tpu.memory_space<hbm>>
    tpu.wait_indirect_dma semaphore(%arg10 : memref<!tpu.dma_semaphore, #tpu.memory_space<semaphore_mem>>) src(%dma_wait3A_2266 : memref<1040000xf32, #tpu.memory_space<hbm>>) dst(%dma_wait3A_2261 : memref<128xf32, #tpu.memory_space<vmem>>)
    %dma_wait3A_2267 = arith.constant 21 : i32
    %dma_wait3A_2268 = arith.constant 1 : i32
    %dma_wait3A_2269 = arith.constant 21 : i32
    %dma_wait3A_2270 = arith.constant 1 : i32
    %dma_wait3A_2271 = arith.constant 0 : i32
    %dma_wait3A_2272 = tpu.memref_slice %arg7[%dma_wait3A_2269, %dma_wait3A_2270, %dma_wait3A_2271] : memref<26x4x128xf32, #tpu.memory_space<vmem>> -> memref<1x1x128xf32, #tpu.memory_space<vmem>>
    %dma_wait3A_2273 = tpu.memref_squeeze %dma_wait3A_2272 : memref<1x1x128xf32, #tpu.memory_space<vmem>> -> memref<128xf32, #tpu.memory_space<vmem>>
    %dma_wait3A_2274 = arith.constant 0 : i32
    %dma_wait3A_2275 = tpu.memref_slice %arg6[%dma_wait3A_2267, %dma_wait3A_2268, %dma_wait3A_2274] : memref<26x4x128xi32, #tpu.memory_space<vmem>> -> memref<1x1x128xi32, #tpu.memory_space<vmem>>
    %dma_wait3A_2276 = tpu.memref_squeeze %dma_wait3A_2275 : memref<1x1x128xi32, #tpu.memory_space<vmem>> -> memref<128xi32, #tpu.memory_space<vmem>>
    %dma_wait3A_2277 = arith.constant 0 : i32
    %dma_wait3A_2278 = tpu.memref_slice %arg3[%dma_wait3A_2277] : memref<1040000xf32, #tpu.memory_space<hbm>> -> memref<1040000xf32, #tpu.memory_space<hbm>>
    tpu.wait_indirect_dma semaphore(%arg10 : memref<!tpu.dma_semaphore, #tpu.memory_space<semaphore_mem>>) src(%dma_wait3A_2278 : memref<1040000xf32, #tpu.memory_space<hbm>>) dst(%dma_wait3A_2273 : memref<128xf32, #tpu.memory_space<vmem>>)
    %dma_wait3A_2279 = arith.constant 21 : i32
    %dma_wait3A_2280 = arith.constant 2 : i32
    %dma_wait3A_2281 = arith.constant 21 : i32
    %dma_wait3A_2282 = arith.constant 2 : i32
    %dma_wait3A_2283 = arith.constant 0 : i32
    %dma_wait3A_2284 = tpu.memref_slice %arg7[%dma_wait3A_2281, %dma_wait3A_2282, %dma_wait3A_2283] : memref<26x4x128xf32, #tpu.memory_space<vmem>> -> memref<1x1x128xf32, #tpu.memory_space<vmem>>
    %dma_wait3A_2285 = tpu.memref_squeeze %dma_wait3A_2284 : memref<1x1x128xf32, #tpu.memory_space<vmem>> -> memref<128xf32, #tpu.memory_space<vmem>>
    %dma_wait3A_2286 = arith.constant 0 : i32
    %dma_wait3A_2287 = tpu.memref_slice %arg6[%dma_wait3A_2279, %dma_wait3A_2280, %dma_wait3A_2286] : memref<26x4x128xi32, #tpu.memory_space<vmem>> -> memref<1x1x128xi32, #tpu.memory_space<vmem>>
    %dma_wait3A_2288 = tpu.memref_squeeze %dma_wait3A_2287 : memref<1x1x128xi32, #tpu.memory_space<vmem>> -> memref<128xi32, #tpu.memory_space<vmem>>
    %dma_wait3A_2289 = arith.constant 0 : i32
    %dma_wait3A_2290 = tpu.memref_slice %arg3[%dma_wait3A_2289] : memref<1040000xf32, #tpu.memory_space<hbm>> -> memref<1040000xf32, #tpu.memory_space<hbm>>
    tpu.wait_indirect_dma semaphore(%arg10 : memref<!tpu.dma_semaphore, #tpu.memory_space<semaphore_mem>>) src(%dma_wait3A_2290 : memref<1040000xf32, #tpu.memory_space<hbm>>) dst(%dma_wait3A_2285 : memref<128xf32, #tpu.memory_space<vmem>>)
    %dma_wait3A_2291 = arith.constant 21 : i32
    %dma_wait3A_2292 = arith.constant 3 : i32
    %dma_wait3A_2293 = arith.constant 21 : i32
    %dma_wait3A_2294 = arith.constant 3 : i32
    %dma_wait3A_2295 = arith.constant 0 : i32
    %dma_wait3A_2296 = tpu.memref_slice %arg7[%dma_wait3A_2293, %dma_wait3A_2294, %dma_wait3A_2295] : memref<26x4x128xf32, #tpu.memory_space<vmem>> -> memref<1x1x128xf32, #tpu.memory_space<vmem>>
    %dma_wait3A_2297 = tpu.memref_squeeze %dma_wait3A_2296 : memref<1x1x128xf32, #tpu.memory_space<vmem>> -> memref<128xf32, #tpu.memory_space<vmem>>
    %dma_wait3A_2298 = arith.constant 0 : i32
    %dma_wait3A_2299 = tpu.memref_slice %arg6[%dma_wait3A_2291, %dma_wait3A_2292, %dma_wait3A_2298] : memref<26x4x128xi32, #tpu.memory_space<vmem>> -> memref<1x1x128xi32, #tpu.memory_space<vmem>>
    %dma_wait3A_2300 = tpu.memref_squeeze %dma_wait3A_2299 : memref<1x1x128xi32, #tpu.memory_space<vmem>> -> memref<128xi32, #tpu.memory_space<vmem>>
    %dma_wait3A_2301 = arith.constant 0 : i32
    %dma_wait3A_2302 = tpu.memref_slice %arg3[%dma_wait3A_2301] : memref<1040000xf32, #tpu.memory_space<hbm>> -> memref<1040000xf32, #tpu.memory_space<hbm>>
    tpu.wait_indirect_dma semaphore(%arg10 : memref<!tpu.dma_semaphore, #tpu.memory_space<semaphore_mem>>) src(%dma_wait3A_2302 : memref<1040000xf32, #tpu.memory_space<hbm>>) dst(%dma_wait3A_2297 : memref<128xf32, #tpu.memory_space<vmem>>)
    %dma_wait3A_2303 = arith.constant 22 : i32
    %dma_wait3A_2304 = arith.constant 0 : i32
    %dma_wait3A_2305 = arith.constant 22 : i32
    %dma_wait3A_2306 = arith.constant 0 : i32
    %dma_wait3A_2307 = arith.constant 0 : i32
    %dma_wait3A_2308 = tpu.memref_slice %arg7[%dma_wait3A_2305, %dma_wait3A_2306, %dma_wait3A_2307] : memref<26x4x128xf32, #tpu.memory_space<vmem>> -> memref<1x1x128xf32, #tpu.memory_space<vmem>>
    %dma_wait3A_2309 = tpu.memref_squeeze %dma_wait3A_2308 : memref<1x1x128xf32, #tpu.memory_space<vmem>> -> memref<128xf32, #tpu.memory_space<vmem>>
    %dma_wait3A_2310 = arith.constant 0 : i32
    %dma_wait3A_2311 = tpu.memref_slice %arg6[%dma_wait3A_2303, %dma_wait3A_2304, %dma_wait3A_2310] : memref<26x4x128xi32, #tpu.memory_space<vmem>> -> memref<1x1x128xi32, #tpu.memory_space<vmem>>
    %dma_wait3A_2312 = tpu.memref_squeeze %dma_wait3A_2311 : memref<1x1x128xi32, #tpu.memory_space<vmem>> -> memref<128xi32, #tpu.memory_space<vmem>>
    %dma_wait3A_2313 = arith.constant 0 : i32
    %dma_wait3A_2314 = tpu.memref_slice %arg3[%dma_wait3A_2313] : memref<1040000xf32, #tpu.memory_space<hbm>> -> memref<1040000xf32, #tpu.memory_space<hbm>>
    tpu.wait_indirect_dma semaphore(%arg10 : memref<!tpu.dma_semaphore, #tpu.memory_space<semaphore_mem>>) src(%dma_wait3A_2314 : memref<1040000xf32, #tpu.memory_space<hbm>>) dst(%dma_wait3A_2309 : memref<128xf32, #tpu.memory_space<vmem>>)
    %dma_wait3A_2315 = arith.constant 22 : i32
    %dma_wait3A_2316 = arith.constant 1 : i32
    %dma_wait3A_2317 = arith.constant 22 : i32
    %dma_wait3A_2318 = arith.constant 1 : i32
    %dma_wait3A_2319 = arith.constant 0 : i32
    %dma_wait3A_2320 = tpu.memref_slice %arg7[%dma_wait3A_2317, %dma_wait3A_2318, %dma_wait3A_2319] : memref<26x4x128xf32, #tpu.memory_space<vmem>> -> memref<1x1x128xf32, #tpu.memory_space<vmem>>
    %dma_wait3A_2321 = tpu.memref_squeeze %dma_wait3A_2320 : memref<1x1x128xf32, #tpu.memory_space<vmem>> -> memref<128xf32, #tpu.memory_space<vmem>>
    %dma_wait3A_2322 = arith.constant 0 : i32
    %dma_wait3A_2323 = tpu.memref_slice %arg6[%dma_wait3A_2315, %dma_wait3A_2316, %dma_wait3A_2322] : memref<26x4x128xi32, #tpu.memory_space<vmem>> -> memref<1x1x128xi32, #tpu.memory_space<vmem>>
    %dma_wait3A_2324 = tpu.memref_squeeze %dma_wait3A_2323 : memref<1x1x128xi32, #tpu.memory_space<vmem>> -> memref<128xi32, #tpu.memory_space<vmem>>
    %dma_wait3A_2325 = arith.constant 0 : i32
    %dma_wait3A_2326 = tpu.memref_slice %arg3[%dma_wait3A_2325] : memref<1040000xf32, #tpu.memory_space<hbm>> -> memref<1040000xf32, #tpu.memory_space<hbm>>
    tpu.wait_indirect_dma semaphore(%arg10 : memref<!tpu.dma_semaphore, #tpu.memory_space<semaphore_mem>>) src(%dma_wait3A_2326 : memref<1040000xf32, #tpu.memory_space<hbm>>) dst(%dma_wait3A_2321 : memref<128xf32, #tpu.memory_space<vmem>>)
    %dma_wait3A_2327 = arith.constant 22 : i32
    %dma_wait3A_2328 = arith.constant 2 : i32
    %dma_wait3A_2329 = arith.constant 22 : i32
    %dma_wait3A_2330 = arith.constant 2 : i32
    %dma_wait3A_2331 = arith.constant 0 : i32
    %dma_wait3A_2332 = tpu.memref_slice %arg7[%dma_wait3A_2329, %dma_wait3A_2330, %dma_wait3A_2331] : memref<26x4x128xf32, #tpu.memory_space<vmem>> -> memref<1x1x128xf32, #tpu.memory_space<vmem>>
    %dma_wait3A_2333 = tpu.memref_squeeze %dma_wait3A_2332 : memref<1x1x128xf32, #tpu.memory_space<vmem>> -> memref<128xf32, #tpu.memory_space<vmem>>
    %dma_wait3A_2334 = arith.constant 0 : i32
    %dma_wait3A_2335 = tpu.memref_slice %arg6[%dma_wait3A_2327, %dma_wait3A_2328, %dma_wait3A_2334] : memref<26x4x128xi32, #tpu.memory_space<vmem>> -> memref<1x1x128xi32, #tpu.memory_space<vmem>>
    %dma_wait3A_2336 = tpu.memref_squeeze %dma_wait3A_2335 : memref<1x1x128xi32, #tpu.memory_space<vmem>> -> memref<128xi32, #tpu.memory_space<vmem>>
    %dma_wait3A_2337 = arith.constant 0 : i32
    %dma_wait3A_2338 = tpu.memref_slice %arg3[%dma_wait3A_2337] : memref<1040000xf32, #tpu.memory_space<hbm>> -> memref<1040000xf32, #tpu.memory_space<hbm>>
    tpu.wait_indirect_dma semaphore(%arg10 : memref<!tpu.dma_semaphore, #tpu.memory_space<semaphore_mem>>) src(%dma_wait3A_2338 : memref<1040000xf32, #tpu.memory_space<hbm>>) dst(%dma_wait3A_2333 : memref<128xf32, #tpu.memory_space<vmem>>)
    %dma_wait3A_2339 = arith.constant 22 : i32
    %dma_wait3A_2340 = arith.constant 3 : i32
    %dma_wait3A_2341 = arith.constant 22 : i32
    %dma_wait3A_2342 = arith.constant 3 : i32
    %dma_wait3A_2343 = arith.constant 0 : i32
    %dma_wait3A_2344 = tpu.memref_slice %arg7[%dma_wait3A_2341, %dma_wait3A_2342, %dma_wait3A_2343] : memref<26x4x128xf32, #tpu.memory_space<vmem>> -> memref<1x1x128xf32, #tpu.memory_space<vmem>>
    %dma_wait3A_2345 = tpu.memref_squeeze %dma_wait3A_2344 : memref<1x1x128xf32, #tpu.memory_space<vmem>> -> memref<128xf32, #tpu.memory_space<vmem>>
    %dma_wait3A_2346 = arith.constant 0 : i32
    %dma_wait3A_2347 = tpu.memref_slice %arg6[%dma_wait3A_2339, %dma_wait3A_2340, %dma_wait3A_2346] : memref<26x4x128xi32, #tpu.memory_space<vmem>> -> memref<1x1x128xi32, #tpu.memory_space<vmem>>
    %dma_wait3A_2348 = tpu.memref_squeeze %dma_wait3A_2347 : memref<1x1x128xi32, #tpu.memory_space<vmem>> -> memref<128xi32, #tpu.memory_space<vmem>>
    %dma_wait3A_2349 = arith.constant 0 : i32
    %dma_wait3A_2350 = tpu.memref_slice %arg3[%dma_wait3A_2349] : memref<1040000xf32, #tpu.memory_space<hbm>> -> memref<1040000xf32, #tpu.memory_space<hbm>>
    tpu.wait_indirect_dma semaphore(%arg10 : memref<!tpu.dma_semaphore, #tpu.memory_space<semaphore_mem>>) src(%dma_wait3A_2350 : memref<1040000xf32, #tpu.memory_space<hbm>>) dst(%dma_wait3A_2345 : memref<128xf32, #tpu.memory_space<vmem>>)
    %dma_wait3A_2351 = arith.constant 23 : i32
    %dma_wait3A_2352 = arith.constant 0 : i32
    %dma_wait3A_2353 = arith.constant 23 : i32
    %dma_wait3A_2354 = arith.constant 0 : i32
    %dma_wait3A_2355 = arith.constant 0 : i32
    %dma_wait3A_2356 = tpu.memref_slice %arg7[%dma_wait3A_2353, %dma_wait3A_2354, %dma_wait3A_2355] : memref<26x4x128xf32, #tpu.memory_space<vmem>> -> memref<1x1x128xf32, #tpu.memory_space<vmem>>
    %dma_wait3A_2357 = tpu.memref_squeeze %dma_wait3A_2356 : memref<1x1x128xf32, #tpu.memory_space<vmem>> -> memref<128xf32, #tpu.memory_space<vmem>>
    %dma_wait3A_2358 = arith.constant 0 : i32
    %dma_wait3A_2359 = tpu.memref_slice %arg6[%dma_wait3A_2351, %dma_wait3A_2352, %dma_wait3A_2358] : memref<26x4x128xi32, #tpu.memory_space<vmem>> -> memref<1x1x128xi32, #tpu.memory_space<vmem>>
    %dma_wait3A_2360 = tpu.memref_squeeze %dma_wait3A_2359 : memref<1x1x128xi32, #tpu.memory_space<vmem>> -> memref<128xi32, #tpu.memory_space<vmem>>
    %dma_wait3A_2361 = arith.constant 0 : i32
    %dma_wait3A_2362 = tpu.memref_slice %arg3[%dma_wait3A_2361] : memref<1040000xf32, #tpu.memory_space<hbm>> -> memref<1040000xf32, #tpu.memory_space<hbm>>
    tpu.wait_indirect_dma semaphore(%arg10 : memref<!tpu.dma_semaphore, #tpu.memory_space<semaphore_mem>>) src(%dma_wait3A_2362 : memref<1040000xf32, #tpu.memory_space<hbm>>) dst(%dma_wait3A_2357 : memref<128xf32, #tpu.memory_space<vmem>>)
    %dma_wait3A_2363 = arith.constant 23 : i32
    %dma_wait3A_2364 = arith.constant 1 : i32
    %dma_wait3A_2365 = arith.constant 23 : i32
    %dma_wait3A_2366 = arith.constant 1 : i32
    %dma_wait3A_2367 = arith.constant 0 : i32
    %dma_wait3A_2368 = tpu.memref_slice %arg7[%dma_wait3A_2365, %dma_wait3A_2366, %dma_wait3A_2367] : memref<26x4x128xf32, #tpu.memory_space<vmem>> -> memref<1x1x128xf32, #tpu.memory_space<vmem>>
    %dma_wait3A_2369 = tpu.memref_squeeze %dma_wait3A_2368 : memref<1x1x128xf32, #tpu.memory_space<vmem>> -> memref<128xf32, #tpu.memory_space<vmem>>
    %dma_wait3A_2370 = arith.constant 0 : i32
    %dma_wait3A_2371 = tpu.memref_slice %arg6[%dma_wait3A_2363, %dma_wait3A_2364, %dma_wait3A_2370] : memref<26x4x128xi32, #tpu.memory_space<vmem>> -> memref<1x1x128xi32, #tpu.memory_space<vmem>>
    %dma_wait3A_2372 = tpu.memref_squeeze %dma_wait3A_2371 : memref<1x1x128xi32, #tpu.memory_space<vmem>> -> memref<128xi32, #tpu.memory_space<vmem>>
    %dma_wait3A_2373 = arith.constant 0 : i32
    %dma_wait3A_2374 = tpu.memref_slice %arg3[%dma_wait3A_2373] : memref<1040000xf32, #tpu.memory_space<hbm>> -> memref<1040000xf32, #tpu.memory_space<hbm>>
    tpu.wait_indirect_dma semaphore(%arg10 : memref<!tpu.dma_semaphore, #tpu.memory_space<semaphore_mem>>) src(%dma_wait3A_2374 : memref<1040000xf32, #tpu.memory_space<hbm>>) dst(%dma_wait3A_2369 : memref<128xf32, #tpu.memory_space<vmem>>)
    %dma_wait3A_2375 = arith.constant 23 : i32
    %dma_wait3A_2376 = arith.constant 2 : i32
    %dma_wait3A_2377 = arith.constant 23 : i32
    %dma_wait3A_2378 = arith.constant 2 : i32
    %dma_wait3A_2379 = arith.constant 0 : i32
    %dma_wait3A_2380 = tpu.memref_slice %arg7[%dma_wait3A_2377, %dma_wait3A_2378, %dma_wait3A_2379] : memref<26x4x128xf32, #tpu.memory_space<vmem>> -> memref<1x1x128xf32, #tpu.memory_space<vmem>>
    %dma_wait3A_2381 = tpu.memref_squeeze %dma_wait3A_2380 : memref<1x1x128xf32, #tpu.memory_space<vmem>> -> memref<128xf32, #tpu.memory_space<vmem>>
    %dma_wait3A_2382 = arith.constant 0 : i32
    %dma_wait3A_2383 = tpu.memref_slice %arg6[%dma_wait3A_2375, %dma_wait3A_2376, %dma_wait3A_2382] : memref<26x4x128xi32, #tpu.memory_space<vmem>> -> memref<1x1x128xi32, #tpu.memory_space<vmem>>
    %dma_wait3A_2384 = tpu.memref_squeeze %dma_wait3A_2383 : memref<1x1x128xi32, #tpu.memory_space<vmem>> -> memref<128xi32, #tpu.memory_space<vmem>>
    %dma_wait3A_2385 = arith.constant 0 : i32
    %dma_wait3A_2386 = tpu.memref_slice %arg3[%dma_wait3A_2385] : memref<1040000xf32, #tpu.memory_space<hbm>> -> memref<1040000xf32, #tpu.memory_space<hbm>>
    tpu.wait_indirect_dma semaphore(%arg10 : memref<!tpu.dma_semaphore, #tpu.memory_space<semaphore_mem>>) src(%dma_wait3A_2386 : memref<1040000xf32, #tpu.memory_space<hbm>>) dst(%dma_wait3A_2381 : memref<128xf32, #tpu.memory_space<vmem>>)
    %dma_wait3A_2387 = arith.constant 23 : i32
    %dma_wait3A_2388 = arith.constant 3 : i32
    %dma_wait3A_2389 = arith.constant 23 : i32
    %dma_wait3A_2390 = arith.constant 3 : i32
    %dma_wait3A_2391 = arith.constant 0 : i32
    %dma_wait3A_2392 = tpu.memref_slice %arg7[%dma_wait3A_2389, %dma_wait3A_2390, %dma_wait3A_2391] : memref<26x4x128xf32, #tpu.memory_space<vmem>> -> memref<1x1x128xf32, #tpu.memory_space<vmem>>
    %dma_wait3A_2393 = tpu.memref_squeeze %dma_wait3A_2392 : memref<1x1x128xf32, #tpu.memory_space<vmem>> -> memref<128xf32, #tpu.memory_space<vmem>>
    %dma_wait3A_2394 = arith.constant 0 : i32
    %dma_wait3A_2395 = tpu.memref_slice %arg6[%dma_wait3A_2387, %dma_wait3A_2388, %dma_wait3A_2394] : memref<26x4x128xi32, #tpu.memory_space<vmem>> -> memref<1x1x128xi32, #tpu.memory_space<vmem>>
    %dma_wait3A_2396 = tpu.memref_squeeze %dma_wait3A_2395 : memref<1x1x128xi32, #tpu.memory_space<vmem>> -> memref<128xi32, #tpu.memory_space<vmem>>
    %dma_wait3A_2397 = arith.constant 0 : i32
    %dma_wait3A_2398 = tpu.memref_slice %arg3[%dma_wait3A_2397] : memref<1040000xf32, #tpu.memory_space<hbm>> -> memref<1040000xf32, #tpu.memory_space<hbm>>
    tpu.wait_indirect_dma semaphore(%arg10 : memref<!tpu.dma_semaphore, #tpu.memory_space<semaphore_mem>>) src(%dma_wait3A_2398 : memref<1040000xf32, #tpu.memory_space<hbm>>) dst(%dma_wait3A_2393 : memref<128xf32, #tpu.memory_space<vmem>>)
    %dma_wait3A_2399 = arith.constant 24 : i32
    %dma_wait3A_2400 = arith.constant 0 : i32
    %dma_wait3A_2401 = arith.constant 24 : i32
    %dma_wait3A_2402 = arith.constant 0 : i32
    %dma_wait3A_2403 = arith.constant 0 : i32
    %dma_wait3A_2404 = tpu.memref_slice %arg7[%dma_wait3A_2401, %dma_wait3A_2402, %dma_wait3A_2403] : memref<26x4x128xf32, #tpu.memory_space<vmem>> -> memref<1x1x128xf32, #tpu.memory_space<vmem>>
    %dma_wait3A_2405 = tpu.memref_squeeze %dma_wait3A_2404 : memref<1x1x128xf32, #tpu.memory_space<vmem>> -> memref<128xf32, #tpu.memory_space<vmem>>
    %dma_wait3A_2406 = arith.constant 0 : i32
    %dma_wait3A_2407 = tpu.memref_slice %arg6[%dma_wait3A_2399, %dma_wait3A_2400, %dma_wait3A_2406] : memref<26x4x128xi32, #tpu.memory_space<vmem>> -> memref<1x1x128xi32, #tpu.memory_space<vmem>>
    %dma_wait3A_2408 = tpu.memref_squeeze %dma_wait3A_2407 : memref<1x1x128xi32, #tpu.memory_space<vmem>> -> memref<128xi32, #tpu.memory_space<vmem>>
    %dma_wait3A_2409 = arith.constant 0 : i32
    %dma_wait3A_2410 = tpu.memref_slice %arg3[%dma_wait3A_2409] : memref<1040000xf32, #tpu.memory_space<hbm>> -> memref<1040000xf32, #tpu.memory_space<hbm>>
    tpu.wait_indirect_dma semaphore(%arg10 : memref<!tpu.dma_semaphore, #tpu.memory_space<semaphore_mem>>) src(%dma_wait3A_2410 : memref<1040000xf32, #tpu.memory_space<hbm>>) dst(%dma_wait3A_2405 : memref<128xf32, #tpu.memory_space<vmem>>)
    %dma_wait3A_2411 = arith.constant 24 : i32
    %dma_wait3A_2412 = arith.constant 1 : i32
    %dma_wait3A_2413 = arith.constant 24 : i32
    %dma_wait3A_2414 = arith.constant 1 : i32
    %dma_wait3A_2415 = arith.constant 0 : i32
    %dma_wait3A_2416 = tpu.memref_slice %arg7[%dma_wait3A_2413, %dma_wait3A_2414, %dma_wait3A_2415] : memref<26x4x128xf32, #tpu.memory_space<vmem>> -> memref<1x1x128xf32, #tpu.memory_space<vmem>>
    %dma_wait3A_2417 = tpu.memref_squeeze %dma_wait3A_2416 : memref<1x1x128xf32, #tpu.memory_space<vmem>> -> memref<128xf32, #tpu.memory_space<vmem>>
    %dma_wait3A_2418 = arith.constant 0 : i32
    %dma_wait3A_2419 = tpu.memref_slice %arg6[%dma_wait3A_2411, %dma_wait3A_2412, %dma_wait3A_2418] : memref<26x4x128xi32, #tpu.memory_space<vmem>> -> memref<1x1x128xi32, #tpu.memory_space<vmem>>
    %dma_wait3A_2420 = tpu.memref_squeeze %dma_wait3A_2419 : memref<1x1x128xi32, #tpu.memory_space<vmem>> -> memref<128xi32, #tpu.memory_space<vmem>>
    %dma_wait3A_2421 = arith.constant 0 : i32
    %dma_wait3A_2422 = tpu.memref_slice %arg3[%dma_wait3A_2421] : memref<1040000xf32, #tpu.memory_space<hbm>> -> memref<1040000xf32, #tpu.memory_space<hbm>>
    tpu.wait_indirect_dma semaphore(%arg10 : memref<!tpu.dma_semaphore, #tpu.memory_space<semaphore_mem>>) src(%dma_wait3A_2422 : memref<1040000xf32, #tpu.memory_space<hbm>>) dst(%dma_wait3A_2417 : memref<128xf32, #tpu.memory_space<vmem>>)
    %dma_wait3A_2423 = arith.constant 24 : i32
    %dma_wait3A_2424 = arith.constant 2 : i32
    %dma_wait3A_2425 = arith.constant 24 : i32
    %dma_wait3A_2426 = arith.constant 2 : i32
    %dma_wait3A_2427 = arith.constant 0 : i32
    %dma_wait3A_2428 = tpu.memref_slice %arg7[%dma_wait3A_2425, %dma_wait3A_2426, %dma_wait3A_2427] : memref<26x4x128xf32, #tpu.memory_space<vmem>> -> memref<1x1x128xf32, #tpu.memory_space<vmem>>
    %dma_wait3A_2429 = tpu.memref_squeeze %dma_wait3A_2428 : memref<1x1x128xf32, #tpu.memory_space<vmem>> -> memref<128xf32, #tpu.memory_space<vmem>>
    %dma_wait3A_2430 = arith.constant 0 : i32
    %dma_wait3A_2431 = tpu.memref_slice %arg6[%dma_wait3A_2423, %dma_wait3A_2424, %dma_wait3A_2430] : memref<26x4x128xi32, #tpu.memory_space<vmem>> -> memref<1x1x128xi32, #tpu.memory_space<vmem>>
    %dma_wait3A_2432 = tpu.memref_squeeze %dma_wait3A_2431 : memref<1x1x128xi32, #tpu.memory_space<vmem>> -> memref<128xi32, #tpu.memory_space<vmem>>
    %dma_wait3A_2433 = arith.constant 0 : i32
    %dma_wait3A_2434 = tpu.memref_slice %arg3[%dma_wait3A_2433] : memref<1040000xf32, #tpu.memory_space<hbm>> -> memref<1040000xf32, #tpu.memory_space<hbm>>
    tpu.wait_indirect_dma semaphore(%arg10 : memref<!tpu.dma_semaphore, #tpu.memory_space<semaphore_mem>>) src(%dma_wait3A_2434 : memref<1040000xf32, #tpu.memory_space<hbm>>) dst(%dma_wait3A_2429 : memref<128xf32, #tpu.memory_space<vmem>>)
    %dma_wait3A_2435 = arith.constant 24 : i32
    %dma_wait3A_2436 = arith.constant 3 : i32
    %dma_wait3A_2437 = arith.constant 24 : i32
    %dma_wait3A_2438 = arith.constant 3 : i32
    %dma_wait3A_2439 = arith.constant 0 : i32
    %dma_wait3A_2440 = tpu.memref_slice %arg7[%dma_wait3A_2437, %dma_wait3A_2438, %dma_wait3A_2439] : memref<26x4x128xf32, #tpu.memory_space<vmem>> -> memref<1x1x128xf32, #tpu.memory_space<vmem>>
    %dma_wait3A_2441 = tpu.memref_squeeze %dma_wait3A_2440 : memref<1x1x128xf32, #tpu.memory_space<vmem>> -> memref<128xf32, #tpu.memory_space<vmem>>
    %dma_wait3A_2442 = arith.constant 0 : i32
    %dma_wait3A_2443 = tpu.memref_slice %arg6[%dma_wait3A_2435, %dma_wait3A_2436, %dma_wait3A_2442] : memref<26x4x128xi32, #tpu.memory_space<vmem>> -> memref<1x1x128xi32, #tpu.memory_space<vmem>>
    %dma_wait3A_2444 = tpu.memref_squeeze %dma_wait3A_2443 : memref<1x1x128xi32, #tpu.memory_space<vmem>> -> memref<128xi32, #tpu.memory_space<vmem>>
    %dma_wait3A_2445 = arith.constant 0 : i32
    %dma_wait3A_2446 = tpu.memref_slice %arg3[%dma_wait3A_2445] : memref<1040000xf32, #tpu.memory_space<hbm>> -> memref<1040000xf32, #tpu.memory_space<hbm>>
    tpu.wait_indirect_dma semaphore(%arg10 : memref<!tpu.dma_semaphore, #tpu.memory_space<semaphore_mem>>) src(%dma_wait3A_2446 : memref<1040000xf32, #tpu.memory_space<hbm>>) dst(%dma_wait3A_2441 : memref<128xf32, #tpu.memory_space<vmem>>)
    %dma_wait3A_2447 = arith.constant 25 : i32
    %dma_wait3A_2448 = arith.constant 0 : i32
    %dma_wait3A_2449 = arith.constant 25 : i32
    %dma_wait3A_2450 = arith.constant 0 : i32
    %dma_wait3A_2451 = arith.constant 0 : i32
    %dma_wait3A_2452 = tpu.memref_slice %arg7[%dma_wait3A_2449, %dma_wait3A_2450, %dma_wait3A_2451] : memref<26x4x128xf32, #tpu.memory_space<vmem>> -> memref<1x1x128xf32, #tpu.memory_space<vmem>>
    %dma_wait3A_2453 = tpu.memref_squeeze %dma_wait3A_2452 : memref<1x1x128xf32, #tpu.memory_space<vmem>> -> memref<128xf32, #tpu.memory_space<vmem>>
    %dma_wait3A_2454 = arith.constant 0 : i32
    %dma_wait3A_2455 = tpu.memref_slice %arg6[%dma_wait3A_2447, %dma_wait3A_2448, %dma_wait3A_2454] : memref<26x4x128xi32, #tpu.memory_space<vmem>> -> memref<1x1x128xi32, #tpu.memory_space<vmem>>
    %dma_wait3A_2456 = tpu.memref_squeeze %dma_wait3A_2455 : memref<1x1x128xi32, #tpu.memory_space<vmem>> -> memref<128xi32, #tpu.memory_space<vmem>>
    %dma_wait3A_2457 = arith.constant 0 : i32
    %dma_wait3A_2458 = tpu.memref_slice %arg3[%dma_wait3A_2457] : memref<1040000xf32, #tpu.memory_space<hbm>> -> memref<1040000xf32, #tpu.memory_space<hbm>>
    tpu.wait_indirect_dma semaphore(%arg10 : memref<!tpu.dma_semaphore, #tpu.memory_space<semaphore_mem>>) src(%dma_wait3A_2458 : memref<1040000xf32, #tpu.memory_space<hbm>>) dst(%dma_wait3A_2453 : memref<128xf32, #tpu.memory_space<vmem>>)
    %dma_wait3A_2459 = arith.constant 25 : i32
    %dma_wait3A_2460 = arith.constant 1 : i32
    %dma_wait3A_2461 = arith.constant 25 : i32
    %dma_wait3A_2462 = arith.constant 1 : i32
    %dma_wait3A_2463 = arith.constant 0 : i32
    %dma_wait3A_2464 = tpu.memref_slice %arg7[%dma_wait3A_2461, %dma_wait3A_2462, %dma_wait3A_2463] : memref<26x4x128xf32, #tpu.memory_space<vmem>> -> memref<1x1x128xf32, #tpu.memory_space<vmem>>
    %dma_wait3A_2465 = tpu.memref_squeeze %dma_wait3A_2464 : memref<1x1x128xf32, #tpu.memory_space<vmem>> -> memref<128xf32, #tpu.memory_space<vmem>>
    %dma_wait3A_2466 = arith.constant 0 : i32
    %dma_wait3A_2467 = tpu.memref_slice %arg6[%dma_wait3A_2459, %dma_wait3A_2460, %dma_wait3A_2466] : memref<26x4x128xi32, #tpu.memory_space<vmem>> -> memref<1x1x128xi32, #tpu.memory_space<vmem>>
    %dma_wait3A_2468 = tpu.memref_squeeze %dma_wait3A_2467 : memref<1x1x128xi32, #tpu.memory_space<vmem>> -> memref<128xi32, #tpu.memory_space<vmem>>
    %dma_wait3A_2469 = arith.constant 0 : i32
    %dma_wait3A_2470 = tpu.memref_slice %arg3[%dma_wait3A_2469] : memref<1040000xf32, #tpu.memory_space<hbm>> -> memref<1040000xf32, #tpu.memory_space<hbm>>
    tpu.wait_indirect_dma semaphore(%arg10 : memref<!tpu.dma_semaphore, #tpu.memory_space<semaphore_mem>>) src(%dma_wait3A_2470 : memref<1040000xf32, #tpu.memory_space<hbm>>) dst(%dma_wait3A_2465 : memref<128xf32, #tpu.memory_space<vmem>>)
    %dma_wait3A_2471 = arith.constant 25 : i32
    %dma_wait3A_2472 = arith.constant 2 : i32
    %dma_wait3A_2473 = arith.constant 25 : i32
    %dma_wait3A_2474 = arith.constant 2 : i32
    %dma_wait3A_2475 = arith.constant 0 : i32
    %dma_wait3A_2476 = tpu.memref_slice %arg7[%dma_wait3A_2473, %dma_wait3A_2474, %dma_wait3A_2475] : memref<26x4x128xf32, #tpu.memory_space<vmem>> -> memref<1x1x128xf32, #tpu.memory_space<vmem>>
    %dma_wait3A_2477 = tpu.memref_squeeze %dma_wait3A_2476 : memref<1x1x128xf32, #tpu.memory_space<vmem>> -> memref<128xf32, #tpu.memory_space<vmem>>
    %dma_wait3A_2478 = arith.constant 0 : i32
    %dma_wait3A_2479 = tpu.memref_slice %arg6[%dma_wait3A_2471, %dma_wait3A_2472, %dma_wait3A_2478] : memref<26x4x128xi32, #tpu.memory_space<vmem>> -> memref<1x1x128xi32, #tpu.memory_space<vmem>>
    %dma_wait3A_2480 = tpu.memref_squeeze %dma_wait3A_2479 : memref<1x1x128xi32, #tpu.memory_space<vmem>> -> memref<128xi32, #tpu.memory_space<vmem>>
    %dma_wait3A_2481 = arith.constant 0 : i32
    %dma_wait3A_2482 = tpu.memref_slice %arg3[%dma_wait3A_2481] : memref<1040000xf32, #tpu.memory_space<hbm>> -> memref<1040000xf32, #tpu.memory_space<hbm>>
    tpu.wait_indirect_dma semaphore(%arg10 : memref<!tpu.dma_semaphore, #tpu.memory_space<semaphore_mem>>) src(%dma_wait3A_2482 : memref<1040000xf32, #tpu.memory_space<hbm>>) dst(%dma_wait3A_2477 : memref<128xf32, #tpu.memory_space<vmem>>)
    %dma_wait3A_2483 = arith.constant 25 : i32
    %dma_wait3A_2484 = arith.constant 3 : i32
    %dma_wait3A_2485 = arith.constant 25 : i32
    %dma_wait3A_2486 = arith.constant 3 : i32
    %dma_wait3A_2487 = arith.constant 0 : i32
    %dma_wait3A_2488 = tpu.memref_slice %arg7[%dma_wait3A_2485, %dma_wait3A_2486, %dma_wait3A_2487] : memref<26x4x128xf32, #tpu.memory_space<vmem>> -> memref<1x1x128xf32, #tpu.memory_space<vmem>>
    %dma_wait3A_2489 = tpu.memref_squeeze %dma_wait3A_2488 : memref<1x1x128xf32, #tpu.memory_space<vmem>> -> memref<128xf32, #tpu.memory_space<vmem>>
    %dma_wait3A_2490 = arith.constant 0 : i32
    %dma_wait3A_2491 = tpu.memref_slice %arg6[%dma_wait3A_2483, %dma_wait3A_2484, %dma_wait3A_2490] : memref<26x4x128xi32, #tpu.memory_space<vmem>> -> memref<1x1x128xi32, #tpu.memory_space<vmem>>
    %dma_wait3A_2492 = tpu.memref_squeeze %dma_wait3A_2491 : memref<1x1x128xi32, #tpu.memory_space<vmem>> -> memref<128xi32, #tpu.memory_space<vmem>>
    %dma_wait3A_2493 = arith.constant 0 : i32
    %dma_wait3A_2494 = tpu.memref_slice %arg3[%dma_wait3A_2493] : memref<1040000xf32, #tpu.memory_space<hbm>> -> memref<1040000xf32, #tpu.memory_space<hbm>>
    tpu.wait_indirect_dma semaphore(%arg10 : memref<!tpu.dma_semaphore, #tpu.memory_space<semaphore_mem>>) src(%dma_wait3A_2494 : memref<1040000xf32, #tpu.memory_space<hbm>>) dst(%dma_wait3A_2489 : memref<128xf32, #tpu.memory_space<vmem>>)
    %get3A = arith.constant 0 : index
    %get3A_2495 = tpu.vector_load %arg8[%get3A] {strides = array<i32>} : memref<16xf32, #tpu.memory_space<vmem>>, vector<16xf32>,
    %get3A_2496 = vector.shape_cast %get3A_2495 : vector<16xf32> to vector<16xf32>
    %scan3A = arith.constant 0 : i32
    %scan3A_2497 = arith.constant 0 : i32
    %scan3A_2498 = arith.constant 8 : i32
    %scan3A_2499 = arith.addi %scan3A_2497, %scan3A_2498 : i32
    %scan3A_2500 = arith.constant 1 : i32
    scf.for %scan3A_2504 = %scan3A_2497 to %scan3A_2499 step %scan3A_2500  : i32 {
      %mul3A_2505 = arith.constant 16 : i32
      %mul3A_2506 = arith.muli %scan3A_2504, %mul3A_2505 : i32
      %get3A_2507 = arith.constant 0 : i32
      %get3A_2508 = arith.constant 0 : i32
      %get3A_2509 = arith.index_cast %get3A_2507 : i32 to index
      %get3A_2510 = arith.index_cast %get3A_2508 : i32 to index
      %get3A_2511 = arith.index_cast %mul3A_2506 : i32 to index
      %get3A_2512 = tpu.vector_load %arg7[%get3A_2509, %get3A_2510, %get3A_2511] {strides = array<i32>} : memref<26x4x128xf32, #tpu.memory_space<vmem>>, vector<1x1x16xf32>,
      %get3A_2513 = vector.shape_cast %get3A_2512 : vector<1x1x16xf32> to vector<16xf32>
      %add3A_2514 = arith.addf %get3A_2496, %get3A_2513 : vector<16xf32>
      %mul3A_2515 = arith.constant 16 : i32
      %mul3A_2516 = arith.muli %scan3A_2504, %mul3A_2515 : i32
      %get3A_2517 = arith.constant 1 : i32
      %get3A_2518 = arith.constant 0 : i32
      %get3A_2519 = arith.index_cast %get3A_2517 : i32 to index
      %get3A_2520 = arith.index_cast %get3A_2518 : i32 to index
      %get3A_2521 = arith.index_cast %mul3A_2516 : i32 to index
      %get3A_2522 = tpu.vector_load %arg7[%get3A_2519, %get3A_2520, %get3A_2521] {strides = array<i32>} : memref<26x4x128xf32, #tpu.memory_space<vmem>>, vector<1x1x16xf32>,
      %get3A_2523 = vector.shape_cast %get3A_2522 : vector<1x1x16xf32> to vector<16xf32>
      %add3A_2524 = arith.addf %add3A_2514, %get3A_2523 : vector<16xf32>
      %mul3A_2525 = arith.constant 16 : i32
      %mul3A_2526 = arith.muli %scan3A_2504, %mul3A_2525 : i32
      %get3A_2527 = arith.constant 2 : i32
      %get3A_2528 = arith.constant 0 : i32
      %get3A_2529 = arith.index_cast %get3A_2527 : i32 to index
      %get3A_2530 = arith.index_cast %get3A_2528 : i32 to index
      %get3A_2531 = arith.index_cast %mul3A_2526 : i32 to index
      %get3A_2532 = tpu.vector_load %arg7[%get3A_2529, %get3A_2530, %get3A_2531] {strides = array<i32>} : memref<26x4x128xf32, #tpu.memory_space<vmem>>, vector<1x1x16xf32>,
      %get3A_2533 = vector.shape_cast %get3A_2532 : vector<1x1x16xf32> to vector<16xf32>
      %add3A_2534 = arith.addf %add3A_2524, %get3A_2533 : vector<16xf32>
      %mul3A_2535 = arith.constant 16 : i32
      %mul3A_2536 = arith.muli %scan3A_2504, %mul3A_2535 : i32
      %get3A_2537 = arith.constant 3 : i32
      %get3A_2538 = arith.constant 0 : i32
      %get3A_2539 = arith.index_cast %get3A_2537 : i32 to index
      %get3A_2540 = arith.index_cast %get3A_2538 : i32 to index
      %get3A_2541 = arith.index_cast %mul3A_2536 : i32 to index
      %get3A_2542 = tpu.vector_load %arg7[%get3A_2539, %get3A_2540, %get3A_2541] {strides = array<i32>} : memref<26x4x128xf32, #tpu.memory_space<vmem>>, vector<1x1x16xf32>,
      %get3A_2543 = vector.shape_cast %get3A_2542 : vector<1x1x16xf32> to vector<16xf32>
      %add3A_2544 = arith.addf %add3A_2534, %get3A_2543 : vector<16xf32>
      %mul3A_2545 = arith.constant 16 : i32
      %mul3A_2546 = arith.muli %scan3A_2504, %mul3A_2545 : i32
      %get3A_2547 = arith.constant 4 : i32
      %get3A_2548 = arith.constant 0 : i32
      %get3A_2549 = arith.index_cast %get3A_2547 : i32 to index
      %get3A_2550 = arith.index_cast %get3A_2548 : i32 to index
      %get3A_2551 = arith.index_cast %mul3A_2546 : i32 to index
      %get3A_2552 = tpu.vector_load %arg7[%get3A_2549, %get3A_2550, %get3A_2551] {strides = array<i32>} : memref<26x4x128xf32, #tpu.memory_space<vmem>>, vector<1x1x16xf32>,
      %get3A_2553 = vector.shape_cast %get3A_2552 : vector<1x1x16xf32> to vector<16xf32>
      %add3A_2554 = arith.addf %add3A_2544, %get3A_2553 : vector<16xf32>
      %mul3A_2555 = arith.constant 16 : i32
      %mul3A_2556 = arith.muli %scan3A_2504, %mul3A_2555 : i32
      %get3A_2557 = arith.constant 5 : i32
      %get3A_2558 = arith.constant 0 : i32
      %get3A_2559 = arith.index_cast %get3A_2557 : i32 to index
      %get3A_2560 = arith.index_cast %get3A_2558 : i32 to index
      %get3A_2561 = arith.index_cast %mul3A_2556 : i32 to index
      %get3A_2562 = tpu.vector_load %arg7[%get3A_2559, %get3A_2560, %get3A_2561] {strides = array<i32>} : memref<26x4x128xf32, #tpu.memory_space<vmem>>, vector<1x1x16xf32>,
      %get3A_2563 = vector.shape_cast %get3A_2562 : vector<1x1x16xf32> to vector<16xf32>
      %add3A_2564 = arith.addf %add3A_2554, %get3A_2563 : vector<16xf32>
      %mul3A_2565 = arith.constant 16 : i32
      %mul3A_2566 = arith.muli %scan3A_2504, %mul3A_2565 : i32
      %get3A_2567 = arith.constant 6 : i32
      %get3A_2568 = arith.constant 0 : i32
      %get3A_2569 = arith.index_cast %get3A_2567 : i32 to index
      %get3A_2570 = arith.index_cast %get3A_2568 : i32 to index
      %get3A_2571 = arith.index_cast %mul3A_2566 : i32 to index
      %get3A_2572 = tpu.vector_load %arg7[%get3A_2569, %get3A_2570, %get3A_2571] {strides = array<i32>} : memref<26x4x128xf32, #tpu.memory_space<vmem>>, vector<1x1x16xf32>,
      %get3A_2573 = vector.shape_cast %get3A_2572 : vector<1x1x16xf32> to vector<16xf32>
      %add3A_2574 = arith.addf %add3A_2564, %get3A_2573 : vector<16xf32>
      %mul3A_2575 = arith.constant 16 : i32
      %mul3A_2576 = arith.muli %scan3A_2504, %mul3A_2575 : i32
      %get3A_2577 = arith.constant 7 : i32
      %get3A_2578 = arith.constant 0 : i32
      %get3A_2579 = arith.index_cast %get3A_2577 : i32 to index
      %get3A_2580 = arith.index_cast %get3A_2578 : i32 to index
      %get3A_2581 = arith.index_cast %mul3A_2576 : i32 to index
      %get3A_2582 = tpu.vector_load %arg7[%get3A_2579, %get3A_2580, %get3A_2581] {strides = array<i32>} : memref<26x4x128xf32, #tpu.memory_space<vmem>>, vector<1x1x16xf32>,
      %get3A_2583 = vector.shape_cast %get3A_2582 : vector<1x1x16xf32> to vector<16xf32>
      %add3A_2584 = arith.addf %add3A_2574, %get3A_2583 : vector<16xf32>
      %mul3A_2585 = arith.constant 16 : i32
      %mul3A_2586 = arith.muli %scan3A_2504, %mul3A_2585 : i32
      %get3A_2587 = arith.constant 8 : i32
      %get3A_2588 = arith.constant 0 : i32
      %get3A_2589 = arith.index_cast %get3A_2587 : i32 to index
      %get3A_2590 = arith.index_cast %get3A_2588 : i32 to index
      %get3A_2591 = arith.index_cast %mul3A_2586 : i32 to index
      %get3A_2592 = tpu.vector_load %arg7[%get3A_2589, %get3A_2590, %get3A_2591] {strides = array<i32>} : memref<26x4x128xf32, #tpu.memory_space<vmem>>, vector<1x1x16xf32>,
      %get3A_2593 = vector.shape_cast %get3A_2592 : vector<1x1x16xf32> to vector<16xf32>
      %add3A_2594 = arith.addf %add3A_2584, %get3A_2593 : vector<16xf32>
      %mul3A_2595 = arith.constant 16 : i32
      %mul3A_2596 = arith.muli %scan3A_2504, %mul3A_2595 : i32
      %get3A_2597 = arith.constant 9 : i32
      %get3A_2598 = arith.constant 0 : i32
      %get3A_2599 = arith.index_cast %get3A_2597 : i32 to index
      %get3A_2600 = arith.index_cast %get3A_2598 : i32 to index
      %get3A_2601 = arith.index_cast %mul3A_2596 : i32 to index
      %get3A_2602 = tpu.vector_load %arg7[%get3A_2599, %get3A_2600, %get3A_2601] {strides = array<i32>} : memref<26x4x128xf32, #tpu.memory_space<vmem>>, vector<1x1x16xf32>,
      %get3A_2603 = vector.shape_cast %get3A_2602 : vector<1x1x16xf32> to vector<16xf32>
      %add3A_2604 = arith.addf %add3A_2594, %get3A_2603 : vector<16xf32>
      %mul3A_2605 = arith.constant 16 : i32
      %mul3A_2606 = arith.muli %scan3A_2504, %mul3A_2605 : i32
      %get3A_2607 = arith.constant 10 : i32
      %get3A_2608 = arith.constant 0 : i32
      %get3A_2609 = arith.index_cast %get3A_2607 : i32 to index
      %get3A_2610 = arith.index_cast %get3A_2608 : i32 to index
      %get3A_2611 = arith.index_cast %mul3A_2606 : i32 to index
      %get3A_2612 = tpu.vector_load %arg7[%get3A_2609, %get3A_2610, %get3A_2611] {strides = array<i32>} : memref<26x4x128xf32, #tpu.memory_space<vmem>>, vector<1x1x16xf32>,
      %get3A_2613 = vector.shape_cast %get3A_2612 : vector<1x1x16xf32> to vector<16xf32>
      %add3A_2614 = arith.addf %add3A_2604, %get3A_2613 : vector<16xf32>
      %mul3A_2615 = arith.constant 16 : i32
      %mul3A_2616 = arith.muli %scan3A_2504, %mul3A_2615 : i32
      %get3A_2617 = arith.constant 11 : i32
      %get3A_2618 = arith.constant 0 : i32
      %get3A_2619 = arith.index_cast %get3A_2617 : i32 to index
      %get3A_2620 = arith.index_cast %get3A_2618 : i32 to index
      %get3A_2621 = arith.index_cast %mul3A_2616 : i32 to index
      %get3A_2622 = tpu.vector_load %arg7[%get3A_2619, %get3A_2620, %get3A_2621] {strides = array<i32>} : memref<26x4x128xf32, #tpu.memory_space<vmem>>, vector<1x1x16xf32>,
      %get3A_2623 = vector.shape_cast %get3A_2622 : vector<1x1x16xf32> to vector<16xf32>
      %add3A_2624 = arith.addf %add3A_2614, %get3A_2623 : vector<16xf32>
      %mul3A_2625 = arith.constant 16 : i32
      %mul3A_2626 = arith.muli %scan3A_2504, %mul3A_2625 : i32
      %get3A_2627 = arith.constant 12 : i32
      %get3A_2628 = arith.constant 0 : i32
      %get3A_2629 = arith.index_cast %get3A_2627 : i32 to index
      %get3A_2630 = arith.index_cast %get3A_2628 : i32 to index
      %get3A_2631 = arith.index_cast %mul3A_2626 : i32 to index
      %get3A_2632 = tpu.vector_load %arg7[%get3A_2629, %get3A_2630, %get3A_2631] {strides = array<i32>} : memref<26x4x128xf32, #tpu.memory_space<vmem>>, vector<1x1x16xf32>,
      %get3A_2633 = vector.shape_cast %get3A_2632 : vector<1x1x16xf32> to vector<16xf32>
      %add3A_2634 = arith.addf %add3A_2624, %get3A_2633 : vector<16xf32>
      %mul3A_2635 = arith.constant 16 : i32
      %mul3A_2636 = arith.muli %scan3A_2504, %mul3A_2635 : i32
      %get3A_2637 = arith.constant 13 : i32
      %get3A_2638 = arith.constant 0 : i32
      %get3A_2639 = arith.index_cast %get3A_2637 : i32 to index
      %get3A_2640 = arith.index_cast %get3A_2638 : i32 to index
      %get3A_2641 = arith.index_cast %mul3A_2636 : i32 to index
      %get3A_2642 = tpu.vector_load %arg7[%get3A_2639, %get3A_2640, %get3A_2641] {strides = array<i32>} : memref<26x4x128xf32, #tpu.memory_space<vmem>>, vector<1x1x16xf32>,
      %get3A_2643 = vector.shape_cast %get3A_2642 : vector<1x1x16xf32> to vector<16xf32>
      %add3A_2644 = arith.addf %add3A_2634, %get3A_2643 : vector<16xf32>
      %mul3A_2645 = arith.constant 16 : i32
      %mul3A_2646 = arith.muli %scan3A_2504, %mul3A_2645 : i32
      %get3A_2647 = arith.constant 14 : i32
      %get3A_2648 = arith.constant 0 : i32
      %get3A_2649 = arith.index_cast %get3A_2647 : i32 to index
      %get3A_2650 = arith.index_cast %get3A_2648 : i32 to index
      %get3A_2651 = arith.index_cast %mul3A_2646 : i32 to index
      %get3A_2652 = tpu.vector_load %arg7[%get3A_2649, %get3A_2650, %get3A_2651] {strides = array<i32>} : memref<26x4x128xf32, #tpu.memory_space<vmem>>, vector<1x1x16xf32>,
      %get3A_2653 = vector.shape_cast %get3A_2652 : vector<1x1x16xf32> to vector<16xf32>
      %add3A_2654 = arith.addf %add3A_2644, %get3A_2653 : vector<16xf32>
      %mul3A_2655 = arith.constant 16 : i32
      %mul3A_2656 = arith.muli %scan3A_2504, %mul3A_2655 : i32
      %get3A_2657 = arith.constant 15 : i32
      %get3A_2658 = arith.constant 0 : i32
      %get3A_2659 = arith.index_cast %get3A_2657 : i32 to index
      %get3A_2660 = arith.index_cast %get3A_2658 : i32 to index
      %get3A_2661 = arith.index_cast %mul3A_2656 : i32 to index
      %get3A_2662 = tpu.vector_load %arg7[%get3A_2659, %get3A_2660, %get3A_2661] {strides = array<i32>} : memref<26x4x128xf32, #tpu.memory_space<vmem>>, vector<1x1x16xf32>,
      %get3A_2663 = vector.shape_cast %get3A_2662 : vector<1x1x16xf32> to vector<16xf32>
      %add3A_2664 = arith.addf %add3A_2654, %get3A_2663 : vector<16xf32>
      %mul3A_2665 = arith.constant 16 : i32
      %mul3A_2666 = arith.muli %scan3A_2504, %mul3A_2665 : i32
      %get3A_2667 = arith.constant 16 : i32
      %get3A_2668 = arith.constant 0 : i32
      %get3A_2669 = arith.index_cast %get3A_2667 : i32 to index
      %get3A_2670 = arith.index_cast %get3A_2668 : i32 to index
      %get3A_2671 = arith.index_cast %mul3A_2666 : i32 to index
      %get3A_2672 = tpu.vector_load %arg7[%get3A_2669, %get3A_2670, %get3A_2671] {strides = array<i32>} : memref<26x4x128xf32, #tpu.memory_space<vmem>>, vector<1x1x16xf32>,
      %get3A_2673 = vector.shape_cast %get3A_2672 : vector<1x1x16xf32> to vector<16xf32>
      %add3A_2674 = arith.addf %add3A_2664, %get3A_2673 : vector<16xf32>
      %mul3A_2675 = arith.constant 16 : i32
      %mul3A_2676 = arith.muli %scan3A_2504, %mul3A_2675 : i32
      %get3A_2677 = arith.constant 17 : i32
      %get3A_2678 = arith.constant 0 : i32
      %get3A_2679 = arith.index_cast %get3A_2677 : i32 to index
      %get3A_2680 = arith.index_cast %get3A_2678 : i32 to index
      %get3A_2681 = arith.index_cast %mul3A_2676 : i32 to index
      %get3A_2682 = tpu.vector_load %arg7[%get3A_2679, %get3A_2680, %get3A_2681] {strides = array<i32>} : memref<26x4x128xf32, #tpu.memory_space<vmem>>, vector<1x1x16xf32>,
      %get3A_2683 = vector.shape_cast %get3A_2682 : vector<1x1x16xf32> to vector<16xf32>
      %add3A_2684 = arith.addf %add3A_2674, %get3A_2683 : vector<16xf32>
      %mul3A_2685 = arith.constant 16 : i32
      %mul3A_2686 = arith.muli %scan3A_2504, %mul3A_2685 : i32
      %get3A_2687 = arith.constant 18 : i32
      %get3A_2688 = arith.constant 0 : i32
      %get3A_2689 = arith.index_cast %get3A_2687 : i32 to index
      %get3A_2690 = arith.index_cast %get3A_2688 : i32 to index
      %get3A_2691 = arith.index_cast %mul3A_2686 : i32 to index
      %get3A_2692 = tpu.vector_load %arg7[%get3A_2689, %get3A_2690, %get3A_2691] {strides = array<i32>} : memref<26x4x128xf32, #tpu.memory_space<vmem>>, vector<1x1x16xf32>,
      %get3A_2693 = vector.shape_cast %get3A_2692 : vector<1x1x16xf32> to vector<16xf32>
      %add3A_2694 = arith.addf %add3A_2684, %get3A_2693 : vector<16xf32>
      %mul3A_2695 = arith.constant 16 : i32
      %mul3A_2696 = arith.muli %scan3A_2504, %mul3A_2695 : i32
      %get3A_2697 = arith.constant 19 : i32
      %get3A_2698 = arith.constant 0 : i32
      %get3A_2699 = arith.index_cast %get3A_2697 : i32 to index
      %get3A_2700 = arith.index_cast %get3A_2698 : i32 to index
      %get3A_2701 = arith.index_cast %mul3A_2696 : i32 to index
      %get3A_2702 = tpu.vector_load %arg7[%get3A_2699, %get3A_2700, %get3A_2701] {strides = array<i32>} : memref<26x4x128xf32, #tpu.memory_space<vmem>>, vector<1x1x16xf32>,
      %get3A_2703 = vector.shape_cast %get3A_2702 : vector<1x1x16xf32> to vector<16xf32>
      %add3A_2704 = arith.addf %add3A_2694, %get3A_2703 : vector<16xf32>
      %mul3A_2705 = arith.constant 16 : i32
      %mul3A_2706 = arith.muli %scan3A_2504, %mul3A_2705 : i32
      %get3A_2707 = arith.constant 20 : i32
      %get3A_2708 = arith.constant 0 : i32
      %get3A_2709 = arith.index_cast %get3A_2707 : i32 to index
      %get3A_2710 = arith.index_cast %get3A_2708 : i32 to index
      %get3A_2711 = arith.index_cast %mul3A_2706 : i32 to index
      %get3A_2712 = tpu.vector_load %arg7[%get3A_2709, %get3A_2710, %get3A_2711] {strides = array<i32>} : memref<26x4x128xf32, #tpu.memory_space<vmem>>, vector<1x1x16xf32>,
      %get3A_2713 = vector.shape_cast %get3A_2712 : vector<1x1x16xf32> to vector<16xf32>
      %add3A_2714 = arith.addf %add3A_2704, %get3A_2713 : vector<16xf32>
      %mul3A_2715 = arith.constant 16 : i32
      %mul3A_2716 = arith.muli %scan3A_2504, %mul3A_2715 : i32
      %get3A_2717 = arith.constant 21 : i32
      %get3A_2718 = arith.constant 0 : i32
      %get3A_2719 = arith.index_cast %get3A_2717 : i32 to index
      %get3A_2720 = arith.index_cast %get3A_2718 : i32 to index
      %get3A_2721 = arith.index_cast %mul3A_2716 : i32 to index
      %get3A_2722 = tpu.vector_load %arg7[%get3A_2719, %get3A_2720, %get3A_2721] {strides = array<i32>} : memref<26x4x128xf32, #tpu.memory_space<vmem>>, vector<1x1x16xf32>,
      %get3A_2723 = vector.shape_cast %get3A_2722 : vector<1x1x16xf32> to vector<16xf32>
      %add3A_2724 = arith.addf %add3A_2714, %get3A_2723 : vector<16xf32>
      %mul3A_2725 = arith.constant 16 : i32
      %mul3A_2726 = arith.muli %scan3A_2504, %mul3A_2725 : i32
      %get3A_2727 = arith.constant 22 : i32
      %get3A_2728 = arith.constant 0 : i32
      %get3A_2729 = arith.index_cast %get3A_2727 : i32 to index
      %get3A_2730 = arith.index_cast %get3A_2728 : i32 to index
      %get3A_2731 = arith.index_cast %mul3A_2726 : i32 to index
      %get3A_2732 = tpu.vector_load %arg7[%get3A_2729, %get3A_2730, %get3A_2731] {strides = array<i32>} : memref<26x4x128xf32, #tpu.memory_space<vmem>>, vector<1x1x16xf32>,
      %get3A_2733 = vector.shape_cast %get3A_2732 : vector<1x1x16xf32> to vector<16xf32>
      %add3A_2734 = arith.addf %add3A_2724, %get3A_2733 : vector<16xf32>
      %mul3A_2735 = arith.constant 16 : i32
      %mul3A_2736 = arith.muli %scan3A_2504, %mul3A_2735 : i32
      %get3A_2737 = arith.constant 23 : i32
      %get3A_2738 = arith.constant 0 : i32
      %get3A_2739 = arith.index_cast %get3A_2737 : i32 to index
      %get3A_2740 = arith.index_cast %get3A_2738 : i32 to index
      %get3A_2741 = arith.index_cast %mul3A_2736 : i32 to index
      %get3A_2742 = tpu.vector_load %arg7[%get3A_2739, %get3A_2740, %get3A_2741] {strides = array<i32>} : memref<26x4x128xf32, #tpu.memory_space<vmem>>, vector<1x1x16xf32>,
      %get3A_2743 = vector.shape_cast %get3A_2742 : vector<1x1x16xf32> to vector<16xf32>
      %add3A_2744 = arith.addf %add3A_2734, %get3A_2743 : vector<16xf32>
      %mul3A_2745 = arith.constant 16 : i32
      %mul3A_2746 = arith.muli %scan3A_2504, %mul3A_2745 : i32
      %get3A_2747 = arith.constant 24 : i32
      %get3A_2748 = arith.constant 0 : i32
      %get3A_2749 = arith.index_cast %get3A_2747 : i32 to index
      %get3A_2750 = arith.index_cast %get3A_2748 : i32 to index
      %get3A_2751 = arith.index_cast %mul3A_2746 : i32 to index
      %get3A_2752 = tpu.vector_load %arg7[%get3A_2749, %get3A_2750, %get3A_2751] {strides = array<i32>} : memref<26x4x128xf32, #tpu.memory_space<vmem>>, vector<1x1x16xf32>,
      %get3A_2753 = vector.shape_cast %get3A_2752 : vector<1x1x16xf32> to vector<16xf32>
      %add3A_2754 = arith.addf %add3A_2744, %get3A_2753 : vector<16xf32>
      %mul3A_2755 = arith.constant 16 : i32
      %mul3A_2756 = arith.muli %scan3A_2504, %mul3A_2755 : i32
      %get3A_2757 = arith.constant 25 : i32
      %get3A_2758 = arith.constant 0 : i32
      %get3A_2759 = arith.index_cast %get3A_2757 : i32 to index
      %get3A_2760 = arith.index_cast %get3A_2758 : i32 to index
      %get3A_2761 = arith.index_cast %mul3A_2756 : i32 to index
      %get3A_2762 = tpu.vector_load %arg7[%get3A_2759, %get3A_2760, %get3A_2761] {strides = array<i32>} : memref<26x4x128xf32, #tpu.memory_space<vmem>>, vector<1x1x16xf32>,
      %get3A_2763 = vector.shape_cast %get3A_2762 : vector<1x1x16xf32> to vector<16xf32>
      %add3A_2764 = arith.addf %add3A_2754, %get3A_2763 : vector<16xf32>
      %mul3A_2765 = arith.constant 16 : i32
      %mul3A_2766 = arith.muli %scan3A_2504, %mul3A_2765 : i32
      %add3A_2767 = arith.constant 0 : i32
      %add3A_2768 = arith.addi %add3A_2767, %mul3A_2766 : i32
      %swap3A = arith.index_cast %add3A_2768 : i32 to index
      %swap3A_2769 = tpu.vector_load %arg9[%swap3A] {strides = array<i32>} : memref<512xf32, #tpu.memory_space<vmem>>, vector<16xf32>,
      %swap3A_2770 = vector.shape_cast %swap3A_2769 : vector<16xf32> to vector<16xf32>
      %swap3A_2771 = vector.shape_cast %add3A_2764 : vector<16xf32> to vector<16xf32>
      tpu.vector_store %arg9[%swap3A], %swap3A_2771 {strides = array<i32>} : memref<512xf32, #tpu.memory_space<vmem>>, vector<16xf32>,
      %mul3A_2772 = arith.constant 16 : i32
      %mul3A_2773 = arith.muli %scan3A_2504, %mul3A_2772 : i32
      %get3A_2774 = arith.constant 0 : i32
      %get3A_2775 = arith.constant 1 : i32
      %get3A_2776 = arith.index_cast %get3A_2774 : i32 to index
      %get3A_2777 = arith.index_cast %get3A_2775 : i32 to index
      %get3A_2778 = arith.index_cast %mul3A_2773 : i32 to index
      %get3A_2779 = tpu.vector_load %arg7[%get3A_2776, %get3A_2777, %get3A_2778] {strides = array<i32>} : memref<26x4x128xf32, #tpu.memory_space<vmem>>, vector<1x1x16xf32>,
      %get3A_2780 = vector.shape_cast %get3A_2779 : vector<1x1x16xf32> to vector<16xf32>
      %add3A_2781 = arith.addf %get3A_2496, %get3A_2780 : vector<16xf32>
      %mul3A_2782 = arith.constant 16 : i32
      %mul3A_2783 = arith.muli %scan3A_2504, %mul3A_2782 : i32
      %get3A_2784 = arith.constant 1 : i32
      %get3A_2785 = arith.constant 1 : i32
      %get3A_2786 = arith.index_cast %get3A_2784 : i32 to index
      %get3A_2787 = arith.index_cast %get3A_2785 : i32 to index
      %get3A_2788 = arith.index_cast %mul3A_2783 : i32 to index
      %get3A_2789 = tpu.vector_load %arg7[%get3A_2786, %get3A_2787, %get3A_2788] {strides = array<i32>} : memref<26x4x128xf32, #tpu.memory_space<vmem>>, vector<1x1x16xf32>,
      %get3A_2790 = vector.shape_cast %get3A_2789 : vector<1x1x16xf32> to vector<16xf32>
      %add3A_2791 = arith.addf %add3A_2781, %get3A_2790 : vector<16xf32>
      %mul3A_2792 = arith.constant 16 : i32
      %mul3A_2793 = arith.muli %scan3A_2504, %mul3A_2792 : i32
      %get3A_2794 = arith.constant 2 : i32
      %get3A_2795 = arith.constant 1 : i32
      %get3A_2796 = arith.index_cast %get3A_2794 : i32 to index
      %get3A_2797 = arith.index_cast %get3A_2795 : i32 to index
      %get3A_2798 = arith.index_cast %mul3A_2793 : i32 to index
      %get3A_2799 = tpu.vector_load %arg7[%get3A_2796, %get3A_2797, %get3A_2798] {strides = array<i32>} : memref<26x4x128xf32, #tpu.memory_space<vmem>>, vector<1x1x16xf32>,
      %get3A_2800 = vector.shape_cast %get3A_2799 : vector<1x1x16xf32> to vector<16xf32>
      %add3A_2801 = arith.addf %add3A_2791, %get3A_2800 : vector<16xf32>
      %mul3A_2802 = arith.constant 16 : i32
      %mul3A_2803 = arith.muli %scan3A_2504, %mul3A_2802 : i32
      %get3A_2804 = arith.constant 3 : i32
      %get3A_2805 = arith.constant 1 : i32
      %get3A_2806 = arith.index_cast %get3A_2804 : i32 to index
      %get3A_2807 = arith.index_cast %get3A_2805 : i32 to index
      %get3A_2808 = arith.index_cast %mul3A_2803 : i32 to index
      %get3A_2809 = tpu.vector_load %arg7[%get3A_2806, %get3A_2807, %get3A_2808] {strides = array<i32>} : memref<26x4x128xf32, #tpu.memory_space<vmem>>, vector<1x1x16xf32>,
      %get3A_2810 = vector.shape_cast %get3A_2809 : vector<1x1x16xf32> to vector<16xf32>
      %add3A_2811 = arith.addf %add3A_2801, %get3A_2810 : vector<16xf32>
      %mul3A_2812 = arith.constant 16 : i32
      %mul3A_2813 = arith.muli %scan3A_2504, %mul3A_2812 : i32
      %get3A_2814 = arith.constant 4 : i32
      %get3A_2815 = arith.constant 1 : i32
      %get3A_2816 = arith.index_cast %get3A_2814 : i32 to index
      %get3A_2817 = arith.index_cast %get3A_2815 : i32 to index
      %get3A_2818 = arith.index_cast %mul3A_2813 : i32 to index
      %get3A_2819 = tpu.vector_load %arg7[%get3A_2816, %get3A_2817, %get3A_2818] {strides = array<i32>} : memref<26x4x128xf32, #tpu.memory_space<vmem>>, vector<1x1x16xf32>,
      %get3A_2820 = vector.shape_cast %get3A_2819 : vector<1x1x16xf32> to vector<16xf32>
      %add3A_2821 = arith.addf %add3A_2811, %get3A_2820 : vector<16xf32>
      %mul3A_2822 = arith.constant 16 : i32
      %mul3A_2823 = arith.muli %scan3A_2504, %mul3A_2822 : i32
      %get3A_2824 = arith.constant 5 : i32
      %get3A_2825 = arith.constant 1 : i32
      %get3A_2826 = arith.index_cast %get3A_2824 : i32 to index
      %get3A_2827 = arith.index_cast %get3A_2825 : i32 to index
      %get3A_2828 = arith.index_cast %mul3A_2823 : i32 to index
      %get3A_2829 = tpu.vector_load %arg7[%get3A_2826, %get3A_2827, %get3A_2828] {strides = array<i32>} : memref<26x4x128xf32, #tpu.memory_space<vmem>>, vector<1x1x16xf32>,
      %get3A_2830 = vector.shape_cast %get3A_2829 : vector<1x1x16xf32> to vector<16xf32>
      %add3A_2831 = arith.addf %add3A_2821, %get3A_2830 : vector<16xf32>
      %mul3A_2832 = arith.constant 16 : i32
      %mul3A_2833 = arith.muli %scan3A_2504, %mul3A_2832 : i32
      %get3A_2834 = arith.constant 6 : i32
      %get3A_2835 = arith.constant 1 : i32
      %get3A_2836 = arith.index_cast %get3A_2834 : i32 to index
      %get3A_2837 = arith.index_cast %get3A_2835 : i32 to index
      %get3A_2838 = arith.index_cast %mul3A_2833 : i32 to index
      %get3A_2839 = tpu.vector_load %arg7[%get3A_2836, %get3A_2837, %get3A_2838] {strides = array<i32>} : memref<26x4x128xf32, #tpu.memory_space<vmem>>, vector<1x1x16xf32>,
      %get3A_2840 = vector.shape_cast %get3A_2839 : vector<1x1x16xf32> to vector<16xf32>
      %add3A_2841 = arith.addf %add3A_2831, %get3A_2840 : vector<16xf32>
      %mul3A_2842 = arith.constant 16 : i32
      %mul3A_2843 = arith.muli %scan3A_2504, %mul3A_2842 : i32
      %get3A_2844 = arith.constant 7 : i32
      %get3A_2845 = arith.constant 1 : i32
      %get3A_2846 = arith.index_cast %get3A_2844 : i32 to index
      %get3A_2847 = arith.index_cast %get3A_2845 : i32 to index
      %get3A_2848 = arith.index_cast %mul3A_2843 : i32 to index
      %get3A_2849 = tpu.vector_load %arg7[%get3A_2846, %get3A_2847, %get3A_2848] {strides = array<i32>} : memref<26x4x128xf32, #tpu.memory_space<vmem>>, vector<1x1x16xf32>,
      %get3A_2850 = vector.shape_cast %get3A_2849 : vector<1x1x16xf32> to vector<16xf32>
      %add3A_2851 = arith.addf %add3A_2841, %get3A_2850 : vector<16xf32>
      %mul3A_2852 = arith.constant 16 : i32
      %mul3A_2853 = arith.muli %scan3A_2504, %mul3A_2852 : i32
      %get3A_2854 = arith.constant 8 : i32
      %get3A_2855 = arith.constant 1 : i32
      %get3A_2856 = arith.index_cast %get3A_2854 : i32 to index
      %get3A_2857 = arith.index_cast %get3A_2855 : i32 to index
      %get3A_2858 = arith.index_cast %mul3A_2853 : i32 to index
      %get3A_2859 = tpu.vector_load %arg7[%get3A_2856, %get3A_2857, %get3A_2858] {strides = array<i32>} : memref<26x4x128xf32, #tpu.memory_space<vmem>>, vector<1x1x16xf32>,
      %get3A_2860 = vector.shape_cast %get3A_2859 : vector<1x1x16xf32> to vector<16xf32>
      %add3A_2861 = arith.addf %add3A_2851, %get3A_2860 : vector<16xf32>
      %mul3A_2862 = arith.constant 16 : i32
      %mul3A_2863 = arith.muli %scan3A_2504, %mul3A_2862 : i32
      %get3A_2864 = arith.constant 9 : i32
      %get3A_2865 = arith.constant 1 : i32
      %get3A_2866 = arith.index_cast %get3A_2864 : i32 to index
      %get3A_2867 = arith.index_cast %get3A_2865 : i32 to index
      %get3A_2868 = arith.index_cast %mul3A_2863 : i32 to index
      %get3A_2869 = tpu.vector_load %arg7[%get3A_2866, %get3A_2867, %get3A_2868] {strides = array<i32>} : memref<26x4x128xf32, #tpu.memory_space<vmem>>, vector<1x1x16xf32>,
      %get3A_2870 = vector.shape_cast %get3A_2869 : vector<1x1x16xf32> to vector<16xf32>
      %add3A_2871 = arith.addf %add3A_2861, %get3A_2870 : vector<16xf32>
      %mul3A_2872 = arith.constant 16 : i32
      %mul3A_2873 = arith.muli %scan3A_2504, %mul3A_2872 : i32
      %get3A_2874 = arith.constant 10 : i32
      %get3A_2875 = arith.constant 1 : i32
      %get3A_2876 = arith.index_cast %get3A_2874 : i32 to index
      %get3A_2877 = arith.index_cast %get3A_2875 : i32 to index
      %get3A_2878 = arith.index_cast %mul3A_2873 : i32 to index
      %get3A_2879 = tpu.vector_load %arg7[%get3A_2876, %get3A_2877, %get3A_2878] {strides = array<i32>} : memref<26x4x128xf32, #tpu.memory_space<vmem>>, vector<1x1x16xf32>,
      %get3A_2880 = vector.shape_cast %get3A_2879 : vector<1x1x16xf32> to vector<16xf32>
      %add3A_2881 = arith.addf %add3A_2871, %get3A_2880 : vector<16xf32>
      %mul3A_2882 = arith.constant 16 : i32
      %mul3A_2883 = arith.muli %scan3A_2504, %mul3A_2882 : i32
      %get3A_2884 = arith.constant 11 : i32
      %get3A_2885 = arith.constant 1 : i32
      %get3A_2886 = arith.index_cast %get3A_2884 : i32 to index
      %get3A_2887 = arith.index_cast %get3A_2885 : i32 to index
      %get3A_2888 = arith.index_cast %mul3A_2883 : i32 to index
      %get3A_2889 = tpu.vector_load %arg7[%get3A_2886, %get3A_2887, %get3A_2888] {strides = array<i32>} : memref<26x4x128xf32, #tpu.memory_space<vmem>>, vector<1x1x16xf32>,
      %get3A_2890 = vector.shape_cast %get3A_2889 : vector<1x1x16xf32> to vector<16xf32>
      %add3A_2891 = arith.addf %add3A_2881, %get3A_2890 : vector<16xf32>
      %mul3A_2892 = arith.constant 16 : i32
      %mul3A_2893 = arith.muli %scan3A_2504, %mul3A_2892 : i32
      %get3A_2894 = arith.constant 12 : i32
      %get3A_2895 = arith.constant 1 : i32
      %get3A_2896 = arith.index_cast %get3A_2894 : i32 to index
      %get3A_2897 = arith.index_cast %get3A_2895 : i32 to index
      %get3A_2898 = arith.index_cast %mul3A_2893 : i32 to index
      %get3A_2899 = tpu.vector_load %arg7[%get3A_2896, %get3A_2897, %get3A_2898] {strides = array<i32>} : memref<26x4x128xf32, #tpu.memory_space<vmem>>, vector<1x1x16xf32>,
      %get3A_2900 = vector.shape_cast %get3A_2899 : vector<1x1x16xf32> to vector<16xf32>
      %add3A_2901 = arith.addf %add3A_2891, %get3A_2900 : vector<16xf32>
      %mul3A_2902 = arith.constant 16 : i32
      %mul3A_2903 = arith.muli %scan3A_2504, %mul3A_2902 : i32
      %get3A_2904 = arith.constant 13 : i32
      %get3A_2905 = arith.constant 1 : i32
      %get3A_2906 = arith.index_cast %get3A_2904 : i32 to index
      %get3A_2907 = arith.index_cast %get3A_2905 : i32 to index
      %get3A_2908 = arith.index_cast %mul3A_2903 : i32 to index
      %get3A_2909 = tpu.vector_load %arg7[%get3A_2906, %get3A_2907, %get3A_2908] {strides = array<i32>} : memref<26x4x128xf32, #tpu.memory_space<vmem>>, vector<1x1x16xf32>,
      %get3A_2910 = vector.shape_cast %get3A_2909 : vector<1x1x16xf32> to vector<16xf32>
      %add3A_2911 = arith.addf %add3A_2901, %get3A_2910 : vector<16xf32>
      %mul3A_2912 = arith.constant 16 : i32
      %mul3A_2913 = arith.muli %scan3A_2504, %mul3A_2912 : i32
      %get3A_2914 = arith.constant 14 : i32
      %get3A_2915 = arith.constant 1 : i32
      %get3A_2916 = arith.index_cast %get3A_2914 : i32 to index
      %get3A_2917 = arith.index_cast %get3A_2915 : i32 to index
      %get3A_2918 = arith.index_cast %mul3A_2913 : i32 to index
      %get3A_2919 = tpu.vector_load %arg7[%get3A_2916, %get3A_2917, %get3A_2918] {strides = array<i32>} : memref<26x4x128xf32, #tpu.memory_space<vmem>>, vector<1x1x16xf32>,
      %get3A_2920 = vector.shape_cast %get3A_2919 : vector<1x1x16xf32> to vector<16xf32>
      %add3A_2921 = arith.addf %add3A_2911, %get3A_2920 : vector<16xf32>
      %mul3A_2922 = arith.constant 16 : i32
      %mul3A_2923 = arith.muli %scan3A_2504, %mul3A_2922 : i32
      %get3A_2924 = arith.constant 15 : i32
      %get3A_2925 = arith.constant 1 : i32
      %get3A_2926 = arith.index_cast %get3A_2924 : i32 to index
      %get3A_2927 = arith.index_cast %get3A_2925 : i32 to index
      %get3A_2928 = arith.index_cast %mul3A_2923 : i32 to index
      %get3A_2929 = tpu.vector_load %arg7[%get3A_2926, %get3A_2927, %get3A_2928] {strides = array<i32>} : memref<26x4x128xf32, #tpu.memory_space<vmem>>, vector<1x1x16xf32>,
      %get3A_2930 = vector.shape_cast %get3A_2929 : vector<1x1x16xf32> to vector<16xf32>
      %add3A_2931 = arith.addf %add3A_2921, %get3A_2930 : vector<16xf32>
      %mul3A_2932 = arith.constant 16 : i32
      %mul3A_2933 = arith.muli %scan3A_2504, %mul3A_2932 : i32
      %get3A_2934 = arith.constant 16 : i32
      %get3A_2935 = arith.constant 1 : i32
      %get3A_2936 = arith.index_cast %get3A_2934 : i32 to index
      %get3A_2937 = arith.index_cast %get3A_2935 : i32 to index
      %get3A_2938 = arith.index_cast %mul3A_2933 : i32 to index
      %get3A_2939 = tpu.vector_load %arg7[%get3A_2936, %get3A_2937, %get3A_2938] {strides = array<i32>} : memref<26x4x128xf32, #tpu.memory_space<vmem>>, vector<1x1x16xf32>,
      %get3A_2940 = vector.shape_cast %get3A_2939 : vector<1x1x16xf32> to vector<16xf32>
      %add3A_2941 = arith.addf %add3A_2931, %get3A_2940 : vector<16xf32>
      %mul3A_2942 = arith.constant 16 : i32
      %mul3A_2943 = arith.muli %scan3A_2504, %mul3A_2942 : i32
      %get3A_2944 = arith.constant 17 : i32
      %get3A_2945 = arith.constant 1 : i32
      %get3A_2946 = arith.index_cast %get3A_2944 : i32 to index
      %get3A_2947 = arith.index_cast %get3A_2945 : i32 to index
      %get3A_2948 = arith.index_cast %mul3A_2943 : i32 to index
      %get3A_2949 = tpu.vector_load %arg7[%get3A_2946, %get3A_2947, %get3A_2948] {strides = array<i32>} : memref<26x4x128xf32, #tpu.memory_space<vmem>>, vector<1x1x16xf32>,
      %get3A_2950 = vector.shape_cast %get3A_2949 : vector<1x1x16xf32> to vector<16xf32>
      %add3A_2951 = arith.addf %add3A_2941, %get3A_2950 : vector<16xf32>
      %mul3A_2952 = arith.constant 16 : i32
      %mul3A_2953 = arith.muli %scan3A_2504, %mul3A_2952 : i32
      %get3A_2954 = arith.constant 18 : i32
      %get3A_2955 = arith.constant 1 : i32
      %get3A_2956 = arith.index_cast %get3A_2954 : i32 to index
      %get3A_2957 = arith.index_cast %get3A_2955 : i32 to index
      %get3A_2958 = arith.index_cast %mul3A_2953 : i32 to index
      %get3A_2959 = tpu.vector_load %arg7[%get3A_2956, %get3A_2957, %get3A_2958] {strides = array<i32>} : memref<26x4x128xf32, #tpu.memory_space<vmem>>, vector<1x1x16xf32>,
      %get3A_2960 = vector.shape_cast %get3A_2959 : vector<1x1x16xf32> to vector<16xf32>
      %add3A_2961 = arith.addf %add3A_2951, %get3A_2960 : vector<16xf32>
      %mul3A_2962 = arith.constant 16 : i32
      %mul3A_2963 = arith.muli %scan3A_2504, %mul3A_2962 : i32
      %get3A_2964 = arith.constant 19 : i32
      %get3A_2965 = arith.constant 1 : i32
      %get3A_2966 = arith.index_cast %get3A_2964 : i32 to index
      %get3A_2967 = arith.index_cast %get3A_2965 : i32 to index
      %get3A_2968 = arith.index_cast %mul3A_2963 : i32 to index
      %get3A_2969 = tpu.vector_load %arg7[%get3A_2966, %get3A_2967, %get3A_2968] {strides = array<i32>} : memref<26x4x128xf32, #tpu.memory_space<vmem>>, vector<1x1x16xf32>,
      %get3A_2970 = vector.shape_cast %get3A_2969 : vector<1x1x16xf32> to vector<16xf32>
      %add3A_2971 = arith.addf %add3A_2961, %get3A_2970 : vector<16xf32>
      %mul3A_2972 = arith.constant 16 : i32
      %mul3A_2973 = arith.muli %scan3A_2504, %mul3A_2972 : i32
      %get3A_2974 = arith.constant 20 : i32
      %get3A_2975 = arith.constant 1 : i32
      %get3A_2976 = arith.index_cast %get3A_2974 : i32 to index
      %get3A_2977 = arith.index_cast %get3A_2975 : i32 to index
      %get3A_2978 = arith.index_cast %mul3A_2973 : i32 to index
      %get3A_2979 = tpu.vector_load %arg7[%get3A_2976, %get3A_2977, %get3A_2978] {strides = array<i32>} : memref<26x4x128xf32, #tpu.memory_space<vmem>>, vector<1x1x16xf32>,
      %get3A_2980 = vector.shape_cast %get3A_2979 : vector<1x1x16xf32> to vector<16xf32>
      %add3A_2981 = arith.addf %add3A_2971, %get3A_2980 : vector<16xf32>
      %mul3A_2982 = arith.constant 16 : i32
      %mul3A_2983 = arith.muli %scan3A_2504, %mul3A_2982 : i32
      %get3A_2984 = arith.constant 21 : i32
      %get3A_2985 = arith.constant 1 : i32
      %get3A_2986 = arith.index_cast %get3A_2984 : i32 to index
      %get3A_2987 = arith.index_cast %get3A_2985 : i32 to index
      %get3A_2988 = arith.index_cast %mul3A_2983 : i32 to index
      %get3A_2989 = tpu.vector_load %arg7[%get3A_2986, %get3A_2987, %get3A_2988] {strides = array<i32>} : memref<26x4x128xf32, #tpu.memory_space<vmem>>, vector<1x1x16xf32>,
      %get3A_2990 = vector.shape_cast %get3A_2989 : vector<1x1x16xf32> to vector<16xf32>
      %add3A_2991 = arith.addf %add3A_2981, %get3A_2990 : vector<16xf32>
      %mul3A_2992 = arith.constant 16 : i32
      %mul3A_2993 = arith.muli %scan3A_2504, %mul3A_2992 : i32
      %get3A_2994 = arith.constant 22 : i32
      %get3A_2995 = arith.constant 1 : i32
      %get3A_2996 = arith.index_cast %get3A_2994 : i32 to index
      %get3A_2997 = arith.index_cast %get3A_2995 : i32 to index
      %get3A_2998 = arith.index_cast %mul3A_2993 : i32 to index
      %get3A_2999 = tpu.vector_load %arg7[%get3A_2996, %get3A_2997, %get3A_2998] {strides = array<i32>} : memref<26x4x128xf32, #tpu.memory_space<vmem>>, vector<1x1x16xf32>,
      %get3A_3000 = vector.shape_cast %get3A_2999 : vector<1x1x16xf32> to vector<16xf32>
      %add3A_3001 = arith.addf %add3A_2991, %get3A_3000 : vector<16xf32>
      %mul3A_3002 = arith.constant 16 : i32
      %mul3A_3003 = arith.muli %scan3A_2504, %mul3A_3002 : i32
      %get3A_3004 = arith.constant 23 : i32
      %get3A_3005 = arith.constant 1 : i32
      %get3A_3006 = arith.index_cast %get3A_3004 : i32 to index
      %get3A_3007 = arith.index_cast %get3A_3005 : i32 to index
      %get3A_3008 = arith.index_cast %mul3A_3003 : i32 to index
      %get3A_3009 = tpu.vector_load %arg7[%get3A_3006, %get3A_3007, %get3A_3008] {strides = array<i32>} : memref<26x4x128xf32, #tpu.memory_space<vmem>>, vector<1x1x16xf32>,
      %get3A_3010 = vector.shape_cast %get3A_3009 : vector<1x1x16xf32> to vector<16xf32>
      %add3A_3011 = arith.addf %add3A_3001, %get3A_3010 : vector<16xf32>
      %mul3A_3012 = arith.constant 16 : i32
      %mul3A_3013 = arith.muli %scan3A_2504, %mul3A_3012 : i32
      %get3A_3014 = arith.constant 24 : i32
      %get3A_3015 = arith.constant 1 : i32
      %get3A_3016 = arith.index_cast %get3A_3014 : i32 to index
      %get3A_3017 = arith.index_cast %get3A_3015 : i32 to index
      %get3A_3018 = arith.index_cast %mul3A_3013 : i32 to index
      %get3A_3019 = tpu.vector_load %arg7[%get3A_3016, %get3A_3017, %get3A_3018] {strides = array<i32>} : memref<26x4x128xf32, #tpu.memory_space<vmem>>, vector<1x1x16xf32>,
      %get3A_3020 = vector.shape_cast %get3A_3019 : vector<1x1x16xf32> to vector<16xf32>
      %add3A_3021 = arith.addf %add3A_3011, %get3A_3020 : vector<16xf32>
      %mul3A_3022 = arith.constant 16 : i32
      %mul3A_3023 = arith.muli %scan3A_2504, %mul3A_3022 : i32
      %get3A_3024 = arith.constant 25 : i32
      %get3A_3025 = arith.constant 1 : i32
      %get3A_3026 = arith.index_cast %get3A_3024 : i32 to index
      %get3A_3027 = arith.index_cast %get3A_3025 : i32 to index
      %get3A_3028 = arith.index_cast %mul3A_3023 : i32 to index
      %get3A_3029 = tpu.vector_load %arg7[%get3A_3026, %get3A_3027, %get3A_3028] {strides = array<i32>} : memref<26x4x128xf32, #tpu.memory_space<vmem>>, vector<1x1x16xf32>,
      %get3A_3030 = vector.shape_cast %get3A_3029 : vector<1x1x16xf32> to vector<16xf32>
      %add3A_3031 = arith.addf %add3A_3021, %get3A_3030 : vector<16xf32>
      %mul3A_3032 = arith.constant 16 : i32
      %mul3A_3033 = arith.muli %scan3A_2504, %mul3A_3032 : i32
      %add3A_3034 = arith.constant 128 : i32
      %add3A_3035 = arith.addi %add3A_3034, %mul3A_3033 : i32
      %swap3A_3036 = arith.index_cast %add3A_3035 : i32 to index
      %swap3A_3037 = tpu.vector_load %arg9[%swap3A_3036] {strides = array<i32>} : memref<512xf32, #tpu.memory_space<vmem>>, vector<16xf32>,
      %swap3A_3038 = vector.shape_cast %swap3A_3037 : vector<16xf32> to vector<16xf32>
      %swap3A_3039 = vector.shape_cast %add3A_3031 : vector<16xf32> to vector<16xf32>
      tpu.vector_store %arg9[%swap3A_3036], %swap3A_3039 {strides = array<i32>} : memref<512xf32, #tpu.memory_space<vmem>>, vector<16xf32>,
      %mul3A_3040 = arith.constant 16 : i32
      %mul3A_3041 = arith.muli %scan3A_2504, %mul3A_3040 : i32
      %get3A_3042 = arith.constant 0 : i32
      %get3A_3043 = arith.constant 2 : i32
      %get3A_3044 = arith.index_cast %get3A_3042 : i32 to index
      %get3A_3045 = arith.index_cast %get3A_3043 : i32 to index
      %get3A_3046 = arith.index_cast %mul3A_3041 : i32 to index
      %get3A_3047 = tpu.vector_load %arg7[%get3A_3044, %get3A_3045, %get3A_3046] {strides = array<i32>} : memref<26x4x128xf32, #tpu.memory_space<vmem>>, vector<1x1x16xf32>,
      %get3A_3048 = vector.shape_cast %get3A_3047 : vector<1x1x16xf32> to vector<16xf32>
      %add3A_3049 = arith.addf %get3A_2496, %get3A_3048 : vector<16xf32>
      %mul3A_3050 = arith.constant 16 : i32
      %mul3A_3051 = arith.muli %scan3A_2504, %mul3A_3050 : i32
      %get3A_3052 = arith.constant 1 : i32
      %get3A_3053 = arith.constant 2 : i32
      %get3A_3054 = arith.index_cast %get3A_3052 : i32 to index
      %get3A_3055 = arith.index_cast %get3A_3053 : i32 to index
      %get3A_3056 = arith.index_cast %mul3A_3051 : i32 to index
      %get3A_3057 = tpu.vector_load %arg7[%get3A_3054, %get3A_3055, %get3A_3056] {strides = array<i32>} : memref<26x4x128xf32, #tpu.memory_space<vmem>>, vector<1x1x16xf32>,
      %get3A_3058 = vector.shape_cast %get3A_3057 : vector<1x1x16xf32> to vector<16xf32>
      %add3A_3059 = arith.addf %add3A_3049, %get3A_3058 : vector<16xf32>
      %mul3A_3060 = arith.constant 16 : i32
      %mul3A_3061 = arith.muli %scan3A_2504, %mul3A_3060 : i32
      %get3A_3062 = arith.constant 2 : i32
      %get3A_3063 = arith.constant 2 : i32
      %get3A_3064 = arith.index_cast %get3A_3062 : i32 to index
      %get3A_3065 = arith.index_cast %get3A_3063 : i32 to index
      %get3A_3066 = arith.index_cast %mul3A_3061 : i32 to index
      %get3A_3067 = tpu.vector_load %arg7[%get3A_3064, %get3A_3065, %get3A_3066] {strides = array<i32>} : memref<26x4x128xf32, #tpu.memory_space<vmem>>, vector<1x1x16xf32>,
      %get3A_3068 = vector.shape_cast %get3A_3067 : vector<1x1x16xf32> to vector<16xf32>
      %add3A_3069 = arith.addf %add3A_3059, %get3A_3068 : vector<16xf32>
      %mul3A_3070 = arith.constant 16 : i32
      %mul3A_3071 = arith.muli %scan3A_2504, %mul3A_3070 : i32
      %get3A_3072 = arith.constant 3 : i32
      %get3A_3073 = arith.constant 2 : i32
      %get3A_3074 = arith.index_cast %get3A_3072 : i32 to index
      %get3A_3075 = arith.index_cast %get3A_3073 : i32 to index
      %get3A_3076 = arith.index_cast %mul3A_3071 : i32 to index
      %get3A_3077 = tpu.vector_load %arg7[%get3A_3074, %get3A_3075, %get3A_3076] {strides = array<i32>} : memref<26x4x128xf32, #tpu.memory_space<vmem>>, vector<1x1x16xf32>,
      %get3A_3078 = vector.shape_cast %get3A_3077 : vector<1x1x16xf32> to vector<16xf32>
      %add3A_3079 = arith.addf %add3A_3069, %get3A_3078 : vector<16xf32>
      %mul3A_3080 = arith.constant 16 : i32
      %mul3A_3081 = arith.muli %scan3A_2504, %mul3A_3080 : i32
      %get3A_3082 = arith.constant 4 : i32
      %get3A_3083 = arith.constant 2 : i32
      %get3A_3084 = arith.index_cast %get3A_3082 : i32 to index
      %get3A_3085 = arith.index_cast %get3A_3083 : i32 to index
      %get3A_3086 = arith.index_cast %mul3A_3081 : i32 to index
      %get3A_3087 = tpu.vector_load %arg7[%get3A_3084, %get3A_3085, %get3A_3086] {strides = array<i32>} : memref<26x4x128xf32, #tpu.memory_space<vmem>>, vector<1x1x16xf32>,
      %get3A_3088 = vector.shape_cast %get3A_3087 : vector<1x1x16xf32> to vector<16xf32>
      %add3A_3089 = arith.addf %add3A_3079, %get3A_3088 : vector<16xf32>
      %mul3A_3090 = arith.constant 16 : i32
      %mul3A_3091 = arith.muli %scan3A_2504, %mul3A_3090 : i32
      %get3A_3092 = arith.constant 5 : i32
      %get3A_3093 = arith.constant 2 : i32
      %get3A_3094 = arith.index_cast %get3A_3092 : i32 to index
      %get3A_3095 = arith.index_cast %get3A_3093 : i32 to index
      %get3A_3096 = arith.index_cast %mul3A_3091 : i32 to index
      %get3A_3097 = tpu.vector_load %arg7[%get3A_3094, %get3A_3095, %get3A_3096] {strides = array<i32>} : memref<26x4x128xf32, #tpu.memory_space<vmem>>, vector<1x1x16xf32>,
      %get3A_3098 = vector.shape_cast %get3A_3097 : vector<1x1x16xf32> to vector<16xf32>
      %add3A_3099 = arith.addf %add3A_3089, %get3A_3098 : vector<16xf32>
      %mul3A_3100 = arith.constant 16 : i32
      %mul3A_3101 = arith.muli %scan3A_2504, %mul3A_3100 : i32
      %get3A_3102 = arith.constant 6 : i32
      %get3A_3103 = arith.constant 2 : i32
      %get3A_3104 = arith.index_cast %get3A_3102 : i32 to index
      %get3A_3105 = arith.index_cast %get3A_3103 : i32 to index
      %get3A_3106 = arith.index_cast %mul3A_3101 : i32 to index
      %get3A_3107 = tpu.vector_load %arg7[%get3A_3104, %get3A_3105, %get3A_3106] {strides = array<i32>} : memref<26x4x128xf32, #tpu.memory_space<vmem>>, vector<1x1x16xf32>,
      %get3A_3108 = vector.shape_cast %get3A_3107 : vector<1x1x16xf32> to vector<16xf32>
      %add3A_3109 = arith.addf %add3A_3099, %get3A_3108 : vector<16xf32>
      %mul3A_3110 = arith.constant 16 : i32
      %mul3A_3111 = arith.muli %scan3A_2504, %mul3A_3110 : i32
      %get3A_3112 = arith.constant 7 : i32
      %get3A_3113 = arith.constant 2 : i32
      %get3A_3114 = arith.index_cast %get3A_3112 : i32 to index
      %get3A_3115 = arith.index_cast %get3A_3113 : i32 to index
      %get3A_3116 = arith.index_cast %mul3A_3111 : i32 to index
      %get3A_3117 = tpu.vector_load %arg7[%get3A_3114, %get3A_3115, %get3A_3116] {strides = array<i32>} : memref<26x4x128xf32, #tpu.memory_space<vmem>>, vector<1x1x16xf32>,
      %get3A_3118 = vector.shape_cast %get3A_3117 : vector<1x1x16xf32> to vector<16xf32>
      %add3A_3119 = arith.addf %add3A_3109, %get3A_3118 : vector<16xf32>
      %mul3A_3120 = arith.constant 16 : i32
      %mul3A_3121 = arith.muli %scan3A_2504, %mul3A_3120 : i32
      %get3A_3122 = arith.constant 8 : i32
      %get3A_3123 = arith.constant 2 : i32
      %get3A_3124 = arith.index_cast %get3A_3122 : i32 to index
      %get3A_3125 = arith.index_cast %get3A_3123 : i32 to index
      %get3A_3126 = arith.index_cast %mul3A_3121 : i32 to index
      %get3A_3127 = tpu.vector_load %arg7[%get3A_3124, %get3A_3125, %get3A_3126] {strides = array<i32>} : memref<26x4x128xf32, #tpu.memory_space<vmem>>, vector<1x1x16xf32>,
      %get3A_3128 = vector.shape_cast %get3A_3127 : vector<1x1x16xf32> to vector<16xf32>
      %add3A_3129 = arith.addf %add3A_3119, %get3A_3128 : vector<16xf32>
      %mul3A_3130 = arith.constant 16 : i32
      %mul3A_3131 = arith.muli %scan3A_2504, %mul3A_3130 : i32
      %get3A_3132 = arith.constant 9 : i32
      %get3A_3133 = arith.constant 2 : i32
      %get3A_3134 = arith.index_cast %get3A_3132 : i32 to index
      %get3A_3135 = arith.index_cast %get3A_3133 : i32 to index
      %get3A_3136 = arith.index_cast %mul3A_3131 : i32 to index
      %get3A_3137 = tpu.vector_load %arg7[%get3A_3134, %get3A_3135, %get3A_3136] {strides = array<i32>} : memref<26x4x128xf32, #tpu.memory_space<vmem>>, vector<1x1x16xf32>,
      %get3A_3138 = vector.shape_cast %get3A_3137 : vector<1x1x16xf32> to vector<16xf32>
      %add3A_3139 = arith.addf %add3A_3129, %get3A_3138 : vector<16xf32>
      %mul3A_3140 = arith.constant 16 : i32
      %mul3A_3141 = arith.muli %scan3A_2504, %mul3A_3140 : i32
      %get3A_3142 = arith.constant 10 : i32
      %get3A_3143 = arith.constant 2 : i32
      %get3A_3144 = arith.index_cast %get3A_3142 : i32 to index
      %get3A_3145 = arith.index_cast %get3A_3143 : i32 to index
      %get3A_3146 = arith.index_cast %mul3A_3141 : i32 to index
      %get3A_3147 = tpu.vector_load %arg7[%get3A_3144, %get3A_3145, %get3A_3146] {strides = array<i32>} : memref<26x4x128xf32, #tpu.memory_space<vmem>>, vector<1x1x16xf32>,
      %get3A_3148 = vector.shape_cast %get3A_3147 : vector<1x1x16xf32> to vector<16xf32>
      %add3A_3149 = arith.addf %add3A_3139, %get3A_3148 : vector<16xf32>
      %mul3A_3150 = arith.constant 16 : i32
      %mul3A_3151 = arith.muli %scan3A_2504, %mul3A_3150 : i32
      %get3A_3152 = arith.constant 11 : i32
      %get3A_3153 = arith.constant 2 : i32
      %get3A_3154 = arith.index_cast %get3A_3152 : i32 to index
      %get3A_3155 = arith.index_cast %get3A_3153 : i32 to index
      %get3A_3156 = arith.index_cast %mul3A_3151 : i32 to index
      %get3A_3157 = tpu.vector_load %arg7[%get3A_3154, %get3A_3155, %get3A_3156] {strides = array<i32>} : memref<26x4x128xf32, #tpu.memory_space<vmem>>, vector<1x1x16xf32>,
      %get3A_3158 = vector.shape_cast %get3A_3157 : vector<1x1x16xf32> to vector<16xf32>
      %add3A_3159 = arith.addf %add3A_3149, %get3A_3158 : vector<16xf32>
      %mul3A_3160 = arith.constant 16 : i32
      %mul3A_3161 = arith.muli %scan3A_2504, %mul3A_3160 : i32
      %get3A_3162 = arith.constant 12 : i32
      %get3A_3163 = arith.constant 2 : i32
      %get3A_3164 = arith.index_cast %get3A_3162 : i32 to index
      %get3A_3165 = arith.index_cast %get3A_3163 : i32 to index
      %get3A_3166 = arith.index_cast %mul3A_3161 : i32 to index
      %get3A_3167 = tpu.vector_load %arg7[%get3A_3164, %get3A_3165, %get3A_3166] {strides = array<i32>} : memref<26x4x128xf32, #tpu.memory_space<vmem>>, vector<1x1x16xf32>,
      %get3A_3168 = vector.shape_cast %get3A_3167 : vector<1x1x16xf32> to vector<16xf32>
      %add3A_3169 = arith.addf %add3A_3159, %get3A_3168 : vector<16xf32>
      %mul3A_3170 = arith.constant 16 : i32
      %mul3A_3171 = arith.muli %scan3A_2504, %mul3A_3170 : i32
      %get3A_3172 = arith.constant 13 : i32
      %get3A_3173 = arith.constant 2 : i32
      %get3A_3174 = arith.index_cast %get3A_3172 : i32 to index
      %get3A_3175 = arith.index_cast %get3A_3173 : i32 to index
      %get3A_3176 = arith.index_cast %mul3A_3171 : i32 to index
      %get3A_3177 = tpu.vector_load %arg7[%get3A_3174, %get3A_3175, %get3A_3176] {strides = array<i32>} : memref<26x4x128xf32, #tpu.memory_space<vmem>>, vector<1x1x16xf32>,
      %get3A_3178 = vector.shape_cast %get3A_3177 : vector<1x1x16xf32> to vector<16xf32>
      %add3A_3179 = arith.addf %add3A_3169, %get3A_3178 : vector<16xf32>
      %mul3A_3180 = arith.constant 16 : i32
      %mul3A_3181 = arith.muli %scan3A_2504, %mul3A_3180 : i32
      %get3A_3182 = arith.constant 14 : i32
      %get3A_3183 = arith.constant 2 : i32
      %get3A_3184 = arith.index_cast %get3A_3182 : i32 to index
      %get3A_3185 = arith.index_cast %get3A_3183 : i32 to index
      %get3A_3186 = arith.index_cast %mul3A_3181 : i32 to index
      %get3A_3187 = tpu.vector_load %arg7[%get3A_3184, %get3A_3185, %get3A_3186] {strides = array<i32>} : memref<26x4x128xf32, #tpu.memory_space<vmem>>, vector<1x1x16xf32>,
      %get3A_3188 = vector.shape_cast %get3A_3187 : vector<1x1x16xf32> to vector<16xf32>
      %add3A_3189 = arith.addf %add3A_3179, %get3A_3188 : vector<16xf32>
      %mul3A_3190 = arith.constant 16 : i32
      %mul3A_3191 = arith.muli %scan3A_2504, %mul3A_3190 : i32
      %get3A_3192 = arith.constant 15 : i32
      %get3A_3193 = arith.constant 2 : i32
      %get3A_3194 = arith.index_cast %get3A_3192 : i32 to index
      %get3A_3195 = arith.index_cast %get3A_3193 : i32 to index
      %get3A_3196 = arith.index_cast %mul3A_3191 : i32 to index
      %get3A_3197 = tpu.vector_load %arg7[%get3A_3194, %get3A_3195, %get3A_3196] {strides = array<i32>} : memref<26x4x128xf32, #tpu.memory_space<vmem>>, vector<1x1x16xf32>,
      %get3A_3198 = vector.shape_cast %get3A_3197 : vector<1x1x16xf32> to vector<16xf32>
      %add3A_3199 = arith.addf %add3A_3189, %get3A_3198 : vector<16xf32>
      %mul3A_3200 = arith.constant 16 : i32
      %mul3A_3201 = arith.muli %scan3A_2504, %mul3A_3200 : i32
      %get3A_3202 = arith.constant 16 : i32
      %get3A_3203 = arith.constant 2 : i32
      %get3A_3204 = arith.index_cast %get3A_3202 : i32 to index
      %get3A_3205 = arith.index_cast %get3A_3203 : i32 to index
      %get3A_3206 = arith.index_cast %mul3A_3201 : i32 to index
      %get3A_3207 = tpu.vector_load %arg7[%get3A_3204, %get3A_3205, %get3A_3206] {strides = array<i32>} : memref<26x4x128xf32, #tpu.memory_space<vmem>>, vector<1x1x16xf32>,
      %get3A_3208 = vector.shape_cast %get3A_3207 : vector<1x1x16xf32> to vector<16xf32>
      %add3A_3209 = arith.addf %add3A_3199, %get3A_3208 : vector<16xf32>
      %mul3A_3210 = arith.constant 16 : i32
      %mul3A_3211 = arith.muli %scan3A_2504, %mul3A_3210 : i32
      %get3A_3212 = arith.constant 17 : i32
      %get3A_3213 = arith.constant 2 : i32
      %get3A_3214 = arith.index_cast %get3A_3212 : i32 to index
      %get3A_3215 = arith.index_cast %get3A_3213 : i32 to index
      %get3A_3216 = arith.index_cast %mul3A_3211 : i32 to index
      %get3A_3217 = tpu.vector_load %arg7[%get3A_3214, %get3A_3215, %get3A_3216] {strides = array<i32>} : memref<26x4x128xf32, #tpu.memory_space<vmem>>, vector<1x1x16xf32>,
      %get3A_3218 = vector.shape_cast %get3A_3217 : vector<1x1x16xf32> to vector<16xf32>
      %add3A_3219 = arith.addf %add3A_3209, %get3A_3218 : vector<16xf32>
      %mul3A_3220 = arith.constant 16 : i32
      %mul3A_3221 = arith.muli %scan3A_2504, %mul3A_3220 : i32
      %get3A_3222 = arith.constant 18 : i32
      %get3A_3223 = arith.constant 2 : i32
      %get3A_3224 = arith.index_cast %get3A_3222 : i32 to index
      %get3A_3225 = arith.index_cast %get3A_3223 : i32 to index
      %get3A_3226 = arith.index_cast %mul3A_3221 : i32 to index
      %get3A_3227 = tpu.vector_load %arg7[%get3A_3224, %get3A_3225, %get3A_3226] {strides = array<i32>} : memref<26x4x128xf32, #tpu.memory_space<vmem>>, vector<1x1x16xf32>,
      %get3A_3228 = vector.shape_cast %get3A_3227 : vector<1x1x16xf32> to vector<16xf32>
      %add3A_3229 = arith.addf %add3A_3219, %get3A_3228 : vector<16xf32>
      %mul3A_3230 = arith.constant 16 : i32
      %mul3A_3231 = arith.muli %scan3A_2504, %mul3A_3230 : i32
      %get3A_3232 = arith.constant 19 : i32
      %get3A_3233 = arith.constant 2 : i32
      %get3A_3234 = arith.index_cast %get3A_3232 : i32 to index
      %get3A_3235 = arith.index_cast %get3A_3233 : i32 to index
      %get3A_3236 = arith.index_cast %mul3A_3231 : i32 to index
      %get3A_3237 = tpu.vector_load %arg7[%get3A_3234, %get3A_3235, %get3A_3236] {strides = array<i32>} : memref<26x4x128xf32, #tpu.memory_space<vmem>>, vector<1x1x16xf32>,
      %get3A_3238 = vector.shape_cast %get3A_3237 : vector<1x1x16xf32> to vector<16xf32>
      %add3A_3239 = arith.addf %add3A_3229, %get3A_3238 : vector<16xf32>
      %mul3A_3240 = arith.constant 16 : i32
      %mul3A_3241 = arith.muli %scan3A_2504, %mul3A_3240 : i32
      %get3A_3242 = arith.constant 20 : i32
      %get3A_3243 = arith.constant 2 : i32
      %get3A_3244 = arith.index_cast %get3A_3242 : i32 to index
      %get3A_3245 = arith.index_cast %get3A_3243 : i32 to index
      %get3A_3246 = arith.index_cast %mul3A_3241 : i32 to index
      %get3A_3247 = tpu.vector_load %arg7[%get3A_3244, %get3A_3245, %get3A_3246] {strides = array<i32>} : memref<26x4x128xf32, #tpu.memory_space<vmem>>, vector<1x1x16xf32>,
      %get3A_3248 = vector.shape_cast %get3A_3247 : vector<1x1x16xf32> to vector<16xf32>
      %add3A_3249 = arith.addf %add3A_3239, %get3A_3248 : vector<16xf32>
      %mul3A_3250 = arith.constant 16 : i32
      %mul3A_3251 = arith.muli %scan3A_2504, %mul3A_3250 : i32
      %get3A_3252 = arith.constant 21 : i32
      %get3A_3253 = arith.constant 2 : i32
      %get3A_3254 = arith.index_cast %get3A_3252 : i32 to index
      %get3A_3255 = arith.index_cast %get3A_3253 : i32 to index
      %get3A_3256 = arith.index_cast %mul3A_3251 : i32 to index
      %get3A_3257 = tpu.vector_load %arg7[%get3A_3254, %get3A_3255, %get3A_3256] {strides = array<i32>} : memref<26x4x128xf32, #tpu.memory_space<vmem>>, vector<1x1x16xf32>,
      %get3A_3258 = vector.shape_cast %get3A_3257 : vector<1x1x16xf32> to vector<16xf32>
      %add3A_3259 = arith.addf %add3A_3249, %get3A_3258 : vector<16xf32>
      %mul3A_3260 = arith.constant 16 : i32
      %mul3A_3261 = arith.muli %scan3A_2504, %mul3A_3260 : i32
      %get3A_3262 = arith.constant 22 : i32
      %get3A_3263 = arith.constant 2 : i32
      %get3A_3264 = arith.index_cast %get3A_3262 : i32 to index
      %get3A_3265 = arith.index_cast %get3A_3263 : i32 to index
      %get3A_3266 = arith.index_cast %mul3A_3261 : i32 to index
      %get3A_3267 = tpu.vector_load %arg7[%get3A_3264, %get3A_3265, %get3A_3266] {strides = array<i32>} : memref<26x4x128xf32, #tpu.memory_space<vmem>>, vector<1x1x16xf32>,
      %get3A_3268 = vector.shape_cast %get3A_3267 : vector<1x1x16xf32> to vector<16xf32>
      %add3A_3269 = arith.addf %add3A_3259, %get3A_3268 : vector<16xf32>
      %mul3A_3270 = arith.constant 16 : i32
      %mul3A_3271 = arith.muli %scan3A_2504, %mul3A_3270 : i32
      %get3A_3272 = arith.constant 23 : i32
      %get3A_3273 = arith.constant 2 : i32
      %get3A_3274 = arith.index_cast %get3A_3272 : i32 to index
      %get3A_3275 = arith.index_cast %get3A_3273 : i32 to index
      %get3A_3276 = arith.index_cast %mul3A_3271 : i32 to index
      %get3A_3277 = tpu.vector_load %arg7[%get3A_3274, %get3A_3275, %get3A_3276] {strides = array<i32>} : memref<26x4x128xf32, #tpu.memory_space<vmem>>, vector<1x1x16xf32>,
      %get3A_3278 = vector.shape_cast %get3A_3277 : vector<1x1x16xf32> to vector<16xf32>
      %add3A_3279 = arith.addf %add3A_3269, %get3A_3278 : vector<16xf32>
      %mul3A_3280 = arith.constant 16 : i32
      %mul3A_3281 = arith.muli %scan3A_2504, %mul3A_3280 : i32
      %get3A_3282 = arith.constant 24 : i32
      %get3A_3283 = arith.constant 2 : i32
      %get3A_3284 = arith.index_cast %get3A_3282 : i32 to index
      %get3A_3285 = arith.index_cast %get3A_3283 : i32 to index
      %get3A_3286 = arith.index_cast %mul3A_3281 : i32 to index
      %get3A_3287 = tpu.vector_load %arg7[%get3A_3284, %get3A_3285, %get3A_3286] {strides = array<i32>} : memref<26x4x128xf32, #tpu.memory_space<vmem>>, vector<1x1x16xf32>,
      %get3A_3288 = vector.shape_cast %get3A_3287 : vector<1x1x16xf32> to vector<16xf32>
      %add3A_3289 = arith.addf %add3A_3279, %get3A_3288 : vector<16xf32>
      %mul3A_3290 = arith.constant 16 : i32
      %mul3A_3291 = arith.muli %scan3A_2504, %mul3A_3290 : i32
      %get3A_3292 = arith.constant 25 : i32
      %get3A_3293 = arith.constant 2 : i32
      %get3A_3294 = arith.index_cast %get3A_3292 : i32 to index
      %get3A_3295 = arith.index_cast %get3A_3293 : i32 to index
      %get3A_3296 = arith.index_cast %mul3A_3291 : i32 to index
      %get3A_3297 = tpu.vector_load %arg7[%get3A_3294, %get3A_3295, %get3A_3296] {strides = array<i32>} : memref<26x4x128xf32, #tpu.memory_space<vmem>>, vector<1x1x16xf32>,
      %get3A_3298 = vector.shape_cast %get3A_3297 : vector<1x1x16xf32> to vector<16xf32>
      %add3A_3299 = arith.addf %add3A_3289, %get3A_3298 : vector<16xf32>
      %mul3A_3300 = arith.constant 16 : i32
      %mul3A_3301 = arith.muli %scan3A_2504, %mul3A_3300 : i32
      %add3A_3302 = arith.constant 256 : i32
      %add3A_3303 = arith.addi %add3A_3302, %mul3A_3301 : i32
      %swap3A_3304 = arith.index_cast %add3A_3303 : i32 to index
      %swap3A_3305 = tpu.vector_load %arg9[%swap3A_3304] {strides = array<i32>} : memref<512xf32, #tpu.memory_space<vmem>>, vector<16xf32>,
      %swap3A_3306 = vector.shape_cast %swap3A_3305 : vector<16xf32> to vector<16xf32>
      %swap3A_3307 = vector.shape_cast %add3A_3299 : vector<16xf32> to vector<16xf32>
      tpu.vector_store %arg9[%swap3A_3304], %swap3A_3307 {strides = array<i32>} : memref<512xf32, #tpu.memory_space<vmem>>, vector<16xf32>,
      %mul3A_3308 = arith.constant 16 : i32
      %mul3A_3309 = arith.muli %scan3A_2504, %mul3A_3308 : i32
      %get3A_3310 = arith.constant 0 : i32
      %get3A_3311 = arith.constant 3 : i32
      %get3A_3312 = arith.index_cast %get3A_3310 : i32 to index
      %get3A_3313 = arith.index_cast %get3A_3311 : i32 to index
      %get3A_3314 = arith.index_cast %mul3A_3309 : i32 to index
      %get3A_3315 = tpu.vector_load %arg7[%get3A_3312, %get3A_3313, %get3A_3314] {strides = array<i32>} : memref<26x4x128xf32, #tpu.memory_space<vmem>>, vector<1x1x16xf32>,
      %get3A_3316 = vector.shape_cast %get3A_3315 : vector<1x1x16xf32> to vector<16xf32>
      %add3A_3317 = arith.addf %get3A_2496, %get3A_3316 : vector<16xf32>
      %mul3A_3318 = arith.constant 16 : i32
      %mul3A_3319 = arith.muli %scan3A_2504, %mul3A_3318 : i32
      %get3A_3320 = arith.constant 1 : i32
      %get3A_3321 = arith.constant 3 : i32
      %get3A_3322 = arith.index_cast %get3A_3320 : i32 to index
      %get3A_3323 = arith.index_cast %get3A_3321 : i32 to index
      %get3A_3324 = arith.index_cast %mul3A_3319 : i32 to index
      %get3A_3325 = tpu.vector_load %arg7[%get3A_3322, %get3A_3323, %get3A_3324] {strides = array<i32>} : memref<26x4x128xf32, #tpu.memory_space<vmem>>, vector<1x1x16xf32>,
      %get3A_3326 = vector.shape_cast %get3A_3325 : vector<1x1x16xf32> to vector<16xf32>
      %add3A_3327 = arith.addf %add3A_3317, %get3A_3326 : vector<16xf32>
      %mul3A_3328 = arith.constant 16 : i32
      %mul3A_3329 = arith.muli %scan3A_2504, %mul3A_3328 : i32
      %get3A_3330 = arith.constant 2 : i32
      %get3A_3331 = arith.constant 3 : i32
      %get3A_3332 = arith.index_cast %get3A_3330 : i32 to index
      %get3A_3333 = arith.index_cast %get3A_3331 : i32 to index
      %get3A_3334 = arith.index_cast %mul3A_3329 : i32 to index
      %get3A_3335 = tpu.vector_load %arg7[%get3A_3332, %get3A_3333, %get3A_3334] {strides = array<i32>} : memref<26x4x128xf32, #tpu.memory_space<vmem>>, vector<1x1x16xf32>,
      %get3A_3336 = vector.shape_cast %get3A_3335 : vector<1x1x16xf32> to vector<16xf32>
      %add3A_3337 = arith.addf %add3A_3327, %get3A_3336 : vector<16xf32>
      %mul3A_3338 = arith.constant 16 : i32
      %mul3A_3339 = arith.muli %scan3A_2504, %mul3A_3338 : i32
      %get3A_3340 = arith.constant 3 : i32
      %get3A_3341 = arith.constant 3 : i32
      %get3A_3342 = arith.index_cast %get3A_3340 : i32 to index
      %get3A_3343 = arith.index_cast %get3A_3341 : i32 to index
      %get3A_3344 = arith.index_cast %mul3A_3339 : i32 to index
      %get3A_3345 = tpu.vector_load %arg7[%get3A_3342, %get3A_3343, %get3A_3344] {strides = array<i32>} : memref<26x4x128xf32, #tpu.memory_space<vmem>>, vector<1x1x16xf32>,
      %get3A_3346 = vector.shape_cast %get3A_3345 : vector<1x1x16xf32> to vector<16xf32>
      %add3A_3347 = arith.addf %add3A_3337, %get3A_3346 : vector<16xf32>
      %mul3A_3348 = arith.constant 16 : i32
      %mul3A_3349 = arith.muli %scan3A_2504, %mul3A_3348 : i32
      %get3A_3350 = arith.constant 4 : i32
      %get3A_3351 = arith.constant 3 : i32
      %get3A_3352 = arith.index_cast %get3A_3350 : i32 to index
      %get3A_3353 = arith.index_cast %get3A_3351 : i32 to index
      %get3A_3354 = arith.index_cast %mul3A_3349 : i32 to index
      %get3A_3355 = tpu.vector_load %arg7[%get3A_3352, %get3A_3353, %get3A_3354] {strides = array<i32>} : memref<26x4x128xf32, #tpu.memory_space<vmem>>, vector<1x1x16xf32>,
      %get3A_3356 = vector.shape_cast %get3A_3355 : vector<1x1x16xf32> to vector<16xf32>
      %add3A_3357 = arith.addf %add3A_3347, %get3A_3356 : vector<16xf32>
      %mul3A_3358 = arith.constant 16 : i32
      %mul3A_3359 = arith.muli %scan3A_2504, %mul3A_3358 : i32
      %get3A_3360 = arith.constant 5 : i32
      %get3A_3361 = arith.constant 3 : i32
      %get3A_3362 = arith.index_cast %get3A_3360 : i32 to index
      %get3A_3363 = arith.index_cast %get3A_3361 : i32 to index
      %get3A_3364 = arith.index_cast %mul3A_3359 : i32 to index
      %get3A_3365 = tpu.vector_load %arg7[%get3A_3362, %get3A_3363, %get3A_3364] {strides = array<i32>} : memref<26x4x128xf32, #tpu.memory_space<vmem>>, vector<1x1x16xf32>,
      %get3A_3366 = vector.shape_cast %get3A_3365 : vector<1x1x16xf32> to vector<16xf32>
      %add3A_3367 = arith.addf %add3A_3357, %get3A_3366 : vector<16xf32>
      %mul3A_3368 = arith.constant 16 : i32
      %mul3A_3369 = arith.muli %scan3A_2504, %mul3A_3368 : i32
      %get3A_3370 = arith.constant 6 : i32
      %get3A_3371 = arith.constant 3 : i32
      %get3A_3372 = arith.index_cast %get3A_3370 : i32 to index
      %get3A_3373 = arith.index_cast %get3A_3371 : i32 to index
      %get3A_3374 = arith.index_cast %mul3A_3369 : i32 to index
      %get3A_3375 = tpu.vector_load %arg7[%get3A_3372, %get3A_3373, %get3A_3374] {strides = array<i32>} : memref<26x4x128xf32, #tpu.memory_space<vmem>>, vector<1x1x16xf32>,
      %get3A_3376 = vector.shape_cast %get3A_3375 : vector<1x1x16xf32> to vector<16xf32>
      %add3A_3377 = arith.addf %add3A_3367, %get3A_3376 : vector<16xf32>
      %mul3A_3378 = arith.constant 16 : i32
      %mul3A_3379 = arith.muli %scan3A_2504, %mul3A_3378 : i32
      %get3A_3380 = arith.constant 7 : i32
      %get3A_3381 = arith.constant 3 : i32
      %get3A_3382 = arith.index_cast %get3A_3380 : i32 to index
      %get3A_3383 = arith.index_cast %get3A_3381 : i32 to index
      %get3A_3384 = arith.index_cast %mul3A_3379 : i32 to index
      %get3A_3385 = tpu.vector_load %arg7[%get3A_3382, %get3A_3383, %get3A_3384] {strides = array<i32>} : memref<26x4x128xf32, #tpu.memory_space<vmem>>, vector<1x1x16xf32>,
      %get3A_3386 = vector.shape_cast %get3A_3385 : vector<1x1x16xf32> to vector<16xf32>
      %add3A_3387 = arith.addf %add3A_3377, %get3A_3386 : vector<16xf32>
      %mul3A_3388 = arith.constant 16 : i32
      %mul3A_3389 = arith.muli %scan3A_2504, %mul3A_3388 : i32
      %get3A_3390 = arith.constant 8 : i32
      %get3A_3391 = arith.constant 3 : i32
      %get3A_3392 = arith.index_cast %get3A_3390 : i32 to index
      %get3A_3393 = arith.index_cast %get3A_3391 : i32 to index
      %get3A_3394 = arith.index_cast %mul3A_3389 : i32 to index
      %get3A_3395 = tpu.vector_load %arg7[%get3A_3392, %get3A_3393, %get3A_3394] {strides = array<i32>} : memref<26x4x128xf32, #tpu.memory_space<vmem>>, vector<1x1x16xf32>,
      %get3A_3396 = vector.shape_cast %get3A_3395 : vector<1x1x16xf32> to vector<16xf32>
      %add3A_3397 = arith.addf %add3A_3387, %get3A_3396 : vector<16xf32>
      %mul3A_3398 = arith.constant 16 : i32
      %mul3A_3399 = arith.muli %scan3A_2504, %mul3A_3398 : i32
      %get3A_3400 = arith.constant 9 : i32
      %get3A_3401 = arith.constant 3 : i32
      %get3A_3402 = arith.index_cast %get3A_3400 : i32 to index
      %get3A_3403 = arith.index_cast %get3A_3401 : i32 to index
      %get3A_3404 = arith.index_cast %mul3A_3399 : i32 to index
      %get3A_3405 = tpu.vector_load %arg7[%get3A_3402, %get3A_3403, %get3A_3404] {strides = array<i32>} : memref<26x4x128xf32, #tpu.memory_space<vmem>>, vector<1x1x16xf32>,
      %get3A_3406 = vector.shape_cast %get3A_3405 : vector<1x1x16xf32> to vector<16xf32>
      %add3A_3407 = arith.addf %add3A_3397, %get3A_3406 : vector<16xf32>
      %mul3A_3408 = arith.constant 16 : i32
      %mul3A_3409 = arith.muli %scan3A_2504, %mul3A_3408 : i32
      %get3A_3410 = arith.constant 10 : i32
      %get3A_3411 = arith.constant 3 : i32
      %get3A_3412 = arith.index_cast %get3A_3410 : i32 to index
      %get3A_3413 = arith.index_cast %get3A_3411 : i32 to index
      %get3A_3414 = arith.index_cast %mul3A_3409 : i32 to index
      %get3A_3415 = tpu.vector_load %arg7[%get3A_3412, %get3A_3413, %get3A_3414] {strides = array<i32>} : memref<26x4x128xf32, #tpu.memory_space<vmem>>, vector<1x1x16xf32>,
      %get3A_3416 = vector.shape_cast %get3A_3415 : vector<1x1x16xf32> to vector<16xf32>
      %add3A_3417 = arith.addf %add3A_3407, %get3A_3416 : vector<16xf32>
      %mul3A_3418 = arith.constant 16 : i32
      %mul3A_3419 = arith.muli %scan3A_2504, %mul3A_3418 : i32
      %get3A_3420 = arith.constant 11 : i32
      %get3A_3421 = arith.constant 3 : i32
      %get3A_3422 = arith.index_cast %get3A_3420 : i32 to index
      %get3A_3423 = arith.index_cast %get3A_3421 : i32 to index
      %get3A_3424 = arith.index_cast %mul3A_3419 : i32 to index
      %get3A_3425 = tpu.vector_load %arg7[%get3A_3422, %get3A_3423, %get3A_3424] {strides = array<i32>} : memref<26x4x128xf32, #tpu.memory_space<vmem>>, vector<1x1x16xf32>,
      %get3A_3426 = vector.shape_cast %get3A_3425 : vector<1x1x16xf32> to vector<16xf32>
      %add3A_3427 = arith.addf %add3A_3417, %get3A_3426 : vector<16xf32>
      %mul3A_3428 = arith.constant 16 : i32
      %mul3A_3429 = arith.muli %scan3A_2504, %mul3A_3428 : i32
      %get3A_3430 = arith.constant 12 : i32
      %get3A_3431 = arith.constant 3 : i32
      %get3A_3432 = arith.index_cast %get3A_3430 : i32 to index
      %get3A_3433 = arith.index_cast %get3A_3431 : i32 to index
      %get3A_3434 = arith.index_cast %mul3A_3429 : i32 to index
      %get3A_3435 = tpu.vector_load %arg7[%get3A_3432, %get3A_3433, %get3A_3434] {strides = array<i32>} : memref<26x4x128xf32, #tpu.memory_space<vmem>>, vector<1x1x16xf32>,
      %get3A_3436 = vector.shape_cast %get3A_3435 : vector<1x1x16xf32> to vector<16xf32>
      %add3A_3437 = arith.addf %add3A_3427, %get3A_3436 : vector<16xf32>
      %mul3A_3438 = arith.constant 16 : i32
      %mul3A_3439 = arith.muli %scan3A_2504, %mul3A_3438 : i32
      %get3A_3440 = arith.constant 13 : i32
      %get3A_3441 = arith.constant 3 : i32
      %get3A_3442 = arith.index_cast %get3A_3440 : i32 to index
      %get3A_3443 = arith.index_cast %get3A_3441 : i32 to index
      %get3A_3444 = arith.index_cast %mul3A_3439 : i32 to index
      %get3A_3445 = tpu.vector_load %arg7[%get3A_3442, %get3A_3443, %get3A_3444] {strides = array<i32>} : memref<26x4x128xf32, #tpu.memory_space<vmem>>, vector<1x1x16xf32>,
      %get3A_3446 = vector.shape_cast %get3A_3445 : vector<1x1x16xf32> to vector<16xf32>
      %add3A_3447 = arith.addf %add3A_3437, %get3A_3446 : vector<16xf32>
      %mul3A_3448 = arith.constant 16 : i32
      %mul3A_3449 = arith.muli %scan3A_2504, %mul3A_3448 : i32
      %get3A_3450 = arith.constant 14 : i32
      %get3A_3451 = arith.constant 3 : i32
      %get3A_3452 = arith.index_cast %get3A_3450 : i32 to index
      %get3A_3453 = arith.index_cast %get3A_3451 : i32 to index
      %get3A_3454 = arith.index_cast %mul3A_3449 : i32 to index
      %get3A_3455 = tpu.vector_load %arg7[%get3A_3452, %get3A_3453, %get3A_3454] {strides = array<i32>} : memref<26x4x128xf32, #tpu.memory_space<vmem>>, vector<1x1x16xf32>,
      %get3A_3456 = vector.shape_cast %get3A_3455 : vector<1x1x16xf32> to vector<16xf32>
      %add3A_3457 = arith.addf %add3A_3447, %get3A_3456 : vector<16xf32>
      %mul3A_3458 = arith.constant 16 : i32
      %mul3A_3459 = arith.muli %scan3A_2504, %mul3A_3458 : i32
      %get3A_3460 = arith.constant 15 : i32
      %get3A_3461 = arith.constant 3 : i32
      %get3A_3462 = arith.index_cast %get3A_3460 : i32 to index
      %get3A_3463 = arith.index_cast %get3A_3461 : i32 to index
      %get3A_3464 = arith.index_cast %mul3A_3459 : i32 to index
      %get3A_3465 = tpu.vector_load %arg7[%get3A_3462, %get3A_3463, %get3A_3464] {strides = array<i32>} : memref<26x4x128xf32, #tpu.memory_space<vmem>>, vector<1x1x16xf32>,
      %get3A_3466 = vector.shape_cast %get3A_3465 : vector<1x1x16xf32> to vector<16xf32>
      %add3A_3467 = arith.addf %add3A_3457, %get3A_3466 : vector<16xf32>
      %mul3A_3468 = arith.constant 16 : i32
      %mul3A_3469 = arith.muli %scan3A_2504, %mul3A_3468 : i32
      %get3A_3470 = arith.constant 16 : i32
      %get3A_3471 = arith.constant 3 : i32
      %get3A_3472 = arith.index_cast %get3A_3470 : i32 to index
      %get3A_3473 = arith.index_cast %get3A_3471 : i32 to index
      %get3A_3474 = arith.index_cast %mul3A_3469 : i32 to index
      %get3A_3475 = tpu.vector_load %arg7[%get3A_3472, %get3A_3473, %get3A_3474] {strides = array<i32>} : memref<26x4x128xf32, #tpu.memory_space<vmem>>, vector<1x1x16xf32>,
      %get3A_3476 = vector.shape_cast %get3A_3475 : vector<1x1x16xf32> to vector<16xf32>
      %add3A_3477 = arith.addf %add3A_3467, %get3A_3476 : vector<16xf32>
      %mul3A_3478 = arith.constant 16 : i32
      %mul3A_3479 = arith.muli %scan3A_2504, %mul3A_3478 : i32
      %get3A_3480 = arith.constant 17 : i32
      %get3A_3481 = arith.constant 3 : i32
      %get3A_3482 = arith.index_cast %get3A_3480 : i32 to index
      %get3A_3483 = arith.index_cast %get3A_3481 : i32 to index
      %get3A_3484 = arith.index_cast %mul3A_3479 : i32 to index
      %get3A_3485 = tpu.vector_load %arg7[%get3A_3482, %get3A_3483, %get3A_3484] {strides = array<i32>} : memref<26x4x128xf32, #tpu.memory_space<vmem>>, vector<1x1x16xf32>,
      %get3A_3486 = vector.shape_cast %get3A_3485 : vector<1x1x16xf32> to vector<16xf32>
      %add3A_3487 = arith.addf %add3A_3477, %get3A_3486 : vector<16xf32>
      %mul3A_3488 = arith.constant 16 : i32
      %mul3A_3489 = arith.muli %scan3A_2504, %mul3A_3488 : i32
      %get3A_3490 = arith.constant 18 : i32
      %get3A_3491 = arith.constant 3 : i32
      %get3A_3492 = arith.index_cast %get3A_3490 : i32 to index
      %get3A_3493 = arith.index_cast %get3A_3491 : i32 to index
      %get3A_3494 = arith.index_cast %mul3A_3489 : i32 to index
      %get3A_3495 = tpu.vector_load %arg7[%get3A_3492, %get3A_3493, %get3A_3494] {strides = array<i32>} : memref<26x4x128xf32, #tpu.memory_space<vmem>>, vector<1x1x16xf32>,
      %get3A_3496 = vector.shape_cast %get3A_3495 : vector<1x1x16xf32> to vector<16xf32>
      %add3A_3497 = arith.addf %add3A_3487, %get3A_3496 : vector<16xf32>
      %mul3A_3498 = arith.constant 16 : i32
      %mul3A_3499 = arith.muli %scan3A_2504, %mul3A_3498 : i32
      %get3A_3500 = arith.constant 19 : i32
      %get3A_3501 = arith.constant 3 : i32
      %get3A_3502 = arith.index_cast %get3A_3500 : i32 to index
      %get3A_3503 = arith.index_cast %get3A_3501 : i32 to index
      %get3A_3504 = arith.index_cast %mul3A_3499 : i32 to index
      %get3A_3505 = tpu.vector_load %arg7[%get3A_3502, %get3A_3503, %get3A_3504] {strides = array<i32>} : memref<26x4x128xf32, #tpu.memory_space<vmem>>, vector<1x1x16xf32>,
      %get3A_3506 = vector.shape_cast %get3A_3505 : vector<1x1x16xf32> to vector<16xf32>
      %add3A_3507 = arith.addf %add3A_3497, %get3A_3506 : vector<16xf32>
      %mul3A_3508 = arith.constant 16 : i32
      %mul3A_3509 = arith.muli %scan3A_2504, %mul3A_3508 : i32
      %get3A_3510 = arith.constant 20 : i32
      %get3A_3511 = arith.constant 3 : i32
      %get3A_3512 = arith.index_cast %get3A_3510 : i32 to index
      %get3A_3513 = arith.index_cast %get3A_3511 : i32 to index
      %get3A_3514 = arith.index_cast %mul3A_3509 : i32 to index
      %get3A_3515 = tpu.vector_load %arg7[%get3A_3512, %get3A_3513, %get3A_3514] {strides = array<i32>} : memref<26x4x128xf32, #tpu.memory_space<vmem>>, vector<1x1x16xf32>,
      %get3A_3516 = vector.shape_cast %get3A_3515 : vector<1x1x16xf32> to vector<16xf32>
      %add3A_3517 = arith.addf %add3A_3507, %get3A_3516 : vector<16xf32>
      %mul3A_3518 = arith.constant 16 : i32
      %mul3A_3519 = arith.muli %scan3A_2504, %mul3A_3518 : i32
      %get3A_3520 = arith.constant 21 : i32
      %get3A_3521 = arith.constant 3 : i32
      %get3A_3522 = arith.index_cast %get3A_3520 : i32 to index
      %get3A_3523 = arith.index_cast %get3A_3521 : i32 to index
      %get3A_3524 = arith.index_cast %mul3A_3519 : i32 to index
      %get3A_3525 = tpu.vector_load %arg7[%get3A_3522, %get3A_3523, %get3A_3524] {strides = array<i32>} : memref<26x4x128xf32, #tpu.memory_space<vmem>>, vector<1x1x16xf32>,
      %get3A_3526 = vector.shape_cast %get3A_3525 : vector<1x1x16xf32> to vector<16xf32>
      %add3A_3527 = arith.addf %add3A_3517, %get3A_3526 : vector<16xf32>
      %mul3A_3528 = arith.constant 16 : i32
      %mul3A_3529 = arith.muli %scan3A_2504, %mul3A_3528 : i32
      %get3A_3530 = arith.constant 22 : i32
      %get3A_3531 = arith.constant 3 : i32
      %get3A_3532 = arith.index_cast %get3A_3530 : i32 to index
      %get3A_3533 = arith.index_cast %get3A_3531 : i32 to index
      %get3A_3534 = arith.index_cast %mul3A_3529 : i32 to index
      %get3A_3535 = tpu.vector_load %arg7[%get3A_3532, %get3A_3533, %get3A_3534] {strides = array<i32>} : memref<26x4x128xf32, #tpu.memory_space<vmem>>, vector<1x1x16xf32>,
      %get3A_3536 = vector.shape_cast %get3A_3535 : vector<1x1x16xf32> to vector<16xf32>
      %add3A_3537 = arith.addf %add3A_3527, %get3A_3536 : vector<16xf32>
      %mul3A_3538 = arith.constant 16 : i32
      %mul3A_3539 = arith.muli %scan3A_2504, %mul3A_3538 : i32
      %get3A_3540 = arith.constant 23 : i32
      %get3A_3541 = arith.constant 3 : i32
      %get3A_3542 = arith.index_cast %get3A_3540 : i32 to index
      %get3A_3543 = arith.index_cast %get3A_3541 : i32 to index
      %get3A_3544 = arith.index_cast %mul3A_3539 : i32 to index
      %get3A_3545 = tpu.vector_load %arg7[%get3A_3542, %get3A_3543, %get3A_3544] {strides = array<i32>} : memref<26x4x128xf32, #tpu.memory_space<vmem>>, vector<1x1x16xf32>,
      %get3A_3546 = vector.shape_cast %get3A_3545 : vector<1x1x16xf32> to vector<16xf32>
      %add3A_3547 = arith.addf %add3A_3537, %get3A_3546 : vector<16xf32>
      %mul3A_3548 = arith.constant 16 : i32
      %mul3A_3549 = arith.muli %scan3A_2504, %mul3A_3548 : i32
      %get3A_3550 = arith.constant 24 : i32
      %get3A_3551 = arith.constant 3 : i32
      %get3A_3552 = arith.index_cast %get3A_3550 : i32 to index
      %get3A_3553 = arith.index_cast %get3A_3551 : i32 to index
      %get3A_3554 = arith.index_cast %mul3A_3549 : i32 to index
      %get3A_3555 = tpu.vector_load %arg7[%get3A_3552, %get3A_3553, %get3A_3554] {strides = array<i32>} : memref<26x4x128xf32, #tpu.memory_space<vmem>>, vector<1x1x16xf32>,
      %get3A_3556 = vector.shape_cast %get3A_3555 : vector<1x1x16xf32> to vector<16xf32>
      %add3A_3557 = arith.addf %add3A_3547, %get3A_3556 : vector<16xf32>
      %mul3A_3558 = arith.constant 16 : i32
      %mul3A_3559 = arith.muli %scan3A_2504, %mul3A_3558 : i32
      %get3A_3560 = arith.constant 25 : i32
      %get3A_3561 = arith.constant 3 : i32
      %get3A_3562 = arith.index_cast %get3A_3560 : i32 to index
      %get3A_3563 = arith.index_cast %get3A_3561 : i32 to index
      %get3A_3564 = arith.index_cast %mul3A_3559 : i32 to index
      %get3A_3565 = tpu.vector_load %arg7[%get3A_3562, %get3A_3563, %get3A_3564] {strides = array<i32>} : memref<26x4x128xf32, #tpu.memory_space<vmem>>, vector<1x1x16xf32>,
      %get3A_3566 = vector.shape_cast %get3A_3565 : vector<1x1x16xf32> to vector<16xf32>
      %add3A_3567 = arith.addf %add3A_3557, %get3A_3566 : vector<16xf32>
      %mul3A_3568 = arith.constant 16 : i32
      %mul3A_3569 = arith.muli %scan3A_2504, %mul3A_3568 : i32
      %add3A_3570 = arith.constant 384 : i32
      %add3A_3571 = arith.addi %add3A_3570, %mul3A_3569 : i32
      %swap3A_3572 = arith.index_cast %add3A_3571 : i32 to index
      %swap3A_3573 = tpu.vector_load %arg9[%swap3A_3572] {strides = array<i32>} : memref<512xf32, #tpu.memory_space<vmem>>, vector<16xf32>,
      %swap3A_3574 = vector.shape_cast %swap3A_3573 : vector<16xf32> to vector<16xf32>
      %swap3A_3575 = vector.shape_cast %add3A_3567 : vector<16xf32> to vector<16xf32>
      tpu.vector_store %arg9[%swap3A_3572], %swap3A_3575 {strides = array<i32>} : memref<512xf32, #tpu.memory_space<vmem>>, vector<16xf32>,
    }
    %scan3A_2501 = arith.constant 8 : i32
    %mul3A_2502 = arith.constant 512 : i32
    %mul3A_2503 = arith.muli %add3A, %mul3A_2502 : i32
    "tpu.region"() ({
      %run_scoped3A = tpu.sem_alloc : memref<!tpu.dma_semaphore, #tpu.memory_space<semaphore_mem>>
      %dma_start3A_2504 = tpu.memref_slice %arg5[%mul3A_2503] : memref<16384xf32, #tpu.memory_space<hbm>> -> memref<512xf32, #tpu.memory_space<hbm>>
      %dma_start3A_2505 = tpu.memref_slice %arg5[%mul3A_2503] : memref<16384xf32, #tpu.memory_space<hbm>> -> memref<512xf32, #tpu.memory_space<hbm>>
      tpu.enqueue_dma source(%arg9 : memref<512xf32, #tpu.memory_space<vmem>>) target(%dma_start3A_2505 : memref<512xf32, #tpu.memory_space<hbm>>) target_semaphore(%run_scoped3A : memref<!tpu.dma_semaphore, #tpu.memory_space<semaphore_mem>>)
      %dma_wait3A_2506 = tpu.memref_slice %arg5[%mul3A_2503] : memref<16384xf32, #tpu.memory_space<hbm>> -> memref<512xf32, #tpu.memory_space<hbm>>
      %dma_wait3A_2507 = tpu.memref_slice %arg5[%mul3A_2503] : memref<16384xf32, #tpu.memory_space<hbm>> -> memref<512xf32, #tpu.memory_space<hbm>>
      tpu.wait_dma2 semaphore(%run_scoped3A : memref<!tpu.dma_semaphore, #tpu.memory_space<semaphore_mem>>) src(%arg9 : memref<512xf32, #tpu.memory_space<vmem>>) dst(%dma_wait3A_2507 : memref<512xf32, #tpu.memory_space<hbm>>)
      tpu.yield
    }) : () -> ()
    return
  }
}

</mosaic_0001>

<sc_bundles>
// kernel: _embed_sum.3.cloned.1.call-start
scs
__scs_entry_jumppad:
0x0: {  	(pc) =	sbr.rel $0x88, $3  }
0x1: {  	(tag) =	ssettag $0x0;
	lr =	simm.s32 $0x1  }
0x2: {  	[smem:$0x3F9E] =	sst lr;
	_ =	strace $0xD0000000  }
0x3: {  	_ = 	snop  }
0x4: {  	_ = 	snop  }
0x5: {  	_ = 	snop  }
0x6: {  	_ = 	snop  }
0x7: {  	_ = 	snop  }
__scs_overlays_trampoline_lowered:
0x8: {  	[smem:$0x3FAD] =	sst s0  }
0x9: {  	[smem:$0x3FAE] =	sst s1  }
0xa: {  	[smem:$0x3FAF] =	sst s2  }
0xb: {  	[smem:$0x3FB0] =	sst s3  }
0xc: {  	[smem:$0x3FB1] =	sst s4  }
0xd: {  	[smem:$0x3FB2] =	sst s5  }
0xe: {  	[smem:$0x3FB3] =	sst s6  }
0xf: {  	[smem:$0x3FB4] =	sst s7  }
0x10: {  	[smem:$0x3FB5] =	sst s8  }
0x11: {  	[smem:$0x3FB6] =	sst s9;
	s0 =	simm.s32 @!p0 $0x0  }
0x12: {  	s1 =	sld [smem:$0x3F9C];
	s0 =	simm.s32 @p0 $0x1  }
0x13: {  	[smem:$0x3FB7] =	sst s0;
	s0 =	simm.s32 @!p1 $0x0  }
0x14: {  	s2 =	sld [smem:$0x3F9B];
	s0 =	simm.s32 @p1 $0x1  }
0x15: {  	[smem:$0x3FB8] =	sst s0;
	s0 =	simm.s32 @!p2 $0x0  }
0x16: {  	s3 =	sld [smem:$0x3FDB];
	s0 =	simm.s32 @p2 $0x1  }
0x17: {  	s4 =	simm.s32 $0x1BF5;
	[smem:$0x3FBA] =	sst s0  }
0x18: {  	s0 =	sld [smem:$0x3F9D];
	_ =	swait.ge [sflag:s4], $0x0  }
0x19: {  	s7 =	sld [smem:$0x3F9E]  }
0x1a: {  	s8 =	sadd.s32 $0xFFFFE003, lr  }
0x1b: {  	s9 =	sadd.s32 $0xFFFFFEF7, lr;
	s5 =	simm.s32 $0xFFFFFFFF;
	p2 =	slt.u32 s8, $0xFFFFF086  }
0x1c: {  	p1 =	slt.u32 s9, $0xF7A;
	s5 =	simm.s32 @!p2 $0x0  }
0x1d: {  	s5 =	simm.s32 @p1 $0x1;
	p0 =	seq.s32 s7, s2  }
0x1e: {  	s7 =	smul.u32 @!p0 $0xF7A, s2;
	p2 =	seq.s32 @!p0 s5, $0x0  }
0x1f: {  	s9 =	smul.u32 $0xF7A, s1;
	s8 =	simm.s32 @!p0 $0x1BF5;
	p2 =	por !p2, p0  }
0x20: {  	[sflag:s8] =	ssyncset.s32 @!p0 $0xFFFFF086;
	s6 =	sadd.s32 @!p0 s3, s7;
	s7 =	simm.s32 @!p0 $0x108  }
0x21: {  	s3 =	sadd.s32 s3, s9;
	s6 =	sadd.s32 @!p0 $0x88, s6;
	s7 =	simm.s32 @p2 $0x1082  }
0x22: {  	[simem:s7], [sflag:s8] =	dma.local @!p0 [hbm:s6], $0xF7A  }
0x23: {  	s9 =	sor.u32 $0xD0000000, s2;
	s6 =	simm.s32 $0x108;
	_ =	swait.ge @!p0 [sflag:s8], $0x0  }
0x24: {  	s3 =	sadd.s32 $0x88, s3;
	s6 =	simm.s32 @!p1 $0x1082;
	[sflag:s4] =	ssyncset.s32 $0xFFFFF086  }
0x25: {  	[simem:s6], [sflag:s4] =	dma.local [hbm:s3], $0xF7A  }
0x26: {  	[smem:$0x3F9E] =	sst s1;
	(tag) =	ssettag s2;
	_ =	strace s9  }
0x27: {  	s1 =	sld [smem:$0x3FAE]  }
0x28: {  	s2 =	sld [smem:$0x3FAF]  }
0x29: {  	s4 =	sld [smem:$0x3FB1]  }
0x2a: {  	p0 =	seq.s32 s5, $0x0;
	s5 =	sld [smem:$0x3FB2]  }
0x2b: {  	s6 =	sld [smem:$0x3FB3]  }
0x2c: {  	s7 =	sld [smem:$0x3FB4]  }
0x2d: {  	s3 =	simm.s32 $0x108;
	s8 =	sld [smem:$0x3FB5]  }
0x2e: {  	s3 =	simm.s32 @!p0 $0x1082;
	s9 =	sld [smem:$0x3FB6]  }
0x2f: {  	lr =	sadd.s32 s0, s3;
	s0 =	sld [smem:$0x3FAD]  }
0x30: {  	s3 =	sld [smem:$0x3FB0]  }
0x31: {  	[smem:$0x3FB9] =	sst s10  }
0x32: {  	s10 =	sld [smem:$0x3FB7];
	_ =	sdelay $0x3  }
0x33: {  	p0 =	seq.s32 s10, $0x1;
	s10 =	sld [smem:$0x3FB9];
	_ =	sdelay $0x3  }
0x34: {  	[smem:$0x3FB9] =	sst s10  }
0x35: {  	s10 =	sld [smem:$0x3FB8];
	_ =	sdelay $0x3  }
0x36: {  	p1 =	seq.s32 s10, $0x1;
	s10 =	sld [smem:$0x3FB9];
	_ =	sdelay $0x3  }
0x37: {  	[smem:$0x3FB9] =	sst s10  }
0x38: {  	s10 =	sld [smem:$0x3FBA]  }
0x39: {  	_ = 	snop;
	(pc) =	sbr.ind lr, $3  }
0x3a: {  	_ = 	snop  }
0x3b: {  	_ = 	snop  }
0x3c: {  	p2 =	seq.s32 s10, $0x1;
	s10 =	sld [smem:$0x3FB9]  }
0x3d: {  	_ =	shalt  }
0x3e: {  	_ =	shalt  }
0x3f: {  	_ =	shalt  }
0x40: {  	_ =	shalt  }
0x41: {  	_ =	shalt  }
0x42: {  	_ =	shalt  }
0x43: {  	_ =	shalt  }
0x44: {  	_ =	shalt  }
0x45: {  	_ =	shalt  }
0x46: {  	_ =	shalt  }
0x47: {  	_ =	shalt  }
0x48: {  	_ =	shalt  }
0x49: {  	_ =	shalt  }
0x4a: {  	_ =	shalt  }
0x4b: {  	_ =	shalt  }
0x4c: {  	_ =	shalt  }
0x4d: {  	_ =	shalt  }
0x4e: {  	_ =	shalt  }
0x4f: {  	_ =	shalt  }
0x50: {  	_ =	shalt  }
0x51: {  	_ =	shalt  }
0x52: {  	_ =	shalt  }
0x53: {  	_ =	shalt  }
0x54: {  	_ =	shalt  }
0x55: {  	_ =	shalt  }
0x56: {  	_ =	shalt  }
0x57: {  	_ =	shalt  }
0x58: {  	_ =	shalt  }
0x59: {  	_ =	shalt  }
0x5a: {  	_ =	shalt  }
0x5b: {  	_ =	shalt  }
0x5c: {  	_ =	shalt  }
0x5d: {  	_ =	shalt  }
0x5e: {  	_ =	shalt  }
0x5f: {  	_ =	shalt  }
0x60: {  	_ =	shalt  }
0x61: {  	_ =	shalt  }
0x62: {  	_ =	shalt  }
0x63: {  	_ =	shalt  }
0x64: {  	_ =	shalt  }
0x65: {  	_ =	shalt  }
0x66: {  	_ =	shalt  }
0x67: {  	_ =	shalt  }
0x68: {  	_ =	shalt  }
0x69: {  	_ =	shalt  }
0x6a: {  	_ =	shalt  }
0x6b: {  	_ =	shalt  }
0x6c: {  	_ =	shalt  }
0x6d: {  	_ =	shalt  }
0x6e: {  	_ =	shalt  }
0x6f: {  	_ =	shalt  }
0x70: {  	_ =	shalt  }
0x71: {  	_ =	shalt  }
0x72: {  	_ =	shalt  }
0x73: {  	_ =	shalt  }
0x74: {  	_ =	shalt  }
0x75: {  	_ =	shalt  }
0x76: {  	_ =	shalt  }
0x77: {  	_ =	shalt  }
0x78: {  	_ =	shalt  }
0x79: {  	_ =	shalt  }
0x7a: {  	_ =	shalt  }
0x7b: {  	_ =	shalt  }
0x7c: {  	_ =	shalt  }
0x7d: {  	_ =	shalt  }
0x7e: {  	_ =	shalt  }
0x7f: {  	_ =	shalt  }
0x80: {  	_ =	shalt  }
0x81: {  	_ =	shalt  }
0x82: {  	_ =	shalt  }
0x83: {  	_ =	shalt  }
0x84: {  	_ =	shalt  }
0x85: {  	_ =	shalt  }
0x86: {  	_ =	shalt  }
0x87: {  	_ =	shalt  }
.Lfunc_end0:
.L_simem_size_0:
called_computation_lowered:
.L_overlay_start_0:
0x88: {  	s2 =	sld [smem:$0x3FD9]  }
0x89: {  	s3 =	sld [smem:$0x3FFE];
	_ =	sdelay $0x1  }
0x8a: {  	s1 =	srdreg.scid  }
0x8b: {  	s0 =	sand.u32 $0x1, s1  }
0x8c: {  	s18 =	sshll.u32 s0, $0xA;
	s2 =	sadd.s32 s3, s2  }
0x8d: {  	s2 =	sadd.s32 s2, s18  }
0x8e: {  	[smem:$0x3FC5] =	sst s2  }
0x8f: {  	_ = 	snop  }
0x90: {  	s2 =	sld [smem:$0x3FC9]  }
0x91: {  	s19 =	sld [smem:$0x3FC8]  }
0x92: {  	s4 =	sld [smem:$0x3FC7]  }
0x93: {  	s5 =	sld [smem:$0x3FD0];
	(tm) =	ssettm $0x1  }
0x94: {  	s6 =	sld [smem:$0x3FFB];
	_ =	sdelay $0x3  }
0x95: {  	_ =	strace s6  }
0x96: {  	s6 =	sld [smem:$0x3FFC];
	_ =	sdelay $0x3  }
0x97: {  	_ =	strace s6  }
0x98: {  	s6 =	sld [smem:$0x3FFD];
	_ =	sdelay $0x3  }
0x99: {  	_ =	strace s6  }
0x9a: {  	_ =	strace $0x8FFFFFFF  }
0x9b: {  	s20 =	sld [smem:$0x3FDB];
	_ =	sdelay $0x1  }
0x9c: {  	s7 =	simm.s32 $_scs_section_size  }
0x9d: {  	s8 =	simm.s32 $_size__tile_overlayer_lowered;
	s9 =	simm.s32 $_tile_overlayer_lowered  }
0x9e: {  	s23 =	simm.s32 $0x1BFF;
	s22 =	sshll.u32 s9, $0x1;
	s6 =	sadd.s32 s7, s20  }
0x9f: {  	s10 =	simm.s32 $0x0;
	s21 =	sshll.u32 s8, $0x1;
	s8 =	sadd.s32 s22, s6  }
0xa0: {  	[timem:s10], [sflag:s23] =	dma.local [hbm:s8], s21  }
0xa1: {  	_ =	swait.ge [sflag:s23], s21  }
0xa2: {  	s7 =	ssub.s32 $0x0, s21;
	[sflag:s23] =	ssyncset.done $0x0  }
0xa3: {  	[sflag:s23] =	ssyncadd.s32 s7;
	_ =	sdelay $0x1  }
0xa4: {  	s24 =	simm.s32 $0x1B8B  }
0xa5: {  	_ =	swait.ge [sflag:s24], $0x1  }
0xa6: {  	[sflag:s24] =	ssyncset.done $0x0  }
0xa7: {  	s25 =	simm.s32 $0x1B8E;
	[sflag:s24] =	ssyncadd.s32 $0xFFFFFFFF  }
0xa8: {  	s26 =	simm.s32 $execute0_lowered;
	[smem:$0x3FD2] =	sst s25  }
0xa9: {  	s7 =	sshll.u32 s26, $0x1;
	_ =	strace $0x80000046;
	[dreg:$0x1] =	wrdreg $0xFFFFFFFF  }
0xaa: {  	s28 =	simm.s32 $_size_execute0_lowered;
	s6 =	sadd.s32 s6, s7;
	[dreg:$0x0] =	wrdreg $0x0  }
0xab: {  	s7 =	sshll.u32 s28, $0x1;
	[dreg:$0x2] =	wrdreg s6  }
0xac: {  	[dreg:$0x3] =	wrdreg s7  }
0xad: {  	[dreg:$0x4] =	wrdreg $0xC0  }
0xae: {  	_ =	task [dreg:s10], $0x5FFFF  }
0xaf: {  	[dreg:$0x1] =	wrdreg $0xFFFFFFFF  }
0xb0: {  	[dreg:$0x0] =	wrdreg $0x60  }
0xb1: {  	[dreg:$0x2] =	wrdreg s2  }
0xb2: {  	[dreg:$0x3] =	wrdreg s19  }
0xb3: {  	[dreg:$0x4] =	wrdreg s4  }
0xb4: {  	[dreg:$0x5] =	wrdreg s5  }
0xb5: {  	[dreg:$0x6] =	wrdreg $0x9  }
0xb6: {  	_ =	task.clear_ibuf [dreg:s10], $0x7FFFF;
	_ =	strace $0x90000046  }
0xb7: {  	s29 =	simm.s32 $0x9;
	_ =	strace $0x80000048  }
0xb8: {  	_ =	swait.ge [sflag:s29], $0x1  }
0xb9: {  	[sflag:s29] =	ssyncadd.s32 $0xFFFFFFFF  }
0xba: {  	_ =	strace $0x90000048  }
0xbb: {  	_ =	sfence  }
0xbc: {  	s30 =	sld [smem:$0x0];
	_ =	sdelay $0x2  }
0xbd: {  	s31 =	sshll.u32 s1, $0xD;
	s1 =	sshrl.u32 s1, $0x2  }
0xbe: {  	s3 =	sand.u32 $0x4000, s31;
	s1 =	sadd.s32 s1, s30  }
0xbf: {  	s0 =	sor.u32 s3, s0;
	s1 =	sshll.u32 s1, $0x11  }
0xc0: {  	s0 =	sor.u32 s1, s0  }
0xc1: {  	s0 =	sadd.s32 $0x8F2B, s0  }
0xc2: {  	[sflag:s0] =	ssyncadd.remote.s32 $0x1  }
0xc3: {  	_ =	sfence.sel $0xFFFF  }
0xc4: {  	[dreg:$0x0] =	wrdreg $0xFFFFFFFF;
	(pc) =	sbr.abs _section_cstart, $3  }
0xc5: {  	[dreg:$0x1] =	wrdreg $0xFFFFFFFF  }
0xc6: {  	_ =	task.clear_ibuf [dreg:s10], $0x2FFFF;
	_ =	strace $0x9FFFFFFF  }
0xc7: {  	(tm) =	ssettm $0x7FFFFFFF  }
tec
execute0_lowered:
.L_overlay_start_1:
0x0: {  	(tag) =	ssettag $0x1  }
0x1: {  	s0 =	rddreg [dreg:$0x0]  }
0x2: {  	s1 =	rddreg [dreg:$0x1];
	s2 =	srdreg.scid  }
0x3: {  	s4 =	stileid.u32;
	s3 =	rddreg [dreg:$0x3];
	s10 =	simm.s32 $0x80  }
0x4: {  	s9 =	simm.s32 $0x6400;
	s11 =	simm.s32 $0x3080;
	s12 =	simm.s32 $0x6480  }
0x5: {  	s13 =	simm.s32 $0x3100;
	s14 =	simm.s32 $0x6500;
	s15 =	simm.s32 $0x3180  }
0x6: {  	s16 =	simm.s32 $0x6580;
	s17 =	simm.s32 $0x3200;
	s18 =	simm.s32 $0x6600  }
0x7: {  	s19 =	simm.s32 $0x3280;
	s20 =	simm.s32 $0x6680;
	s21 =	simm.s32 $0x3300  }
0x8: {  	s22 =	simm.s32 $0x6700;
	s23 =	simm.s32 $0x3380;
	s24 =	simm.s32 $0x6780  }
0x9: {  	s25 =	simm.s32 $0x1;
	s2 =	sand.u32 $0x1, s2;
	s5 =	sshll.u32 s4, $0x1  }
0xa: {  	s26 =	simm.s32 $0x6880;
	s4 =	simm.s32 $0x0;
	s5 =	sor.u32 s2, s5  }
0xb: {  	[smem:$0x7FF] =	sst s4;
	s2 =	ssub.s32 $0x2, s2;
	s6 =	smul.u32 $0x680, s5  }
0xc: {  	s28 =	simm.s32 $0x0;
	_ =	strace $0x80000047;
	s7 =	sshrl.u32 s2, $0x1  }
0xd: {  	s8 =	sshll.u32 s5, $0x6;
	s2 =	ssub.s32 s2, s7;
	s5 =	sadd.s32 s0, s6  }
0xe: {  	s6 =	sadd.s32 s3, s8;
	s7 =	smax.u32 s2, $0x1;
	s8 =	simm.s32 $0x2  }
0xf: {  	s2 =	simm.s32 $0x2F80;
	s0 =	simm.s32 $0x6380;
	s3 =	simm.s32 $0x3000  }
.LBB2_1:
0x10: {  	[tilespmem:s4], [sflag:$0x2] =	stream.linear.gather [hbm4b:s5+s4], $0x3400, $0x38;
	[tilespmem:$0x6A80] =	vst v63  }
0x11: {  	_ =	swait.ge [sflag:s8], $0x3400  }
0x12: {  	[sflag:s8] =	ssyncset.done $0x0  }
0x13: {  	[sflag:s8] =	ssyncadd.s32 $0xFFFFCC00  }
0x14: {  	s30 =	simm.s32 $0x6800;
	s29 =	rddreg [dreg:$0x2]  }
0x15: {  	[tilespmem:s30], [sflag:$0x2] =	stream.linear.gather [hbm4b:s29+s4], $0x80, $0x38;
	[tilespmem:$0x6A80] =	vst v63  }
0x16: {  	_ =	swait.ge [sflag:s8], $0x80  }
0x17: {  	[sflag:s8] =	ssyncset.done $0x0  }
0x18: {  	s29 =	simm.s32 $0x3400;
	[sflag:s8] =	ssyncadd.s32 $0xFFFFFF80  }
0x19: {  	[tilespmem:s29], [sflag:$0x1] =	stream.indirect.gather [hbm4b:s1+s10], $0x1, s4, s10, $0xb8;
	[tilespmem:$0x6A80] =	vst v63  }
0x1a: {  	s29 =	simm.s32 $0x3480  }
0x1b: {  	[tilespmem:s29], [sflag:$0x1] =	stream.indirect.gather [hbm4b:s1+s10], $0x1, s10, s10, $0xb8;
	[tilespmem:$0x6A80] =	vst v63  }
0x1c: {  	s30 =	simm.s32 $0x3500;
	s29 =	simm.s32 $0x100  }
0x1d: {  	[tilespmem:s30], [sflag:$0x1] =	stream.indirect.gather [hbm4b:s1+s10], $0x1, s29, s10, $0xb8;
	[tilespmem:$0x6A80] =	vst v63  }
0x1e: {  	s29 =	simm.s32 $0x180;
	s30 =	simm.s32 $0x3580  }
0x1f: {  	[tilespmem:s30], [sflag:$0x1] =	stream.indirect.gather [hbm4b:s1+s10], $0x1, s29, s10, $0xb8;
	[tilespmem:$0x6A80] =	vst v63  }
0x20: {  	s29 =	simm.s32 $0x200;
	s30 =	simm.s32 $0x3600  }
0x21: {  	[tilespmem:s30], [sflag:$0x1] =	stream.indirect.gather [hbm4b:s1+s10], $0x1, s29, s10, $0xb8;
	[tilespmem:$0x6A80] =	vst v63  }
0x22: {  	s29 =	simm.s32 $0x280;
	s30 =	simm.s32 $0x3680  }
0x23: {  	[tilespmem:s30], [sflag:$0x1] =	stream.indirect.gather [hbm4b:s1+s10], $0x1, s29, s10, $0xb8;
	[tilespmem:$0x6A80] =	vst v63  }
0x24: {  	s29 =	simm.s32 $0x300;
	s30 =	simm.s32 $0x3700  }
0x25: {  	[tilespmem:s30], [sflag:$0x1] =	stream.indirect.gather [hbm4b:s1+s10], $0x1, s29, s10, $0xb8;
	[tilespmem:$0x6A80] =	vst v63  }
0x26: {  	s29 =	simm.s32 $0x380;
	s30 =	simm.s32 $0x3780  }
0x27: {  	[tilespmem:s30], [sflag:$0x1] =	stream.indirect.gather [hbm4b:s1+s10], $0x1, s29, s10, $0xb8;
	[tilespmem:$0x6A80] =	vst v63  }
0x28: {  	s29 =	simm.s32 $0x400;
	s30 =	simm.s32 $0x3800  }
0x29: {  	[tilespmem:s30], [sflag:$0x1] =	stream.indirect.gather [hbm4b:s1+s10], $0x1, s29, s10, $0xb8;
	[tilespmem:$0x6A80] =	vst v63  }
0x2a: {  	s29 =	simm.s32 $0x480;
	s30 =	simm.s32 $0x3880  }
0x2b: {  	[tilespmem:s30], [sflag:$0x1] =	stream.indirect.gather [hbm4b:s1+s10], $0x1, s29, s10, $0xb8;
	[tilespmem:$0x6A80] =	vst v63  }
0x2c: {  	s29 =	simm.s32 $0x500;
	s30 =	simm.s32 $0x3900  }
0x2d: {  	[tilespmem:s30], [sflag:$0x1] =	stream.indirect.gather [hbm4b:s1+s10], $0x1, s29, s10, $0xb8;
	[tilespmem:$0x6A80] =	vst v63  }
0x2e: {  	s29 =	simm.s32 $0x580;
	s30 =	simm.s32 $0x3980  }
0x2f: {  	[tilespmem:s30], [sflag:$0x1] =	stream.indirect.gather [hbm4b:s1+s10], $0x1, s29, s10, $0xb8;
	[tilespmem:$0x6A80] =	vst v63  }
0x30: {  	s29 =	simm.s32 $0x600;
	s30 =	simm.s32 $0x3A00  }
0x31: {  	[tilespmem:s30], [sflag:$0x1] =	stream.indirect.gather [hbm4b:s1+s10], $0x1, s29, s10, $0xb8;
	[tilespmem:$0x6A80] =	vst v63  }
0x32: {  	s29 =	simm.s32 $0x680;
	s30 =	simm.s32 $0x3A80  }
0x33: {  	[tilespmem:s30], [sflag:$0x1] =	stream.indirect.gather [hbm4b:s1+s10], $0x1, s29, s10, $0xb8;
	[tilespmem:$0x6A80] =	vst v63  }
0x34: {  	s29 =	simm.s32 $0x700;
	s30 =	simm.s32 $0x3B00  }
0x35: {  	[tilespmem:s30], [sflag:$0x1] =	stream.indirect.gather [hbm4b:s1+s10], $0x1, s29, s10, $0xb8;
	[tilespmem:$0x6A80] =	vst v63  }
0x36: {  	s29 =	simm.s32 $0x780;
	s30 =	simm.s32 $0x3B80  }
0x37: {  	[tilespmem:s30], [sflag:$0x1] =	stream.indirect.gather [hbm4b:s1+s10], $0x1, s29, s10, $0xb8;
	[tilespmem:$0x6A80] =	vst v63  }
0x38: {  	s29 =	simm.s32 $0x800;
	s30 =	simm.s32 $0x3C00  }
0x39: {  	[tilespmem:s30], [sflag:$0x1] =	stream.indirect.gather [hbm4b:s1+s10], $0x1, s29, s10, $0xb8;
	[tilespmem:$0x6A80] =	vst v63  }
0x3a: {  	s29 =	simm.s32 $0x880;
	s30 =	simm.s32 $0x3C80  }
0x3b: {  	[tilespmem:s30], [sflag:$0x1] =	stream.indirect.gather [hbm4b:s1+s10], $0x1, s29, s10, $0xb8;
	[tilespmem:$0x6A80] =	vst v63  }
0x3c: {  	s29 =	simm.s32 $0x900;
	s30 =	simm.s32 $0x3D00  }
0x3d: {  	[tilespmem:s30], [sflag:$0x1] =	stream.indirect.gather [hbm4b:s1+s10], $0x1, s29, s10, $0xb8;
	[tilespmem:$0x6A80] =	vst v63  }
0x3e: {  	s29 =	simm.s32 $0x980;
	s30 =	simm.s32 $0x3D80  }
0x3f: {  	[tilespmem:s30], [sflag:$0x1] =	stream.indirect.gather [hbm4b:s1+s10], $0x1, s29, s10, $0xb8;
	[tilespmem:$0x6A80] =	vst v63  }
0x40: {  	s29 =	simm.s32 $0xA00;
	s30 =	simm.s32 $0x3E00  }
0x41: {  	[tilespmem:s30], [sflag:$0x1] =	stream.indirect.gather [hbm4b:s1+s10], $0x1, s29, s10, $0xb8;
	[tilespmem:$0x6A80] =	vst v63  }
0x42: {  	s29 =	simm.s32 $0xA80;
	s30 =	simm.s32 $0x3E80  }
0x43: {  	[tilespmem:s30], [sflag:$0x1] =	stream.indirect.gather [hbm4b:s1+s10], $0x1, s29, s10, $0xb8;
	[tilespmem:$0x6A80] =	vst v63  }
0x44: {  	s29 =	simm.s32 $0xB00;
	s30 =	simm.s32 $0x3F00  }
0x45: {  	[tilespmem:s30], [sflag:$0x1] =	stream.indirect.gather [hbm4b:s1+s10], $0x1, s29, s10, $0xb8;
	[tilespmem:$0x6A80] =	vst v63  }
0x46: {  	s29 =	simm.s32 $0xB80;
	s30 =	simm.s32 $0x3F80  }
0x47: {  	[tilespmem:s30], [sflag:$0x1] =	stream.indirect.gather [hbm4b:s1+s10], $0x1, s29, s10, $0xb8;
	[tilespmem:$0x6A80] =	vst v63  }
0x48: {  	s29 =	simm.s32 $0xC00;
	s30 =	simm.s32 $0x4000  }
0x49: {  	[tilespmem:s30], [sflag:$0x1] =	stream.indirect.gather [hbm4b:s1+s10], $0x1, s29, s10, $0xb8;
	[tilespmem:$0x6A80] =	vst v63  }
0x4a: {  	s29 =	simm.s32 $0xC80;
	s30 =	simm.s32 $0x4080  }
0x4b: {  	[tilespmem:s30], [sflag:$0x1] =	stream.indirect.gather [hbm4b:s1+s10], $0x1, s29, s10, $0xb8;
	[tilespmem:$0x6A80] =	vst v63  }
0x4c: {  	s29 =	simm.s32 $0xD00;
	s30 =	simm.s32 $0x4100  }
0x4d: {  	[tilespmem:s30], [sflag:$0x1] =	stream.indirect.gather [hbm4b:s1+s10], $0x1, s29, s10, $0xb8;
	[tilespmem:$0x6A80] =	vst v63  }
0x4e: {  	s29 =	simm.s32 $0xD80;
	s30 =	simm.s32 $0x4180  }
0x4f: {  	[tilespmem:s30], [sflag:$0x1] =	stream.indirect.gather [hbm4b:s1+s10], $0x1, s29, s10, $0xb8;
	[tilespmem:$0x6A80] =	vst v63  }
0x50: {  	s29 =	simm.s32 $0xE00;
	s30 =	simm.s32 $0x4200  }
0x51: {  	[tilespmem:s30], [sflag:$0x1] =	stream.indirect.gather [hbm4b:s1+s10], $0x1, s29, s10, $0xb8;
	[tilespmem:$0x6A80] =	vst v63  }
0x52: {  	s29 =	simm.s32 $0xE80;
	s30 =	simm.s32 $0x4280  }
0x53: {  	[tilespmem:s30], [sflag:$0x1] =	stream.indirect.gather [hbm4b:s1+s10], $0x1, s29, s10, $0xb8;
	[tilespmem:$0x6A80] =	vst v63  }
0x54: {  	s29 =	simm.s32 $0xF00;
	s30 =	simm.s32 $0x4300  }
0x55: {  	[tilespmem:s30], [sflag:$0x1] =	stream.indirect.gather [hbm4b:s1+s10], $0x1, s29, s10, $0xb8;
	[tilespmem:$0x6A80] =	vst v63  }
0x56: {  	s29 =	simm.s32 $0xF80;
	s30 =	simm.s32 $0x4380  }
0x57: {  	[tilespmem:s30], [sflag:$0x1] =	stream.indirect.gather [hbm4b:s1+s10], $0x1, s29, s10, $0xb8;
	[tilespmem:$0x6A80] =	vst v63  }
0x58: {  	s29 =	simm.s32 $0x1000;
	s30 =	simm.s32 $0x4400  }
0x59: {  	[tilespmem:s30], [sflag:$0x1] =	stream.indirect.gather [hbm4b:s1+s10], $0x1, s29, s10, $0xb8;
	[tilespmem:$0x6A80] =	vst v63  }
0x5a: {  	s29 =	simm.s32 $0x1080;
	s30 =	simm.s32 $0x4480  }
0x5b: {  	[tilespmem:s30], [sflag:$0x1] =	stream.indirect.gather [hbm4b:s1+s10], $0x1, s29, s10, $0xb8;
	[tilespmem:$0x6A80] =	vst v63  }
0x5c: {  	s29 =	simm.s32 $0x1100;
	s30 =	simm.s32 $0x4500  }
0x5d: {  	[tilespmem:s30], [sflag:$0x1] =	stream.indirect.gather [hbm4b:s1+s10], $0x1, s29, s10, $0xb8;
	[tilespmem:$0x6A80] =	vst v63  }
0x5e: {  	s29 =	simm.s32 $0x1180;
	s30 =	simm.s32 $0x4580  }
0x5f: {  	[tilespmem:s30], [sflag:$0x1] =	stream.indirect.gather [hbm4b:s1+s10], $0x1, s29, s10, $0xb8;
	[tilespmem:$0x6A80] =	vst v63  }
0x60: {  	s29 =	simm.s32 $0x1200;
	s30 =	simm.s32 $0x4600  }
0x61: {  	[tilespmem:s30], [sflag:$0x1] =	stream.indirect.gather [hbm4b:s1+s10], $0x1, s29, s10, $0xb8;
	[tilespmem:$0x6A80] =	vst v63  }
0x62: {  	s29 =	simm.s32 $0x1280;
	s30 =	simm.s32 $0x4680  }
0x63: {  	[tilespmem:s30], [sflag:$0x1] =	stream.indirect.gather [hbm4b:s1+s10], $0x1, s29, s10, $0xb8;
	[tilespmem:$0x6A80] =	vst v63  }
0x64: {  	s29 =	simm.s32 $0x1300;
	s30 =	simm.s32 $0x4700  }
0x65: {  	[tilespmem:s30], [sflag:$0x1] =	stream.indirect.gather [hbm4b:s1+s10], $0x1, s29, s10, $0xb8;
	[tilespmem:$0x6A80] =	vst v63  }
0x66: {  	s29 =	simm.s32 $0x1380;
	s30 =	simm.s32 $0x4780  }
0x67: {  	[tilespmem:s30], [sflag:$0x1] =	stream.indirect.gather [hbm4b:s1+s10], $0x1, s29, s10, $0xb8;
	[tilespmem:$0x6A80] =	vst v63  }
0x68: {  	s29 =	simm.s32 $0x1400;
	s30 =	simm.s32 $0x4800  }
0x69: {  	[tilespmem:s30], [sflag:$0x1] =	stream.indirect.gather [hbm4b:s1+s10], $0x1, s29, s10, $0xb8;
	[tilespmem:$0x6A80] =	vst v63  }
0x6a: {  	s29 =	simm.s32 $0x1480;
	s30 =	simm.s32 $0x4880  }
0x6b: {  	[tilespmem:s30], [sflag:$0x1] =	stream.indirect.gather [hbm4b:s1+s10], $0x1, s29, s10, $0xb8;
	[tilespmem:$0x6A80] =	vst v63  }
0x6c: {  	s29 =	simm.s32 $0x1500;
	s30 =	simm.s32 $0x4900  }
0x6d: {  	[tilespmem:s30], [sflag:$0x1] =	stream.indirect.gather [hbm4b:s1+s10], $0x1, s29, s10, $0xb8;
	[tilespmem:$0x6A80] =	vst v63  }
0x6e: {  	s29 =	simm.s32 $0x1580;
	s30 =	simm.s32 $0x4980  }
0x6f: {  	[tilespmem:s30], [sflag:$0x1] =	stream.indirect.gather [hbm4b:s1+s10], $0x1, s29, s10, $0xb8;
	[tilespmem:$0x6A80] =	vst v63  }
0x70: {  	s29 =	simm.s32 $0x1600;
	s30 =	simm.s32 $0x4A00  }
0x71: {  	[tilespmem:s30], [sflag:$0x1] =	stream.indirect.gather [hbm4b:s1+s10], $0x1, s29, s10, $0xb8;
	[tilespmem:$0x6A80] =	vst v63  }
0x72: {  	s29 =	simm.s32 $0x1680;
	s30 =	simm.s32 $0x4A80  }
0x73: {  	[tilespmem:s30], [sflag:$0x1] =	stream.indirect.gather [hbm4b:s1+s10], $0x1, s29, s10, $0xb8;
	[tilespmem:$0x6A80] =	vst v63  }
0x74: {  	s29 =	simm.s32 $0x1700;
	s30 =	simm.s32 $0x4B00  }
0x75: {  	[tilespmem:s30], [sflag:$0x1] =	stream.indirect.gather [hbm4b:s1+s10], $0x1, s29, s10, $0xb8;
	[tilespmem:$0x6A80] =	vst v63  }
0x76: {  	s29 =	simm.s32 $0x1780;
	s30 =	simm.s32 $0x4B80  }
0x77: {  	[tilespmem:s30], [sflag:$0x1] =	stream.indirect.gather [hbm4b:s1+s10], $0x1, s29, s10, $0xb8;
	[tilespmem:$0x6A80] =	vst v63  }
0x78: {  	s29 =	simm.s32 $0x1800;
	s30 =	simm.s32 $0x4C00  }
0x79: {  	[tilespmem:s30], [sflag:$0x1] =	stream.indirect.gather [hbm4b:s1+s10], $0x1, s29, s10, $0xb8;
	[tilespmem:$0x6A80] =	vst v63  }
0x7a: {  	s29 =	simm.s32 $0x1880;
	s30 =	simm.s32 $0x4C80  }
0x7b: {  	[tilespmem:s30], [sflag:$0x1] =	stream.indirect.gather [hbm4b:s1+s10], $0x1, s29, s10, $0xb8;
	[tilespmem:$0x6A80] =	vst v63  }
0x7c: {  	s29 =	simm.s32 $0x1900;
	s30 =	simm.s32 $0x4D00  }
0x7d: {  	[tilespmem:s30], [sflag:$0x1] =	stream.indirect.gather [hbm4b:s1+s10], $0x1, s29, s10, $0xb8;
	[tilespmem:$0x6A80] =	vst v63  }
0x7e: {  	s29 =	simm.s32 $0x1980;
	s30 =	simm.s32 $0x4D80  }
0x7f: {  	[tilespmem:s30], [sflag:$0x1] =	stream.indirect.gather [hbm4b:s1+s10], $0x1, s29, s10, $0xb8;
	[tilespmem:$0x6A80] =	vst v63  }
0x80: {  	s29 =	simm.s32 $0x1A00;
	s30 =	simm.s32 $0x4E00  }
0x81: {  	[tilespmem:s30], [sflag:$0x1] =	stream.indirect.gather [hbm4b:s1+s10], $0x1, s29, s10, $0xb8;
	[tilespmem:$0x6A80] =	vst v63  }
0x82: {  	s29 =	simm.s32 $0x1A80;
	s30 =	simm.s32 $0x4E80  }
0x83: {  	[tilespmem:s30], [sflag:$0x1] =	stream.indirect.gather [hbm4b:s1+s10], $0x1, s29, s10, $0xb8;
	[tilespmem:$0x6A80] =	vst v63  }
0x84: {  	s29 =	simm.s32 $0x1B00;
	s30 =	simm.s32 $0x4F00  }
0x85: {  	[tilespmem:s30], [sflag:$0x1] =	stream.indirect.gather [hbm4b:s1+s10], $0x1, s29, s10, $0xb8;
	[tilespmem:$0x6A80] =	vst v63  }
0x86: {  	s29 =	simm.s32 $0x1B80;
	s30 =	simm.s32 $0x4F80  }
0x87: {  	[tilespmem:s30], [sflag:$0x1] =	stream.indirect.gather [hbm4b:s1+s10], $0x1, s29, s10, $0xb8;
	[tilespmem:$0x6A80] =	vst v63  }
0x88: {  	s29 =	simm.s32 $0x1C00;
	s30 =	simm.s32 $0x5000  }
0x89: {  	[tilespmem:s30], [sflag:$0x1] =	stream.indirect.gather [hbm4b:s1+s10], $0x1, s29, s10, $0xb8;
	[tilespmem:$0x6A80] =	vst v63  }
0x8a: {  	s29 =	simm.s32 $0x1C80;
	s30 =	simm.s32 $0x5080  }
0x8b: {  	[tilespmem:s30], [sflag:$0x1] =	stream.indirect.gather [hbm4b:s1+s10], $0x1, s29, s10, $0xb8;
	[tilespmem:$0x6A80] =	vst v63  }
0x8c: {  	s29 =	simm.s32 $0x1D00;
	s30 =	simm.s32 $0x5100  }
0x8d: {  	[tilespmem:s30], [sflag:$0x1] =	stream.indirect.gather [hbm4b:s1+s10], $0x1, s29, s10, $0xb8;
	[tilespmem:$0x6A80] =	vst v63  }
0x8e: {  	s29 =	simm.s32 $0x1D80;
	s30 =	simm.s32 $0x5180  }
0x8f: {  	[tilespmem:s30], [sflag:$0x1] =	stream.indirect.gather [hbm4b:s1+s10], $0x1, s29, s10, $0xb8;
	[tilespmem:$0x6A80] =	vst v63  }
0x90: {  	s29 =	simm.s32 $0x1E00;
	s30 =	simm.s32 $0x5200  }
0x91: {  	[tilespmem:s30], [sflag:$0x1] =	stream.indirect.gather [hbm4b:s1+s10], $0x1, s29, s10, $0xb8;
	[tilespmem:$0x6A80] =	vst v63  }
0x92: {  	s29 =	simm.s32 $0x1E80;
	s30 =	simm.s32 $0x5280  }
0x93: {  	[tilespmem:s30], [sflag:$0x1] =	stream.indirect.gather [hbm4b:s1+s10], $0x1, s29, s10, $0xb8;
	[tilespmem:$0x6A80] =	vst v63  }
0x94: {  	s29 =	simm.s32 $0x1F00;
	s30 =	simm.s32 $0x5300  }
0x95: {  	[tilespmem:s30], [sflag:$0x1] =	stream.indirect.gather [hbm4b:s1+s10], $0x1, s29, s10, $0xb8;
	[tilespmem:$0x6A80] =	vst v63  }
0x96: {  	s29 =	simm.s32 $0x1F80;
	s30 =	simm.s32 $0x5380  }
0x97: {  	[tilespmem:s30], [sflag:$0x1] =	stream.indirect.gather [hbm4b:s1+s10], $0x1, s29, s10, $0xb8;
	[tilespmem:$0x6A80] =	vst v63  }
0x98: {  	s29 =	simm.s32 $0x2000;
	s30 =	simm.s32 $0x5400  }
0x99: {  	[tilespmem:s30], [sflag:$0x1] =	stream.indirect.gather [hbm4b:s1+s10], $0x1, s29, s10, $0xb8;
	[tilespmem:$0x6A80] =	vst v63  }
0x9a: {  	s29 =	simm.s32 $0x2080;
	s30 =	simm.s32 $0x5480  }
0x9b: {  	[tilespmem:s30], [sflag:$0x1] =	stream.indirect.gather [hbm4b:s1+s10], $0x1, s29, s10, $0xb8;
	[tilespmem:$0x6A80] =	vst v63  }
0x9c: {  	s29 =	simm.s32 $0x2100;
	s30 =	simm.s32 $0x5500  }
0x9d: {  	[tilespmem:s30], [sflag:$0x1] =	stream.indirect.gather [hbm4b:s1+s10], $0x1, s29, s10, $0xb8;
	[tilespmem:$0x6A80] =	vst v63  }
0x9e: {  	s29 =	simm.s32 $0x2180;
	s30 =	simm.s32 $0x5580  }
0x9f: {  	[tilespmem:s30], [sflag:$0x1] =	stream.indirect.gather [hbm4b:s1+s10], $0x1, s29, s10, $0xb8;
	[tilespmem:$0x6A80] =	vst v63  }
0xa0: {  	s29 =	simm.s32 $0x2200;
	s30 =	simm.s32 $0x5600  }
0xa1: {  	[tilespmem:s30], [sflag:$0x1] =	stream.indirect.gather [hbm4b:s1+s10], $0x1, s29, s10, $0xb8;
	[tilespmem:$0x6A80] =	vst v63  }
0xa2: {  	s29 =	simm.s32 $0x2280;
	s30 =	simm.s32 $0x5680  }
0xa3: {  	[tilespmem:s30], [sflag:$0x1] =	stream.indirect.gather [hbm4b:s1+s10], $0x1, s29, s10, $0xb8;
	[tilespmem:$0x6A80] =	vst v63  }
0xa4: {  	s29 =	simm.s32 $0x2300;
	s30 =	simm.s32 $0x5700  }
0xa5: {  	[tilespmem:s30], [sflag:$0x1] =	stream.indirect.gather [hbm4b:s1+s10], $0x1, s29, s10, $0xb8;
	[tilespmem:$0x6A80] =	vst v63  }
0xa6: {  	s29 =	simm.s32 $0x2380;
	s30 =	simm.s32 $0x5780  }
0xa7: {  	[tilespmem:s30], [sflag:$0x1] =	stream.indirect.gather [hbm4b:s1+s10], $0x1, s29, s10, $0xb8;
	[tilespmem:$0x6A80] =	vst v63  }
0xa8: {  	s29 =	simm.s32 $0x2400;
	s30 =	simm.s32 $0x5800  }
0xa9: {  	[tilespmem:s30], [sflag:$0x1] =	stream.indirect.gather [hbm4b:s1+s10], $0x1, s29, s10, $0xb8;
	[tilespmem:$0x6A80] =	vst v63  }
0xaa: {  	s29 =	simm.s32 $0x2480;
	s30 =	simm.s32 $0x5880  }
0xab: {  	[tilespmem:s30], [sflag:$0x1] =	stream.indirect.gather [hbm4b:s1+s10], $0x1, s29, s10, $0xb8;
	[tilespmem:$0x6A80] =	vst v63  }
0xac: {  	s29 =	simm.s32 $0x2500;
	s30 =	simm.s32 $0x5900  }
0xad: {  	[tilespmem:s30], [sflag:$0x1] =	stream.indirect.gather [hbm4b:s1+s10], $0x1, s29, s10, $0xb8;
	[tilespmem:$0x6A80] =	vst v63  }
0xae: {  	s29 =	simm.s32 $0x2580;
	s30 =	simm.s32 $0x5980  }
0xaf: {  	[tilespmem:s30], [sflag:$0x1] =	stream.indirect.gather [hbm4b:s1+s10], $0x1, s29, s10, $0xb8;
	[tilespmem:$0x6A80] =	vst v63  }
0xb0: {  	s29 =	simm.s32 $0x2600;
	s30 =	simm.s32 $0x5A00  }
0xb1: {  	[tilespmem:s30], [sflag:$0x1] =	stream.indirect.gather [hbm4b:s1+s10], $0x1, s29, s10, $0xb8;
	[tilespmem:$0x6A80] =	vst v63  }
0xb2: {  	s29 =	simm.s32 $0x2680;
	s30 =	simm.s32 $0x5A80  }
0xb3: {  	[tilespmem:s30], [sflag:$0x1] =	stream.indirect.gather [hbm4b:s1+s10], $0x1, s29, s10, $0xb8;
	[tilespmem:$0x6A80] =	vst v63  }
0xb4: {  	s29 =	simm.s32 $0x2700;
	s30 =	simm.s32 $0x5B00  }
0xb5: {  	[tilespmem:s30], [sflag:$0x1] =	stream.indirect.gather [hbm4b:s1+s10], $0x1, s29, s10, $0xb8;
	[tilespmem:$0x6A80] =	vst v63  }
0xb6: {  	s29 =	simm.s32 $0x2780;
	s30 =	simm.s32 $0x5B80  }
0xb7: {  	[tilespmem:s30], [sflag:$0x1] =	stream.indirect.gather [hbm4b:s1+s10], $0x1, s29, s10, $0xb8;
	[tilespmem:$0x6A80] =	vst v63  }
0xb8: {  	s29 =	simm.s32 $0x2800;
	s30 =	simm.s32 $0x5C00  }
0xb9: {  	[tilespmem:s30], [sflag:$0x1] =	stream.indirect.gather [hbm4b:s1+s10], $0x1, s29, s10, $0xb8;
	[tilespmem:$0x6A80] =	vst v63  }
0xba: {  	s29 =	simm.s32 $0x2880;
	s30 =	simm.s32 $0x5C80  }
0xbb: {  	[tilespmem:s30], [sflag:$0x1] =	stream.indirect.gather [hbm4b:s1+s10], $0x1, s29, s10, $0xb8;
	[tilespmem:$0x6A80] =	vst v63  }
0xbc: {  	s29 =	simm.s32 $0x2900;
	s30 =	simm.s32 $0x5D00  }
0xbd: {  	[tilespmem:s30], [sflag:$0x1] =	stream.indirect.gather [hbm4b:s1+s10], $0x1, s29, s10, $0xb8;
	[tilespmem:$0x6A80] =	vst v63  }
0xbe: {  	s29 =	simm.s32 $0x2980;
	s30 =	simm.s32 $0x5D80  }
0xbf: {  	[tilespmem:s30], [sflag:$0x1] =	stream.indirect.gather [hbm4b:s1+s10], $0x1, s29, s10, $0xb8;
	[tilespmem:$0x6A80] =	vst v63  }
0xc0: {  	s29 =	simm.s32 $0x2A00;
	s30 =	simm.s32 $0x5E00  }
0xc1: {  	[tilespmem:s30], [sflag:$0x1] =	stream.indirect.gather [hbm4b:s1+s10], $0x1, s29, s10, $0xb8;
	[tilespmem:$0x6A80] =	vst v63  }
0xc2: {  	s29 =	simm.s32 $0x2A80;
	s30 =	simm.s32 $0x5E80  }
0xc3: {  	[tilespmem:s30], [sflag:$0x1] =	stream.indirect.gather [hbm4b:s1+s10], $0x1, s29, s10, $0xb8;
	[tilespmem:$0x6A80] =	vst v63  }
0xc4: {  	s29 =	simm.s32 $0x2B00;
	s30 =	simm.s32 $0x5F00  }
0xc5: {  	[tilespmem:s30], [sflag:$0x1] =	stream.indirect.gather [hbm4b:s1+s10], $0x1, s29, s10, $0xb8;
	[tilespmem:$0x6A80] =	vst v63  }
0xc6: {  	s29 =	simm.s32 $0x2B80;
	s30 =	simm.s32 $0x5F80  }
0xc7: {  	[tilespmem:s30], [sflag:$0x1] =	stream.indirect.gather [hbm4b:s1+s10], $0x1, s29, s10, $0xb8;
	[tilespmem:$0x6A80] =	vst v63  }
0xc8: {  	s29 =	simm.s32 $0x2C00;
	s30 =	simm.s32 $0x6000  }
0xc9: {  	[tilespmem:s30], [sflag:$0x1] =	stream.indirect.gather [hbm4b:s1+s10], $0x1, s29, s10, $0xb8;
	[tilespmem:$0x6A80] =	vst v63  }
0xca: {  	s29 =	simm.s32 $0x2C80;
	s30 =	simm.s32 $0x6080  }
0xcb: {  	[tilespmem:s30], [sflag:$0x1] =	stream.indirect.gather [hbm4b:s1+s10], $0x1, s29, s10, $0xb8;
	[tilespmem:$0x6A80] =	vst v63  }
0xcc: {  	s29 =	simm.s32 $0x2D00;
	s30 =	simm.s32 $0x6100  }
0xcd: {  	[tilespmem:s30], [sflag:$0x1] =	stream.indirect.gather [hbm4b:s1+s10], $0x1, s29, s10, $0xb8;
	[tilespmem:$0x6A80] =	vst v63  }
0xce: {  	s29 =	simm.s32 $0x2D80;
	s30 =	simm.s32 $0x6180  }
0xcf: {  	[tilespmem:s30], [sflag:$0x1] =	stream.indirect.gather [hbm4b:s1+s10], $0x1, s29, s10, $0xb8;
	[tilespmem:$0x6A80] =	vst v63  }
0xd0: {  	s29 =	simm.s32 $0x2E00;
	s30 =	simm.s32 $0x6200  }
0xd1: {  	[tilespmem:s30], [sflag:$0x1] =	stream.indirect.gather [hbm4b:s1+s10], $0x1, s29, s10, $0xb8;
	[tilespmem:$0x6A80] =	vst v63  }
0xd2: {  	s29 =	simm.s32 $0x2E80;
	s30 =	simm.s32 $0x6280  }
0xd3: {  	[tilespmem:s30], [sflag:$0x1] =	stream.indirect.gather [hbm4b:s1+s10], $0x1, s29, s10, $0xb8;
	[tilespmem:$0x6A80] =	vst v63  }
0xd4: {  	s29 =	simm.s32 $0x2F00;
	s30 =	simm.s32 $0x6300  }
0xd5: {  	[tilespmem:s30], [sflag:$0x1] =	stream.indirect.gather [hbm4b:s1+s10], $0x1, s29, s10, $0xb8;
	[tilespmem:$0x6A80] =	vst v63  }
0xd6: {  	_ = 	snop  }
0xd7: {  	[tilespmem:s0], [sflag:$0x1] =	stream.indirect.gather [hbm4b:s1+s10], $0x1, s2, s10, $0xb8;
	[tilespmem:$0x6A80] =	vst v63  }
0xd8: {  	_ = 	snop  }
0xd9: {  	[tilespmem:s9], [sflag:$0x1] =	stream.indirect.gather [hbm4b:s1+s10], $0x1, s3, s10, $0xb8;
	[tilespmem:$0x6A80] =	vst v63  }
0xda: {  	_ = 	snop  }
0xdb: {  	[tilespmem:s12], [sflag:$0x1] =	stream.indirect.gather [hbm4b:s1+s10], $0x1, s11, s10, $0xb8;
	[tilespmem:$0x6A80] =	vst v63  }
0xdc: {  	_ = 	snop  }
0xdd: {  	[tilespmem:s14], [sflag:$0x1] =	stream.indirect.gather [hbm4b:s1+s10], $0x1, s13, s10, $0xb8;
	[tilespmem:$0x6A80] =	vst v63  }
0xde: {  	_ = 	snop  }
0xdf: {  	[tilespmem:s16], [sflag:$0x1] =	stream.indirect.gather [hbm4b:s1+s10], $0x1, s15, s10, $0xb8;
	[tilespmem:$0x6A80] =	vst v63  }
0xe0: {  	_ = 	snop  }
0xe1: {  	[tilespmem:s18], [sflag:$0x1] =	stream.indirect.gather [hbm4b:s1+s10], $0x1, s17, s10, $0xb8;
	[tilespmem:$0x6A80] =	vst v63  }
0xe2: {  	_ = 	snop  }
0xe3: {  	[tilespmem:s20], [sflag:$0x1] =	stream.indirect.gather [hbm4b:s1+s10], $0x1, s19, s10, $0xb8;
	[tilespmem:$0x6A80] =	vst v63  }
0xe4: {  	_ = 	snop  }
0xe5: {  	[tilespmem:s22], [sflag:$0x1] =	stream.indirect.gather [hbm4b:s1+s10], $0x1, s21, s10, $0xb8;
	[tilespmem:$0x6A80] =	vst v63  }
0xe6: {  	_ = 	snop  }
0xe7: {  	[tilespmem:s24], [sflag:$0x1] =	stream.indirect.gather [hbm4b:s1+s10], $0x1, s23, s10, $0xb8;
	[tilespmem:$0x6A80] =	vst v63  }
0xe8: {  	_ =	swait.ge [sflag:s25], $0x80  }
0xe9: {  	[sflag:s25] =	ssyncset.done $0x0  }
0xea: {  	[sflag:s25] =	ssyncadd.s32 $0xFFFFFF80  }
0xeb: {  	_ =	swait.ge [sflag:s25], $0x80  }
0xec: {  	[sflag:s25] =	ssyncset.done $0x0  }
0xed: {  	[sflag:s25] =	ssyncadd.s32 $0xFFFFFF80  }
0xee: {  	_ =	swait.ge [sflag:s25], $0x80  }
0xef: {  	[sflag:s25] =	ssyncset.done $0x0  }
0xf0: {  	[sflag:s25] =	ssyncadd.s32 $0xFFFFFF80  }
0xf1: {  	_ =	swait.ge [sflag:s25], $0x80  }
0xf2: {  	[sflag:s25] =	ssyncset.done $0x0  }
0xf3: {  	[sflag:s25] =	ssyncadd.s32 $0xFFFFFF80  }
0xf4: {  	_ =	swait.ge [sflag:s25], $0x80  }
0xf5: {  	[sflag:s25] =	ssyncset.done $0x0  }
0xf6: {  	[sflag:s25] =	ssyncadd.s32 $0xFFFFFF80  }
0xf7: {  	_ =	swait.ge [sflag:s25], $0x80  }
0xf8: {  	[sflag:s25] =	ssyncset.done $0x0  }
0xf9: {  	[sflag:s25] =	ssyncadd.s32 $0xFFFFFF80  }
0xfa: {  	_ =	swait.ge [sflag:s25], $0x80  }
0xfb: {  	[sflag:s25] =	ssyncset.done $0x0  }
0xfc: {  	[sflag:s25] =	ssyncadd.s32 $0xFFFFFF80  }
0xfd: {  	_ =	swait.ge [sflag:s25], $0x80  }
0xfe: {  	[sflag:s25] =	ssyncset.done $0x0  }
0xff: {  	[sflag:s25] =	ssyncadd.s32 $0xFFFFFF80  }
0x100: {  	_ =	swait.ge [sflag:s25], $0x80  }
0x101: {  	[sflag:s25] =	ssyncset.done $0x0  }
0x102: {  	[sflag:s25] =	ssyncadd.s32 $0xFFFFFF80  }
0x103: {  	_ =	swait.ge [sflag:s25], $0x80  }
0x104: {  	[sflag:s25] =	ssyncset.done $0x0  }
0x105: {  	[sflag:s25] =	ssyncadd.s32 $0xFFFFFF80  }
0x106: {  	_ =	swait.ge [sflag:s25], $0x80  }
0x107: {  	[sflag:s25] =	ssyncset.done $0x0  }
0x108: {  	[sflag:s25] =	ssyncadd.s32 $0xFFFFFF80  }
0x109: {  	_ =	swait.ge [sflag:s25], $0x80  }
0x10a: {  	[sflag:s25] =	ssyncset.done $0x0  }
0x10b: {  	[sflag:s25] =	ssyncadd.s32 $0xFFFFFF80  }
0x10c: {  	_ =	swait.ge [sflag:s25], $0x80  }
0x10d: {  	[sflag:s25] =	ssyncset.done $0x0  }
0x10e: {  	[sflag:s25] =	ssyncadd.s32 $0xFFFFFF80  }
0x10f: {  	_ =	swait.ge [sflag:s25], $0x80  }
0x110: {  	[sflag:s25] =	ssyncset.done $0x0  }
0x111: {  	[sflag:s25] =	ssyncadd.s32 $0xFFFFFF80  }
0x112: {  	_ =	swait.ge [sflag:s25], $0x80  }
0x113: {  	[sflag:s25] =	ssyncset.done $0x0  }
0x114: {  	[sflag:s25] =	ssyncadd.s32 $0xFFFFFF80  }
0x115: {  	_ =	swait.ge [sflag:s25], $0x80  }
0x116: {  	[sflag:s25] =	ssyncset.done $0x0  }
0x117: {  	[sflag:s25] =	ssyncadd.s32 $0xFFFFFF80  }
0x118: {  	_ =	swait.ge [sflag:s25], $0x80  }
0x119: {  	[sflag:s25] =	ssyncset.done $0x0  }
0x11a: {  	[sflag:s25] =	ssyncadd.s32 $0xFFFFFF80  }
0x11b: {  	_ =	swait.ge [sflag:s25], $0x80  }
0x11c: {  	[sflag:s25] =	ssyncset.done $0x0  }
0x11d: {  	[sflag:s25] =	ssyncadd.s32 $0xFFFFFF80  }
0x11e: {  	_ =	swait.ge [sflag:s25], $0x80  }
0x11f: {  	[sflag:s25] =	ssyncset.done $0x0  }
0x120: {  	[sflag:s25] =	ssyncadd.s32 $0xFFFFFF80  }
0x121: {  	_ =	swait.ge [sflag:s25], $0x80  }
0x122: {  	[sflag:s25] =	ssyncset.done $0x0  }
0x123: {  	[sflag:s25] =	ssyncadd.s32 $0xFFFFFF80  }
0x124: {  	_ =	swait.ge [sflag:s25], $0x80  }
0x125: {  	[sflag:s25] =	ssyncset.done $0x0  }
0x126: {  	[sflag:s25] =	ssyncadd.s32 $0xFFFFFF80  }
0x127: {  	_ =	swait.ge [sflag:s25], $0x80  }
0x128: {  	[sflag:s25] =	ssyncset.done $0x0  }
0x129: {  	[sflag:s25] =	ssyncadd.s32 $0xFFFFFF80  }
0x12a: {  	_ =	swait.ge [sflag:s25], $0x80  }
0x12b: {  	[sflag:s25] =	ssyncset.done $0x0  }
0x12c: {  	[sflag:s25] =	ssyncadd.s32 $0xFFFFFF80  }
0x12d: {  	_ =	swait.ge [sflag:s25], $0x80  }
0x12e: {  	[sflag:s25] =	ssyncset.done $0x0  }
0x12f: {  	[sflag:s25] =	ssyncadd.s32 $0xFFFFFF80  }
0x130: {  	_ =	swait.ge [sflag:s25], $0x80  }
0x131: {  	[sflag:s25] =	ssyncset.done $0x0  }
0x132: {  	[sflag:s25] =	ssyncadd.s32 $0xFFFFFF80  }
0x133: {  	_ =	swait.ge [sflag:s25], $0x80  }
0x134: {  	[sflag:s25] =	ssyncset.done $0x0  }
0x135: {  	[sflag:s25] =	ssyncadd.s32 $0xFFFFFF80  }
0x136: {  	_ =	swait.ge [sflag:s25], $0x80  }
0x137: {  	[sflag:s25] =	ssyncset.done $0x0  }
0x138: {  	[sflag:s25] =	ssyncadd.s32 $0xFFFFFF80  }
0x139: {  	_ =	swait.ge [sflag:s25], $0x80  }
0x13a: {  	[sflag:s25] =	ssyncset.done $0x0  }
0x13b: {  	[sflag:s25] =	ssyncadd.s32 $0xFFFFFF80  }
0x13c: {  	_ =	swait.ge [sflag:s25], $0x80  }
0x13d: {  	[sflag:s25] =	ssyncset.done $0x0  }
0x13e: {  	[sflag:s25] =	ssyncadd.s32 $0xFFFFFF80  }
0x13f: {  	_ =	swait.ge [sflag:s25], $0x80  }
0x140: {  	[sflag:s25] =	ssyncset.done $0x0  }
0x141: {  	[sflag:s25] =	ssyncadd.s32 $0xFFFFFF80  }
0x142: {  	_ =	swait.ge [sflag:s25], $0x80  }
0x143: {  	[sflag:s25] =	ssyncset.done $0x0  }
0x144: {  	[sflag:s25] =	ssyncadd.s32 $0xFFFFFF80  }
0x145: {  	_ =	swait.ge [sflag:s25], $0x80  }
0x146: {  	[sflag:s25] =	ssyncset.done $0x0  }
0x147: {  	[sflag:s25] =	ssyncadd.s32 $0xFFFFFF80  }
0x148: {  	_ =	swait.ge [sflag:s25], $0x80  }
0x149: {  	[sflag:s25] =	ssyncset.done $0x0  }
0x14a: {  	[sflag:s25] =	ssyncadd.s32 $0xFFFFFF80  }
0x14b: {  	_ =	swait.ge [sflag:s25], $0x80  }
0x14c: {  	[sflag:s25] =	ssyncset.done $0x0  }
0x14d: {  	[sflag:s25] =	ssyncadd.s32 $0xFFFFFF80  }
0x14e: {  	_ =	swait.ge [sflag:s25], $0x80  }
0x14f: {  	[sflag:s25] =	ssyncset.done $0x0  }
0x150: {  	[sflag:s25] =	ssyncadd.s32 $0xFFFFFF80  }
0x151: {  	_ =	swait.ge [sflag:s25], $0x80  }
0x152: {  	[sflag:s25] =	ssyncset.done $0x0  }
0x153: {  	[sflag:s25] =	ssyncadd.s32 $0xFFFFFF80  }
0x154: {  	_ =	swait.ge [sflag:s25], $0x80  }
0x155: {  	[sflag:s25] =	ssyncset.done $0x0  }
0x156: {  	[sflag:s25] =	ssyncadd.s32 $0xFFFFFF80  }
0x157: {  	_ =	swait.ge [sflag:s25], $0x80  }
0x158: {  	[sflag:s25] =	ssyncset.done $0x0  }
0x159: {  	[sflag:s25] =	ssyncadd.s32 $0xFFFFFF80  }
0x15a: {  	_ =	swait.ge [sflag:s25], $0x80  }
0x15b: {  	[sflag:s25] =	ssyncset.done $0x0  }
0x15c: {  	[sflag:s25] =	ssyncadd.s32 $0xFFFFFF80  }
0x15d: {  	_ =	swait.ge [sflag:s25], $0x80  }
0x15e: {  	[sflag:s25] =	ssyncset.done $0x0  }
0x15f: {  	[sflag:s25] =	ssyncadd.s32 $0xFFFFFF80  }
0x160: {  	_ =	swait.ge [sflag:s25], $0x80  }
0x161: {  	[sflag:s25] =	ssyncset.done $0x0  }
0x162: {  	[sflag:s25] =	ssyncadd.s32 $0xFFFFFF80  }
0x163: {  	_ =	swait.ge [sflag:s25], $0x80  }
0x164: {  	[sflag:s25] =	ssyncset.done $0x0  }
0x165: {  	[sflag:s25] =	ssyncadd.s32 $0xFFFFFF80  }
0x166: {  	_ =	swait.ge [sflag:s25], $0x80  }
0x167: {  	[sflag:s25] =	ssyncset.done $0x0  }
0x168: {  	[sflag:s25] =	ssyncadd.s32 $0xFFFFFF80  }
0x169: {  	_ =	swait.ge [sflag:s25], $0x80  }
0x16a: {  	[sflag:s25] =	ssyncset.done $0x0  }
0x16b: {  	[sflag:s25] =	ssyncadd.s32 $0xFFFFFF80  }
0x16c: {  	_ =	swait.ge [sflag:s25], $0x80  }
0x16d: {  	[sflag:s25] =	ssyncset.done $0x0  }
0x16e: {  	[sflag:s25] =	ssyncadd.s32 $0xFFFFFF80  }
0x16f: {  	_ =	swait.ge [sflag:s25], $0x80  }
0x170: {  	[sflag:s25] =	ssyncset.done $0x0  }
0x171: {  	[sflag:s25] =	ssyncadd.s32 $0xFFFFFF80  }
0x172: {  	_ =	swait.ge [sflag:s25], $0x80  }
0x173: {  	[sflag:s25] =	ssyncset.done $0x0  }
0x174: {  	[sflag:s25] =	ssyncadd.s32 $0xFFFFFF80  }
0x175: {  	_ =	swait.ge [sflag:s25], $0x80  }
0x176: {  	[sflag:s25] =	ssyncset.done $0x0  }
0x177: {  	[sflag:s25] =	ssyncadd.s32 $0xFFFFFF80  }
0x178: {  	_ =	swait.ge [sflag:s25], $0x80  }
0x179: {  	[sflag:s25] =	ssyncset.done $0x0  }
0x17a: {  	[sflag:s25] =	ssyncadd.s32 $0xFFFFFF80  }
0x17b: {  	_ =	swait.ge [sflag:s25], $0x80  }
0x17c: {  	[sflag:s25] =	ssyncset.done $0x0  }
0x17d: {  	[sflag:s25] =	ssyncadd.s32 $0xFFFFFF80  }
0x17e: {  	_ =	swait.ge [sflag:s25], $0x80  }
0x17f: {  	[sflag:s25] =	ssyncset.done $0x0  }
0x180: {  	[sflag:s25] =	ssyncadd.s32 $0xFFFFFF80  }
0x181: {  	_ =	swait.ge [sflag:s25], $0x80  }
0x182: {  	[sflag:s25] =	ssyncset.done $0x0  }
0x183: {  	[sflag:s25] =	ssyncadd.s32 $0xFFFFFF80  }
0x184: {  	_ =	swait.ge [sflag:s25], $0x80  }
0x185: {  	[sflag:s25] =	ssyncset.done $0x0  }
0x186: {  	[sflag:s25] =	ssyncadd.s32 $0xFFFFFF80  }
0x187: {  	_ =	swait.ge [sflag:s25], $0x80  }
0x188: {  	[sflag:s25] =	ssyncset.done $0x0  }
0x189: {  	[sflag:s25] =	ssyncadd.s32 $0xFFFFFF80  }
0x18a: {  	_ =	swait.ge [sflag:s25], $0x80  }
0x18b: {  	[sflag:s25] =	ssyncset.done $0x0  }
0x18c: {  	[sflag:s25] =	ssyncadd.s32 $0xFFFFFF80  }
0x18d: {  	_ =	swait.ge [sflag:s25], $0x80  }
0x18e: {  	[sflag:s25] =	ssyncset.done $0x0  }
0x18f: {  	[sflag:s25] =	ssyncadd.s32 $0xFFFFFF80  }
0x190: {  	_ =	swait.ge [sflag:s25], $0x80  }
0x191: {  	[sflag:s25] =	ssyncset.done $0x0  }
0x192: {  	[sflag:s25] =	ssyncadd.s32 $0xFFFFFF80  }
0x193: {  	_ =	swait.ge [sflag:s25], $0x80  }
0x194: {  	[sflag:s25] =	ssyncset.done $0x0  }
0x195: {  	[sflag:s25] =	ssyncadd.s32 $0xFFFFFF80  }
0x196: {  	_ =	swait.ge [sflag:s25], $0x80  }
0x197: {  	[sflag:s25] =	ssyncset.done $0x0  }
0x198: {  	[sflag:s25] =	ssyncadd.s32 $0xFFFFFF80  }
0x199: {  	_ =	swait.ge [sflag:s25], $0x80  }
0x19a: {  	[sflag:s25] =	ssyncset.done $0x0  }
0x19b: {  	[sflag:s25] =	ssyncadd.s32 $0xFFFFFF80  }
0x19c: {  	_ =	swait.ge [sflag:s25], $0x80  }
0x19d: {  	[sflag:s25] =	ssyncset.done $0x0  }
0x19e: {  	[sflag:s25] =	ssyncadd.s32 $0xFFFFFF80  }
0x19f: {  	_ =	swait.ge [sflag:s25], $0x80  }
0x1a0: {  	[sflag:s25] =	ssyncset.done $0x0  }
0x1a1: {  	[sflag:s25] =	ssyncadd.s32 $0xFFFFFF80  }
0x1a2: {  	_ =	swait.ge [sflag:s25], $0x80  }
0x1a3: {  	[sflag:s25] =	ssyncset.done $0x0  }
0x1a4: {  	[sflag:s25] =	ssyncadd.s32 $0xFFFFFF80  }
0x1a5: {  	_ =	swait.ge [sflag:s25], $0x80  }
0x1a6: {  	[sflag:s25] =	ssyncset.done $0x0  }
0x1a7: {  	[sflag:s25] =	ssyncadd.s32 $0xFFFFFF80  }
0x1a8: {  	_ =	swait.ge [sflag:s25], $0x80  }
0x1a9: {  	[sflag:s25] =	ssyncset.done $0x0  }
0x1aa: {  	[sflag:s25] =	ssyncadd.s32 $0xFFFFFF80  }
0x1ab: {  	_ =	swait.ge [sflag:s25], $0x80  }
0x1ac: {  	[sflag:s25] =	ssyncset.done $0x0  }
0x1ad: {  	[sflag:s25] =	ssyncadd.s32 $0xFFFFFF80  }
0x1ae: {  	_ =	swait.ge [sflag:s25], $0x80  }
0x1af: {  	[sflag:s25] =	ssyncset.done $0x0  }
0x1b0: {  	[sflag:s25] =	ssyncadd.s32 $0xFFFFFF80  }
0x1b1: {  	_ =	swait.ge [sflag:s25], $0x80  }
0x1b2: {  	[sflag:s25] =	ssyncset.done $0x0  }
0x1b3: {  	[sflag:s25] =	ssyncadd.s32 $0xFFFFFF80  }
0x1b4: {  	_ =	swait.ge [sflag:s25], $0x80  }
0x1b5: {  	[sflag:s25] =	ssyncset.done $0x0  }
0x1b6: {  	[sflag:s25] =	ssyncadd.s32 $0xFFFFFF80  }
0x1b7: {  	_ =	swait.ge [sflag:s25], $0x80  }
0x1b8: {  	[sflag:s25] =	ssyncset.done $0x0  }
0x1b9: {  	[sflag:s25] =	ssyncadd.s32 $0xFFFFFF80  }
0x1ba: {  	_ =	swait.ge [sflag:s25], $0x80  }
0x1bb: {  	[sflag:s25] =	ssyncset.done $0x0  }
0x1bc: {  	[sflag:s25] =	ssyncadd.s32 $0xFFFFFF80  }
0x1bd: {  	_ =	swait.ge [sflag:s25], $0x80  }
0x1be: {  	[sflag:s25] =	ssyncset.done $0x0  }
0x1bf: {  	[sflag:s25] =	ssyncadd.s32 $0xFFFFFF80  }
0x1c0: {  	_ =	swait.ge [sflag:s25], $0x80  }
0x1c1: {  	[sflag:s25] =	ssyncset.done $0x0  }
0x1c2: {  	[sflag:s25] =	ssyncadd.s32 $0xFFFFFF80  }
0x1c3: {  	_ =	swait.ge [sflag:s25], $0x80  }
0x1c4: {  	[sflag:s25] =	ssyncset.done $0x0  }
0x1c5: {  	[sflag:s25] =	ssyncadd.s32 $0xFFFFFF80  }
0x1c6: {  	_ =	swait.ge [sflag:s25], $0x80  }
0x1c7: {  	[sflag:s25] =	ssyncset.done $0x0  }
0x1c8: {  	[sflag:s25] =	ssyncadd.s32 $0xFFFFFF80  }
0x1c9: {  	_ =	swait.ge [sflag:s25], $0x80  }
0x1ca: {  	[sflag:s25] =	ssyncset.done $0x0  }
0x1cb: {  	[sflag:s25] =	ssyncadd.s32 $0xFFFFFF80  }
0x1cc: {  	_ =	swait.ge [sflag:s25], $0x80  }
0x1cd: {  	[sflag:s25] =	ssyncset.done $0x0  }
0x1ce: {  	[sflag:s25] =	ssyncadd.s32 $0xFFFFFF80  }
0x1cf: {  	_ =	swait.ge [sflag:s25], $0x80  }
0x1d0: {  	[sflag:s25] =	ssyncset.done $0x0  }
0x1d1: {  	[sflag:s25] =	ssyncadd.s32 $0xFFFFFF80  }
0x1d2: {  	_ =	swait.ge [sflag:s25], $0x80  }
0x1d3: {  	[sflag:s25] =	ssyncset.done $0x0  }
0x1d4: {  	[sflag:s25] =	ssyncadd.s32 $0xFFFFFF80  }
0x1d5: {  	_ =	swait.ge [sflag:s25], $0x80  }
0x1d6: {  	[sflag:s25] =	ssyncset.done $0x0  }
0x1d7: {  	[sflag:s25] =	ssyncadd.s32 $0xFFFFFF80  }
0x1d8: {  	_ =	swait.ge [sflag:s25], $0x80  }
0x1d9: {  	[sflag:s25] =	ssyncset.done $0x0  }
0x1da: {  	[sflag:s25] =	ssyncadd.s32 $0xFFFFFF80  }
0x1db: {  	_ =	swait.ge [sflag:s25], $0x80  }
0x1dc: {  	[sflag:s25] =	ssyncset.done $0x0  }
0x1dd: {  	[sflag:s25] =	ssyncadd.s32 $0xFFFFFF80  }
0x1de: {  	_ =	swait.ge [sflag:s25], $0x80  }
0x1df: {  	[sflag:s25] =	ssyncset.done $0x0  }
0x1e0: {  	[sflag:s25] =	ssyncadd.s32 $0xFFFFFF80  }
0x1e1: {  	_ =	swait.ge [sflag:s25], $0x80  }
0x1e2: {  	[sflag:s25] =	ssyncset.done $0x0  }
0x1e3: {  	[sflag:s25] =	ssyncadd.s32 $0xFFFFFF80  }
0x1e4: {  	_ =	swait.ge [sflag:s25], $0x80  }
0x1e5: {  	[sflag:s25] =	ssyncset.done $0x0  }
0x1e6: {  	[sflag:s25] =	ssyncadd.s32 $0xFFFFFF80  }
0x1e7: {  	_ =	swait.ge [sflag:s25], $0x80  }
0x1e8: {  	[sflag:s25] =	ssyncset.done $0x0  }
0x1e9: {  	[sflag:s25] =	ssyncadd.s32 $0xFFFFFF80  }
0x1ea: {  	_ =	swait.ge [sflag:s25], $0x80  }
0x1eb: {  	[sflag:s25] =	ssyncset.done $0x0  }
0x1ec: {  	[sflag:s25] =	ssyncadd.s32 $0xFFFFFF80  }
0x1ed: {  	_ =	swait.ge [sflag:s25], $0x80  }
0x1ee: {  	[sflag:s25] =	ssyncset.done $0x0  }
0x1ef: {  	[sflag:s25] =	ssyncadd.s32 $0xFFFFFF80  }
0x1f0: {  	_ =	swait.ge [sflag:s25], $0x80  }
0x1f1: {  	[sflag:s25] =	ssyncset.done $0x0  }
0x1f2: {  	[sflag:s25] =	ssyncadd.s32 $0xFFFFFF80  }
0x1f3: {  	_ =	swait.ge [sflag:s25], $0x80  }
0x1f4: {  	[sflag:s25] =	ssyncset.done $0x0  }
0x1f5: {  	[sflag:s25] =	ssyncadd.s32 $0xFFFFFF80  }
0x1f6: {  	_ =	swait.ge [sflag:s25], $0x80  }
0x1f7: {  	[sflag:s25] =	ssyncset.done $0x0  }
0x1f8: {  	[sflag:s25] =	ssyncadd.s32 $0xFFFFFF80  }
0x1f9: {  	_ =	swait.ge [sflag:s25], $0x80  }
0x1fa: {  	[sflag:s25] =	ssyncset.done $0x0  }
0x1fb: {  	[sflag:s25] =	ssyncadd.s32 $0xFFFFFF80  }
0x1fc: {  	_ =	swait.ge [sflag:s25], $0x80  }
0x1fd: {  	[sflag:s25] =	ssyncset.done $0x0  }
0x1fe: {  	[sflag:s25] =	ssyncadd.s32 $0xFFFFFF80  }
0x1ff: {  	_ =	swait.ge [sflag:s25], $0x80  }
0x200: {  	[sflag:s25] =	ssyncset.done $0x0  }
0x201: {  	[sflag:s25] =	ssyncadd.s32 $0xFFFFFF80  }
0x202: {  	_ =	swait.ge [sflag:s25], $0x80  }
0x203: {  	[sflag:s25] =	ssyncset.done $0x0  }
0x204: {  	[sflag:s25] =	ssyncadd.s32 $0xFFFFFF80  }
0x205: {  	_ =	swait.ge [sflag:s25], $0x80  }
0x206: {  	[sflag:s25] =	ssyncset.done $0x0  }
0x207: {  	[sflag:s25] =	ssyncadd.s32 $0xFFFFFF80  }
0x208: {  	_ =	swait.ge [sflag:s25], $0x80  }
0x209: {  	[sflag:s25] =	ssyncset.done $0x0  }
0x20a: {  	[sflag:s25] =	ssyncadd.s32 $0xFFFFFF80  }
0x20b: {  	_ =	swait.ge [sflag:s25], $0x80  }
0x20c: {  	[sflag:s25] =	ssyncset.done $0x0  }
0x20d: {  	[sflag:s25] =	ssyncadd.s32 $0xFFFFFF80  }
0x20e: {  	_ =	swait.ge [sflag:s25], $0x80  }
0x20f: {  	[sflag:s25] =	ssyncset.done $0x0  }
0x210: {  	[sflag:s25] =	ssyncadd.s32 $0xFFFFFF80  }
0x211: {  	_ =	swait.ge [sflag:s25], $0x80  }
0x212: {  	[sflag:s25] =	ssyncset.done $0x0  }
0x213: {  	[sflag:s25] =	ssyncadd.s32 $0xFFFFFF80  }
0x214: {  	_ =	swait.ge [sflag:s25], $0x80  }
0x215: {  	[sflag:s25] =	ssyncset.done $0x0  }
0x216: {  	[sflag:s25] =	ssyncadd.s32 $0xFFFFFF80  }
0x217: {  	_ =	swait.ge [sflag:s25], $0x80  }
0x218: {  	[sflag:s25] =	ssyncset.done $0x0  }
0x219: {  	[sflag:s25] =	ssyncadd.s32 $0xFFFFFF80  }
0x21a: {  	_ =	swait.ge [sflag:s25], $0x80  }
0x21b: {  	[sflag:s25] =	ssyncset.done $0x0  }
0x21c: {  	[sflag:s25] =	ssyncadd.s32 $0xFFFFFF80  }
0x21d: {  	_ =	swait.ge [sflag:s25], $0x80  }
0x21e: {  	[sflag:s25] =	ssyncset.done $0x0  }
0x21f: {  	[sflag:s25] =	ssyncadd.s32 $0xFFFFFF80  }
0x220: {  	s29 =	simm.s32 $0xFFFFFF80;
	v0 =	vld [tilespmem:$0x6800]  }
0x221: {  	v1 =	vld [tilespmem:s29+$0x3600]  }
0x222: {  	v2 =	vld [tilespmem:s29+$0x3480]  }
0x223: {  	v3 =	vld [tilespmem:s29+$0x3800]  }
0x224: {  	v4 =	vld [tilespmem:s29+$0x3500]  }
0x225: {  	v5 =	vld [tilespmem:s29+$0x3A00]  }
0x226: {  	v6 =	vld [tilespmem:s29+$0x3580];
	v1 =	vadd.f32 v1, v0  }
0x227: {  	v7 =	vld [tilespmem:s29+$0x3C00]  }
0x228: {  	v8 =	vld [tilespmem:s29+$0x3680];
	v1 =	vadd.f32 v3, v1  }
0x229: {  	v3 =	vld [tilespmem:s29+$0x3E00]  }
0x22a: {  	v9 =	vld [tilespmem:s29+$0x3700];
	v1 =	vadd.f32 v5, v1  }
0x22b: {  	v5 =	vld [tilespmem:s29+$0x4000]  }
0x22c: {  	v10 =	vld [tilespmem:s29+$0x3780];
	v1 =	vadd.f32 v7, v1  }
0x22d: {  	v7 =	vld [tilespmem:s29+$0x4200]  }
0x22e: {  	v11 =	vld [tilespmem:s29+$0x3880];
	v1 =	vadd.f32 v3, v1  }
0x22f: {  	v3 =	vld [tilespmem:s29+$0x4400]  }
0x230: {  	v12 =	vld [tilespmem:s29+$0x3900];
	v1 =	vadd.f32 v5, v1  }
0x231: {  	v5 =	vld [tilespmem:s29+$0x4600]  }
0x232: {  	v13 =	vld [tilespmem:s29+$0x3980];
	v1 =	vadd.f32 v7, v1  }
0x233: {  	v7 =	vld [tilespmem:s29+$0x4800]  }
0x234: {  	v14 =	vld [tilespmem:s29+$0x3A80];
	v1 =	vadd.f32 v3, v1  }
0x235: {  	v3 =	vld [tilespmem:s29+$0x4A00]  }
0x236: {  	v15 =	vld [tilespmem:s29+$0x3B00];
	v1 =	vadd.f32 v5, v1  }
0x237: {  	v5 =	vld [tilespmem:s29+$0x4C00]  }
0x238: {  	v16 =	vld [tilespmem:s29+$0x3B80];
	v1 =	vadd.f32 v7, v1  }
0x239: {  	v7 =	vld [tilespmem:s29+$0x4E00]  }
0x23a: {  	v17 =	vld [tilespmem:s29+$0x3C80];
	v1 =	vadd.f32 v3, v1  }
0x23b: {  	v3 =	vld [tilespmem:s29+$0x5000]  }
0x23c: {  	v18 =	vld [tilespmem:s29+$0x3D00];
	v1 =	vadd.f32 v5, v1  }
0x23d: {  	v5 =	vld [tilespmem:s29+$0x5200]  }
0x23e: {  	v19 =	vld [tilespmem:s29+$0x3D80];
	v1 =	vadd.f32 v7, v1  }
0x23f: {  	v7 =	vld [tilespmem:s29+$0x5400]  }
0x240: {  	v20 =	vld [tilespmem:s29+$0x3E80];
	v1 =	vadd.f32 v3, v1  }
0x241: {  	v3 =	vld [tilespmem:s29+$0x5600]  }
0x242: {  	v21 =	vld [tilespmem:s29+$0x3F00];
	v1 =	vadd.f32 v5, v1  }
0x243: {  	v5 =	vld [tilespmem:s29+$0x5800]  }
0x244: {  	v22 =	vld [tilespmem:s29+$0x3F80];
	v1 =	vadd.f32 v7, v1  }
0x245: {  	v7 =	vld [tilespmem:s29+$0x5A00]  }
0x246: {  	v23 =	vld [tilespmem:s29+$0x4080];
	v1 =	vadd.f32 v3, v1  }
0x247: {  	v3 =	vld [tilespmem:s29+$0x5C00]  }
0x248: {  	v24 =	vld [tilespmem:s29+$0x4100];
	v1 =	vadd.f32 v5, v1  }
0x249: {  	v5 =	vld [tilespmem:s29+$0x5E00]  }
0x24a: {  	v25 =	vld [tilespmem:s29+$0x4180];
	v1 =	vadd.f32 v7, v1  }
0x24b: {  	v7 =	vld [tilespmem:s29+$0x6000]  }
0x24c: {  	v26 =	vld [tilespmem:s29+$0x4280];
	v1 =	vadd.f32 v3, v1  }
0x24d: {  	v3 =	vld [tilespmem:s29+$0x6200]  }
0x24e: {  	v27 =	vld [tilespmem:s29+$0x4300];
	v1 =	vadd.f32 v5, v1  }
0x24f: {  	v5 =	vld [tilespmem:s29+$0x6400]  }
0x250: {  	v28 =	vld [tilespmem:s29+$0x4380];
	v1 =	vadd.f32 v7, v1  }
0x251: {  	v7 =	vld [tilespmem:s29+$0x6600]  }
0x252: {  	v29 =	vld [tilespmem:s29+$0x4480];
	v1 =	vadd.f32 v3, v1  }
0x253: {  	v3 =	vld [tilespmem:s29+$0x6800]  }
0x254: {  	v30 =	vld [tilespmem:s29+$0x4500];
	v1 =	vadd.f32 v5, v1  }
0x255: {  	v31 =	vld [tilespmem:s29+$0x4680]  }
0x256: {  	v32 =	vld [tilespmem:s29+$0x4780];
	v1 =	vadd.f32 v7, v1  }
0x257: {  	v33 =	vld [tilespmem:s29+$0x4900]  }
0x258: {  	v46 =	vld [tilespmem:s29+$0x4D00];
	v2 =	vadd.f32 v2, v0;
	v1 =	vadd.f32 v3, v1  }
0x259: {  	v47 =	vld [tilespmem:s29+$0x4D80];
	v4 =	vadd.f32 v4, v0  }
0x25a: {  	v48 =	vld [tilespmem:s29+$0x4E80];
	v2 =	vadd.f32 v8, v2;
	[tilespmem:s29+$0x6A80] =	vst v1;
	v1 =	vadd.f32 v6, v0  }
0x25b: {  	v49 =	vld [tilespmem:s29+$0x4F00];
	v4 =	vadd.f32 v9, v4  }
0x25c: {  	v50 =	vld [tilespmem:s29+$0x4F80];
	v2 =	vadd.f32 v11, v2;
	v1 =	vadd.f32 v10, v1  }
0x25d: {  	v51 =	vld [tilespmem:s29+$0x5080];
	v4 =	vadd.f32 v12, v4  }
0x25e: {  	v52 =	vld [tilespmem:s29+$0x5100];
	v2 =	vadd.f32 v14, v2;
	v1 =	vadd.f32 v13, v1  }
0x25f: {  	v53 =	vld [tilespmem:s29+$0x5180];
	v4 =	vadd.f32 v15, v4  }
0x260: {  	v54 =	vld [tilespmem:s29+$0x5280];
	v2 =	vadd.f32 v17, v2;
	v1 =	vadd.f32 v16, v1  }
0x261: {  	v55 =	vld [tilespmem:s29+$0x5300];
	v4 =	vadd.f32 v18, v4  }
0x262: {  	v56 =	vld [tilespmem:s29+$0x5580];
	v2 =	vadd.f32 v20, v2;
	v1 =	vadd.f32 v19, v1  }
0x263: {  	v57 =	vld [tilespmem:s29+$0x5980];
	v4 =	vadd.f32 v21, v4  }
0x264: {  	v8 =	vld [tilespmem:s29+$0x4A80];
	v2 =	vadd.f32 v23, v2;
	v1 =	vadd.f32 v22, v1  }
0x265: {  	v4 =	vadd.f32 v24, v4;
	v5 =	vld [tilespmem:s29+$0x4580]  }
0x266: {  	v2 =	vadd.f32 v26, v2;
	v7 =	vld [tilespmem:s29+$0x4700];
	v1 =	vadd.f32 v25, v1  }
0x267: {  	v4 =	vadd.f32 v27, v4;
	v3 =	vld [tilespmem:s29+$0x4880]  }
0x268: {  	v9 =	vld [tilespmem:s29+$0x4B00];
	v2 =	vadd.f32 v29, v2;
	v1 =	vadd.f32 v28, v1  }
0x269: {  	v4 =	vadd.f32 v30, v4;
	v6 =	vld [tilespmem:s29+$0x4980]  }
0x26a: {  	v11 =	vld [tilespmem:s29+$0x4C80];
	v2 =	vadd.f32 v31, v2;
	v1 =	vadd.f32 v5, v1  }
0x26b: {  	v4 =	vadd.f32 v7, v4;
	v10 =	vld [tilespmem:s29+$0x4B80]  }
0x26c: {  	v58 =	vld [tilespmem:s29+$0x5A80];
	v2 =	vadd.f32 v3, v2;
	v1 =	vadd.f32 v32, v1  }
0x26d: {  	v59 =	vld [tilespmem:s29+$0x5B00];
	v4 =	vadd.f32 v33, v4  }
0x26e: {  	v60 =	vld [tilespmem:s29+$0x5B80];
	v2 =	vadd.f32 v8, v2;
	v1 =	vadd.f32 v6, v1  }
0x26f: {  	v61 =	vld [tilespmem:s29+$0x5C80];
	v4 =	vadd.f32 v9, v4  }
0x270: {  	v62 =	vld [tilespmem:s29+$0x6280];
	v2 =	vadd.f32 v11, v2;
	v1 =	vadd.f32 v10, v1  }
0x271: {  	v7 =	vld [tilespmem:s29+$0x5480];
	v4 =	vadd.f32 v46, v4  }
0x272: {  	v3 =	vld [tilespmem:s29+$0x5500];
	v2 =	vadd.f32 v48, v2;
	v1 =	vadd.f32 v47, v1  }
0x273: {  	v4 =	vadd.f32 v49, v4;
	v5 =	vld [tilespmem:s29+$0x5380]  }
0x274: {  	v8 =	vld [tilespmem:s29+$0x5700];
	v2 =	vadd.f32 v51, v2;
	v1 =	vadd.f32 v50, v1  }
0x275: {  	v4 =	vadd.f32 v52, v4;
	v6 =	vld [tilespmem:s29+$0x5680]  }
0x276: {  	v9 =	vld [tilespmem:s29+$0x5780];
	v2 =	vadd.f32 v54, v2;
	v1 =	vadd.f32 v53, v1  }
0x277: {  	v4 =	vadd.f32 v55, v4;
	v10 =	vld [tilespmem:s29+$0x5880]  }
0x278: {  	v11 =	vld [tilespmem:s29+$0x5900];
	v2 =	vadd.f32 v7, v2;
	v1 =	vadd.f32 v5, v1  }
0x279: {  	v63 =	vld [tilespmem:s29+$0x6480];
	v3 =	vadd.f32 v3, v4  }
0x27a: {  	v4 =	vld [tilespmem:s29+$0x5D80];
	v2 =	vadd.f32 v6, v2;
	v1 =	vadd.f32 v56, v1  }
0x27b: {  	v7 =	vld [tilespmem:s29+$0x5F00];
	v3 =	vadd.f32 v8, v3  }
0x27c: {  	v2 =	vadd.f32 v10, v2;
	v5 =	vld [tilespmem:s29+$0x5D00];
	v1 =	vadd.f32 v9, v1  }
0x27d: {  	v3 =	vadd.f32 v11, v3;
	v6 =	vld [tilespmem:s29+$0x5E80]  }
0x27e: {  	v8 =	vld [tilespmem:s29+$0x5F80];
	v2 =	vadd.f32 v58, v2;
	v1 =	vadd.f32 v57, v1  }
0x27f: {  	v3 =	vadd.f32 v59, v3;
	v9 =	vld [tilespmem:s29+$0x6080]  }
0x280: {  	v10 =	vld [tilespmem:s29+$0x6100];
	v2 =	vadd.f32 v61, v2;
	v1 =	vadd.f32 v60, v1  }
0x281: {  	v11 =	vld [tilespmem:s29+$0x6180];
	v3 =	vadd.f32 v5, v3  }
0x282: {  	v2 =	vadd.f32 v6, v2;
	v5 =	vld [tilespmem:s29+$0x6300];
	v1 =	vadd.f32 v4, v1  }
0x283: {  	v6 =	vld [tilespmem:s29+$0x6380];
	v3 =	vadd.f32 v7, v3  }
0x284: {  	v7 =	vadd.f32 v9, v2;
	v2 =	vld [tilespmem:s29+$0x6500];
	v4 =	vadd.f32 v8, v1  }
0x285: {  	v3 =	vadd.f32 v10, v3;
	v1 =	vld [tilespmem:s29+$0x6580]  }
0x286: {  	v9 =	vadd.f32 v62, v7;
	v8 =	vadd.f32 v11, v4;
	v4 =	vld [tilespmem:s29+$0x6680]  }
0x287: {  	v7 =	vadd.f32 v5, v3;
	v3 =	vld [tilespmem:s29+$0x6700]  }
0x288: {  	s31 =	simm.s32 $0xFFFFFF90;
	s30 =	simm.s32 $0xFFFFFE80;
	v5 =	vld [tilespmem:s29+$0x6780];
	v6 =	vadd.f32 v6, v8;
	v8 =	vadd.f32 v63, v9  }
.LBB2_2:
0x289: {  	p0 =	sne.s32 s30, $0xFFFFFFC0;
	v9 =	vld [tilespmem:s31+$0x3600];
	v2 =	vadd.f32 v2, v7  }
0x28a: {  	v7 =	vld [tilespmem:s31+$0x3480];
	v1 =	vadd.f32 v1, v6  }
0x28b: {  	v6 =	vld [tilespmem:s31+$0x3800];
	v4 =	vadd.f32 v4, v8  }
0x28c: {  	v8 =	vld [tilespmem:s31+$0x3500];
	v2 =	vadd.f32 v3, v2  }
0x28d: {  	v3 =	vld [tilespmem:s31+$0x3A00];
	[tilespmem:s29+$0x6900] =	vst v4;
	v1 =	vadd.f32 v5, v1  }
0x28e: {  	v4 =	vld [tilespmem:s31+$0x3580];
	v5 =	vadd.f32 v9, v0;
	[tilespmem:s29+$0x6980] =	vst v2  }
0x28f: {  	v2 =	vadd.f32 v7, v0;
	v7 =	vld [tilespmem:s31+$0x3C00];
	[tilespmem:s29+$0x6A00] =	vst v1;
	s29 =	smov.u32 s31  }
0x290: {  	v1 =	vld [tilespmem:s29+$0x3680];
	v5 =	vadd.f32 v6, v5  }
0x291: {  	v6 =	vadd.f32 v8, v0;
	v8 =	vld [tilespmem:s29+$0x3E00]  }
0x292: {  	v9 =	vld [tilespmem:s29+$0x3700];
	v3 =	vadd.f32 v3, v5  }
0x293: {  	v4 =	vadd.f32 v4, v0;
	v5 =	vld [tilespmem:s29+$0x4000]  }
0x294: {  	v10 =	vld [tilespmem:s29+$0x3780];
	v3 =	vadd.f32 v7, v3  }
0x295: {  	v1 =	vadd.f32 v1, v2;
	v2 =	vld [tilespmem:s29+$0x4200]  }
0x296: {  	v7 =	vld [tilespmem:s29+$0x3880];
	v3 =	vadd.f32 v8, v3  }
0x297: {  	v6 =	vadd.f32 v9, v6;
	v8 =	vld [tilespmem:s29+$0x4400]  }
0x298: {  	v9 =	vld [tilespmem:s29+$0x3900];
	v3 =	vadd.f32 v5, v3  }
0x299: {  	v4 =	vadd.f32 v10, v4;
	v5 =	vld [tilespmem:s29+$0x4600]  }
0x29a: {  	v10 =	vld [tilespmem:s29+$0x3980];
	v2 =	vadd.f32 v2, v3  }
0x29b: {  	v1 =	vadd.f32 v7, v1;
	v3 =	vld [tilespmem:s29+$0x4800]  }
0x29c: {  	v7 =	vld [tilespmem:s29+$0x3A80];
	v2 =	vadd.f32 v8, v2  }
0x29d: {  	v6 =	vadd.f32 v9, v6;
	v8 =	vld [tilespmem:s29+$0x4A00]  }
0x29e: {  	v9 =	vld [tilespmem:s29+$0x3B00];
	v2 =	vadd.f32 v5, v2  }
0x29f: {  	v4 =	vadd.f32 v10, v4;
	v5 =	vld [tilespmem:s29+$0x4C00]  }
0x2a0: {  	v10 =	vld [tilespmem:s29+$0x3B80];
	v2 =	vadd.f32 v3, v2  }
0x2a1: {  	v1 =	vadd.f32 v7, v1;
	v3 =	vld [tilespmem:s29+$0x4E00]  }
0x2a2: {  	v7 =	vld [tilespmem:s29+$0x3C80];
	v2 =	vadd.f32 v8, v2  }
0x2a3: {  	v6 =	vadd.f32 v9, v6;
	v8 =	vld [tilespmem:s29+$0x5000]  }
0x2a4: {  	v9 =	vld [tilespmem:s29+$0x3D00];
	v2 =	vadd.f32 v5, v2  }
0x2a5: {  	v4 =	vadd.f32 v10, v4;
	v5 =	vld [tilespmem:s29+$0x5200]  }
0x2a6: {  	v10 =	vld [tilespmem:s29+$0x3D80];
	v2 =	vadd.f32 v3, v2  }
0x2a7: {  	v1 =	vadd.f32 v7, v1;
	v3 =	vld [tilespmem:s29+$0x5400]  }
0x2a8: {  	v7 =	vld [tilespmem:s29+$0x3E80];
	v2 =	vadd.f32 v8, v2  }
0x2a9: {  	v6 =	vadd.f32 v9, v6;
	v8 =	vld [tilespmem:s29+$0x5600]  }
0x2aa: {  	v9 =	vld [tilespmem:s29+$0x3F00];
	v2 =	vadd.f32 v5, v2  }
0x2ab: {  	v4 =	vadd.f32 v10, v4;
	v5 =	vld [tilespmem:s29+$0x5800]  }
0x2ac: {  	v10 =	vld [tilespmem:s29+$0x3F80];
	v2 =	vadd.f32 v3, v2  }
0x2ad: {  	v1 =	vadd.f32 v7, v1;
	v3 =	vld [tilespmem:s29+$0x5A00]  }
0x2ae: {  	v7 =	vld [tilespmem:s29+$0x4080];
	v2 =	vadd.f32 v8, v2  }
0x2af: {  	v6 =	vadd.f32 v9, v6;
	v8 =	vld [tilespmem:s29+$0x5C00]  }
0x2b0: {  	v9 =	vld [tilespmem:s29+$0x4100];
	v2 =	vadd.f32 v5, v2  }
0x2b1: {  	v4 =	vadd.f32 v10, v4;
	v5 =	vld [tilespmem:s29+$0x5E00]  }
0x2b2: {  	v10 =	vld [tilespmem:s29+$0x4180];
	v2 =	vadd.f32 v3, v2  }
0x2b3: {  	v1 =	vadd.f32 v7, v1;
	v3 =	vld [tilespmem:s29+$0x6000]  }
0x2b4: {  	v7 =	vld [tilespmem:s29+$0x4280];
	v2 =	vadd.f32 v8, v2  }
0x2b5: {  	v6 =	vadd.f32 v9, v6;
	v8 =	vld [tilespmem:s29+$0x6200]  }
0x2b6: {  	v9 =	vld [tilespmem:s29+$0x4300];
	v2 =	vadd.f32 v5, v2  }
0x2b7: {  	v4 =	vadd.f32 v10, v4;
	v5 =	vld [tilespmem:s29+$0x6400]  }
0x2b8: {  	v10 =	vld [tilespmem:s29+$0x4380];
	v2 =	vadd.f32 v3, v2  }
0x2b9: {  	v1 =	vadd.f32 v7, v1;
	v3 =	vld [tilespmem:s29+$0x6600]  }
0x2ba: {  	v7 =	vld [tilespmem:s29+$0x4480];
	v2 =	vadd.f32 v8, v2  }
0x2bb: {  	v6 =	vadd.f32 v9, v6;
	v8 =	vld [tilespmem:s29+$0x6800]  }
0x2bc: {  	v9 =	vld [tilespmem:s29+$0x4500];
	v2 =	vadd.f32 v5, v2  }
0x2bd: {  	v4 =	vadd.f32 v10, v4;
	v5 =	vld [tilespmem:s29+$0x4580]  }
0x2be: {  	v10 =	vld [tilespmem:s29+$0x4680];
	v2 =	vadd.f32 v3, v2  }
0x2bf: {  	v1 =	vadd.f32 v7, v1;
	v3 =	vld [tilespmem:s29+$0x4700]  }
0x2c0: {  	v7 =	vld [tilespmem:s29+$0x4780];
	v2 =	vadd.f32 v8, v2  }
0x2c1: {  	v8 =	vld [tilespmem:s29+$0x4880];
	v6 =	vadd.f32 v9, v6  }
0x2c2: {  	v9 =	vld [tilespmem:s29+$0x4900];
	v4 =	vadd.f32 v5, v4;
	[tilespmem:s29+$0x6A80] =	vst v2  }
0x2c3: {  	v1 =	vadd.f32 v10, v1;
	v2 =	vld [tilespmem:s29+$0x4980]  }
0x2c4: {  	v5 =	vld [tilespmem:s29+$0x4A80];
	v3 =	vadd.f32 v3, v6  }
0x2c5: {  	v6 =	vld [tilespmem:s29+$0x4B00];
	v4 =	vadd.f32 v7, v4  }
0x2c6: {  	v1 =	vadd.f32 v8, v1;
	v7 =	vld [tilespmem:s29+$0x4B80]  }
0x2c7: {  	v8 =	vld [tilespmem:s29+$0x4C80];
	v3 =	vadd.f32 v9, v3  }
0x2c8: {  	v9 =	vld [tilespmem:s29+$0x4D00];
	v2 =	vadd.f32 v2, v4  }
0x2c9: {  	v1 =	vadd.f32 v5, v1;
	v4 =	vld [tilespmem:s29+$0x4D80]  }
0x2ca: {  	v5 =	vld [tilespmem:s29+$0x4E80];
	v3 =	vadd.f32 v6, v3  }
0x2cb: {  	v6 =	vld [tilespmem:s29+$0x4F00];
	v2 =	vadd.f32 v7, v2  }
0x2cc: {  	v1 =	vadd.f32 v8, v1;
	v7 =	vld [tilespmem:s29+$0x4F80]  }
0x2cd: {  	v8 =	vld [tilespmem:s29+$0x5080];
	v3 =	vadd.f32 v9, v3  }
0x2ce: {  	v9 =	vld [tilespmem:s29+$0x5100];
	v2 =	vadd.f32 v4, v2  }
0x2cf: {  	v1 =	vadd.f32 v5, v1;
	v4 =	vld [tilespmem:s29+$0x5180]  }
0x2d0: {  	v5 =	vld [tilespmem:s29+$0x5280];
	v3 =	vadd.f32 v6, v3  }
0x2d1: {  	v6 =	vld [tilespmem:s29+$0x5300];
	v2 =	vadd.f32 v7, v2  }
0x2d2: {  	v1 =	vadd.f32 v8, v1;
	v7 =	vld [tilespmem:s29+$0x5380]  }
0x2d3: {  	v8 =	vld [tilespmem:s29+$0x5480];
	v3 =	vadd.f32 v9, v3  }
0x2d4: {  	v9 =	vld [tilespmem:s29+$0x5500];
	v2 =	vadd.f32 v4, v2  }
0x2d5: {  	v1 =	vadd.f32 v5, v1;
	v4 =	vld [tilespmem:s29+$0x5580]  }
0x2d6: {  	v5 =	vld [tilespmem:s29+$0x5680];
	v3 =	vadd.f32 v6, v3  }
0x2d7: {  	v6 =	vld [tilespmem:s29+$0x5700];
	v2 =	vadd.f32 v7, v2  }
0x2d8: {  	v1 =	vadd.f32 v8, v1;
	v7 =	vld [tilespmem:s29+$0x5780]  }
0x2d9: {  	v8 =	vld [tilespmem:s29+$0x5880];
	v3 =	vadd.f32 v9, v3  }
0x2da: {  	v9 =	vld [tilespmem:s29+$0x5900];
	v2 =	vadd.f32 v4, v2  }
0x2db: {  	v1 =	vadd.f32 v5, v1;
	v4 =	vld [tilespmem:s29+$0x5980]  }
0x2dc: {  	v5 =	vld [tilespmem:s29+$0x5A80];
	v3 =	vadd.f32 v6, v3  }
0x2dd: {  	v6 =	vld [tilespmem:s29+$0x5B00];
	v2 =	vadd.f32 v7, v2  }
0x2de: {  	v1 =	vadd.f32 v8, v1;
	v7 =	vld [tilespmem:s29+$0x5B80]  }
0x2df: {  	v8 =	vld [tilespmem:s29+$0x5C80];
	v3 =	vadd.f32 v9, v3  }
0x2e0: {  	v9 =	vld [tilespmem:s29+$0x5D00];
	v2 =	vadd.f32 v4, v2  }
0x2e1: {  	v1 =	vadd.f32 v5, v1;
	v4 =	vld [tilespmem:s29+$0x5D80]  }
0x2e2: {  	v5 =	vld [tilespmem:s29+$0x5E80];
	v3 =	vadd.f32 v6, v3  }
0x2e3: {  	v6 =	vld [tilespmem:s29+$0x5F00];
	v2 =	vadd.f32 v7, v2  }
0x2e4: {  	v1 =	vadd.f32 v8, v1;
	v7 =	vld [tilespmem:s29+$0x5F80]  }
0x2e5: {  	v8 =	vld [tilespmem:s29+$0x6080];
	v3 =	vadd.f32 v9, v3  }
0x2e6: {  	v9 =	vld [tilespmem:s29+$0x6100];
	v2 =	vadd.f32 v4, v2  }
0x2e7: {  	v1 =	vadd.f32 v5, v1;
	v4 =	vld [tilespmem:s29+$0x6180]  }
0x2e8: {  	v5 =	vld [tilespmem:s29+$0x6280];
	v3 =	vadd.f32 v6, v3  }
0x2e9: {  	v6 =	vld [tilespmem:s29+$0x6300];
	v7 =	vadd.f32 v7, v2  }
0x2ea: {  	v1 =	vadd.f32 v8, v1;
	v8 =	vld [tilespmem:s29+$0x6380]  }
0x2eb: {  	v10 =	vld [tilespmem:s29+$0x6480];
	v3 =	vadd.f32 v9, v3  }
.Ltmp0:
0x2ec: {  	v2 =	vld [tilespmem:s29+$0x6500];
	v9 =	vadd.f32 v4, v7;
	(pc) =	sbr.rel @p0 .LBB2_2-.Ltmp0, $4  }
0x2ed: {  	v5 =	vadd.f32 v5, v1;
	v1 =	vld [tilespmem:s29+$0x6580]  }
0x2ee: {  	v4 =	vld [tilespmem:s29+$0x6680];
	v7 =	vadd.f32 v6, v3  }
0x2ef: {  	v3 =	vld [tilespmem:s29+$0x6700];
	v6 =	vadd.f32 v8, v9  }
0x2f0: {  	s31 =	sshra.s32 s30, $0x2;
	s30 =	sadd.s32 $0x40, s30;
	v8 =	vadd.f32 v10, v5;
	v5 =	vld [tilespmem:s29+$0x6780]  }
0x2f1: {  	v9 =	vld [tilespmem:s31+$0x3600]  }
0x2f2: {  	v10 =	vld [tilespmem:s31+$0x3480];
	v2 =	vadd.f32 v2, v7  }
0x2f3: {  	v11 =	vld [tilespmem:s31+$0x3800];
	v1 =	vadd.f32 v1, v6;
	v4 =	vadd.f32 v4, v8  }
0x2f4: {  	v54 =	vld [tilespmem:s31+$0x3500];
	v2 =	vadd.f32 v3, v2  }
0x2f5: {  	v55 =	vld [tilespmem:s31+$0x3A00];
	[tilespmem:s29+$0x6900] =	vst v4;
	v1 =	vadd.f32 v5, v1  }
0x2f6: {  	v56 =	vld [tilespmem:s31+$0x3580];
	[tilespmem:s29+$0x6980] =	vst v2  }
0x2f7: {  	v2 =	vld [tilespmem:s31+$0x3C00];
	[tilespmem:s29+$0x6A00] =	vst v1  }
0x2f8: {  	v1 =	vld [tilespmem:s31+$0x3680]  }
0x2f9: {  	v57 =	vadd.f32 v9, v0;
	v58 =	vld [tilespmem:s31+$0x3E00]  }
0x2fa: {  	v59 =	vld [tilespmem:s31+$0x3700]  }
0x2fb: {  	v4 =	vadd.f32 v11, v57;
	v60 =	vld [tilespmem:s31+$0x4000]  }
0x2fc: {  	v61 =	vld [tilespmem:s31+$0x3780]  }
0x2fd: {  	v62 =	vld [tilespmem:s31+$0x4200];
	v4 =	vadd.f32 v55, v4  }
0x2fe: {  	v63 =	vld [tilespmem:s31+$0x3880]  }
0x2ff: {  	v29 =	vld [tilespmem:s31+$0x4400];
	v2 =	vadd.f32 v2, v4  }
0x300: {  	v12 =	vld [tilespmem:s31+$0x3900]  }
0x301: {  	v30 =	vld [tilespmem:s31+$0x4600];
	v2 =	vadd.f32 v58, v2  }
0x302: {  	v13 =	vld [tilespmem:s31+$0x3980]  }
0x303: {  	v31 =	vld [tilespmem:s31+$0x4800];
	v2 =	vadd.f32 v60, v2  }
0x304: {  	v14 =	vld [tilespmem:s31+$0x3A80]  }
0x305: {  	v32 =	vld [tilespmem:s31+$0x4A00];
	v2 =	vadd.f32 v62, v2  }
0x306: {  	v15 =	vld [tilespmem:s31+$0x3B00]  }
0x307: {  	v33 =	vld [tilespmem:s31+$0x4C00];
	v2 =	vadd.f32 v29, v2  }
0x308: {  	v16 =	vld [tilespmem:s31+$0x3B80]  }
0x309: {  	v34 =	vld [tilespmem:s31+$0x4E00];
	v2 =	vadd.f32 v30, v2  }
0x30a: {  	v17 =	vld [tilespmem:s31+$0x3C80]  }
0x30b: {  	v35 =	vld [tilespmem:s31+$0x5000];
	v2 =	vadd.f32 v31, v2  }
0x30c: {  	v18 =	vld [tilespmem:s31+$0x3D00]  }
0x30d: {  	v36 =	vld [tilespmem:s31+$0x5200];
	v2 =	vadd.f32 v32, v2  }
0x30e: {  	v19 =	vld [tilespmem:s31+$0x3D80]  }
0x30f: {  	v37 =	vld [tilespmem:s31+$0x5400];
	v2 =	vadd.f32 v33, v2  }
0x310: {  	v20 =	vld [tilespmem:s31+$0x3E80]  }
0x311: {  	v38 =	vld [tilespmem:s31+$0x5600];
	v2 =	vadd.f32 v34, v2  }
0x312: {  	v21 =	vld [tilespmem:s31+$0x3F00]  }
0x313: {  	v39 =	vld [tilespmem:s31+$0x5800];
	v2 =	vadd.f32 v35, v2  }
0x314: {  	v22 =	vld [tilespmem:s31+$0x3F80]  }
0x315: {  	v40 =	vld [tilespmem:s31+$0x5A00];
	v2 =	vadd.f32 v36, v2  }
0x316: {  	v23 =	vld [tilespmem:s31+$0x4080]  }
0x317: {  	v41 =	vld [tilespmem:s31+$0x5C00];
	v2 =	vadd.f32 v37, v2  }
0x318: {  	v24 =	vld [tilespmem:s31+$0x4100]  }
0x319: {  	v42 =	vld [tilespmem:s31+$0x5E00];
	v2 =	vadd.f32 v38, v2  }
0x31a: {  	v25 =	vld [tilespmem:s31+$0x4180]  }
0x31b: {  	v43 =	vld [tilespmem:s31+$0x6000];
	v2 =	vadd.f32 v39, v2  }
0x31c: {  	v26 =	vld [tilespmem:s31+$0x4280]  }
0x31d: {  	v44 =	vld [tilespmem:s31+$0x6200];
	v2 =	vadd.f32 v40, v2  }
0x31e: {  	v27 =	vld [tilespmem:s31+$0x4300]  }
0x31f: {  	v45 =	vld [tilespmem:s31+$0x6400];
	v2 =	vadd.f32 v41, v2  }
0x320: {  	v28 =	vld [tilespmem:s31+$0x4380]  }
0x321: {  	v46 =	vld [tilespmem:s31+$0x6600];
	v2 =	vadd.f32 v42, v2  }
0x322: {  	v47 =	vld [tilespmem:s31+$0x6800]  }
0x323: {  	v48 =	vld [tilespmem:s31+$0x4580];
	v2 =	vadd.f32 v43, v2  }
0x324: {  	v49 =	vld [tilespmem:s31+$0x4700]  }
0x325: {  	v50 =	vld [tilespmem:s31+$0x4880];
	v2 =	vadd.f32 v44, v2  }
0x326: {  	v10 =	vadd.f32 v10, v0;
	v51 =	vadd.f32 v54, v0;
	v53 =	vld [tilespmem:s31+$0x4980]  }
0x327: {  	v54 =	vld [tilespmem:s31+$0x4A80];
	v52 =	vadd.f32 v56, v0;
	v2 =	vadd.f32 v45, v2  }
0x328: {  	v57 =	vld [tilespmem:s31+$0x4C80];
	v1 =	vadd.f32 v1, v10  }
0x329: {  	v55 =	vld [tilespmem:s31+$0x4B00];
	v0 =	vadd.f32 v61, v52;
	v2 =	vadd.f32 v46, v2  }
0x32a: {  	v56 =	vld [tilespmem:s31+$0x4B80];
	v1 =	vadd.f32 v63, v1  }
0x32b: {  	v61 =	vld [tilespmem:s31+$0x4F00];
	v0 =	vadd.f32 v13, v0;
	v2 =	vadd.f32 v47, v2  }
0x32c: {  	v52 =	vld [tilespmem:s31+$0x6080];
	v1 =	vadd.f32 v14, v1  }
0x32d: {  	v58 =	vld [tilespmem:s31+$0x4D00];
	v0 =	vadd.f32 v16, v0;
	[tilespmem:s31+$0x6A80] =	vst v2;
	v2 =	vadd.f32 v59, v51  }
0x32e: {  	v63 =	vld [tilespmem:s31+$0x5080];
	v1 =	vadd.f32 v17, v1  }
0x32f: {  	v60 =	vld [tilespmem:s31+$0x4E80];
	v0 =	vadd.f32 v19, v0;
	v2 =	vadd.f32 v12, v2  }
0x330: {  	v62 =	vld [tilespmem:s31+$0x4F80];
	v1 =	vadd.f32 v20, v1  }
0x331: {  	v29 =	vld [tilespmem:s31+$0x4480];
	v0 =	vadd.f32 v22, v0;
	v2 =	vadd.f32 v15, v2  }
0x332: {  	v30 =	vld [tilespmem:s31+$0x4500];
	v1 =	vadd.f32 v23, v1  }
0x333: {  	v0 =	vadd.f32 v25, v0;
	v31 =	vld [tilespmem:s31+$0x4680];
	v2 =	vadd.f32 v18, v2  }
0x334: {  	v1 =	vadd.f32 v26, v1;
	v26 =	vld [tilespmem:s31+$0x5180]  }
0x335: {  	v0 =	vadd.f32 v28, v0;
	v32 =	vld [tilespmem:s31+$0x4780];
	v2 =	vadd.f32 v21, v2  }
0x336: {  	v1 =	vadd.f32 v29, v1;
	v29 =	vld [tilespmem:s31+$0x5300]  }
0x337: {  	v0 =	vadd.f32 v48, v0;
	v48 =	vld [tilespmem:s31+$0x5D80];
	v2 =	vadd.f32 v24, v2  }
0x338: {  	v33 =	vld [tilespmem:s31+$0x4900];
	v1 =	vadd.f32 v31, v1  }
0x339: {  	v34 =	vld [tilespmem:s31+$0x5480];
	v2 =	vadd.f32 v27, v2  }
0x33a: {  	v0 =	vadd.f32 v32, v0;
	v1 =	vadd.f32 v50, v1;
	v50 =	vld [tilespmem:s31+$0x5F00]  }
0x33b: {  	v35 =	vld [tilespmem:s31+$0x5500];
	v2 =	vadd.f32 v30, v2  }
0x33c: {  	v0 =	vadd.f32 v53, v0;
	v53 =	vld [tilespmem:s31+$0x6100]  }
0x33d: {  	v59 =	vld [tilespmem:s31+$0x4D80];
	v2 =	vadd.f32 v49, v2  }
0x33e: {  	v1 =	vadd.f32 v54, v1;
	v54 =	vld [tilespmem:s31+$0x6180]  }
0x33f: {  	v36 =	vld [tilespmem:s31+$0x5580];
	v2 =	vadd.f32 v33, v2  }
0x340: {  	v0 =	vadd.f32 v56, v0;
	v37 =	vld [tilespmem:s31+$0x5680]  }
0x341: {  	v1 =	vadd.f32 v57, v1;
	v24 =	vld [tilespmem:s31+$0x5100];
	v2 =	vadd.f32 v55, v2  }
0x342: {  	v0 =	vadd.f32 v59, v0;
	v27 =	vld [tilespmem:s31+$0x5280]  }
0x343: {  	v1 =	vadd.f32 v60, v1;
	v30 =	vld [tilespmem:s31+$0x5380];
	v2 =	vadd.f32 v58, v2  }
0x344: {  	v38 =	vld [tilespmem:s31+$0x5700];
	v0 =	vadd.f32 v62, v0  }
0x345: {  	v1 =	vadd.f32 v63, v1;
	v39 =	vld [tilespmem:s31+$0x5780];
	v2 =	vadd.f32 v61, v2  }
0x346: {  	v40 =	vld [tilespmem:s31+$0x5880];
	v0 =	vadd.f32 v26, v0  }
0x347: {  	v41 =	vld [tilespmem:s31+$0x5900];
	v1 =	vadd.f32 v27, v1;
	v2 =	vadd.f32 v24, v2  }
0x348: {  	v42 =	vld [tilespmem:s31+$0x5980];
	v0 =	vadd.f32 v30, v0  }
0x349: {  	v43 =	vld [tilespmem:s31+$0x5A80];
	v1 =	vadd.f32 v34, v1;
	v2 =	vadd.f32 v29, v2  }
0x34a: {  	v44 =	vld [tilespmem:s31+$0x5B00];
	v0 =	vadd.f32 v36, v0  }
0x34b: {  	v45 =	vld [tilespmem:s31+$0x5B80];
	v1 =	vadd.f32 v37, v1;
	v2 =	vadd.f32 v35, v2  }
0x34c: {  	v46 =	vld [tilespmem:s31+$0x5C80];
	v0 =	vadd.f32 v39, v0  }
0x34d: {  	v47 =	vld [tilespmem:s31+$0x5D00];
	v1 =	vadd.f32 v40, v1;
	v2 =	vadd.f32 v38, v2  }
0x34e: {  	v49 =	vld [tilespmem:s31+$0x5E80];
	v0 =	vadd.f32 v42, v0  }
0x34f: {  	v51 =	vld [tilespmem:s31+$0x5F80];
	v1 =	vadd.f32 v43, v1;
	v2 =	vadd.f32 v41, v2  }
0x350: {  	v56 =	vld [tilespmem:s31+$0x6300];
	v0 =	vadd.f32 v45, v0  }
0x351: {  	v57 =	vld [tilespmem:s31+$0x6380];
	v1 =	vadd.f32 v46, v1;
	v2 =	vadd.f32 v44, v2  }
0x352: {  	v55 =	vld [tilespmem:s31+$0x6280];
	v0 =	vadd.f32 v48, v0  }
0x353: {  	v60 =	vld [tilespmem:s31+$0x6580];
	v1 =	vadd.f32 v49, v1;
	v2 =	vadd.f32 v47, v2  }
0x354: {  	v58 =	vld [tilespmem:s31+$0x6480];
	v0 =	vadd.f32 v51, v0  }
0x355: {  	v59 =	vld [tilespmem:s31+$0x6500];
	v1 =	vadd.f32 v52, v1;
	v2 =	vadd.f32 v50, v2  }
0x356: {  	v61 =	vld [tilespmem:s31+$0x6680];
	v0 =	vadd.f32 v54, v0  }
0x357: {  	v63 =	vld [tilespmem:s31+$0x6780];
	v1 =	vadd.f32 v55, v1;
	v2 =	vadd.f32 v53, v2  }
0x358: {  	v62 =	vld [tilespmem:s31+$0x6700];
	v0 =	vadd.f32 v57, v0  }
0x359: {  	v1 =	vadd.f32 v58, v1;
	v2 =	vadd.f32 v56, v2  }
0x35a: {  	v0 =	vadd.f32 v60, v0  }
0x35b: {  	v1 =	vadd.f32 v61, v1;
	v2 =	vadd.f32 v59, v2  }
0x35c: {  	v0 =	vadd.f32 v63, v0  }
0x35d: {  	s28 =	sadd.s32 $0x1, s28;
	[tilespmem:s31+$0x6900] =	vst v1;
	v2 =	vadd.f32 v62, v2  }
0x35e: {  	p0 =	sne.s32 s28, s7;
	[tilespmem:s31+$0x6A00] =	vst v0  }
.Ltmp1:
0x35f: {  	[tilespmem:s31+$0x6980] =	vst v2;
	(pc) =	sbr.rel @p0 .LBB2_1-.Ltmp1, $4  }
0x360: {  	[hbm4b:s6+s4] =	stream.linear.scatter [tilespmem:s26], [sflag:$0x2], $0x200, $0x38;
	[tilespmem:$0x6A80] =	vst v63  }
0x361: {  	_ =	swait.ge [sflag:s8], $0x200  }
0x362: {  	[sflag:s8] =	ssyncset.done $0x0  }
0x363: {  	[sflag:s8] =	ssyncadd.s32 $0xFFFFFE00  }
0x364: {  	_ =	sfence.sel $0x180000  }
0x365: {  	[bflag:$0x0] =	sbarrier.arrive $0xFFFF  }
0x366: {  	_ =	strace $0x90000047  }
0x367: {  	s0 =	stileid.u32;
	[bflag:$0x2] =	sbarrier.arrive $0xFFFF  }
0x368: {  	p0 =	sne.s32 s0, $0x0;
	s0 =	rddreg [dreg:$0x4]  }
0x369: {  	s0 =	sadd.s32 @!p0 $0x100000, s0  }
0x36a: {  	[sflag:s0] =	ssyncadd.tile.s32 @!p0 $0x1;
	_ =	shalt  }
.Lfunc_end2:
_tile_overlayer_lowered:
.L_overlay_start_2:
0x36b: {  	(tag) =	ssettag $0x2  }
0x36c: {  	s0 =	rddreg [dreg:$0x0];
	s2 =	stileid.u32  }
0x36d: {  	s1 =	rddreg [dreg:$0x1];
	p0 =	sne.s32 s2, $0x0  }
0x36e: {  	s3 =	rddreg [dreg:$0x2];
	[bflag:$0x3] =	sbarrier.arrive $0xFFFF;
	s2 =	simm.s32 @!p0 $0x1C02  }
0x36f: {  	[timem:s3], [sflag:s2] =	dma.local @!p0 [hbm:s0], s1  }
0x370: {  	s0 =	simm.s32 @!p0 $0x2  }
0x371: {  	_ =	swait.ge @!p0 [sflag:s0], s1  }
0x372: {  	s1 =	ssub.s32 @!p0 $0x0, s1;
	[sflag:s0] =	ssyncset.done @!p0 $0x0  }
0x373: {  	[sflag:s0] =	ssyncadd.s32 @!p0 s1  }
0x374: {  	[bflag:$0x3] =	sbarrier.arrive $0xFFFF  }
0x375: {  	_ =	shalt  }

</sc_bundles>
